<compile_context>
chip_gen: v7x
topology: tpu7x:2x2x1
jax: 0.10.2.dev20260603
libtpu: 0.0.44.dev20260713+nightly
codegen_flags: <defaults>
</compile_context>

<pallas_src>
import functools

import jax
import jax.numpy as jnp
from jax import lax
from jax.experimental import pallas as pl
from jax.experimental.pallas import tpu as pltpu
from jax.experimental.pallas import tpu_sc as plsc

N_NODES = 10000
N_EDGES = 40000
N_GRAPHS = 64
N_PAD = 10240
E_PAD = 40960
NW = 32
CH = E_PAD // NW
KJ = CH // 128
SEG = N_PAD // 16
TN = 1024
TE = 512


def _elu(z):
    return jnp.where(z > 0, z, jnp.exp(jnp.minimum(z, 0.0)) - 1.0)


def _embed_body(x_ref, emb_ref, o_ref):
    x = x_ref[...]
    oh = (lax.broadcasted_iota(jnp.int32, (TN, 8), 1) == x).astype(jnp.float32)
    he = jnp.dot(oh, emb_ref[...], preferred_element_type=jnp.float32)
    o_ref[...] = jnp.concatenate(
        [he, x.astype(jnp.float32), jnp.zeros((TN, 7), jnp.float32)], axis=1)


def _embed(x_col, emb_pad):
    return pl.pallas_call(
        _embed_body,
        grid=(N_PAD // TN,),
        in_specs=[
            pl.BlockSpec((TN, 1), lambda i: (i, 0)),
            pl.BlockSpec((8, 8), lambda i: (0, 0)),
        ],
        out_specs=pl.BlockSpec((TN, 16), lambda i: (i, 0)),
        out_shape=jax.ShapeDtypeStruct((N_PAD, 16), jnp.float32),
    )(x_col, emb_pad)


def _gather_rows(h, src4d, d):
    mesh = plsc.VectorSubcoreMesh(core_axis_name="c", subcore_axis_name="s", num_cores=2, num_subcores=16)

    @functools.partial(
        pl.kernel,
        out_type=jax.ShapeDtypeStruct((NW, KJ, 128, d), jnp.float32),
        mesh=mesh,
        scratch_types=[
            pltpu.VMEM((KJ, 128), jnp.int32),
            pltpu.VMEM((KJ, 128, d), jnp.float32),
            pltpu.SemaphoreType.DMA,
        ],
        compiler_params=pltpu.CompilerParams(use_tc_tiling_on_sc=False),
    )
    def k(h_hbm, src_hbm, out_hbm, idx_v, rows_v, sem):
        c = lax.axis_index("c")
        s = lax.axis_index("s")
        wid = s * 2 + c
        pltpu.sync_copy(src_hbm.at[wid], idx_v)
        descs = [
            pltpu.async_copy(h_hbm.at[idx_v.at[j]], rows_v.at[j], sem)
            for j in range(KJ)
        ]
        for dd in descs:
            dd.wait()
        pltpu.sync_copy(rows_v, out_hbm.at[wid])

    return k(h, src4d).reshape(E_PAD, d)


def _scatter_add(msg, dst4d, zeros_nd, d):
    mesh = plsc.VectorSubcoreMesh(core_axis_name="c", subcore_axis_name="s", num_cores=2, num_subcores=16)
    msg4 = msg.reshape(NW, KJ, 128, d)

    @functools.partial(
        pl.kernel,
        out_type=jax.ShapeDtypeStruct((2, N_PAD, d), jnp.float32),
        mesh=mesh,
        scratch_types=[
            pltpu.VMEM((KJ, 128), jnp.int32),
            pltpu.VMEM((KJ, 128, d), jnp.float32),
            pltpu.VMEM_SHARED((N_PAD, d), jnp.float32),
        ],
        compiler_params=pltpu.CompilerParams(use_tc_tiling_on_sc=False),
    )
    def k(msg_hbm, dst_hbm, z_hbm, out_hbm, idx_v, rows_v, shared):
        c = lax.axis_index("c")
        s = lax.axis_index("s")
        wid = s * 2 + c
        pltpu.sync_copy(z_hbm.at[pl.ds(s * SEG, SEG)],
                        shared.at[pl.ds(s * SEG, SEG)])
        pltpu.sync_copy(dst_hbm.at[wid], idx_v)
        pltpu.sync_copy(msg_hbm.at[wid], rows_v)
        plsc.subcore_barrier()
        for j in range(KJ):
            pltpu.sync_copy(rows_v.at[j], shared.at[idx_v.at[j]], add=True)
        plsc.subcore_barrier()
        pltpu.sync_copy(shared.at[pl.ds(s * SEG, SEG)],
                        out_hbm.at[c].at[pl.ds(s * SEG, SEG)])

    return k(msg4, dst4d, zeros_nd)


def _msg_call(ea, hsrc, l1wT, l1bT, l2wT, l2bmT, mi, mo, mi_p):
    bf16 = jnp.bfloat16

    def body(ea_ref, hs_ref, l1w_ref, l1b_ref, l2w_ref, l2b_ref, o_ref):
        ea_t = ea_ref[...].T.astype(bf16)
        hid_t = jnp.maximum(
            jnp.dot(l1w_ref[...].astype(bf16), ea_t,
                    preferred_element_type=jnp.float32) + l1b_ref[...], 0.0)
        wt_t = jnp.dot(l2w_ref[...].astype(bf16), hid_t.astype(bf16),
                       preferred_element_type=jnp.float32)
        wt_b = wt_t.astype(bf16).astype(jnp.float32)
        hs_t = hs_ref[...].T
        hs_b = hs_t.astype(bf16).astype(jnp.float32)
        acc = jnp.dot(l2b_ref[...], hs_t,
                      preferred_element_type=jnp.float32)
        for i in range(mi):
            acc = acc + hs_b[i:i + 1, :] * wt_b[i * mo:(i + 1) * mo, :]
        o_ref[...] = acc.T

    return pl.pallas_call(
        body,
        grid=(E_PAD // TE,),
        in_specs=[
            pl.BlockSpec((TE, 16), lambda i: (i, 0)),
            pl.BlockSpec((TE, mi_p), lambda i: (i, 0)),
            pl.BlockSpec((128, 16), lambda i: (0, 0)),
            pl.BlockSpec((128, 1), lambda i: (0, 0)),
            pl.BlockSpec((mi * mo, 128), lambda i: (0, 0)),
            pl.BlockSpec((mo, mi_p), lambda i: (0, 0)),
        ],
        out_specs=pl.BlockSpec((TE, mo), lambda i: (i, 0)),
        out_shape=jax.ShapeDtypeStruct((E_PAD, mo), jnp.float32),
    )(ea, hsrc, l1wT, l1bT, l2wT, l2bmT)


def _update_call(h, agg0, agg1, root, bias, mi_p, mo):
    def body(h_ref, a0_ref, a1_ref, r_ref, b_ref, o_ref):
        z = (a0_ref[...] + a1_ref[...] +
             jnp.dot(h_ref[...].astype(jnp.bfloat16),
                     r_ref[...].astype(jnp.bfloat16),
                     preferred_element_type=jnp.float32) + b_ref[...])
        o_ref[...] = _elu(z)

    return pl.pallas_call(
        body,
        grid=(N_PAD // TN,),
        in_specs=[
            pl.BlockSpec((TN, mi_p), lambda i: (i, 0)),
            pl.BlockSpec((TN, mo), lambda i: (i, 0)),
            pl.BlockSpec((TN, mo), lambda i: (i, 0)),
            pl.BlockSpec((mi_p, mo), lambda i: (0, 0)),
            pl.BlockSpec((1, mo), lambda i: (0, 0)),
        ],
        out_specs=pl.BlockSpec((TN, mo), lambda i: (i, 0)),
        out_shape=jax.ShapeDtypeStruct((N_PAD, mo), jnp.float32),
    )(h, agg0, agg1, root, bias)


def _update_readout_call(h, agg0, agg1, root, bias, batch_row,
                         fc1w, fc1b, fc2w, fc2b, fc3w, fc3b, mi_p, mo):
    nsteps = N_PAD // TN

    def body(h_ref, a0_ref, a1_ref, r_ref, b_ref, bt_ref, w1_ref, b1_ref,
             w2_ref, b2_ref, w3_ref, b3_ref, o_ref, acc_ref):
        step = pl.program_id(0)

        @pl.when(step == 0)
        def _init():
            acc_ref[...] = jnp.zeros((128, mo + 1), jnp.float32)

        z = (a0_ref[...] + a1_ref[...] +
             jnp.dot(h_ref[...], r_ref[...],
                     preferred_element_type=jnp.float32) + b_ref[...])
        h3 = jnp.concatenate([_elu(z), jnp.ones((TN, 1), jnp.float32)],
                             axis=1)
        oh = (lax.broadcasted_iota(jnp.int32, (128, TN), 0)
              == bt_ref[...]).astype(jnp.float32)
        acc_ref[...] += jnp.dot(oh, h3, preferred_element_type=jnp.float32)

        @pl.when(step == nsteps - 1)
        def _fin():
            v = acc_ref[...]
            hg = v[:64, :mo] / jnp.maximum(v[:64, mo:mo + 1], 1.0)
            h1 = _elu(jnp.dot(hg, w1_ref[...],
                              preferred_element_type=jnp.float32) + b1_ref[...])
            h2 = _elu(jnp.dot(h1, w2_ref[...],
                              preferred_element_type=jnp.float32) + b2_ref[...])
            o_ref[...] = jnp.dot(h2, w3_ref[...],
                                 preferred_element_type=jnp.float32) + b3_ref[...]

    return pl.pallas_call(
        body,
        grid=(nsteps,),
        in_specs=[
            pl.BlockSpec((TN, mi_p), lambda i: (i, 0)),
            pl.BlockSpec((TN, mo), lambda i: (i, 0)),
            pl.BlockSpec((TN, mo), lambda i: (i, 0)),
            pl.BlockSpec((mi_p, mo), lambda i: (0, 0)),
            pl.BlockSpec((1, mo), lambda i: (0, 0)),
            pl.BlockSpec((1, TN), lambda i: (0, i)),
            pl.BlockSpec((64, 32), lambda i: (0, 0)),
            pl.BlockSpec((1, 32), lambda i: (0, 0)),
            pl.BlockSpec((32, 16), lambda i: (0, 0)),
            pl.BlockSpec((1, 16), lambda i: (0, 0)),
            pl.BlockSpec((16, 1), lambda i: (0, 0)),
            pl.BlockSpec((1, 1), lambda i: (0, 0)),
        ],
        out_specs=pl.BlockSpec((64, 1), lambda i: (0, 0)),
        out_shape=jax.ShapeDtypeStruct((64, 1), jnp.float32),
        scratch_shapes=[pltpu.VMEM((128, mo + 1), jnp.float32)],
    )(h, agg0, agg1, root, bias, batch_row,
      fc1w, fc1b, fc2w, fc2b, fc3w, fc3b)


DIMS_K = [(9, 16, 32), (32, 32, 64), (64, 64, 64)]


def kernel(x, edge_index, edge_attr, batch, emb_table,
           c0_l1_w, c0_l1_b, c0_l2_w, c0_l2_b, c0_root, c0_bias,
           c1_l1_w, c1_l1_b, c1_l2_w, c1_l2_b, c1_root, c1_bias,
           c2_l1_w, c2_l1_b, c2_l2_w, c2_l2_b, c2_root, c2_bias,
           fc1_w, fc1_b, fc2_w, fc2_b, fc3_w, fc3_b):
    f32 = jnp.float32
    i32 = jnp.int32

    x_col = jnp.pad(x.astype(i32), (0, N_PAD - N_NODES)).reshape(N_PAD, 1)
    src4d = jnp.pad(edge_index[0].astype(i32),
                    (0, E_PAD - N_EDGES)).reshape(NW, KJ, 128)
    dst4d = jnp.pad(edge_index[1].astype(i32), (0, E_PAD - N_EDGES),
                    constant_values=N_NODES).reshape(NW, KJ, 128)
    ea = jnp.pad(edge_attr.astype(f32), ((0, E_PAD - N_EDGES), (0, 0)))
    batch_row = jnp.pad(batch.astype(i32), (0, N_PAD - N_NODES),
                        constant_values=127).reshape(1, N_PAD)
    emb_pad = jnp.pad(emb_table.astype(f32), ((0, 3), (0, 0)))

    layers = [
        (c0_l1_w, c0_l1_b, c0_l2_w, c0_l2_b, c0_root, c0_bias),
        (c1_l1_w, c1_l1_b, c1_l2_w, c1_l2_b, c1_root, c1_bias),
        (c2_l1_w, c2_l1_b, c2_l2_w, c2_l2_b, c2_root, c2_bias),
    ]

    h = _embed(x_col, emb_pad)

    for li, (mi, mi_p, mo) in enumerate(DIMS_K):
        l1w, l1b, l2w, l2b, root, bias = layers[li]
        l2bm = jnp.pad(l2b.reshape(mi, mo), ((0, mi_p - mi), (0, 0)))
        root_p = jnp.pad(root, ((0, mi_p - mi), (0, 0)))
        bias2 = bias.reshape(1, mo)
        zeros_nd = jnp.zeros((N_PAD, mo), f32)

        hsrc = _gather_rows(h, src4d, mi_p)
        msg = _msg_call(ea, hsrc, l1w.T, l1b.reshape(128, 1), l2w.T,
                        l2bm.T, mi, mo, mi_p)
        aggp = _scatter_add(msg, dst4d, zeros_nd, mo)
        if li < 2:
            h = _update_call(h, aggp[0], aggp[1], root_p, bias2, mi_p, mo)
        else:
            return _update_readout_call(
                h, aggp[0], aggp[1], root_p, bias2, batch_row,
                fc1_w, fc1_b.reshape(1, 32),
                fc2_w, fc2_b.reshape(1, 16),
                fc3_w, fc3_b.reshape(1, 1), mi_p, mo)

# --- scband reference (transcript-rebuilt; emitter-appended) ---
"""Pipeline reference for scband-gnn-56616258896125 (READ-ONLY COPY).

The authoritative reference and input builder live on the scoring server;
editing this copy changes nothing except your own understanding.
"""

import jax, jax.numpy as jnp
import numpy as np

N = 10000
E = 40000
EDGE_DIM = 16
G = 64
DIMS = [(9, 32), (32, 64), (64, 64)]


def setup_inputs(seed: int = 0):
    key = jax.random.key(seed)
    inp = {}
    inp["x"] = jax.random.randint(jax.random.fold_in(key, 0), (N,), 0, 5)
    inp["edge_index"] = jax.random.randint(jax.random.fold_in(key, 1), (2, E), 0, N)
    inp["edge_attr"] = jax.random.normal(jax.random.fold_in(key, 2), (E, EDGE_DIM), dtype=jnp.float32)
    inp["batch"] = jnp.sort(jax.random.randint(jax.random.fold_in(key, 3), (N,), 0, G))
    inp["emb_table"] = 0.1 * jax.random.normal(jax.random.fold_in(key, 4), (5, 8), dtype=jnp.float32)
    for i, (m_in, m_out) in enumerate(DIMS):
        kk = jax.random.fold_in(key, 100 + i)
        k1, k2, k3 = jax.random.split(kk, 3)
        inp["c%d_l1_w" % i] = jax.random.normal(k1, (EDGE_DIM, 128), dtype=jnp.float32) / np.sqrt(EDGE_DIM)
        inp["c%d_l1_b" % i] = jnp.zeros((128,), jnp.float32)
        inp["c%d_l2_w" % i] = jax.random.normal(k2, (128, m_in * m_out), dtype=jnp.float32) / np.sqrt(128.0)
        inp["c%d_l2_b" % i] = jnp.zeros((m_in * m_out,), jnp.float32)
        inp["c%d_root" % i] = jax.random.normal(k3, (m_in, m_out), dtype=jnp.float32) / np.sqrt(float(m_in))
        inp["c%d_bias" % i] = jnp.zeros((m_out,), jnp.float32)
    kf = jax.random.fold_in(key, 200)
    k1, k2, k3 = jax.random.split(kf, 3)
    inp["fc1_w"] = jax.random.normal(k1, (64, 32), dtype=jnp.float32) / 8.0
    inp["fc1_b"] = jnp.zeros((32,), jnp.float32)
    inp["fc2_w"] = jax.random.normal(k2, (32, 16), dtype=jnp.float32) / np.sqrt(32.0)
    inp["fc2_b"] = jnp.zeros((16,), jnp.float32)
    inp["fc3_w"] = jax.random.normal(k3, (16, 1), dtype=jnp.float32) / 4.0
    inp["fc3_b"] = jnp.zeros((1,), jnp.float32)
    return inp


def _forward(x, edge_index, batch, edge_attr, emb_table, params):
    # node_type_embedding lookup, then concat raw node type as float feature
    h = jnp.take(emb_table, x, axis=0)
    h = jnp.concatenate([h, x.astype(jnp.float32)[:, None]], axis=-1)  # [N, 9]
    src = edge_index[0]
    dst = edge_index[1]
    for i, (m_in, m_out) in enumerate(DIMS):
        l1w, l1b, l2w, l2b, root, bias = params["c%d" % i]
        # edge-conditioned weight MLP: Linear(EDGE_DIM,128) -> ReLU -> Linear(128, M_in*M_out)
        hid = jax.nn.relu(edge_attr @ l1w + l1b)
        W = (hid @ l2w + l2b).reshape(E, m_in, m_out)
        # NNConv message: x_src bmm W_e, scatter-add to dst, plus root transform
        msg = jnp.einsum('ei,eio->eo', jnp.take(h, src, axis=0), W)
        agg = jax.ops.segment_sum(msg, dst, num_segments=N)
        h = jax.nn.elu(agg + h @ root + bias)
    # scatter_mean over graph batch vector
    sums = jax.ops.segment_sum(h, batch, num_segments=G)
    cnt = jax.ops.segment_sum(jnp.ones((N, 1), jnp.float32), batch, num_segments=G)
    hg = sums / jnp.clip(cnt, 1.0)
    hg = jax.nn.elu(hg @ params["fc1"][0] + params["fc1"][1])
    hg = jax.nn.elu(hg @ params["fc2"][0] + params["fc2"][1])
    return hg @ params["fc3"][0] + params["fc3"][1]


def reference(x, edge_index, edge_attr, batch, emb_table,
              c0_l1_w, c0_l1_b, c0_l2_w, c0_l2_b, c0_root, c0_bias,
              c1_l1_w, c1_l1_b, c1_l2_w, c1_l2_b, c1_root, c1_bias,
              c2_l1_w, c2_l1_b, c2_l2_w, c2_l2_b, c2_root, c2_bias,
              fc1_w, fc1_b, fc2_w, fc2_b, fc3_w, fc3_b):
    p = {
        "c0_l1_w": c0_l1_w, "c0_l1_b": c0_l1_b, "c0_l2_w": c0_l2_w, "c0_l2_b": c0_l2_b, "c0_root": c0_root, "c0_bias": c0_bias,
        "c1_l1_w": c1_l1_w, "c1_l1_b": c1_l1_b, "c1_l2_w": c1_l2_w, "c1_l2_b": c1_l2_b, "c1_root": c1_root, "c1_bias": c1_bias,
        "c2_l1_w": c2_l1_w, "c2_l1_b": c2_l1_b, "c2_l2_w": c2_l2_w, "c2_l2_b": c2_l2_b, "c2_root": c2_root, "c2_bias": c2_bias,
        "fc1_w": fc1_w, "fc1_b": fc1_b, "fc2_w": fc2_w, "fc2_b": fc2_b, "fc3_w": fc3_w, "fc3_b": fc3_b,
    }
    params = {}
    for i in range(len(DIMS)):
        params["c%d" % i] = (p["c%d_l1_w" % i], p["c%d_l1_b" % i], p["c%d_l2_w" % i], p["c%d_l2_b" % i], p["c%d_root" % i], p["c%d_bias" % i])
    params["fc1"] = (p["fc1_w"], p["fc1_b"])
    params["fc2"] = (p["fc2_w"], p["fc2_b"])
    params["fc3"] = (p["fc3_w"], p["fc3_b"])
    return _forward(x, edge_index, batch, edge_attr, emb_table, params)

if __name__ == "__main__":
    import jax
    _d = setup_inputs()
    print(jax.jit(kernel)(*tuple(_d.values())))

</pallas_src>

<mosaic_0001>
#map = affine_map<(d0, d1) -> (0, 0, 0, 0)>
#map1 = affine_map<(d0, d1) -> (0, 0, 0)>
#map2 = affine_map<(d0, d1) -> (0, 0)>
module attributes {stable_mosaic.version = 14 : i64} {
  func.func @k(%arg0: i32, %arg1: i32, %arg2: memref<32x10x128x32xf32, #tpu.memory_space<hbm>>, %arg3: memref<32x10x128xi32, #tpu.memory_space<hbm>>, %arg4: memref<10240x32xf32, #tpu.memory_space<hbm>>, %arg5: memref<2x10240x32xf32, #tpu.memory_space<hbm>>, %arg6: memref<10x128xi32, #tpu.memory_space<vmem>>, %arg7: memref<10x128x32xf32, #tpu.memory_space<vmem>>, %arg8: memref<10240x32xf32, #tpu.memory_space<vmem_shared>>) attributes {dimension_semantics = [#tpu.dimension_semantics<core_parallel>, #tpu.dimension_semantics<subcore_parallel>], iteration_bounds = array<i64: 2, 16>, scalar_prefetch = 0 : i64, scratch_operands = 3 : i64, tpu.core_type = #tpu.core_type<sc_vector_subcore>, window_params = [{transform_indices = #map}, {transform_indices = #map1}, {transform_indices = #map2}, {transform_indices = #map1}]} {
    %mul3A = arith.constant 2 : i32
    %mul3A_0 = arith.muli %arg1, %mul3A : i32
    %add3A = arith.addi %mul3A_0, %arg0 : i32
    %mul3A_1 = arith.constant 640 : i32
    %mul3A_2 = arith.muli %arg1, %mul3A_1 : i32
    %mul3A_3 = arith.constant 640 : i32
    %mul3A_4 = arith.muli %arg1, %mul3A_3 : i32
    "tpu.region"() ({
      %run_scoped3A_29 = tpu.sem_alloc : memref<!tpu.dma_semaphore, #tpu.memory_space<semaphore_mem>>
      %dma_start3A = arith.constant 0 : i32
      %dma_start3A_30 = tpu.memref_slice %arg8[%mul3A_4, %dma_start3A] : memref<10240x32xf32, #tpu.memory_space<vmem_shared>> -> memref<640x32xf32, #tpu.memory_space<vmem_shared>>
      %dma_start3A_31 = arith.constant 0 : i32
      %dma_start3A_32 = tpu.memref_slice %arg4[%mul3A_2, %dma_start3A_31] : memref<10240x32xf32, #tpu.memory_space<hbm>> -> memref<640x32xf32, #tpu.memory_space<hbm>>
      tpu.enqueue_dma source(%dma_start3A_32 : memref<640x32xf32, #tpu.memory_space<hbm>>) target(%dma_start3A_30 : memref<640x32xf32, #tpu.memory_space<vmem_shared>>) target_semaphore(%run_scoped3A_29 : memref<!tpu.dma_semaphore, #tpu.memory_space<semaphore_mem>>)
      %dma_wait3A = arith.constant 0 : i32
      %dma_wait3A_33 = tpu.memref_slice %arg8[%mul3A_4, %dma_wait3A] : memref<10240x32xf32, #tpu.memory_space<vmem_shared>> -> memref<640x32xf32, #tpu.memory_space<vmem_shared>>
      %dma_wait3A_34 = arith.constant 0 : i32
      %dma_wait3A_35 = tpu.memref_slice %arg4[%mul3A_2, %dma_wait3A_34] : memref<10240x32xf32, #tpu.memory_space<hbm>> -> memref<640x32xf32, #tpu.memory_space<hbm>>
      tpu.wait_dma2 semaphore(%run_scoped3A_29 : memref<!tpu.dma_semaphore, #tpu.memory_space<semaphore_mem>>) src(%dma_wait3A_35 : memref<640x32xf32, #tpu.memory_space<hbm>>) dst(%dma_wait3A_33 : memref<640x32xf32, #tpu.memory_space<vmem_shared>>)
      tpu.yield
    }) : () -> ()
    "tpu.region"() ({
      %run_scoped3A_29 = tpu.sem_alloc : memref<!tpu.dma_semaphore, #tpu.memory_space<semaphore_mem>>
      %dma_start3A = arith.constant 0 : i32
      %dma_start3A_30 = arith.constant 0 : i32
      %dma_start3A_31 = tpu.memref_slice %arg3[%add3A, %dma_start3A, %dma_start3A_30] : memref<32x10x128xi32, #tpu.memory_space<hbm>> -> memref<1x10x128xi32, #tpu.memory_space<hbm>>
      %dma_start3A_32 = tpu.memref_squeeze %dma_start3A_31 : memref<1x10x128xi32, #tpu.memory_space<hbm>> -> memref<10x128xi32, #tpu.memory_space<hbm>>
      %dma_start3A_33 = arith.constant 0 : i32
      %dma_start3A_34 = arith.constant 0 : i32
      %dma_start3A_35 = tpu.memref_slice %arg3[%add3A, %dma_start3A_33, %dma_start3A_34] : memref<32x10x128xi32, #tpu.memory_space<hbm>> -> memref<1x10x128xi32, #tpu.memory_space<hbm>>
      %dma_start3A_36 = tpu.memref_squeeze %dma_start3A_35 : memref<1x10x128xi32, #tpu.memory_space<hbm>> -> memref<10x128xi32, #tpu.memory_space<hbm>>
      tpu.enqueue_dma source(%dma_start3A_36 : memref<10x128xi32, #tpu.memory_space<hbm>>) target(%arg6 : memref<10x128xi32, #tpu.memory_space<vmem>>) target_semaphore(%run_scoped3A_29 : memref<!tpu.dma_semaphore, #tpu.memory_space<semaphore_mem>>)
      %dma_wait3A = arith.constant 0 : i32
      %dma_wait3A_37 = arith.constant 0 : i32
      %dma_wait3A_38 = tpu.memref_slice %arg3[%add3A, %dma_wait3A, %dma_wait3A_37] : memref<32x10x128xi32, #tpu.memory_space<hbm>> -> memref<1x10x128xi32, #tpu.memory_space<hbm>>
      %dma_wait3A_39 = tpu.memref_squeeze %dma_wait3A_38 : memref<1x10x128xi32, #tpu.memory_space<hbm>> -> memref<10x128xi32, #tpu.memory_space<hbm>>
      %dma_wait3A_40 = arith.constant 0 : i32
      %dma_wait3A_41 = arith.constant 0 : i32
      %dma_wait3A_42 = tpu.memref_slice %arg3[%add3A, %dma_wait3A_40, %dma_wait3A_41] : memref<32x10x128xi32, #tpu.memory_space<hbm>> -> memref<1x10x128xi32, #tpu.memory_space<hbm>>
      %dma_wait3A_43 = tpu.memref_squeeze %dma_wait3A_42 : memref<1x10x128xi32, #tpu.memory_space<hbm>> -> memref<10x128xi32, #tpu.memory_space<hbm>>
      tpu.wait_dma2 semaphore(%run_scoped3A_29 : memref<!tpu.dma_semaphore, #tpu.memory_space<semaphore_mem>>) src(%dma_wait3A_43 : memref<10x128xi32, #tpu.memory_space<hbm>>) dst(%arg6 : memref<10x128xi32, #tpu.memory_space<vmem>>)
      tpu.yield
    }) : () -> ()
    "tpu.region"() ({
      %run_scoped3A_29 = tpu.sem_alloc : memref<!tpu.dma_semaphore, #tpu.memory_space<semaphore_mem>>
      %dma_start3A = arith.constant 0 : i32
      %dma_start3A_30 = arith.constant 0 : i32
      %dma_start3A_31 = arith.constant 0 : i32
      %dma_start3A_32 = tpu.memref_slice %arg2[%add3A, %dma_start3A, %dma_start3A_30, %dma_start3A_31] : memref<32x10x128x32xf32, #tpu.memory_space<hbm>> -> memref<1x10x128x32xf32, #tpu.memory_space<hbm>>
      %dma_start3A_33 = tpu.memref_squeeze %dma_start3A_32 : memref<1x10x128x32xf32, #tpu.memory_space<hbm>> -> memref<10x128x32xf32, #tpu.memory_space<hbm>>
      %dma_start3A_34 = arith.constant 0 : i32
      %dma_start3A_35 = arith.constant 0 : i32
      %dma_start3A_36 = arith.constant 0 : i32
      %dma_start3A_37 = tpu.memref_slice %arg2[%add3A, %dma_start3A_34, %dma_start3A_35, %dma_start3A_36] : memref<32x10x128x32xf32, #tpu.memory_space<hbm>> -> memref<1x10x128x32xf32, #tpu.memory_space<hbm>>
      %dma_start3A_38 = tpu.memref_squeeze %dma_start3A_37 : memref<1x10x128x32xf32, #tpu.memory_space<hbm>> -> memref<10x128x32xf32, #tpu.memory_space<hbm>>
      tpu.enqueue_dma source(%dma_start3A_38 : memref<10x128x32xf32, #tpu.memory_space<hbm>>) target(%arg7 : memref<10x128x32xf32, #tpu.memory_space<vmem>>) target_semaphore(%run_scoped3A_29 : memref<!tpu.dma_semaphore, #tpu.memory_space<semaphore_mem>>)
      %dma_wait3A = arith.constant 0 : i32
      %dma_wait3A_39 = arith.constant 0 : i32
      %dma_wait3A_40 = arith.constant 0 : i32
      %dma_wait3A_41 = tpu.memref_slice %arg2[%add3A, %dma_wait3A, %dma_wait3A_39, %dma_wait3A_40] : memref<32x10x128x32xf32, #tpu.memory_space<hbm>> -> memref<1x10x128x32xf32, #tpu.memory_space<hbm>>
      %dma_wait3A_42 = tpu.memref_squeeze %dma_wait3A_41 : memref<1x10x128x32xf32, #tpu.memory_space<hbm>> -> memref<10x128x32xf32, #tpu.memory_space<hbm>>
      %dma_wait3A_43 = arith.constant 0 : i32
      %dma_wait3A_44 = arith.constant 0 : i32
      %dma_wait3A_45 = arith.constant 0 : i32
      %dma_wait3A_46 = tpu.memref_slice %arg2[%add3A, %dma_wait3A_43, %dma_wait3A_44, %dma_wait3A_45] : memref<32x10x128x32xf32, #tpu.memory_space<hbm>> -> memref<1x10x128x32xf32, #tpu.memory_space<hbm>>
      %dma_wait3A_47 = tpu.memref_squeeze %dma_wait3A_46 : memref<1x10x128x32xf32, #tpu.memory_space<hbm>> -> memref<10x128x32xf32, #tpu.memory_space<hbm>>
      tpu.wait_dma2 semaphore(%run_scoped3A_29 : memref<!tpu.dma_semaphore, #tpu.memory_space<semaphore_mem>>) src(%dma_wait3A_47 : memref<10x128x32xf32, #tpu.memory_space<hbm>>) dst(%arg7 : memref<10x128x32xf32, #tpu.memory_space<vmem>>)
      tpu.yield
    }) : () -> ()
    %barrier3A = arith.constant 0 : index
    tpu.barrier barrier_id(%barrier3A)
    %run_scoped3A = arith.constant 0 : i32
    %run_scoped3A_5 = arith.constant 0 : i32
    "tpu.region"() ({
      %run_scoped3A_29 = tpu.sem_alloc : memref<!tpu.dma_semaphore, #tpu.memory_space<semaphore_mem>>
      %dma_start3A = arith.constant 0 : i32
      %dma_start3A_30 = arith.constant 0 : i32
      %dma_start3A_31 = tpu.memref_slice %arg7[%run_scoped3A, %dma_start3A, %dma_start3A_30] : memref<10x128x32xf32, #tpu.memory_space<vmem>> -> memref<1x128x32xf32, #tpu.memory_space<vmem>>
      %dma_start3A_32 = tpu.memref_squeeze %dma_start3A_31 : memref<1x128x32xf32, #tpu.memory_space<vmem>> -> memref<128x32xf32, #tpu.memory_space<vmem>>
      %dma_start3A_33 = arith.constant 0 : i32
      %dma_start3A_34 = tpu.memref_slice %arg6[%run_scoped3A_5, %dma_start3A_33] : memref<10x128xi32, #tpu.memory_space<vmem>> -> memref<1x128xi32, #tpu.memory_space<vmem>>
      %dma_start3A_35 = tpu.memref_squeeze %dma_start3A_34 : memref<1x128xi32, #tpu.memory_space<vmem>> -> memref<128xi32, #tpu.memory_space<vmem>>
      %dma_start3A_36 = arith.constant 0 : i32
      %dma_start3A_37 = arith.constant 0 : i32
      %dma_start3A_38 = tpu.memref_slice %arg8[%dma_start3A_36, %dma_start3A_37] : memref<10240x32xf32, #tpu.memory_space<vmem_shared>> -> memref<10240x32xf32, #tpu.memory_space<vmem_shared>>
      tpu.enqueue_indirect_dma source(%dma_start3A_32 : memref<128x32xf32, #tpu.memory_space<vmem>>) target(%dma_start3A_38 : memref<10240x32xf32, #tpu.memory_space<vmem_shared>>) offsets(%dma_start3A_35 : memref<128xi32, #tpu.memory_space<vmem>>) semaphore(%run_scoped3A_29 : memref<!tpu.dma_semaphore, #tpu.memory_space<semaphore_mem>>) {add = true}
      %dma_wait3A = arith.constant 0 : i32
      %dma_wait3A_39 = arith.constant 0 : i32
      %dma_wait3A_40 = tpu.memref_slice %arg7[%run_scoped3A, %dma_wait3A, %dma_wait3A_39] : memref<10x128x32xf32, #tpu.memory_space<vmem>> -> memref<1x128x32xf32, #tpu.memory_space<vmem>>
      %dma_wait3A_41 = tpu.memref_squeeze %dma_wait3A_40 : memref<1x128x32xf32, #tpu.memory_space<vmem>> -> memref<128x32xf32, #tpu.memory_space<vmem>>
      %dma_wait3A_42 = arith.constant 0 : i32
      %dma_wait3A_43 = tpu.memref_slice %arg6[%run_scoped3A_5, %dma_wait3A_42] : memref<10x128xi32, #tpu.memory_space<vmem>> -> memref<1x128xi32, #tpu.memory_space<vmem>>
      %dma_wait3A_44 = tpu.memref_squeeze %dma_wait3A_43 : memref<1x128xi32, #tpu.memory_space<vmem>> -> memref<128xi32, #tpu.memory_space<vmem>>
      %dma_wait3A_45 = arith.constant 0 : i32
      %dma_wait3A_46 = arith.constant 0 : i32
      %dma_wait3A_47 = tpu.memref_slice %arg8[%dma_wait3A_45, %dma_wait3A_46] : memref<10240x32xf32, #tpu.memory_space<vmem_shared>> -> memref<10240x32xf32, #tpu.memory_space<vmem_shared>>
      tpu.wait_indirect_dma semaphore(%run_scoped3A_29 : memref<!tpu.dma_semaphore, #tpu.memory_space<semaphore_mem>>) src(%dma_wait3A_41 : memref<128x32xf32, #tpu.memory_space<vmem>>) dst(%dma_wait3A_47 : memref<10240x32xf32, #tpu.memory_space<vmem_shared>>)
      tpu.yield
    }) : () -> ()
    %run_scoped3A_6 = arith.constant 1 : i32
    %run_scoped3A_7 = arith.constant 1 : i32
    "tpu.region"() ({
      %run_scoped3A_29 = tpu.sem_alloc : memref<!tpu.dma_semaphore, #tpu.memory_space<semaphore_mem>>
      %dma_start3A = arith.constant 0 : i32
      %dma_start3A_30 = arith.constant 0 : i32
      %dma_start3A_31 = tpu.memref_slice %arg7[%run_scoped3A_6, %dma_start3A, %dma_start3A_30] : memref<10x128x32xf32, #tpu.memory_space<vmem>> -> memref<1x128x32xf32, #tpu.memory_space<vmem>>
      %dma_start3A_32 = tpu.memref_squeeze %dma_start3A_31 : memref<1x128x32xf32, #tpu.memory_space<vmem>> -> memref<128x32xf32, #tpu.memory_space<vmem>>
      %dma_start3A_33 = arith.constant 0 : i32
      %dma_start3A_34 = tpu.memref_slice %arg6[%run_scoped3A_7, %dma_start3A_33] : memref<10x128xi32, #tpu.memory_space<vmem>> -> memref<1x128xi32, #tpu.memory_space<vmem>>
      %dma_start3A_35 = tpu.memref_squeeze %dma_start3A_34 : memref<1x128xi32, #tpu.memory_space<vmem>> -> memref<128xi32, #tpu.memory_space<vmem>>
      %dma_start3A_36 = arith.constant 0 : i32
      %dma_start3A_37 = arith.constant 0 : i32
      %dma_start3A_38 = tpu.memref_slice %arg8[%dma_start3A_36, %dma_start3A_37] : memref<10240x32xf32, #tpu.memory_space<vmem_shared>> -> memref<10240x32xf32, #tpu.memory_space<vmem_shared>>
      tpu.enqueue_indirect_dma source(%dma_start3A_32 : memref<128x32xf32, #tpu.memory_space<vmem>>) target(%dma_start3A_38 : memref<10240x32xf32, #tpu.memory_space<vmem_shared>>) offsets(%dma_start3A_35 : memref<128xi32, #tpu.memory_space<vmem>>) semaphore(%run_scoped3A_29 : memref<!tpu.dma_semaphore, #tpu.memory_space<semaphore_mem>>) {add = true}
      %dma_wait3A = arith.constant 0 : i32
      %dma_wait3A_39 = arith.constant 0 : i32
      %dma_wait3A_40 = tpu.memref_slice %arg7[%run_scoped3A_6, %dma_wait3A, %dma_wait3A_39] : memref<10x128x32xf32, #tpu.memory_space<vmem>> -> memref<1x128x32xf32, #tpu.memory_space<vmem>>
      %dma_wait3A_41 = tpu.memref_squeeze %dma_wait3A_40 : memref<1x128x32xf32, #tpu.memory_space<vmem>> -> memref<128x32xf32, #tpu.memory_space<vmem>>
      %dma_wait3A_42 = arith.constant 0 : i32
      %dma_wait3A_43 = tpu.memref_slice %arg6[%run_scoped3A_7, %dma_wait3A_42] : memref<10x128xi32, #tpu.memory_space<vmem>> -> memref<1x128xi32, #tpu.memory_space<vmem>>
      %dma_wait3A_44 = tpu.memref_squeeze %dma_wait3A_43 : memref<1x128xi32, #tpu.memory_space<vmem>> -> memref<128xi32, #tpu.memory_space<vmem>>
      %dma_wait3A_45 = arith.constant 0 : i32
      %dma_wait3A_46 = arith.constant 0 : i32
      %dma_wait3A_47 = tpu.memref_slice %arg8[%dma_wait3A_45, %dma_wait3A_46] : memref<10240x32xf32, #tpu.memory_space<vmem_shared>> -> memref<10240x32xf32, #tpu.memory_space<vmem_shared>>
      tpu.wait_indirect_dma semaphore(%run_scoped3A_29 : memref<!tpu.dma_semaphore, #tpu.memory_space<semaphore_mem>>) src(%dma_wait3A_41 : memref<128x32xf32, #tpu.memory_space<vmem>>) dst(%dma_wait3A_47 : memref<10240x32xf32, #tpu.memory_space<vmem_shared>>)
      tpu.yield
    }) : () -> ()
    %run_scoped3A_8 = arith.constant 2 : i32
    %run_scoped3A_9 = arith.constant 2 : i32
    "tpu.region"() ({
      %run_scoped3A_29 = tpu.sem_alloc : memref<!tpu.dma_semaphore, #tpu.memory_space<semaphore_mem>>
      %dma_start3A = arith.constant 0 : i32
      %dma_start3A_30 = arith.constant 0 : i32
      %dma_start3A_31 = tpu.memref_slice %arg7[%run_scoped3A_8, %dma_start3A, %dma_start3A_30] : memref<10x128x32xf32, #tpu.memory_space<vmem>> -> memref<1x128x32xf32, #tpu.memory_space<vmem>>
      %dma_start3A_32 = tpu.memref_squeeze %dma_start3A_31 : memref<1x128x32xf32, #tpu.memory_space<vmem>> -> memref<128x32xf32, #tpu.memory_space<vmem>>
      %dma_start3A_33 = arith.constant 0 : i32
      %dma_start3A_34 = tpu.memref_slice %arg6[%run_scoped3A_9, %dma_start3A_33] : memref<10x128xi32, #tpu.memory_space<vmem>> -> memref<1x128xi32, #tpu.memory_space<vmem>>
      %dma_start3A_35 = tpu.memref_squeeze %dma_start3A_34 : memref<1x128xi32, #tpu.memory_space<vmem>> -> memref<128xi32, #tpu.memory_space<vmem>>
      %dma_start3A_36 = arith.constant 0 : i32
      %dma_start3A_37 = arith.constant 0 : i32
      %dma_start3A_38 = tpu.memref_slice %arg8[%dma_start3A_36, %dma_start3A_37] : memref<10240x32xf32, #tpu.memory_space<vmem_shared>> -> memref<10240x32xf32, #tpu.memory_space<vmem_shared>>
      tpu.enqueue_indirect_dma source(%dma_start3A_32 : memref<128x32xf32, #tpu.memory_space<vmem>>) target(%dma_start3A_38 : memref<10240x32xf32, #tpu.memory_space<vmem_shared>>) offsets(%dma_start3A_35 : memref<128xi32, #tpu.memory_space<vmem>>) semaphore(%run_scoped3A_29 : memref<!tpu.dma_semaphore, #tpu.memory_space<semaphore_mem>>) {add = true}
      %dma_wait3A = arith.constant 0 : i32
      %dma_wait3A_39 = arith.constant 0 : i32
      %dma_wait3A_40 = tpu.memref_slice %arg7[%run_scoped3A_8, %dma_wait3A, %dma_wait3A_39] : memref<10x128x32xf32, #tpu.memory_space<vmem>> -> memref<1x128x32xf32, #tpu.memory_space<vmem>>
      %dma_wait3A_41 = tpu.memref_squeeze %dma_wait3A_40 : memref<1x128x32xf32, #tpu.memory_space<vmem>> -> memref<128x32xf32, #tpu.memory_space<vmem>>
      %dma_wait3A_42 = arith.constant 0 : i32
      %dma_wait3A_43 = tpu.memref_slice %arg6[%run_scoped3A_9, %dma_wait3A_42] : memref<10x128xi32, #tpu.memory_space<vmem>> -> memref<1x128xi32, #tpu.memory_space<vmem>>
      %dma_wait3A_44 = tpu.memref_squeeze %dma_wait3A_43 : memref<1x128xi32, #tpu.memory_space<vmem>> -> memref<128xi32, #tpu.memory_space<vmem>>
      %dma_wait3A_45 = arith.constant 0 : i32
      %dma_wait3A_46 = arith.constant 0 : i32
      %dma_wait3A_47 = tpu.memref_slice %arg8[%dma_wait3A_45, %dma_wait3A_46] : memref<10240x32xf32, #tpu.memory_space<vmem_shared>> -> memref<10240x32xf32, #tpu.memory_space<vmem_shared>>
      tpu.wait_indirect_dma semaphore(%run_scoped3A_29 : memref<!tpu.dma_semaphore, #tpu.memory_space<semaphore_mem>>) src(%dma_wait3A_41 : memref<128x32xf32, #tpu.memory_space<vmem>>) dst(%dma_wait3A_47 : memref<10240x32xf32, #tpu.memory_space<vmem_shared>>)
      tpu.yield
    }) : () -> ()
    %run_scoped3A_10 = arith.constant 3 : i32
    %run_scoped3A_11 = arith.constant 3 : i32
    "tpu.region"() ({
      %run_scoped3A_29 = tpu.sem_alloc : memref<!tpu.dma_semaphore, #tpu.memory_space<semaphore_mem>>
      %dma_start3A = arith.constant 0 : i32
      %dma_start3A_30 = arith.constant 0 : i32
      %dma_start3A_31 = tpu.memref_slice %arg7[%run_scoped3A_10, %dma_start3A, %dma_start3A_30] : memref<10x128x32xf32, #tpu.memory_space<vmem>> -> memref<1x128x32xf32, #tpu.memory_space<vmem>>
      %dma_start3A_32 = tpu.memref_squeeze %dma_start3A_31 : memref<1x128x32xf32, #tpu.memory_space<vmem>> -> memref<128x32xf32, #tpu.memory_space<vmem>>
      %dma_start3A_33 = arith.constant 0 : i32
      %dma_start3A_34 = tpu.memref_slice %arg6[%run_scoped3A_11, %dma_start3A_33] : memref<10x128xi32, #tpu.memory_space<vmem>> -> memref<1x128xi32, #tpu.memory_space<vmem>>
      %dma_start3A_35 = tpu.memref_squeeze %dma_start3A_34 : memref<1x128xi32, #tpu.memory_space<vmem>> -> memref<128xi32, #tpu.memory_space<vmem>>
      %dma_start3A_36 = arith.constant 0 : i32
      %dma_start3A_37 = arith.constant 0 : i32
      %dma_start3A_38 = tpu.memref_slice %arg8[%dma_start3A_36, %dma_start3A_37] : memref<10240x32xf32, #tpu.memory_space<vmem_shared>> -> memref<10240x32xf32, #tpu.memory_space<vmem_shared>>
      tpu.enqueue_indirect_dma source(%dma_start3A_32 : memref<128x32xf32, #tpu.memory_space<vmem>>) target(%dma_start3A_38 : memref<10240x32xf32, #tpu.memory_space<vmem_shared>>) offsets(%dma_start3A_35 : memref<128xi32, #tpu.memory_space<vmem>>) semaphore(%run_scoped3A_29 : memref<!tpu.dma_semaphore, #tpu.memory_space<semaphore_mem>>) {add = true}
      %dma_wait3A = arith.constant 0 : i32
      %dma_wait3A_39 = arith.constant 0 : i32
      %dma_wait3A_40 = tpu.memref_slice %arg7[%run_scoped3A_10, %dma_wait3A, %dma_wait3A_39] : memref<10x128x32xf32, #tpu.memory_space<vmem>> -> memref<1x128x32xf32, #tpu.memory_space<vmem>>
      %dma_wait3A_41 = tpu.memref_squeeze %dma_wait3A_40 : memref<1x128x32xf32, #tpu.memory_space<vmem>> -> memref<128x32xf32, #tpu.memory_space<vmem>>
      %dma_wait3A_42 = arith.constant 0 : i32
      %dma_wait3A_43 = tpu.memref_slice %arg6[%run_scoped3A_11, %dma_wait3A_42] : memref<10x128xi32, #tpu.memory_space<vmem>> -> memref<1x128xi32, #tpu.memory_space<vmem>>
      %dma_wait3A_44 = tpu.memref_squeeze %dma_wait3A_43 : memref<1x128xi32, #tpu.memory_space<vmem>> -> memref<128xi32, #tpu.memory_space<vmem>>
      %dma_wait3A_45 = arith.constant 0 : i32
      %dma_wait3A_46 = arith.constant 0 : i32
      %dma_wait3A_47 = tpu.memref_slice %arg8[%dma_wait3A_45, %dma_wait3A_46] : memref<10240x32xf32, #tpu.memory_space<vmem_shared>> -> memref<10240x32xf32, #tpu.memory_space<vmem_shared>>
      tpu.wait_indirect_dma semaphore(%run_scoped3A_29 : memref<!tpu.dma_semaphore, #tpu.memory_space<semaphore_mem>>) src(%dma_wait3A_41 : memref<128x32xf32, #tpu.memory_space<vmem>>) dst(%dma_wait3A_47 : memref<10240x32xf32, #tpu.memory_space<vmem_shared>>)
      tpu.yield
    }) : () -> ()
    %run_scoped3A_12 = arith.constant 4 : i32
    %run_scoped3A_13 = arith.constant 4 : i32
    "tpu.region"() ({
      %run_scoped3A_29 = tpu.sem_alloc : memref<!tpu.dma_semaphore, #tpu.memory_space<semaphore_mem>>
      %dma_start3A = arith.constant 0 : i32
      %dma_start3A_30 = arith.constant 0 : i32
      %dma_start3A_31 = tpu.memref_slice %arg7[%run_scoped3A_12, %dma_start3A, %dma_start3A_30] : memref<10x128x32xf32, #tpu.memory_space<vmem>> -> memref<1x128x32xf32, #tpu.memory_space<vmem>>
      %dma_start3A_32 = tpu.memref_squeeze %dma_start3A_31 : memref<1x128x32xf32, #tpu.memory_space<vmem>> -> memref<128x32xf32, #tpu.memory_space<vmem>>
      %dma_start3A_33 = arith.constant 0 : i32
      %dma_start3A_34 = tpu.memref_slice %arg6[%run_scoped3A_13, %dma_start3A_33] : memref<10x128xi32, #tpu.memory_space<vmem>> -> memref<1x128xi32, #tpu.memory_space<vmem>>
      %dma_start3A_35 = tpu.memref_squeeze %dma_start3A_34 : memref<1x128xi32, #tpu.memory_space<vmem>> -> memref<128xi32, #tpu.memory_space<vmem>>
      %dma_start3A_36 = arith.constant 0 : i32
      %dma_start3A_37 = arith.constant 0 : i32
      %dma_start3A_38 = tpu.memref_slice %arg8[%dma_start3A_36, %dma_start3A_37] : memref<10240x32xf32, #tpu.memory_space<vmem_shared>> -> memref<10240x32xf32, #tpu.memory_space<vmem_shared>>
      tpu.enqueue_indirect_dma source(%dma_start3A_32 : memref<128x32xf32, #tpu.memory_space<vmem>>) target(%dma_start3A_38 : memref<10240x32xf32, #tpu.memory_space<vmem_shared>>) offsets(%dma_start3A_35 : memref<128xi32, #tpu.memory_space<vmem>>) semaphore(%run_scoped3A_29 : memref<!tpu.dma_semaphore, #tpu.memory_space<semaphore_mem>>) {add = true}
      %dma_wait3A = arith.constant 0 : i32
      %dma_wait3A_39 = arith.constant 0 : i32
      %dma_wait3A_40 = tpu.memref_slice %arg7[%run_scoped3A_12, %dma_wait3A, %dma_wait3A_39] : memref<10x128x32xf32, #tpu.memory_space<vmem>> -> memref<1x128x32xf32, #tpu.memory_space<vmem>>
      %dma_wait3A_41 = tpu.memref_squeeze %dma_wait3A_40 : memref<1x128x32xf32, #tpu.memory_space<vmem>> -> memref<128x32xf32, #tpu.memory_space<vmem>>
      %dma_wait3A_42 = arith.constant 0 : i32
      %dma_wait3A_43 = tpu.memref_slice %arg6[%run_scoped3A_13, %dma_wait3A_42] : memref<10x128xi32, #tpu.memory_space<vmem>> -> memref<1x128xi32, #tpu.memory_space<vmem>>
      %dma_wait3A_44 = tpu.memref_squeeze %dma_wait3A_43 : memref<1x128xi32, #tpu.memory_space<vmem>> -> memref<128xi32, #tpu.memory_space<vmem>>
      %dma_wait3A_45 = arith.constant 0 : i32
      %dma_wait3A_46 = arith.constant 0 : i32
      %dma_wait3A_47 = tpu.memref_slice %arg8[%dma_wait3A_45, %dma_wait3A_46] : memref<10240x32xf32, #tpu.memory_space<vmem_shared>> -> memref<10240x32xf32, #tpu.memory_space<vmem_shared>>
      tpu.wait_indirect_dma semaphore(%run_scoped3A_29 : memref<!tpu.dma_semaphore, #tpu.memory_space<semaphore_mem>>) src(%dma_wait3A_41 : memref<128x32xf32, #tpu.memory_space<vmem>>) dst(%dma_wait3A_47 : memref<10240x32xf32, #tpu.memory_space<vmem_shared>>)
      tpu.yield
    }) : () -> ()
    %run_scoped3A_14 = arith.constant 5 : i32
    %run_scoped3A_15 = arith.constant 5 : i32
    "tpu.region"() ({
      %run_scoped3A_29 = tpu.sem_alloc : memref<!tpu.dma_semaphore, #tpu.memory_space<semaphore_mem>>
      %dma_start3A = arith.constant 0 : i32
      %dma_start3A_30 = arith.constant 0 : i32
      %dma_start3A_31 = tpu.memref_slice %arg7[%run_scoped3A_14, %dma_start3A, %dma_start3A_30] : memref<10x128x32xf32, #tpu.memory_space<vmem>> -> memref<1x128x32xf32, #tpu.memory_space<vmem>>
      %dma_start3A_32 = tpu.memref_squeeze %dma_start3A_31 : memref<1x128x32xf32, #tpu.memory_space<vmem>> -> memref<128x32xf32, #tpu.memory_space<vmem>>
      %dma_start3A_33 = arith.constant 0 : i32
      %dma_start3A_34 = tpu.memref_slice %arg6[%run_scoped3A_15, %dma_start3A_33] : memref<10x128xi32, #tpu.memory_space<vmem>> -> memref<1x128xi32, #tpu.memory_space<vmem>>
      %dma_start3A_35 = tpu.memref_squeeze %dma_start3A_34 : memref<1x128xi32, #tpu.memory_space<vmem>> -> memref<128xi32, #tpu.memory_space<vmem>>
      %dma_start3A_36 = arith.constant 0 : i32
      %dma_start3A_37 = arith.constant 0 : i32
      %dma_start3A_38 = tpu.memref_slice %arg8[%dma_start3A_36, %dma_start3A_37] : memref<10240x32xf32, #tpu.memory_space<vmem_shared>> -> memref<10240x32xf32, #tpu.memory_space<vmem_shared>>
      tpu.enqueue_indirect_dma source(%dma_start3A_32 : memref<128x32xf32, #tpu.memory_space<vmem>>) target(%dma_start3A_38 : memref<10240x32xf32, #tpu.memory_space<vmem_shared>>) offsets(%dma_start3A_35 : memref<128xi32, #tpu.memory_space<vmem>>) semaphore(%run_scoped3A_29 : memref<!tpu.dma_semaphore, #tpu.memory_space<semaphore_mem>>) {add = true}
      %dma_wait3A = arith.constant 0 : i32
      %dma_wait3A_39 = arith.constant 0 : i32
      %dma_wait3A_40 = tpu.memref_slice %arg7[%run_scoped3A_14, %dma_wait3A, %dma_wait3A_39] : memref<10x128x32xf32, #tpu.memory_space<vmem>> -> memref<1x128x32xf32, #tpu.memory_space<vmem>>
      %dma_wait3A_41 = tpu.memref_squeeze %dma_wait3A_40 : memref<1x128x32xf32, #tpu.memory_space<vmem>> -> memref<128x32xf32, #tpu.memory_space<vmem>>
      %dma_wait3A_42 = arith.constant 0 : i32
      %dma_wait3A_43 = tpu.memref_slice %arg6[%run_scoped3A_15, %dma_wait3A_42] : memref<10x128xi32, #tpu.memory_space<vmem>> -> memref<1x128xi32, #tpu.memory_space<vmem>>
      %dma_wait3A_44 = tpu.memref_squeeze %dma_wait3A_43 : memref<1x128xi32, #tpu.memory_space<vmem>> -> memref<128xi32, #tpu.memory_space<vmem>>
      %dma_wait3A_45 = arith.constant 0 : i32
      %dma_wait3A_46 = arith.constant 0 : i32
      %dma_wait3A_47 = tpu.memref_slice %arg8[%dma_wait3A_45, %dma_wait3A_46] : memref<10240x32xf32, #tpu.memory_space<vmem_shared>> -> memref<10240x32xf32, #tpu.memory_space<vmem_shared>>
      tpu.wait_indirect_dma semaphore(%run_scoped3A_29 : memref<!tpu.dma_semaphore, #tpu.memory_space<semaphore_mem>>) src(%dma_wait3A_41 : memref<128x32xf32, #tpu.memory_space<vmem>>) dst(%dma_wait3A_47 : memref<10240x32xf32, #tpu.memory_space<vmem_shared>>)
      tpu.yield
    }) : () -> ()
    %run_scoped3A_16 = arith.constant 6 : i32
    %run_scoped3A_17 = arith.constant 6 : i32
    "tpu.region"() ({
      %run_scoped3A_29 = tpu.sem_alloc : memref<!tpu.dma_semaphore, #tpu.memory_space<semaphore_mem>>
      %dma_start3A = arith.constant 0 : i32
      %dma_start3A_30 = arith.constant 0 : i32
      %dma_start3A_31 = tpu.memref_slice %arg7[%run_scoped3A_16, %dma_start3A, %dma_start3A_30] : memref<10x128x32xf32, #tpu.memory_space<vmem>> -> memref<1x128x32xf32, #tpu.memory_space<vmem>>
      %dma_start3A_32 = tpu.memref_squeeze %dma_start3A_31 : memref<1x128x32xf32, #tpu.memory_space<vmem>> -> memref<128x32xf32, #tpu.memory_space<vmem>>
      %dma_start3A_33 = arith.constant 0 : i32
      %dma_start3A_34 = tpu.memref_slice %arg6[%run_scoped3A_17, %dma_start3A_33] : memref<10x128xi32, #tpu.memory_space<vmem>> -> memref<1x128xi32, #tpu.memory_space<vmem>>
      %dma_start3A_35 = tpu.memref_squeeze %dma_start3A_34 : memref<1x128xi32, #tpu.memory_space<vmem>> -> memref<128xi32, #tpu.memory_space<vmem>>
      %dma_start3A_36 = arith.constant 0 : i32
      %dma_start3A_37 = arith.constant 0 : i32
      %dma_start3A_38 = tpu.memref_slice %arg8[%dma_start3A_36, %dma_start3A_37] : memref<10240x32xf32, #tpu.memory_space<vmem_shared>> -> memref<10240x32xf32, #tpu.memory_space<vmem_shared>>
      tpu.enqueue_indirect_dma source(%dma_start3A_32 : memref<128x32xf32, #tpu.memory_space<vmem>>) target(%dma_start3A_38 : memref<10240x32xf32, #tpu.memory_space<vmem_shared>>) offsets(%dma_start3A_35 : memref<128xi32, #tpu.memory_space<vmem>>) semaphore(%run_scoped3A_29 : memref<!tpu.dma_semaphore, #tpu.memory_space<semaphore_mem>>) {add = true}
      %dma_wait3A = arith.constant 0 : i32
      %dma_wait3A_39 = arith.constant 0 : i32
      %dma_wait3A_40 = tpu.memref_slice %arg7[%run_scoped3A_16, %dma_wait3A, %dma_wait3A_39] : memref<10x128x32xf32, #tpu.memory_space<vmem>> -> memref<1x128x32xf32, #tpu.memory_space<vmem>>
      %dma_wait3A_41 = tpu.memref_squeeze %dma_wait3A_40 : memref<1x128x32xf32, #tpu.memory_space<vmem>> -> memref<128x32xf32, #tpu.memory_space<vmem>>
      %dma_wait3A_42 = arith.constant 0 : i32
      %dma_wait3A_43 = tpu.memref_slice %arg6[%run_scoped3A_17, %dma_wait3A_42] : memref<10x128xi32, #tpu.memory_space<vmem>> -> memref<1x128xi32, #tpu.memory_space<vmem>>
      %dma_wait3A_44 = tpu.memref_squeeze %dma_wait3A_43 : memref<1x128xi32, #tpu.memory_space<vmem>> -> memref<128xi32, #tpu.memory_space<vmem>>
      %dma_wait3A_45 = arith.constant 0 : i32
      %dma_wait3A_46 = arith.constant 0 : i32
      %dma_wait3A_47 = tpu.memref_slice %arg8[%dma_wait3A_45, %dma_wait3A_46] : memref<10240x32xf32, #tpu.memory_space<vmem_shared>> -> memref<10240x32xf32, #tpu.memory_space<vmem_shared>>
      tpu.wait_indirect_dma semaphore(%run_scoped3A_29 : memref<!tpu.dma_semaphore, #tpu.memory_space<semaphore_mem>>) src(%dma_wait3A_41 : memref<128x32xf32, #tpu.memory_space<vmem>>) dst(%dma_wait3A_47 : memref<10240x32xf32, #tpu.memory_space<vmem_shared>>)
      tpu.yield
    }) : () -> ()
    %run_scoped3A_18 = arith.constant 7 : i32
    %run_scoped3A_19 = arith.constant 7 : i32
    "tpu.region"() ({
      %run_scoped3A_29 = tpu.sem_alloc : memref<!tpu.dma_semaphore, #tpu.memory_space<semaphore_mem>>
      %dma_start3A = arith.constant 0 : i32
      %dma_start3A_30 = arith.constant 0 : i32
      %dma_start3A_31 = tpu.memref_slice %arg7[%run_scoped3A_18, %dma_start3A, %dma_start3A_30] : memref<10x128x32xf32, #tpu.memory_space<vmem>> -> memref<1x128x32xf32, #tpu.memory_space<vmem>>
      %dma_start3A_32 = tpu.memref_squeeze %dma_start3A_31 : memref<1x128x32xf32, #tpu.memory_space<vmem>> -> memref<128x32xf32, #tpu.memory_space<vmem>>
      %dma_start3A_33 = arith.constant 0 : i32
      %dma_start3A_34 = tpu.memref_slice %arg6[%run_scoped3A_19, %dma_start3A_33] : memref<10x128xi32, #tpu.memory_space<vmem>> -> memref<1x128xi32, #tpu.memory_space<vmem>>
      %dma_start3A_35 = tpu.memref_squeeze %dma_start3A_34 : memref<1x128xi32, #tpu.memory_space<vmem>> -> memref<128xi32, #tpu.memory_space<vmem>>
      %dma_start3A_36 = arith.constant 0 : i32
      %dma_start3A_37 = arith.constant 0 : i32
      %dma_start3A_38 = tpu.memref_slice %arg8[%dma_start3A_36, %dma_start3A_37] : memref<10240x32xf32, #tpu.memory_space<vmem_shared>> -> memref<10240x32xf32, #tpu.memory_space<vmem_shared>>
      tpu.enqueue_indirect_dma source(%dma_start3A_32 : memref<128x32xf32, #tpu.memory_space<vmem>>) target(%dma_start3A_38 : memref<10240x32xf32, #tpu.memory_space<vmem_shared>>) offsets(%dma_start3A_35 : memref<128xi32, #tpu.memory_space<vmem>>) semaphore(%run_scoped3A_29 : memref<!tpu.dma_semaphore, #tpu.memory_space<semaphore_mem>>) {add = true}
      %dma_wait3A = arith.constant 0 : i32
      %dma_wait3A_39 = arith.constant 0 : i32
      %dma_wait3A_40 = tpu.memref_slice %arg7[%run_scoped3A_18, %dma_wait3A, %dma_wait3A_39] : memref<10x128x32xf32, #tpu.memory_space<vmem>> -> memref<1x128x32xf32, #tpu.memory_space<vmem>>
      %dma_wait3A_41 = tpu.memref_squeeze %dma_wait3A_40 : memref<1x128x32xf32, #tpu.memory_space<vmem>> -> memref<128x32xf32, #tpu.memory_space<vmem>>
      %dma_wait3A_42 = arith.constant 0 : i32
      %dma_wait3A_43 = tpu.memref_slice %arg6[%run_scoped3A_19, %dma_wait3A_42] : memref<10x128xi32, #tpu.memory_space<vmem>> -> memref<1x128xi32, #tpu.memory_space<vmem>>
      %dma_wait3A_44 = tpu.memref_squeeze %dma_wait3A_43 : memref<1x128xi32, #tpu.memory_space<vmem>> -> memref<128xi32, #tpu.memory_space<vmem>>
      %dma_wait3A_45 = arith.constant 0 : i32
      %dma_wait3A_46 = arith.constant 0 : i32
      %dma_wait3A_47 = tpu.memref_slice %arg8[%dma_wait3A_45, %dma_wait3A_46] : memref<10240x32xf32, #tpu.memory_space<vmem_shared>> -> memref<10240x32xf32, #tpu.memory_space<vmem_shared>>
      tpu.wait_indirect_dma semaphore(%run_scoped3A_29 : memref<!tpu.dma_semaphore, #tpu.memory_space<semaphore_mem>>) src(%dma_wait3A_41 : memref<128x32xf32, #tpu.memory_space<vmem>>) dst(%dma_wait3A_47 : memref<10240x32xf32, #tpu.memory_space<vmem_shared>>)
      tpu.yield
    }) : () -> ()
    %run_scoped3A_20 = arith.constant 8 : i32
    %run_scoped3A_21 = arith.constant 8 : i32
    "tpu.region"() ({
      %run_scoped3A_29 = tpu.sem_alloc : memref<!tpu.dma_semaphore, #tpu.memory_space<semaphore_mem>>
      %dma_start3A = arith.constant 0 : i32
      %dma_start3A_30 = arith.constant 0 : i32
      %dma_start3A_31 = tpu.memref_slice %arg7[%run_scoped3A_20, %dma_start3A, %dma_start3A_30] : memref<10x128x32xf32, #tpu.memory_space<vmem>> -> memref<1x128x32xf32, #tpu.memory_space<vmem>>
      %dma_start3A_32 = tpu.memref_squeeze %dma_start3A_31 : memref<1x128x32xf32, #tpu.memory_space<vmem>> -> memref<128x32xf32, #tpu.memory_space<vmem>>
      %dma_start3A_33 = arith.constant 0 : i32
      %dma_start3A_34 = tpu.memref_slice %arg6[%run_scoped3A_21, %dma_start3A_33] : memref<10x128xi32, #tpu.memory_space<vmem>> -> memref<1x128xi32, #tpu.memory_space<vmem>>
      %dma_start3A_35 = tpu.memref_squeeze %dma_start3A_34 : memref<1x128xi32, #tpu.memory_space<vmem>> -> memref<128xi32, #tpu.memory_space<vmem>>
      %dma_start3A_36 = arith.constant 0 : i32
      %dma_start3A_37 = arith.constant 0 : i32
      %dma_start3A_38 = tpu.memref_slice %arg8[%dma_start3A_36, %dma_start3A_37] : memref<10240x32xf32, #tpu.memory_space<vmem_shared>> -> memref<10240x32xf32, #tpu.memory_space<vmem_shared>>
      tpu.enqueue_indirect_dma source(%dma_start3A_32 : memref<128x32xf32, #tpu.memory_space<vmem>>) target(%dma_start3A_38 : memref<10240x32xf32, #tpu.memory_space<vmem_shared>>) offsets(%dma_start3A_35 : memref<128xi32, #tpu.memory_space<vmem>>) semaphore(%run_scoped3A_29 : memref<!tpu.dma_semaphore, #tpu.memory_space<semaphore_mem>>) {add = true}
      %dma_wait3A = arith.constant 0 : i32
      %dma_wait3A_39 = arith.constant 0 : i32
      %dma_wait3A_40 = tpu.memref_slice %arg7[%run_scoped3A_20, %dma_wait3A, %dma_wait3A_39] : memref<10x128x32xf32, #tpu.memory_space<vmem>> -> memref<1x128x32xf32, #tpu.memory_space<vmem>>
      %dma_wait3A_41 = tpu.memref_squeeze %dma_wait3A_40 : memref<1x128x32xf32, #tpu.memory_space<vmem>> -> memref<128x32xf32, #tpu.memory_space<vmem>>
      %dma_wait3A_42 = arith.constant 0 : i32
      %dma_wait3A_43 = tpu.memref_slice %arg6[%run_scoped3A_21, %dma_wait3A_42] : memref<10x128xi32, #tpu.memory_space<vmem>> -> memref<1x128xi32, #tpu.memory_space<vmem>>
      %dma_wait3A_44 = tpu.memref_squeeze %dma_wait3A_43 : memref<1x128xi32, #tpu.memory_space<vmem>> -> memref<128xi32, #tpu.memory_space<vmem>>
      %dma_wait3A_45 = arith.constant 0 : i32
      %dma_wait3A_46 = arith.constant 0 : i32
      %dma_wait3A_47 = tpu.memref_slice %arg8[%dma_wait3A_45, %dma_wait3A_46] : memref<10240x32xf32, #tpu.memory_space<vmem_shared>> -> memref<10240x32xf32, #tpu.memory_space<vmem_shared>>
      tpu.wait_indirect_dma semaphore(%run_scoped3A_29 : memref<!tpu.dma_semaphore, #tpu.memory_space<semaphore_mem>>) src(%dma_wait3A_41 : memref<128x32xf32, #tpu.memory_space<vmem>>) dst(%dma_wait3A_47 : memref<10240x32xf32, #tpu.memory_space<vmem_shared>>)
      tpu.yield
    }) : () -> ()
    %run_scoped3A_22 = arith.constant 9 : i32
    %run_scoped3A_23 = arith.constant 9 : i32
    "tpu.region"() ({
      %run_scoped3A_29 = tpu.sem_alloc : memref<!tpu.dma_semaphore, #tpu.memory_space<semaphore_mem>>
      %dma_start3A = arith.constant 0 : i32
      %dma_start3A_30 = arith.constant 0 : i32
      %dma_start3A_31 = tpu.memref_slice %arg7[%run_scoped3A_22, %dma_start3A, %dma_start3A_30] : memref<10x128x32xf32, #tpu.memory_space<vmem>> -> memref<1x128x32xf32, #tpu.memory_space<vmem>>
      %dma_start3A_32 = tpu.memref_squeeze %dma_start3A_31 : memref<1x128x32xf32, #tpu.memory_space<vmem>> -> memref<128x32xf32, #tpu.memory_space<vmem>>
      %dma_start3A_33 = arith.constant 0 : i32
      %dma_start3A_34 = tpu.memref_slice %arg6[%run_scoped3A_23, %dma_start3A_33] : memref<10x128xi32, #tpu.memory_space<vmem>> -> memref<1x128xi32, #tpu.memory_space<vmem>>
      %dma_start3A_35 = tpu.memref_squeeze %dma_start3A_34 : memref<1x128xi32, #tpu.memory_space<vmem>> -> memref<128xi32, #tpu.memory_space<vmem>>
      %dma_start3A_36 = arith.constant 0 : i32
      %dma_start3A_37 = arith.constant 0 : i32
      %dma_start3A_38 = tpu.memref_slice %arg8[%dma_start3A_36, %dma_start3A_37] : memref<10240x32xf32, #tpu.memory_space<vmem_shared>> -> memref<10240x32xf32, #tpu.memory_space<vmem_shared>>
      tpu.enqueue_indirect_dma source(%dma_start3A_32 : memref<128x32xf32, #tpu.memory_space<vmem>>) target(%dma_start3A_38 : memref<10240x32xf32, #tpu.memory_space<vmem_shared>>) offsets(%dma_start3A_35 : memref<128xi32, #tpu.memory_space<vmem>>) semaphore(%run_scoped3A_29 : memref<!tpu.dma_semaphore, #tpu.memory_space<semaphore_mem>>) {add = true}
      %dma_wait3A = arith.constant 0 : i32
      %dma_wait3A_39 = arith.constant 0 : i32
      %dma_wait3A_40 = tpu.memref_slice %arg7[%run_scoped3A_22, %dma_wait3A, %dma_wait3A_39] : memref<10x128x32xf32, #tpu.memory_space<vmem>> -> memref<1x128x32xf32, #tpu.memory_space<vmem>>
      %dma_wait3A_41 = tpu.memref_squeeze %dma_wait3A_40 : memref<1x128x32xf32, #tpu.memory_space<vmem>> -> memref<128x32xf32, #tpu.memory_space<vmem>>
      %dma_wait3A_42 = arith.constant 0 : i32
      %dma_wait3A_43 = tpu.memref_slice %arg6[%run_scoped3A_23, %dma_wait3A_42] : memref<10x128xi32, #tpu.memory_space<vmem>> -> memref<1x128xi32, #tpu.memory_space<vmem>>
      %dma_wait3A_44 = tpu.memref_squeeze %dma_wait3A_43 : memref<1x128xi32, #tpu.memory_space<vmem>> -> memref<128xi32, #tpu.memory_space<vmem>>
      %dma_wait3A_45 = arith.constant 0 : i32
      %dma_wait3A_46 = arith.constant 0 : i32
      %dma_wait3A_47 = tpu.memref_slice %arg8[%dma_wait3A_45, %dma_wait3A_46] : memref<10240x32xf32, #tpu.memory_space<vmem_shared>> -> memref<10240x32xf32, #tpu.memory_space<vmem_shared>>
      tpu.wait_indirect_dma semaphore(%run_scoped3A_29 : memref<!tpu.dma_semaphore, #tpu.memory_space<semaphore_mem>>) src(%dma_wait3A_41 : memref<128x32xf32, #tpu.memory_space<vmem>>) dst(%dma_wait3A_47 : memref<10240x32xf32, #tpu.memory_space<vmem_shared>>)
      tpu.yield
    }) : () -> ()
    %barrier3A_24 = arith.constant 0 : index
    tpu.barrier barrier_id(%barrier3A_24)
    %mul3A_25 = arith.constant 640 : i32
    %mul3A_26 = arith.muli %arg1, %mul3A_25 : i32
    %mul3A_27 = arith.constant 640 : i32
    %mul3A_28 = arith.muli %arg1, %mul3A_27 : i32
    "tpu.region"() ({
      %run_scoped3A_29 = tpu.sem_alloc : memref<!tpu.dma_semaphore, #tpu.memory_space<semaphore_mem>>
      %dma_start3A = arith.constant 0 : i32
      %dma_start3A_30 = arith.constant 0 : i32
      %dma_start3A_31 = tpu.memref_slice %arg5[%arg0, %dma_start3A, %dma_start3A_30] : memref<2x10240x32xf32, #tpu.memory_space<hbm>> -> memref<1x10240x32xf32, #tpu.memory_space<hbm>>
      %dma_start3A_32 = tpu.memref_squeeze %dma_start3A_31 : memref<1x10240x32xf32, #tpu.memory_space<hbm>> -> memref<10240x32xf32, #tpu.memory_space<hbm>>
      %dma_start3A_33 = arith.constant 0 : i32
      %dma_start3A_34 = tpu.memref_slice %dma_start3A_32[%mul3A_28, %dma_start3A_33] : memref<10240x32xf32, #tpu.memory_space<hbm>> -> memref<640x32xf32, #tpu.memory_space<hbm>>
      %dma_start3A_35 = arith.constant 0 : i32
      %dma_start3A_36 = tpu.memref_slice %arg8[%mul3A_26, %dma_start3A_35] : memref<10240x32xf32, #tpu.memory_space<vmem_shared>> -> memref<640x32xf32, #tpu.memory_space<vmem_shared>>
      tpu.enqueue_dma source(%dma_start3A_36 : memref<640x32xf32, #tpu.memory_space<vmem_shared>>) target(%dma_start3A_34 : memref<640x32xf32, #tpu.memory_space<hbm>>) target_semaphore(%run_scoped3A_29 : memref<!tpu.dma_semaphore, #tpu.memory_space<semaphore_mem>>)
      %dma_wait3A = arith.constant 0 : i32
      %dma_wait3A_37 = arith.constant 0 : i32
      %dma_wait3A_38 = tpu.memref_slice %arg5[%arg0, %dma_wait3A, %dma_wait3A_37] : memref<2x10240x32xf32, #tpu.memory_space<hbm>> -> memref<1x10240x32xf32, #tpu.memory_space<hbm>>
      %dma_wait3A_39 = tpu.memref_squeeze %dma_wait3A_38 : memref<1x10240x32xf32, #tpu.memory_space<hbm>> -> memref<10240x32xf32, #tpu.memory_space<hbm>>
      %dma_wait3A_40 = arith.constant 0 : i32
      %dma_wait3A_41 = tpu.memref_slice %dma_wait3A_39[%mul3A_28, %dma_wait3A_40] : memref<10240x32xf32, #tpu.memory_space<hbm>> -> memref<640x32xf32, #tpu.memory_space<hbm>>
      %dma_wait3A_42 = arith.constant 0 : i32
      %dma_wait3A_43 = tpu.memref_slice %arg8[%mul3A_26, %dma_wait3A_42] : memref<10240x32xf32, #tpu.memory_space<vmem_shared>> -> memref<640x32xf32, #tpu.memory_space<vmem_shared>>
      tpu.wait_dma2 semaphore(%run_scoped3A_29 : memref<!tpu.dma_semaphore, #tpu.memory_space<semaphore_mem>>) src(%dma_wait3A_43 : memref<640x32xf32, #tpu.memory_space<vmem_shared>>) dst(%dma_wait3A_41 : memref<640x32xf32, #tpu.memory_space<hbm>>)
      tpu.yield
    }) : () -> ()
    return
  }
}

#map = affine_map<(d0, d1) -> (0, 0)>
#map1 = affine_map<(d0, d1) -> (0, 0, 0)>
#map2 = affine_map<(d0, d1) -> (0, 0, 0, 0)>
module attributes {stable_mosaic.version = 14 : i64} {
  func.func @k(%arg0: i32, %arg1: i32, %arg2: memref<10240x16xf32, #tpu.memory_space<hbm>>, %arg3: memref<32x10x128xi32, #tpu.memory_space<hbm>>, %arg4: memref<32x10x128x16xf32, #tpu.memory_space<hbm>>, %arg5: memref<10x128xi32, #tpu.memory_space<vmem>>, %arg6: memref<10x128x16xf32, #tpu.memory_space<vmem>>, %arg7: memref<!tpu.dma_semaphore, #tpu.memory_space<semaphore_mem>>) attributes {dimension_semantics = [#tpu.dimension_semantics<core_parallel>, #tpu.dimension_semantics<subcore_parallel>], iteration_bounds = array<i64: 2, 16>, scalar_prefetch = 0 : i64, scratch_operands = 3 : i64, tpu.core_type = #tpu.core_type<sc_vector_subcore>, window_params = [{transform_indices = #map}, {transform_indices = #map1}, {transform_indices = #map2}]} {
    %mul3A = arith.constant 2 : i32
    %mul3A_0 = arith.muli %arg1, %mul3A : i32
    %add3A = arith.addi %mul3A_0, %arg0 : i32
    "tpu.region"() ({
      %run_scoped3A = tpu.sem_alloc : memref<!tpu.dma_semaphore, #tpu.memory_space<semaphore_mem>>
      %dma_start3A_239 = arith.constant 0 : i32
      %dma_start3A_240 = arith.constant 0 : i32
      %dma_start3A_241 = tpu.memref_slice %arg3[%add3A, %dma_start3A_239, %dma_start3A_240] : memref<32x10x128xi32, #tpu.memory_space<hbm>> -> memref<1x10x128xi32, #tpu.memory_space<hbm>>
      %dma_start3A_242 = tpu.memref_squeeze %dma_start3A_241 : memref<1x10x128xi32, #tpu.memory_space<hbm>> -> memref<10x128xi32, #tpu.memory_space<hbm>>
      %dma_start3A_243 = arith.constant 0 : i32
      %dma_start3A_244 = arith.constant 0 : i32
      %dma_start3A_245 = tpu.memref_slice %arg3[%add3A, %dma_start3A_243, %dma_start3A_244] : memref<32x10x128xi32, #tpu.memory_space<hbm>> -> memref<1x10x128xi32, #tpu.memory_space<hbm>>
      %dma_start3A_246 = tpu.memref_squeeze %dma_start3A_245 : memref<1x10x128xi32, #tpu.memory_space<hbm>> -> memref<10x128xi32, #tpu.memory_space<hbm>>
      tpu.enqueue_dma source(%dma_start3A_246 : memref<10x128xi32, #tpu.memory_space<hbm>>) target(%arg5 : memref<10x128xi32, #tpu.memory_space<vmem>>) target_semaphore(%run_scoped3A : memref<!tpu.dma_semaphore, #tpu.memory_space<semaphore_mem>>)
      %dma_wait3A_247 = arith.constant 0 : i32
      %dma_wait3A_248 = arith.constant 0 : i32
      %dma_wait3A_249 = tpu.memref_slice %arg3[%add3A, %dma_wait3A_247, %dma_wait3A_248] : memref<32x10x128xi32, #tpu.memory_space<hbm>> -> memref<1x10x128xi32, #tpu.memory_space<hbm>>
      %dma_wait3A_250 = tpu.memref_squeeze %dma_wait3A_249 : memref<1x10x128xi32, #tpu.memory_space<hbm>> -> memref<10x128xi32, #tpu.memory_space<hbm>>
      %dma_wait3A_251 = arith.constant 0 : i32
      %dma_wait3A_252 = arith.constant 0 : i32
      %dma_wait3A_253 = tpu.memref_slice %arg3[%add3A, %dma_wait3A_251, %dma_wait3A_252] : memref<32x10x128xi32, #tpu.memory_space<hbm>> -> memref<1x10x128xi32, #tpu.memory_space<hbm>>
      %dma_wait3A_254 = tpu.memref_squeeze %dma_wait3A_253 : memref<1x10x128xi32, #tpu.memory_space<hbm>> -> memref<10x128xi32, #tpu.memory_space<hbm>>
      tpu.wait_dma2 semaphore(%run_scoped3A : memref<!tpu.dma_semaphore, #tpu.memory_space<semaphore_mem>>) src(%dma_wait3A_254 : memref<10x128xi32, #tpu.memory_space<hbm>>) dst(%arg5 : memref<10x128xi32, #tpu.memory_space<vmem>>)
      tpu.yield
    }) : () -> ()
    %dma_start3A = arith.constant 0 : i32
    %dma_start3A_1 = arith.constant 0 : i32
    %dma_start3A_2 = arith.constant 0 : i32
    %dma_start3A_3 = arith.constant 0 : i32
    %dma_start3A_4 = tpu.memref_slice %arg6[%dma_start3A_1, %dma_start3A_2, %dma_start3A_3] : memref<10x128x16xf32, #tpu.memory_space<vmem>> -> memref<1x128x16xf32, #tpu.memory_space<vmem>>
    %dma_start3A_5 = tpu.memref_squeeze %dma_start3A_4 : memref<1x128x16xf32, #tpu.memory_space<vmem>> -> memref<128x16xf32, #tpu.memory_space<vmem>>
    %dma_start3A_6 = arith.constant 0 : i32
    %dma_start3A_7 = tpu.memref_slice %arg5[%dma_start3A, %dma_start3A_6] : memref<10x128xi32, #tpu.memory_space<vmem>> -> memref<1x128xi32, #tpu.memory_space<vmem>>
    %dma_start3A_8 = tpu.memref_squeeze %dma_start3A_7 : memref<1x128xi32, #tpu.memory_space<vmem>> -> memref<128xi32, #tpu.memory_space<vmem>>
    %dma_start3A_9 = arith.constant 0 : i32
    %dma_start3A_10 = arith.constant 0 : i32
    %dma_start3A_11 = tpu.memref_slice %arg2[%dma_start3A_9, %dma_start3A_10] : memref<10240x16xf32, #tpu.memory_space<hbm>> -> memref<10240x16xf32, #tpu.memory_space<hbm>>
    tpu.enqueue_indirect_dma source(%dma_start3A_11 : memref<10240x16xf32, #tpu.memory_space<hbm>>) target(%dma_start3A_5 : memref<128x16xf32, #tpu.memory_space<vmem>>) offsets(%dma_start3A_8 : memref<128xi32, #tpu.memory_space<vmem>>) semaphore(%arg7 : memref<!tpu.dma_semaphore, #tpu.memory_space<semaphore_mem>>)
    %dma_start3A_12 = arith.constant 1 : i32
    %dma_start3A_13 = arith.constant 1 : i32
    %dma_start3A_14 = arith.constant 0 : i32
    %dma_start3A_15 = arith.constant 0 : i32
    %dma_start3A_16 = tpu.memref_slice %arg6[%dma_start3A_13, %dma_start3A_14, %dma_start3A_15] : memref<10x128x16xf32, #tpu.memory_space<vmem>> -> memref<1x128x16xf32, #tpu.memory_space<vmem>>
    %dma_start3A_17 = tpu.memref_squeeze %dma_start3A_16 : memref<1x128x16xf32, #tpu.memory_space<vmem>> -> memref<128x16xf32, #tpu.memory_space<vmem>>
    %dma_start3A_18 = arith.constant 0 : i32
    %dma_start3A_19 = tpu.memref_slice %arg5[%dma_start3A_12, %dma_start3A_18] : memref<10x128xi32, #tpu.memory_space<vmem>> -> memref<1x128xi32, #tpu.memory_space<vmem>>
    %dma_start3A_20 = tpu.memref_squeeze %dma_start3A_19 : memref<1x128xi32, #tpu.memory_space<vmem>> -> memref<128xi32, #tpu.memory_space<vmem>>
    %dma_start3A_21 = arith.constant 0 : i32
    %dma_start3A_22 = arith.constant 0 : i32
    %dma_start3A_23 = tpu.memref_slice %arg2[%dma_start3A_21, %dma_start3A_22] : memref<10240x16xf32, #tpu.memory_space<hbm>> -> memref<10240x16xf32, #tpu.memory_space<hbm>>
    tpu.enqueue_indirect_dma source(%dma_start3A_23 : memref<10240x16xf32, #tpu.memory_space<hbm>>) target(%dma_start3A_17 : memref<128x16xf32, #tpu.memory_space<vmem>>) offsets(%dma_start3A_20 : memref<128xi32, #tpu.memory_space<vmem>>) semaphore(%arg7 : memref<!tpu.dma_semaphore, #tpu.memory_space<semaphore_mem>>)
    %dma_start3A_24 = arith.constant 2 : i32
    %dma_start3A_25 = arith.constant 2 : i32
    %dma_start3A_26 = arith.constant 0 : i32
    %dma_start3A_27 = arith.constant 0 : i32
    %dma_start3A_28 = tpu.memref_slice %arg6[%dma_start3A_25, %dma_start3A_26, %dma_start3A_27] : memref<10x128x16xf32, #tpu.memory_space<vmem>> -> memref<1x128x16xf32, #tpu.memory_space<vmem>>
    %dma_start3A_29 = tpu.memref_squeeze %dma_start3A_28 : memref<1x128x16xf32, #tpu.memory_space<vmem>> -> memref<128x16xf32, #tpu.memory_space<vmem>>
    %dma_start3A_30 = arith.constant 0 : i32
    %dma_start3A_31 = tpu.memref_slice %arg5[%dma_start3A_24, %dma_start3A_30] : memref<10x128xi32, #tpu.memory_space<vmem>> -> memref<1x128xi32, #tpu.memory_space<vmem>>
    %dma_start3A_32 = tpu.memref_squeeze %dma_start3A_31 : memref<1x128xi32, #tpu.memory_space<vmem>> -> memref<128xi32, #tpu.memory_space<vmem>>
    %dma_start3A_33 = arith.constant 0 : i32
    %dma_start3A_34 = arith.constant 0 : i32
    %dma_start3A_35 = tpu.memref_slice %arg2[%dma_start3A_33, %dma_start3A_34] : memref<10240x16xf32, #tpu.memory_space<hbm>> -> memref<10240x16xf32, #tpu.memory_space<hbm>>
    tpu.enqueue_indirect_dma source(%dma_start3A_35 : memref<10240x16xf32, #tpu.memory_space<hbm>>) target(%dma_start3A_29 : memref<128x16xf32, #tpu.memory_space<vmem>>) offsets(%dma_start3A_32 : memref<128xi32, #tpu.memory_space<vmem>>) semaphore(%arg7 : memref<!tpu.dma_semaphore, #tpu.memory_space<semaphore_mem>>)
    %dma_start3A_36 = arith.constant 3 : i32
    %dma_start3A_37 = arith.constant 3 : i32
    %dma_start3A_38 = arith.constant 0 : i32
    %dma_start3A_39 = arith.constant 0 : i32
    %dma_start3A_40 = tpu.memref_slice %arg6[%dma_start3A_37, %dma_start3A_38, %dma_start3A_39] : memref<10x128x16xf32, #tpu.memory_space<vmem>> -> memref<1x128x16xf32, #tpu.memory_space<vmem>>
    %dma_start3A_41 = tpu.memref_squeeze %dma_start3A_40 : memref<1x128x16xf32, #tpu.memory_space<vmem>> -> memref<128x16xf32, #tpu.memory_space<vmem>>
    %dma_start3A_42 = arith.constant 0 : i32
    %dma_start3A_43 = tpu.memref_slice %arg5[%dma_start3A_36, %dma_start3A_42] : memref<10x128xi32, #tpu.memory_space<vmem>> -> memref<1x128xi32, #tpu.memory_space<vmem>>
    %dma_start3A_44 = tpu.memref_squeeze %dma_start3A_43 : memref<1x128xi32, #tpu.memory_space<vmem>> -> memref<128xi32, #tpu.memory_space<vmem>>
    %dma_start3A_45 = arith.constant 0 : i32
    %dma_start3A_46 = arith.constant 0 : i32
    %dma_start3A_47 = tpu.memref_slice %arg2[%dma_start3A_45, %dma_start3A_46] : memref<10240x16xf32, #tpu.memory_space<hbm>> -> memref<10240x16xf32, #tpu.memory_space<hbm>>
    tpu.enqueue_indirect_dma source(%dma_start3A_47 : memref<10240x16xf32, #tpu.memory_space<hbm>>) target(%dma_start3A_41 : memref<128x16xf32, #tpu.memory_space<vmem>>) offsets(%dma_start3A_44 : memref<128xi32, #tpu.memory_space<vmem>>) semaphore(%arg7 : memref<!tpu.dma_semaphore, #tpu.memory_space<semaphore_mem>>)
    %dma_start3A_48 = arith.constant 4 : i32
    %dma_start3A_49 = arith.constant 4 : i32
    %dma_start3A_50 = arith.constant 0 : i32
    %dma_start3A_51 = arith.constant 0 : i32
    %dma_start3A_52 = tpu.memref_slice %arg6[%dma_start3A_49, %dma_start3A_50, %dma_start3A_51] : memref<10x128x16xf32, #tpu.memory_space<vmem>> -> memref<1x128x16xf32, #tpu.memory_space<vmem>>
    %dma_start3A_53 = tpu.memref_squeeze %dma_start3A_52 : memref<1x128x16xf32, #tpu.memory_space<vmem>> -> memref<128x16xf32, #tpu.memory_space<vmem>>
    %dma_start3A_54 = arith.constant 0 : i32
    %dma_start3A_55 = tpu.memref_slice %arg5[%dma_start3A_48, %dma_start3A_54] : memref<10x128xi32, #tpu.memory_space<vmem>> -> memref<1x128xi32, #tpu.memory_space<vmem>>
    %dma_start3A_56 = tpu.memref_squeeze %dma_start3A_55 : memref<1x128xi32, #tpu.memory_space<vmem>> -> memref<128xi32, #tpu.memory_space<vmem>>
    %dma_start3A_57 = arith.constant 0 : i32
    %dma_start3A_58 = arith.constant 0 : i32
    %dma_start3A_59 = tpu.memref_slice %arg2[%dma_start3A_57, %dma_start3A_58] : memref<10240x16xf32, #tpu.memory_space<hbm>> -> memref<10240x16xf32, #tpu.memory_space<hbm>>
    tpu.enqueue_indirect_dma source(%dma_start3A_59 : memref<10240x16xf32, #tpu.memory_space<hbm>>) target(%dma_start3A_53 : memref<128x16xf32, #tpu.memory_space<vmem>>) offsets(%dma_start3A_56 : memref<128xi32, #tpu.memory_space<vmem>>) semaphore(%arg7 : memref<!tpu.dma_semaphore, #tpu.memory_space<semaphore_mem>>)
    %dma_start3A_60 = arith.constant 5 : i32
    %dma_start3A_61 = arith.constant 5 : i32
    %dma_start3A_62 = arith.constant 0 : i32
    %dma_start3A_63 = arith.constant 0 : i32
    %dma_start3A_64 = tpu.memref_slice %arg6[%dma_start3A_61, %dma_start3A_62, %dma_start3A_63] : memref<10x128x16xf32, #tpu.memory_space<vmem>> -> memref<1x128x16xf32, #tpu.memory_space<vmem>>
    %dma_start3A_65 = tpu.memref_squeeze %dma_start3A_64 : memref<1x128x16xf32, #tpu.memory_space<vmem>> -> memref<128x16xf32, #tpu.memory_space<vmem>>
    %dma_start3A_66 = arith.constant 0 : i32
    %dma_start3A_67 = tpu.memref_slice %arg5[%dma_start3A_60, %dma_start3A_66] : memref<10x128xi32, #tpu.memory_space<vmem>> -> memref<1x128xi32, #tpu.memory_space<vmem>>
    %dma_start3A_68 = tpu.memref_squeeze %dma_start3A_67 : memref<1x128xi32, #tpu.memory_space<vmem>> -> memref<128xi32, #tpu.memory_space<vmem>>
    %dma_start3A_69 = arith.constant 0 : i32
    %dma_start3A_70 = arith.constant 0 : i32
    %dma_start3A_71 = tpu.memref_slice %arg2[%dma_start3A_69, %dma_start3A_70] : memref<10240x16xf32, #tpu.memory_space<hbm>> -> memref<10240x16xf32, #tpu.memory_space<hbm>>
    tpu.enqueue_indirect_dma source(%dma_start3A_71 : memref<10240x16xf32, #tpu.memory_space<hbm>>) target(%dma_start3A_65 : memref<128x16xf32, #tpu.memory_space<vmem>>) offsets(%dma_start3A_68 : memref<128xi32, #tpu.memory_space<vmem>>) semaphore(%arg7 : memref<!tpu.dma_semaphore, #tpu.memory_space<semaphore_mem>>)
    %dma_start3A_72 = arith.constant 6 : i32
    %dma_start3A_73 = arith.constant 6 : i32
    %dma_start3A_74 = arith.constant 0 : i32
    %dma_start3A_75 = arith.constant 0 : i32
    %dma_start3A_76 = tpu.memref_slice %arg6[%dma_start3A_73, %dma_start3A_74, %dma_start3A_75] : memref<10x128x16xf32, #tpu.memory_space<vmem>> -> memref<1x128x16xf32, #tpu.memory_space<vmem>>
    %dma_start3A_77 = tpu.memref_squeeze %dma_start3A_76 : memref<1x128x16xf32, #tpu.memory_space<vmem>> -> memref<128x16xf32, #tpu.memory_space<vmem>>
    %dma_start3A_78 = arith.constant 0 : i32
    %dma_start3A_79 = tpu.memref_slice %arg5[%dma_start3A_72, %dma_start3A_78] : memref<10x128xi32, #tpu.memory_space<vmem>> -> memref<1x128xi32, #tpu.memory_space<vmem>>
    %dma_start3A_80 = tpu.memref_squeeze %dma_start3A_79 : memref<1x128xi32, #tpu.memory_space<vmem>> -> memref<128xi32, #tpu.memory_space<vmem>>
    %dma_start3A_81 = arith.constant 0 : i32
    %dma_start3A_82 = arith.constant 0 : i32
    %dma_start3A_83 = tpu.memref_slice %arg2[%dma_start3A_81, %dma_start3A_82] : memref<10240x16xf32, #tpu.memory_space<hbm>> -> memref<10240x16xf32, #tpu.memory_space<hbm>>
    tpu.enqueue_indirect_dma source(%dma_start3A_83 : memref<10240x16xf32, #tpu.memory_space<hbm>>) target(%dma_start3A_77 : memref<128x16xf32, #tpu.memory_space<vmem>>) offsets(%dma_start3A_80 : memref<128xi32, #tpu.memory_space<vmem>>) semaphore(%arg7 : memref<!tpu.dma_semaphore, #tpu.memory_space<semaphore_mem>>)
    %dma_start3A_84 = arith.constant 7 : i32
    %dma_start3A_85 = arith.constant 7 : i32
    %dma_start3A_86 = arith.constant 0 : i32
    %dma_start3A_87 = arith.constant 0 : i32
    %dma_start3A_88 = tpu.memref_slice %arg6[%dma_start3A_85, %dma_start3A_86, %dma_start3A_87] : memref<10x128x16xf32, #tpu.memory_space<vmem>> -> memref<1x128x16xf32, #tpu.memory_space<vmem>>
    %dma_start3A_89 = tpu.memref_squeeze %dma_start3A_88 : memref<1x128x16xf32, #tpu.memory_space<vmem>> -> memref<128x16xf32, #tpu.memory_space<vmem>>
    %dma_start3A_90 = arith.constant 0 : i32
    %dma_start3A_91 = tpu.memref_slice %arg5[%dma_start3A_84, %dma_start3A_90] : memref<10x128xi32, #tpu.memory_space<vmem>> -> memref<1x128xi32, #tpu.memory_space<vmem>>
    %dma_start3A_92 = tpu.memref_squeeze %dma_start3A_91 : memref<1x128xi32, #tpu.memory_space<vmem>> -> memref<128xi32, #tpu.memory_space<vmem>>
    %dma_start3A_93 = arith.constant 0 : i32
    %dma_start3A_94 = arith.constant 0 : i32
    %dma_start3A_95 = tpu.memref_slice %arg2[%dma_start3A_93, %dma_start3A_94] : memref<10240x16xf32, #tpu.memory_space<hbm>> -> memref<10240x16xf32, #tpu.memory_space<hbm>>
    tpu.enqueue_indirect_dma source(%dma_start3A_95 : memref<10240x16xf32, #tpu.memory_space<hbm>>) target(%dma_start3A_89 : memref<128x16xf32, #tpu.memory_space<vmem>>) offsets(%dma_start3A_92 : memref<128xi32, #tpu.memory_space<vmem>>) semaphore(%arg7 : memref<!tpu.dma_semaphore, #tpu.memory_space<semaphore_mem>>)
    %dma_start3A_96 = arith.constant 8 : i32
    %dma_start3A_97 = arith.constant 8 : i32
    %dma_start3A_98 = arith.constant 0 : i32
    %dma_start3A_99 = arith.constant 0 : i32
    %dma_start3A_100 = tpu.memref_slice %arg6[%dma_start3A_97, %dma_start3A_98, %dma_start3A_99] : memref<10x128x16xf32, #tpu.memory_space<vmem>> -> memref<1x128x16xf32, #tpu.memory_space<vmem>>
    %dma_start3A_101 = tpu.memref_squeeze %dma_start3A_100 : memref<1x128x16xf32, #tpu.memory_space<vmem>> -> memref<128x16xf32, #tpu.memory_space<vmem>>
    %dma_start3A_102 = arith.constant 0 : i32
    %dma_start3A_103 = tpu.memref_slice %arg5[%dma_start3A_96, %dma_start3A_102] : memref<10x128xi32, #tpu.memory_space<vmem>> -> memref<1x128xi32, #tpu.memory_space<vmem>>
    %dma_start3A_104 = tpu.memref_squeeze %dma_start3A_103 : memref<1x128xi32, #tpu.memory_space<vmem>> -> memref<128xi32, #tpu.memory_space<vmem>>
    %dma_start3A_105 = arith.constant 0 : i32
    %dma_start3A_106 = arith.constant 0 : i32
    %dma_start3A_107 = tpu.memref_slice %arg2[%dma_start3A_105, %dma_start3A_106] : memref<10240x16xf32, #tpu.memory_space<hbm>> -> memref<10240x16xf32, #tpu.memory_space<hbm>>
    tpu.enqueue_indirect_dma source(%dma_start3A_107 : memref<10240x16xf32, #tpu.memory_space<hbm>>) target(%dma_start3A_101 : memref<128x16xf32, #tpu.memory_space<vmem>>) offsets(%dma_start3A_104 : memref<128xi32, #tpu.memory_space<vmem>>) semaphore(%arg7 : memref<!tpu.dma_semaphore, #tpu.memory_space<semaphore_mem>>)
    %dma_start3A_108 = arith.constant 9 : i32
    %dma_start3A_109 = arith.constant 9 : i32
    %dma_start3A_110 = arith.constant 0 : i32
    %dma_start3A_111 = arith.constant 0 : i32
    %dma_start3A_112 = tpu.memref_slice %arg6[%dma_start3A_109, %dma_start3A_110, %dma_start3A_111] : memref<10x128x16xf32, #tpu.memory_space<vmem>> -> memref<1x128x16xf32, #tpu.memory_space<vmem>>
    %dma_start3A_113 = tpu.memref_squeeze %dma_start3A_112 : memref<1x128x16xf32, #tpu.memory_space<vmem>> -> memref<128x16xf32, #tpu.memory_space<vmem>>
    %dma_start3A_114 = arith.constant 0 : i32
    %dma_start3A_115 = tpu.memref_slice %arg5[%dma_start3A_108, %dma_start3A_114] : memref<10x128xi32, #tpu.memory_space<vmem>> -> memref<1x128xi32, #tpu.memory_space<vmem>>
    %dma_start3A_116 = tpu.memref_squeeze %dma_start3A_115 : memref<1x128xi32, #tpu.memory_space<vmem>> -> memref<128xi32, #tpu.memory_space<vmem>>
    %dma_start3A_117 = arith.constant 0 : i32
    %dma_start3A_118 = arith.constant 0 : i32
    %dma_start3A_119 = tpu.memref_slice %arg2[%dma_start3A_117, %dma_start3A_118] : memref<10240x16xf32, #tpu.memory_space<hbm>> -> memref<10240x16xf32, #tpu.memory_space<hbm>>
    tpu.enqueue_indirect_dma source(%dma_start3A_119 : memref<10240x16xf32, #tpu.memory_space<hbm>>) target(%dma_start3A_113 : memref<128x16xf32, #tpu.memory_space<vmem>>) offsets(%dma_start3A_116 : memref<128xi32, #tpu.memory_space<vmem>>) semaphore(%arg7 : memref<!tpu.dma_semaphore, #tpu.memory_space<semaphore_mem>>)
    %dma_wait3A = arith.constant 0 : i32
    %dma_wait3A_120 = arith.constant 0 : i32
    %dma_wait3A_121 = arith.constant 0 : i32
    %dma_wait3A_122 = arith.constant 0 : i32
    %dma_wait3A_123 = tpu.memref_slice %arg6[%dma_wait3A_120, %dma_wait3A_121, %dma_wait3A_122] : memref<10x128x16xf32, #tpu.memory_space<vmem>> -> memref<1x128x16xf32, #tpu.memory_space<vmem>>
    %dma_wait3A_124 = tpu.memref_squeeze %dma_wait3A_123 : memref<1x128x16xf32, #tpu.memory_space<vmem>> -> memref<128x16xf32, #tpu.memory_space<vmem>>
    %dma_wait3A_125 = arith.constant 0 : i32
    %dma_wait3A_126 = tpu.memref_slice %arg5[%dma_wait3A, %dma_wait3A_125] : memref<10x128xi32, #tpu.memory_space<vmem>> -> memref<1x128xi32, #tpu.memory_space<vmem>>
    %dma_wait3A_127 = tpu.memref_squeeze %dma_wait3A_126 : memref<1x128xi32, #tpu.memory_space<vmem>> -> memref<128xi32, #tpu.memory_space<vmem>>
    %dma_wait3A_128 = arith.constant 0 : i32
    %dma_wait3A_129 = arith.constant 0 : i32
    %dma_wait3A_130 = tpu.memref_slice %arg2[%dma_wait3A_128, %dma_wait3A_129] : memref<10240x16xf32, #tpu.memory_space<hbm>> -> memref<10240x16xf32, #tpu.memory_space<hbm>>
    tpu.wait_indirect_dma semaphore(%arg7 : memref<!tpu.dma_semaphore, #tpu.memory_space<semaphore_mem>>) src(%dma_wait3A_130 : memref<10240x16xf32, #tpu.memory_space<hbm>>) dst(%dma_wait3A_124 : memref<128x16xf32, #tpu.memory_space<vmem>>)
    %dma_wait3A_131 = arith.constant 1 : i32
    %dma_wait3A_132 = arith.constant 1 : i32
    %dma_wait3A_133 = arith.constant 0 : i32
    %dma_wait3A_134 = arith.constant 0 : i32
    %dma_wait3A_135 = tpu.memref_slice %arg6[%dma_wait3A_132, %dma_wait3A_133, %dma_wait3A_134] : memref<10x128x16xf32, #tpu.memory_space<vmem>> -> memref<1x128x16xf32, #tpu.memory_space<vmem>>
    %dma_wait3A_136 = tpu.memref_squeeze %dma_wait3A_135 : memref<1x128x16xf32, #tpu.memory_space<vmem>> -> memref<128x16xf32, #tpu.memory_space<vmem>>
    %dma_wait3A_137 = arith.constant 0 : i32
    %dma_wait3A_138 = tpu.memref_slice %arg5[%dma_wait3A_131, %dma_wait3A_137] : memref<10x128xi32, #tpu.memory_space<vmem>> -> memref<1x128xi32, #tpu.memory_space<vmem>>
    %dma_wait3A_139 = tpu.memref_squeeze %dma_wait3A_138 : memref<1x128xi32, #tpu.memory_space<vmem>> -> memref<128xi32, #tpu.memory_space<vmem>>
    %dma_wait3A_140 = arith.constant 0 : i32
    %dma_wait3A_141 = arith.constant 0 : i32
    %dma_wait3A_142 = tpu.memref_slice %arg2[%dma_wait3A_140, %dma_wait3A_141] : memref<10240x16xf32, #tpu.memory_space<hbm>> -> memref<10240x16xf32, #tpu.memory_space<hbm>>
    tpu.wait_indirect_dma semaphore(%arg7 : memref<!tpu.dma_semaphore, #tpu.memory_space<semaphore_mem>>) src(%dma_wait3A_142 : memref<10240x16xf32, #tpu.memory_space<hbm>>) dst(%dma_wait3A_136 : memref<128x16xf32, #tpu.memory_space<vmem>>)
    %dma_wait3A_143 = arith.constant 2 : i32
    %dma_wait3A_144 = arith.constant 2 : i32
    %dma_wait3A_145 = arith.constant 0 : i32
    %dma_wait3A_146 = arith.constant 0 : i32
    %dma_wait3A_147 = tpu.memref_slice %arg6[%dma_wait3A_144, %dma_wait3A_145, %dma_wait3A_146] : memref<10x128x16xf32, #tpu.memory_space<vmem>> -> memref<1x128x16xf32, #tpu.memory_space<vmem>>
    %dma_wait3A_148 = tpu.memref_squeeze %dma_wait3A_147 : memref<1x128x16xf32, #tpu.memory_space<vmem>> -> memref<128x16xf32, #tpu.memory_space<vmem>>
    %dma_wait3A_149 = arith.constant 0 : i32
    %dma_wait3A_150 = tpu.memref_slice %arg5[%dma_wait3A_143, %dma_wait3A_149] : memref<10x128xi32, #tpu.memory_space<vmem>> -> memref<1x128xi32, #tpu.memory_space<vmem>>
    %dma_wait3A_151 = tpu.memref_squeeze %dma_wait3A_150 : memref<1x128xi32, #tpu.memory_space<vmem>> -> memref<128xi32, #tpu.memory_space<vmem>>
    %dma_wait3A_152 = arith.constant 0 : i32
    %dma_wait3A_153 = arith.constant 0 : i32
    %dma_wait3A_154 = tpu.memref_slice %arg2[%dma_wait3A_152, %dma_wait3A_153] : memref<10240x16xf32, #tpu.memory_space<hbm>> -> memref<10240x16xf32, #tpu.memory_space<hbm>>
    tpu.wait_indirect_dma semaphore(%arg7 : memref<!tpu.dma_semaphore, #tpu.memory_space<semaphore_mem>>) src(%dma_wait3A_154 : memref<10240x16xf32, #tpu.memory_space<hbm>>) dst(%dma_wait3A_148 : memref<128x16xf32, #tpu.memory_space<vmem>>)
    %dma_wait3A_155 = arith.constant 3 : i32
    %dma_wait3A_156 = arith.constant 3 : i32
    %dma_wait3A_157 = arith.constant 0 : i32
    %dma_wait3A_158 = arith.constant 0 : i32
    %dma_wait3A_159 = tpu.memref_slice %arg6[%dma_wait3A_156, %dma_wait3A_157, %dma_wait3A_158] : memref<10x128x16xf32, #tpu.memory_space<vmem>> -> memref<1x128x16xf32, #tpu.memory_space<vmem>>
    %dma_wait3A_160 = tpu.memref_squeeze %dma_wait3A_159 : memref<1x128x16xf32, #tpu.memory_space<vmem>> -> memref<128x16xf32, #tpu.memory_space<vmem>>
    %dma_wait3A_161 = arith.constant 0 : i32
    %dma_wait3A_162 = tpu.memref_slice %arg5[%dma_wait3A_155, %dma_wait3A_161] : memref<10x128xi32, #tpu.memory_space<vmem>> -> memref<1x128xi32, #tpu.memory_space<vmem>>
    %dma_wait3A_163 = tpu.memref_squeeze %dma_wait3A_162 : memref<1x128xi32, #tpu.memory_space<vmem>> -> memref<128xi32, #tpu.memory_space<vmem>>
    %dma_wait3A_164 = arith.constant 0 : i32
    %dma_wait3A_165 = arith.constant 0 : i32
    %dma_wait3A_166 = tpu.memref_slice %arg2[%dma_wait3A_164, %dma_wait3A_165] : memref<10240x16xf32, #tpu.memory_space<hbm>> -> memref<10240x16xf32, #tpu.memory_space<hbm>>
    tpu.wait_indirect_dma semaphore(%arg7 : memref<!tpu.dma_semaphore, #tpu.memory_space<semaphore_mem>>) src(%dma_wait3A_166 : memref<10240x16xf32, #tpu.memory_space<hbm>>) dst(%dma_wait3A_160 : memref<128x16xf32, #tpu.memory_space<vmem>>)
    %dma_wait3A_167 = arith.constant 4 : i32
    %dma_wait3A_168 = arith.constant 4 : i32
    %dma_wait3A_169 = arith.constant 0 : i32
    %dma_wait3A_170 = arith.constant 0 : i32
    %dma_wait3A_171 = tpu.memref_slice %arg6[%dma_wait3A_168, %dma_wait3A_169, %dma_wait3A_170] : memref<10x128x16xf32, #tpu.memory_space<vmem>> -> memref<1x128x16xf32, #tpu.memory_space<vmem>>
    %dma_wait3A_172 = tpu.memref_squeeze %dma_wait3A_171 : memref<1x128x16xf32, #tpu.memory_space<vmem>> -> memref<128x16xf32, #tpu.memory_space<vmem>>
    %dma_wait3A_173 = arith.constant 0 : i32
    %dma_wait3A_174 = tpu.memref_slice %arg5[%dma_wait3A_167, %dma_wait3A_173] : memref<10x128xi32, #tpu.memory_space<vmem>> -> memref<1x128xi32, #tpu.memory_space<vmem>>
    %dma_wait3A_175 = tpu.memref_squeeze %dma_wait3A_174 : memref<1x128xi32, #tpu.memory_space<vmem>> -> memref<128xi32, #tpu.memory_space<vmem>>
    %dma_wait3A_176 = arith.constant 0 : i32
    %dma_wait3A_177 = arith.constant 0 : i32
    %dma_wait3A_178 = tpu.memref_slice %arg2[%dma_wait3A_176, %dma_wait3A_177] : memref<10240x16xf32, #tpu.memory_space<hbm>> -> memref<10240x16xf32, #tpu.memory_space<hbm>>
    tpu.wait_indirect_dma semaphore(%arg7 : memref<!tpu.dma_semaphore, #tpu.memory_space<semaphore_mem>>) src(%dma_wait3A_178 : memref<10240x16xf32, #tpu.memory_space<hbm>>) dst(%dma_wait3A_172 : memref<128x16xf32, #tpu.memory_space<vmem>>)
    %dma_wait3A_179 = arith.constant 5 : i32
    %dma_wait3A_180 = arith.constant 5 : i32
    %dma_wait3A_181 = arith.constant 0 : i32
    %dma_wait3A_182 = arith.constant 0 : i32
    %dma_wait3A_183 = tpu.memref_slice %arg6[%dma_wait3A_180, %dma_wait3A_181, %dma_wait3A_182] : memref<10x128x16xf32, #tpu.memory_space<vmem>> -> memref<1x128x16xf32, #tpu.memory_space<vmem>>
    %dma_wait3A_184 = tpu.memref_squeeze %dma_wait3A_183 : memref<1x128x16xf32, #tpu.memory_space<vmem>> -> memref<128x16xf32, #tpu.memory_space<vmem>>
    %dma_wait3A_185 = arith.constant 0 : i32
    %dma_wait3A_186 = tpu.memref_slice %arg5[%dma_wait3A_179, %dma_wait3A_185] : memref<10x128xi32, #tpu.memory_space<vmem>> -> memref<1x128xi32, #tpu.memory_space<vmem>>
    %dma_wait3A_187 = tpu.memref_squeeze %dma_wait3A_186 : memref<1x128xi32, #tpu.memory_space<vmem>> -> memref<128xi32, #tpu.memory_space<vmem>>
    %dma_wait3A_188 = arith.constant 0 : i32
    %dma_wait3A_189 = arith.constant 0 : i32
    %dma_wait3A_190 = tpu.memref_slice %arg2[%dma_wait3A_188, %dma_wait3A_189] : memref<10240x16xf32, #tpu.memory_space<hbm>> -> memref<10240x16xf32, #tpu.memory_space<hbm>>
    tpu.wait_indirect_dma semaphore(%arg7 : memref<!tpu.dma_semaphore, #tpu.memory_space<semaphore_mem>>) src(%dma_wait3A_190 : memref<10240x16xf32, #tpu.memory_space<hbm>>) dst(%dma_wait3A_184 : memref<128x16xf32, #tpu.memory_space<vmem>>)
    %dma_wait3A_191 = arith.constant 6 : i32
    %dma_wait3A_192 = arith.constant 6 : i32
    %dma_wait3A_193 = arith.constant 0 : i32
    %dma_wait3A_194 = arith.constant 0 : i32
    %dma_wait3A_195 = tpu.memref_slice %arg6[%dma_wait3A_192, %dma_wait3A_193, %dma_wait3A_194] : memref<10x128x16xf32, #tpu.memory_space<vmem>> -> memref<1x128x16xf32, #tpu.memory_space<vmem>>
    %dma_wait3A_196 = tpu.memref_squeeze %dma_wait3A_195 : memref<1x128x16xf32, #tpu.memory_space<vmem>> -> memref<128x16xf32, #tpu.memory_space<vmem>>
    %dma_wait3A_197 = arith.constant 0 : i32
    %dma_wait3A_198 = tpu.memref_slice %arg5[%dma_wait3A_191, %dma_wait3A_197] : memref<10x128xi32, #tpu.memory_space<vmem>> -> memref<1x128xi32, #tpu.memory_space<vmem>>
    %dma_wait3A_199 = tpu.memref_squeeze %dma_wait3A_198 : memref<1x128xi32, #tpu.memory_space<vmem>> -> memref<128xi32, #tpu.memory_space<vmem>>
    %dma_wait3A_200 = arith.constant 0 : i32
    %dma_wait3A_201 = arith.constant 0 : i32
    %dma_wait3A_202 = tpu.memref_slice %arg2[%dma_wait3A_200, %dma_wait3A_201] : memref<10240x16xf32, #tpu.memory_space<hbm>> -> memref<10240x16xf32, #tpu.memory_space<hbm>>
    tpu.wait_indirect_dma semaphore(%arg7 : memref<!tpu.dma_semaphore, #tpu.memory_space<semaphore_mem>>) src(%dma_wait3A_202 : memref<10240x16xf32, #tpu.memory_space<hbm>>) dst(%dma_wait3A_196 : memref<128x16xf32, #tpu.memory_space<vmem>>)
    %dma_wait3A_203 = arith.constant 7 : i32
    %dma_wait3A_204 = arith.constant 7 : i32
    %dma_wait3A_205 = arith.constant 0 : i32
    %dma_wait3A_206 = arith.constant 0 : i32
    %dma_wait3A_207 = tpu.memref_slice %arg6[%dma_wait3A_204, %dma_wait3A_205, %dma_wait3A_206] : memref<10x128x16xf32, #tpu.memory_space<vmem>> -> memref<1x128x16xf32, #tpu.memory_space<vmem>>
    %dma_wait3A_208 = tpu.memref_squeeze %dma_wait3A_207 : memref<1x128x16xf32, #tpu.memory_space<vmem>> -> memref<128x16xf32, #tpu.memory_space<vmem>>
    %dma_wait3A_209 = arith.constant 0 : i32
    %dma_wait3A_210 = tpu.memref_slice %arg5[%dma_wait3A_203, %dma_wait3A_209] : memref<10x128xi32, #tpu.memory_space<vmem>> -> memref<1x128xi32, #tpu.memory_space<vmem>>
    %dma_wait3A_211 = tpu.memref_squeeze %dma_wait3A_210 : memref<1x128xi32, #tpu.memory_space<vmem>> -> memref<128xi32, #tpu.memory_space<vmem>>
    %dma_wait3A_212 = arith.constant 0 : i32
    %dma_wait3A_213 = arith.constant 0 : i32
    %dma_wait3A_214 = tpu.memref_slice %arg2[%dma_wait3A_212, %dma_wait3A_213] : memref<10240x16xf32, #tpu.memory_space<hbm>> -> memref<10240x16xf32, #tpu.memory_space<hbm>>
    tpu.wait_indirect_dma semaphore(%arg7 : memref<!tpu.dma_semaphore, #tpu.memory_space<semaphore_mem>>) src(%dma_wait3A_214 : memref<10240x16xf32, #tpu.memory_space<hbm>>) dst(%dma_wait3A_208 : memref<128x16xf32, #tpu.memory_space<vmem>>)
    %dma_wait3A_215 = arith.constant 8 : i32
    %dma_wait3A_216 = arith.constant 8 : i32
    %dma_wait3A_217 = arith.constant 0 : i32
    %dma_wait3A_218 = arith.constant 0 : i32
    %dma_wait3A_219 = tpu.memref_slice %arg6[%dma_wait3A_216, %dma_wait3A_217, %dma_wait3A_218] : memref<10x128x16xf32, #tpu.memory_space<vmem>> -> memref<1x128x16xf32, #tpu.memory_space<vmem>>
    %dma_wait3A_220 = tpu.memref_squeeze %dma_wait3A_219 : memref<1x128x16xf32, #tpu.memory_space<vmem>> -> memref<128x16xf32, #tpu.memory_space<vmem>>
    %dma_wait3A_221 = arith.constant 0 : i32
    %dma_wait3A_222 = tpu.memref_slice %arg5[%dma_wait3A_215, %dma_wait3A_221] : memref<10x128xi32, #tpu.memory_space<vmem>> -> memref<1x128xi32, #tpu.memory_space<vmem>>
    %dma_wait3A_223 = tpu.memref_squeeze %dma_wait3A_222 : memref<1x128xi32, #tpu.memory_space<vmem>> -> memref<128xi32, #tpu.memory_space<vmem>>
    %dma_wait3A_224 = arith.constant 0 : i32
    %dma_wait3A_225 = arith.constant 0 : i32
    %dma_wait3A_226 = tpu.memref_slice %arg2[%dma_wait3A_224, %dma_wait3A_225] : memref<10240x16xf32, #tpu.memory_space<hbm>> -> memref<10240x16xf32, #tpu.memory_space<hbm>>
    tpu.wait_indirect_dma semaphore(%arg7 : memref<!tpu.dma_semaphore, #tpu.memory_space<semaphore_mem>>) src(%dma_wait3A_226 : memref<10240x16xf32, #tpu.memory_space<hbm>>) dst(%dma_wait3A_220 : memref<128x16xf32, #tpu.memory_space<vmem>>)
    %dma_wait3A_227 = arith.constant 9 : i32
    %dma_wait3A_228 = arith.constant 9 : i32
    %dma_wait3A_229 = arith.constant 0 : i32
    %dma_wait3A_230 = arith.constant 0 : i32
    %dma_wait3A_231 = tpu.memref_slice %arg6[%dma_wait3A_228, %dma_wait3A_229, %dma_wait3A_230] : memref<10x128x16xf32, #tpu.memory_space<vmem>> -> memref<1x128x16xf32, #tpu.memory_space<vmem>>
    %dma_wait3A_232 = tpu.memref_squeeze %dma_wait3A_231 : memref<1x128x16xf32, #tpu.memory_space<vmem>> -> memref<128x16xf32, #tpu.memory_space<vmem>>
    %dma_wait3A_233 = arith.constant 0 : i32
    %dma_wait3A_234 = tpu.memref_slice %arg5[%dma_wait3A_227, %dma_wait3A_233] : memref<10x128xi32, #tpu.memory_space<vmem>> -> memref<1x128xi32, #tpu.memory_space<vmem>>
    %dma_wait3A_235 = tpu.memref_squeeze %dma_wait3A_234 : memref<1x128xi32, #tpu.memory_space<vmem>> -> memref<128xi32, #tpu.memory_space<vmem>>
    %dma_wait3A_236 = arith.constant 0 : i32
    %dma_wait3A_237 = arith.constant 0 : i32
    %dma_wait3A_238 = tpu.memref_slice %arg2[%dma_wait3A_236, %dma_wait3A_237] : memref<10240x16xf32, #tpu.memory_space<hbm>> -> memref<10240x16xf32, #tpu.memory_space<hbm>>
    tpu.wait_indirect_dma semaphore(%arg7 : memref<!tpu.dma_semaphore, #tpu.memory_space<semaphore_mem>>) src(%dma_wait3A_238 : memref<10240x16xf32, #tpu.memory_space<hbm>>) dst(%dma_wait3A_232 : memref<128x16xf32, #tpu.memory_space<vmem>>)
    "tpu.region"() ({
      %run_scoped3A = tpu.sem_alloc : memref<!tpu.dma_semaphore, #tpu.memory_space<semaphore_mem>>
      %dma_start3A_239 = arith.constant 0 : i32
      %dma_start3A_240 = arith.constant 0 : i32
      %dma_start3A_241 = arith.constant 0 : i32
      %dma_start3A_242 = tpu.memref_slice %arg4[%add3A, %dma_start3A_239, %dma_start3A_240, %dma_start3A_241] : memref<32x10x128x16xf32, #tpu.memory_space<hbm>> -> memref<1x10x128x16xf32, #tpu.memory_space<hbm>>
      %dma_start3A_243 = tpu.memref_squeeze %dma_start3A_242 : memref<1x10x128x16xf32, #tpu.memory_space<hbm>> -> memref<10x128x16xf32, #tpu.memory_space<hbm>>
      %dma_start3A_244 = arith.constant 0 : i32
      %dma_start3A_245 = arith.constant 0 : i32
      %dma_start3A_246 = arith.constant 0 : i32
      %dma_start3A_247 = tpu.memref_slice %arg4[%add3A, %dma_start3A_244, %dma_start3A_245, %dma_start3A_246] : memref<32x10x128x16xf32, #tpu.memory_space<hbm>> -> memref<1x10x128x16xf32, #tpu.memory_space<hbm>>
      %dma_start3A_248 = tpu.memref_squeeze %dma_start3A_247 : memref<1x10x128x16xf32, #tpu.memory_space<hbm>> -> memref<10x128x16xf32, #tpu.memory_space<hbm>>
      tpu.enqueue_dma source(%arg6 : memref<10x128x16xf32, #tpu.memory_space<vmem>>) target(%dma_start3A_248 : memref<10x128x16xf32, #tpu.memory_space<hbm>>) target_semaphore(%run_scoped3A : memref<!tpu.dma_semaphore, #tpu.memory_space<semaphore_mem>>)
      %dma_wait3A_249 = arith.constant 0 : i32
      %dma_wait3A_250 = arith.constant 0 : i32
      %dma_wait3A_251 = arith.constant 0 : i32
      %dma_wait3A_252 = tpu.memref_slice %arg4[%add3A, %dma_wait3A_249, %dma_wait3A_250, %dma_wait3A_251] : memref<32x10x128x16xf32, #tpu.memory_space<hbm>> -> memref<1x10x128x16xf32, #tpu.memory_space<hbm>>
      %dma_wait3A_253 = tpu.memref_squeeze %dma_wait3A_252 : memref<1x10x128x16xf32, #tpu.memory_space<hbm>> -> memref<10x128x16xf32, #tpu.memory_space<hbm>>
      %dma_wait3A_254 = arith.constant 0 : i32
      %dma_wait3A_255 = arith.constant 0 : i32
      %dma_wait3A_256 = arith.constant 0 : i32
      %dma_wait3A_257 = tpu.memref_slice %arg4[%add3A, %dma_wait3A_254, %dma_wait3A_255, %dma_wait3A_256] : memref<32x10x128x16xf32, #tpu.memory_space<hbm>> -> memref<1x10x128x16xf32, #tpu.memory_space<hbm>>
      %dma_wait3A_258 = tpu.memref_squeeze %dma_wait3A_257 : memref<1x10x128x16xf32, #tpu.memory_space<hbm>> -> memref<10x128x16xf32, #tpu.memory_space<hbm>>
      tpu.wait_dma2 semaphore(%run_scoped3A : memref<!tpu.dma_semaphore, #tpu.memory_space<semaphore_mem>>) src(%arg6 : memref<10x128x16xf32, #tpu.memory_space<vmem>>) dst(%dma_wait3A_258 : memref<10x128x16xf32, #tpu.memory_space<hbm>>)
      tpu.yield
    }) : () -> ()
    return
  }
}

#map = affine_map<(d0, d1) -> (0, 0)>
#map1 = affine_map<(d0, d1) -> (0, 0, 0)>
#map2 = affine_map<(d0, d1) -> (0, 0, 0, 0)>
module attributes {stable_mosaic.version = 14 : i64} {
  func.func @k(%arg0: i32, %arg1: i32, %arg2: memref<10240x32xf32, #tpu.memory_space<hbm>>, %arg3: memref<32x10x128xi32, #tpu.memory_space<hbm>>, %arg4: memref<32x10x128x32xf32, #tpu.memory_space<hbm>>, %arg5: memref<10x128xi32, #tpu.memory_space<vmem>>, %arg6: memref<10x128x32xf32, #tpu.memory_space<vmem>>, %arg7: memref<!tpu.dma_semaphore, #tpu.memory_space<semaphore_mem>>) attributes {dimension_semantics = [#tpu.dimension_semantics<core_parallel>, #tpu.dimension_semantics<subcore_parallel>], iteration_bounds = array<i64: 2, 16>, scalar_prefetch = 0 : i64, scratch_operands = 3 : i64, tpu.core_type = #tpu.core_type<sc_vector_subcore>, window_params = [{transform_indices = #map}, {transform_indices = #map1}, {transform_indices = #map2}]} {
    %mul3A = arith.constant 2 : i32
    %mul3A_0 = arith.muli %arg1, %mul3A : i32
    %add3A = arith.addi %mul3A_0, %arg0 : i32
    "tpu.region"() ({
      %run_scoped3A = tpu.sem_alloc : memref<!tpu.dma_semaphore, #tpu.memory_space<semaphore_mem>>
      %dma_start3A_239 = arith.constant 0 : i32
      %dma_start3A_240 = arith.constant 0 : i32
      %dma_start3A_241 = tpu.memref_slice %arg3[%add3A, %dma_start3A_239, %dma_start3A_240] : memref<32x10x128xi32, #tpu.memory_space<hbm>> -> memref<1x10x128xi32, #tpu.memory_space<hbm>>
      %dma_start3A_242 = tpu.memref_squeeze %dma_start3A_241 : memref<1x10x128xi32, #tpu.memory_space<hbm>> -> memref<10x128xi32, #tpu.memory_space<hbm>>
      %dma_start3A_243 = arith.constant 0 : i32
      %dma_start3A_244 = arith.constant 0 : i32
      %dma_start3A_245 = tpu.memref_slice %arg3[%add3A, %dma_start3A_243, %dma_start3A_244] : memref<32x10x128xi32, #tpu.memory_space<hbm>> -> memref<1x10x128xi32, #tpu.memory_space<hbm>>
      %dma_start3A_246 = tpu.memref_squeeze %dma_start3A_245 : memref<1x10x128xi32, #tpu.memory_space<hbm>> -> memref<10x128xi32, #tpu.memory_space<hbm>>
      tpu.enqueue_dma source(%dma_start3A_246 : memref<10x128xi32, #tpu.memory_space<hbm>>) target(%arg5 : memref<10x128xi32, #tpu.memory_space<vmem>>) target_semaphore(%run_scoped3A : memref<!tpu.dma_semaphore, #tpu.memory_space<semaphore_mem>>)
      %dma_wait3A_247 = arith.constant 0 : i32
      %dma_wait3A_248 = arith.constant 0 : i32
      %dma_wait3A_249 = tpu.memref_slice %arg3[%add3A, %dma_wait3A_247, %dma_wait3A_248] : memref<32x10x128xi32, #tpu.memory_space<hbm>> -> memref<1x10x128xi32, #tpu.memory_space<hbm>>
      %dma_wait3A_250 = tpu.memref_squeeze %dma_wait3A_249 : memref<1x10x128xi32, #tpu.memory_space<hbm>> -> memref<10x128xi32, #tpu.memory_space<hbm>>
      %dma_wait3A_251 = arith.constant 0 : i32
      %dma_wait3A_252 = arith.constant 0 : i32
      %dma_wait3A_253 = tpu.memref_slice %arg3[%add3A, %dma_wait3A_251, %dma_wait3A_252] : memref<32x10x128xi32, #tpu.memory_space<hbm>> -> memref<1x10x128xi32, #tpu.memory_space<hbm>>
      %dma_wait3A_254 = tpu.memref_squeeze %dma_wait3A_253 : memref<1x10x128xi32, #tpu.memory_space<hbm>> -> memref<10x128xi32, #tpu.memory_space<hbm>>
      tpu.wait_dma2 semaphore(%run_scoped3A : memref<!tpu.dma_semaphore, #tpu.memory_space<semaphore_mem>>) src(%dma_wait3A_254 : memref<10x128xi32, #tpu.memory_space<hbm>>) dst(%arg5 : memref<10x128xi32, #tpu.memory_space<vmem>>)
      tpu.yield
    }) : () -> ()
    %dma_start3A = arith.constant 0 : i32
    %dma_start3A_1 = arith.constant 0 : i32
    %dma_start3A_2 = arith.constant 0 : i32
    %dma_start3A_3 = arith.constant 0 : i32
    %dma_start3A_4 = tpu.memref_slice %arg6[%dma_start3A_1, %dma_start3A_2, %dma_start3A_3] : memref<10x128x32xf32, #tpu.memory_space<vmem>> -> memref<1x128x32xf32, #tpu.memory_space<vmem>>
    %dma_start3A_5 = tpu.memref_squeeze %dma_start3A_4 : memref<1x128x32xf32, #tpu.memory_space<vmem>> -> memref<128x32xf32, #tpu.memory_space<vmem>>
    %dma_start3A_6 = arith.constant 0 : i32
    %dma_start3A_7 = tpu.memref_slice %arg5[%dma_start3A, %dma_start3A_6] : memref<10x128xi32, #tpu.memory_space<vmem>> -> memref<1x128xi32, #tpu.memory_space<vmem>>
    %dma_start3A_8 = tpu.memref_squeeze %dma_start3A_7 : memref<1x128xi32, #tpu.memory_space<vmem>> -> memref<128xi32, #tpu.memory_space<vmem>>
    %dma_start3A_9 = arith.constant 0 : i32
    %dma_start3A_10 = arith.constant 0 : i32
    %dma_start3A_11 = tpu.memref_slice %arg2[%dma_start3A_9, %dma_start3A_10] : memref<10240x32xf32, #tpu.memory_space<hbm>> -> memref<10240x32xf32, #tpu.memory_space<hbm>>
    tpu.enqueue_indirect_dma source(%dma_start3A_11 : memref<10240x32xf32, #tpu.memory_space<hbm>>) target(%dma_start3A_5 : memref<128x32xf32, #tpu.memory_space<vmem>>) offsets(%dma_start3A_8 : memref<128xi32, #tpu.memory_space<vmem>>) semaphore(%arg7 : memref<!tpu.dma_semaphore, #tpu.memory_space<semaphore_mem>>)
    %dma_start3A_12 = arith.constant 1 : i32
    %dma_start3A_13 = arith.constant 1 : i32
    %dma_start3A_14 = arith.constant 0 : i32
    %dma_start3A_15 = arith.constant 0 : i32
    %dma_start3A_16 = tpu.memref_slice %arg6[%dma_start3A_13, %dma_start3A_14, %dma_start3A_15] : memref<10x128x32xf32, #tpu.memory_space<vmem>> -> memref<1x128x32xf32, #tpu.memory_space<vmem>>
    %dma_start3A_17 = tpu.memref_squeeze %dma_start3A_16 : memref<1x128x32xf32, #tpu.memory_space<vmem>> -> memref<128x32xf32, #tpu.memory_space<vmem>>
    %dma_start3A_18 = arith.constant 0 : i32
    %dma_start3A_19 = tpu.memref_slice %arg5[%dma_start3A_12, %dma_start3A_18] : memref<10x128xi32, #tpu.memory_space<vmem>> -> memref<1x128xi32, #tpu.memory_space<vmem>>
    %dma_start3A_20 = tpu.memref_squeeze %dma_start3A_19 : memref<1x128xi32, #tpu.memory_space<vmem>> -> memref<128xi32, #tpu.memory_space<vmem>>
    %dma_start3A_21 = arith.constant 0 : i32
    %dma_start3A_22 = arith.constant 0 : i32
    %dma_start3A_23 = tpu.memref_slice %arg2[%dma_start3A_21, %dma_start3A_22] : memref<10240x32xf32, #tpu.memory_space<hbm>> -> memref<10240x32xf32, #tpu.memory_space<hbm>>
    tpu.enqueue_indirect_dma source(%dma_start3A_23 : memref<10240x32xf32, #tpu.memory_space<hbm>>) target(%dma_start3A_17 : memref<128x32xf32, #tpu.memory_space<vmem>>) offsets(%dma_start3A_20 : memref<128xi32, #tpu.memory_space<vmem>>) semaphore(%arg7 : memref<!tpu.dma_semaphore, #tpu.memory_space<semaphore_mem>>)
    %dma_start3A_24 = arith.constant 2 : i32
    %dma_start3A_25 = arith.constant 2 : i32
    %dma_start3A_26 = arith.constant 0 : i32
    %dma_start3A_27 = arith.constant 0 : i32
    %dma_start3A_28 = tpu.memref_slice %arg6[%dma_start3A_25, %dma_start3A_26, %dma_start3A_27] : memref<10x128x32xf32, #tpu.memory_space<vmem>> -> memref<1x128x32xf32, #tpu.memory_space<vmem>>
    %dma_start3A_29 = tpu.memref_squeeze %dma_start3A_28 : memref<1x128x32xf32, #tpu.memory_space<vmem>> -> memref<128x32xf32, #tpu.memory_space<vmem>>
    %dma_start3A_30 = arith.constant 0 : i32
    %dma_start3A_31 = tpu.memref_slice %arg5[%dma_start3A_24, %dma_start3A_30] : memref<10x128xi32, #tpu.memory_space<vmem>> -> memref<1x128xi32, #tpu.memory_space<vmem>>
    %dma_start3A_32 = tpu.memref_squeeze %dma_start3A_31 : memref<1x128xi32, #tpu.memory_space<vmem>> -> memref<128xi32, #tpu.memory_space<vmem>>
    %dma_start3A_33 = arith.constant 0 : i32
    %dma_start3A_34 = arith.constant 0 : i32
    %dma_start3A_35 = tpu.memref_slice %arg2[%dma_start3A_33, %dma_start3A_34] : memref<10240x32xf32, #tpu.memory_space<hbm>> -> memref<10240x32xf32, #tpu.memory_space<hbm>>
    tpu.enqueue_indirect_dma source(%dma_start3A_35 : memref<10240x32xf32, #tpu.memory_space<hbm>>) target(%dma_start3A_29 : memref<128x32xf32, #tpu.memory_space<vmem>>) offsets(%dma_start3A_32 : memref<128xi32, #tpu.memory_space<vmem>>) semaphore(%arg7 : memref<!tpu.dma_semaphore, #tpu.memory_space<semaphore_mem>>)
    %dma_start3A_36 = arith.constant 3 : i32
    %dma_start3A_37 = arith.constant 3 : i32
    %dma_start3A_38 = arith.constant 0 : i32
    %dma_start3A_39 = arith.constant 0 : i32
    %dma_start3A_40 = tpu.memref_slice %arg6[%dma_start3A_37, %dma_start3A_38, %dma_start3A_39] : memref<10x128x32xf32, #tpu.memory_space<vmem>> -> memref<1x128x32xf32, #tpu.memory_space<vmem>>
    %dma_start3A_41 = tpu.memref_squeeze %dma_start3A_40 : memref<1x128x32xf32, #tpu.memory_space<vmem>> -> memref<128x32xf32, #tpu.memory_space<vmem>>
    %dma_start3A_42 = arith.constant 0 : i32
    %dma_start3A_43 = tpu.memref_slice %arg5[%dma_start3A_36, %dma_start3A_42] : memref<10x128xi32, #tpu.memory_space<vmem>> -> memref<1x128xi32, #tpu.memory_space<vmem>>
    %dma_start3A_44 = tpu.memref_squeeze %dma_start3A_43 : memref<1x128xi32, #tpu.memory_space<vmem>> -> memref<128xi32, #tpu.memory_space<vmem>>
    %dma_start3A_45 = arith.constant 0 : i32
    %dma_start3A_46 = arith.constant 0 : i32
    %dma_start3A_47 = tpu.memref_slice %arg2[%dma_start3A_45, %dma_start3A_46] : memref<10240x32xf32, #tpu.memory_space<hbm>> -> memref<10240x32xf32, #tpu.memory_space<hbm>>
    tpu.enqueue_indirect_dma source(%dma_start3A_47 : memref<10240x32xf32, #tpu.memory_space<hbm>>) target(%dma_start3A_41 : memref<128x32xf32, #tpu.memory_space<vmem>>) offsets(%dma_start3A_44 : memref<128xi32, #tpu.memory_space<vmem>>) semaphore(%arg7 : memref<!tpu.dma_semaphore, #tpu.memory_space<semaphore_mem>>)
    %dma_start3A_48 = arith.constant 4 : i32
    %dma_start3A_49 = arith.constant 4 : i32
    %dma_start3A_50 = arith.constant 0 : i32
    %dma_start3A_51 = arith.constant 0 : i32
    %dma_start3A_52 = tpu.memref_slice %arg6[%dma_start3A_49, %dma_start3A_50, %dma_start3A_51] : memref<10x128x32xf32, #tpu.memory_space<vmem>> -> memref<1x128x32xf32, #tpu.memory_space<vmem>>
    %dma_start3A_53 = tpu.memref_squeeze %dma_start3A_52 : memref<1x128x32xf32, #tpu.memory_space<vmem>> -> memref<128x32xf32, #tpu.memory_space<vmem>>
    %dma_start3A_54 = arith.constant 0 : i32
    %dma_start3A_55 = tpu.memref_slice %arg5[%dma_start3A_48, %dma_start3A_54] : memref<10x128xi32, #tpu.memory_space<vmem>> -> memref<1x128xi32, #tpu.memory_space<vmem>>
    %dma_start3A_56 = tpu.memref_squeeze %dma_start3A_55 : memref<1x128xi32, #tpu.memory_space<vmem>> -> memref<128xi32, #tpu.memory_space<vmem>>
    %dma_start3A_57 = arith.constant 0 : i32
    %dma_start3A_58 = arith.constant 0 : i32
    %dma_start3A_59 = tpu.memref_slice %arg2[%dma_start3A_57, %dma_start3A_58] : memref<10240x32xf32, #tpu.memory_space<hbm>> -> memref<10240x32xf32, #tpu.memory_space<hbm>>
    tpu.enqueue_indirect_dma source(%dma_start3A_59 : memref<10240x32xf32, #tpu.memory_space<hbm>>) target(%dma_start3A_53 : memref<128x32xf32, #tpu.memory_space<vmem>>) offsets(%dma_start3A_56 : memref<128xi32, #tpu.memory_space<vmem>>) semaphore(%arg7 : memref<!tpu.dma_semaphore, #tpu.memory_space<semaphore_mem>>)
    %dma_start3A_60 = arith.constant 5 : i32
    %dma_start3A_61 = arith.constant 5 : i32
    %dma_start3A_62 = arith.constant 0 : i32
    %dma_start3A_63 = arith.constant 0 : i32
    %dma_start3A_64 = tpu.memref_slice %arg6[%dma_start3A_61, %dma_start3A_62, %dma_start3A_63] : memref<10x128x32xf32, #tpu.memory_space<vmem>> -> memref<1x128x32xf32, #tpu.memory_space<vmem>>
    %dma_start3A_65 = tpu.memref_squeeze %dma_start3A_64 : memref<1x128x32xf32, #tpu.memory_space<vmem>> -> memref<128x32xf32, #tpu.memory_space<vmem>>
    %dma_start3A_66 = arith.constant 0 : i32
    %dma_start3A_67 = tpu.memref_slice %arg5[%dma_start3A_60, %dma_start3A_66] : memref<10x128xi32, #tpu.memory_space<vmem>> -> memref<1x128xi32, #tpu.memory_space<vmem>>
    %dma_start3A_68 = tpu.memref_squeeze %dma_start3A_67 : memref<1x128xi32, #tpu.memory_space<vmem>> -> memref<128xi32, #tpu.memory_space<vmem>>
    %dma_start3A_69 = arith.constant 0 : i32
    %dma_start3A_70 = arith.constant 0 : i32
    %dma_start3A_71 = tpu.memref_slice %arg2[%dma_start3A_69, %dma_start3A_70] : memref<10240x32xf32, #tpu.memory_space<hbm>> -> memref<10240x32xf32, #tpu.memory_space<hbm>>
    tpu.enqueue_indirect_dma source(%dma_start3A_71 : memref<10240x32xf32, #tpu.memory_space<hbm>>) target(%dma_start3A_65 : memref<128x32xf32, #tpu.memory_space<vmem>>) offsets(%dma_start3A_68 : memref<128xi32, #tpu.memory_space<vmem>>) semaphore(%arg7 : memref<!tpu.dma_semaphore, #tpu.memory_space<semaphore_mem>>)
    %dma_start3A_72 = arith.constant 6 : i32
    %dma_start3A_73 = arith.constant 6 : i32
    %dma_start3A_74 = arith.constant 0 : i32
    %dma_start3A_75 = arith.constant 0 : i32
    %dma_start3A_76 = tpu.memref_slice %arg6[%dma_start3A_73, %dma_start3A_74, %dma_start3A_75] : memref<10x128x32xf32, #tpu.memory_space<vmem>> -> memref<1x128x32xf32, #tpu.memory_space<vmem>>
    %dma_start3A_77 = tpu.memref_squeeze %dma_start3A_76 : memref<1x128x32xf32, #tpu.memory_space<vmem>> -> memref<128x32xf32, #tpu.memory_space<vmem>>
    %dma_start3A_78 = arith.constant 0 : i32
    %dma_start3A_79 = tpu.memref_slice %arg5[%dma_start3A_72, %dma_start3A_78] : memref<10x128xi32, #tpu.memory_space<vmem>> -> memref<1x128xi32, #tpu.memory_space<vmem>>
    %dma_start3A_80 = tpu.memref_squeeze %dma_start3A_79 : memref<1x128xi32, #tpu.memory_space<vmem>> -> memref<128xi32, #tpu.memory_space<vmem>>
    %dma_start3A_81 = arith.constant 0 : i32
    %dma_start3A_82 = arith.constant 0 : i32
    %dma_start3A_83 = tpu.memref_slice %arg2[%dma_start3A_81, %dma_start3A_82] : memref<10240x32xf32, #tpu.memory_space<hbm>> -> memref<10240x32xf32, #tpu.memory_space<hbm>>
    tpu.enqueue_indirect_dma source(%dma_start3A_83 : memref<10240x32xf32, #tpu.memory_space<hbm>>) target(%dma_start3A_77 : memref<128x32xf32, #tpu.memory_space<vmem>>) offsets(%dma_start3A_80 : memref<128xi32, #tpu.memory_space<vmem>>) semaphore(%arg7 : memref<!tpu.dma_semaphore, #tpu.memory_space<semaphore_mem>>)
    %dma_start3A_84 = arith.constant 7 : i32
    %dma_start3A_85 = arith.constant 7 : i32
    %dma_start3A_86 = arith.constant 0 : i32
    %dma_start3A_87 = arith.constant 0 : i32
    %dma_start3A_88 = tpu.memref_slice %arg6[%dma_start3A_85, %dma_start3A_86, %dma_start3A_87] : memref<10x128x32xf32, #tpu.memory_space<vmem>> -> memref<1x128x32xf32, #tpu.memory_space<vmem>>
    %dma_start3A_89 = tpu.memref_squeeze %dma_start3A_88 : memref<1x128x32xf32, #tpu.memory_space<vmem>> -> memref<128x32xf32, #tpu.memory_space<vmem>>
    %dma_start3A_90 = arith.constant 0 : i32
    %dma_start3A_91 = tpu.memref_slice %arg5[%dma_start3A_84, %dma_start3A_90] : memref<10x128xi32, #tpu.memory_space<vmem>> -> memref<1x128xi32, #tpu.memory_space<vmem>>
    %dma_start3A_92 = tpu.memref_squeeze %dma_start3A_91 : memref<1x128xi32, #tpu.memory_space<vmem>> -> memref<128xi32, #tpu.memory_space<vmem>>
    %dma_start3A_93 = arith.constant 0 : i32
    %dma_start3A_94 = arith.constant 0 : i32
    %dma_start3A_95 = tpu.memref_slice %arg2[%dma_start3A_93, %dma_start3A_94] : memref<10240x32xf32, #tpu.memory_space<hbm>> -> memref<10240x32xf32, #tpu.memory_space<hbm>>
    tpu.enqueue_indirect_dma source(%dma_start3A_95 : memref<10240x32xf32, #tpu.memory_space<hbm>>) target(%dma_start3A_89 : memref<128x32xf32, #tpu.memory_space<vmem>>) offsets(%dma_start3A_92 : memref<128xi32, #tpu.memory_space<vmem>>) semaphore(%arg7 : memref<!tpu.dma_semaphore, #tpu.memory_space<semaphore_mem>>)
    %dma_start3A_96 = arith.constant 8 : i32
    %dma_start3A_97 = arith.constant 8 : i32
    %dma_start3A_98 = arith.constant 0 : i32
    %dma_start3A_99 = arith.constant 0 : i32
    %dma_start3A_100 = tpu.memref_slice %arg6[%dma_start3A_97, %dma_start3A_98, %dma_start3A_99] : memref<10x128x32xf32, #tpu.memory_space<vmem>> -> memref<1x128x32xf32, #tpu.memory_space<vmem>>
    %dma_start3A_101 = tpu.memref_squeeze %dma_start3A_100 : memref<1x128x32xf32, #tpu.memory_space<vmem>> -> memref<128x32xf32, #tpu.memory_space<vmem>>
    %dma_start3A_102 = arith.constant 0 : i32
    %dma_start3A_103 = tpu.memref_slice %arg5[%dma_start3A_96, %dma_start3A_102] : memref<10x128xi32, #tpu.memory_space<vmem>> -> memref<1x128xi32, #tpu.memory_space<vmem>>
    %dma_start3A_104 = tpu.memref_squeeze %dma_start3A_103 : memref<1x128xi32, #tpu.memory_space<vmem>> -> memref<128xi32, #tpu.memory_space<vmem>>
    %dma_start3A_105 = arith.constant 0 : i32
    %dma_start3A_106 = arith.constant 0 : i32
    %dma_start3A_107 = tpu.memref_slice %arg2[%dma_start3A_105, %dma_start3A_106] : memref<10240x32xf32, #tpu.memory_space<hbm>> -> memref<10240x32xf32, #tpu.memory_space<hbm>>
    tpu.enqueue_indirect_dma source(%dma_start3A_107 : memref<10240x32xf32, #tpu.memory_space<hbm>>) target(%dma_start3A_101 : memref<128x32xf32, #tpu.memory_space<vmem>>) offsets(%dma_start3A_104 : memref<128xi32, #tpu.memory_space<vmem>>) semaphore(%arg7 : memref<!tpu.dma_semaphore, #tpu.memory_space<semaphore_mem>>)
    %dma_start3A_108 = arith.constant 9 : i32
    %dma_start3A_109 = arith.constant 9 : i32
    %dma_start3A_110 = arith.constant 0 : i32
    %dma_start3A_111 = arith.constant 0 : i32
    %dma_start3A_112 = tpu.memref_slice %arg6[%dma_start3A_109, %dma_start3A_110, %dma_start3A_111] : memref<10x128x32xf32, #tpu.memory_space<vmem>> -> memref<1x128x32xf32, #tpu.memory_space<vmem>>
    %dma_start3A_113 = tpu.memref_squeeze %dma_start3A_112 : memref<1x128x32xf32, #tpu.memory_space<vmem>> -> memref<128x32xf32, #tpu.memory_space<vmem>>
    %dma_start3A_114 = arith.constant 0 : i32
    %dma_start3A_115 = tpu.memref_slice %arg5[%dma_start3A_108, %dma_start3A_114] : memref<10x128xi32, #tpu.memory_space<vmem>> -> memref<1x128xi32, #tpu.memory_space<vmem>>
    %dma_start3A_116 = tpu.memref_squeeze %dma_start3A_115 : memref<1x128xi32, #tpu.memory_space<vmem>> -> memref<128xi32, #tpu.memory_space<vmem>>
    %dma_start3A_117 = arith.constant 0 : i32
    %dma_start3A_118 = arith.constant 0 : i32
    %dma_start3A_119 = tpu.memref_slice %arg2[%dma_start3A_117, %dma_start3A_118] : memref<10240x32xf32, #tpu.memory_space<hbm>> -> memref<10240x32xf32, #tpu.memory_space<hbm>>
    tpu.enqueue_indirect_dma source(%dma_start3A_119 : memref<10240x32xf32, #tpu.memory_space<hbm>>) target(%dma_start3A_113 : memref<128x32xf32, #tpu.memory_space<vmem>>) offsets(%dma_start3A_116 : memref<128xi32, #tpu.memory_space<vmem>>) semaphore(%arg7 : memref<!tpu.dma_semaphore, #tpu.memory_space<semaphore_mem>>)
    %dma_wait3A = arith.constant 0 : i32
    %dma_wait3A_120 = arith.constant 0 : i32
    %dma_wait3A_121 = arith.constant 0 : i32
    %dma_wait3A_122 = arith.constant 0 : i32
    %dma_wait3A_123 = tpu.memref_slice %arg6[%dma_wait3A_120, %dma_wait3A_121, %dma_wait3A_122] : memref<10x128x32xf32, #tpu.memory_space<vmem>> -> memref<1x128x32xf32, #tpu.memory_space<vmem>>
    %dma_wait3A_124 = tpu.memref_squeeze %dma_wait3A_123 : memref<1x128x32xf32, #tpu.memory_space<vmem>> -> memref<128x32xf32, #tpu.memory_space<vmem>>
    %dma_wait3A_125 = arith.constant 0 : i32
    %dma_wait3A_126 = tpu.memref_slice %arg5[%dma_wait3A, %dma_wait3A_125] : memref<10x128xi32, #tpu.memory_space<vmem>> -> memref<1x128xi32, #tpu.memory_space<vmem>>
    %dma_wait3A_127 = tpu.memref_squeeze %dma_wait3A_126 : memref<1x128xi32, #tpu.memory_space<vmem>> -> memref<128xi32, #tpu.memory_space<vmem>>
    %dma_wait3A_128 = arith.constant 0 : i32
    %dma_wait3A_129 = arith.constant 0 : i32
    %dma_wait3A_130 = tpu.memref_slice %arg2[%dma_wait3A_128, %dma_wait3A_129] : memref<10240x32xf32, #tpu.memory_space<hbm>> -> memref<10240x32xf32, #tpu.memory_space<hbm>>
    tpu.wait_indirect_dma semaphore(%arg7 : memref<!tpu.dma_semaphore, #tpu.memory_space<semaphore_mem>>) src(%dma_wait3A_130 : memref<10240x32xf32, #tpu.memory_space<hbm>>) dst(%dma_wait3A_124 : memref<128x32xf32, #tpu.memory_space<vmem>>)
    %dma_wait3A_131 = arith.constant 1 : i32
    %dma_wait3A_132 = arith.constant 1 : i32
    %dma_wait3A_133 = arith.constant 0 : i32
    %dma_wait3A_134 = arith.constant 0 : i32
    %dma_wait3A_135 = tpu.memref_slice %arg6[%dma_wait3A_132, %dma_wait3A_133, %dma_wait3A_134] : memref<10x128x32xf32, #tpu.memory_space<vmem>> -> memref<1x128x32xf32, #tpu.memory_space<vmem>>
    %dma_wait3A_136 = tpu.memref_squeeze %dma_wait3A_135 : memref<1x128x32xf32, #tpu.memory_space<vmem>> -> memref<128x32xf32, #tpu.memory_space<vmem>>
    %dma_wait3A_137 = arith.constant 0 : i32
    %dma_wait3A_138 = tpu.memref_slice %arg5[%dma_wait3A_131, %dma_wait3A_137] : memref<10x128xi32, #tpu.memory_space<vmem>> -> memref<1x128xi32, #tpu.memory_space<vmem>>
    %dma_wait3A_139 = tpu.memref_squeeze %dma_wait3A_138 : memref<1x128xi32, #tpu.memory_space<vmem>> -> memref<128xi32, #tpu.memory_space<vmem>>
    %dma_wait3A_140 = arith.constant 0 : i32
    %dma_wait3A_141 = arith.constant 0 : i32
    %dma_wait3A_142 = tpu.memref_slice %arg2[%dma_wait3A_140, %dma_wait3A_141] : memref<10240x32xf32, #tpu.memory_space<hbm>> -> memref<10240x32xf32, #tpu.memory_space<hbm>>
    tpu.wait_indirect_dma semaphore(%arg7 : memref<!tpu.dma_semaphore, #tpu.memory_space<semaphore_mem>>) src(%dma_wait3A_142 : memref<10240x32xf32, #tpu.memory_space<hbm>>) dst(%dma_wait3A_136 : memref<128x32xf32, #tpu.memory_space<vmem>>)
    %dma_wait3A_143 = arith.constant 2 : i32
    %dma_wait3A_144 = arith.constant 2 : i32
    %dma_wait3A_145 = arith.constant 0 : i32
    %dma_wait3A_146 = arith.constant 0 : i32
    %dma_wait3A_147 = tpu.memref_slice %arg6[%dma_wait3A_144, %dma_wait3A_145, %dma_wait3A_146] : memref<10x128x32xf32, #tpu.memory_space<vmem>> -> memref<1x128x32xf32, #tpu.memory_space<vmem>>
    %dma_wait3A_148 = tpu.memref_squeeze %dma_wait3A_147 : memref<1x128x32xf32, #tpu.memory_space<vmem>> -> memref<128x32xf32, #tpu.memory_space<vmem>>
    %dma_wait3A_149 = arith.constant 0 : i32
    %dma_wait3A_150 = tpu.memref_slice %arg5[%dma_wait3A_143, %dma_wait3A_149] : memref<10x128xi32, #tpu.memory_space<vmem>> -> memref<1x128xi32, #tpu.memory_space<vmem>>
    %dma_wait3A_151 = tpu.memref_squeeze %dma_wait3A_150 : memref<1x128xi32, #tpu.memory_space<vmem>> -> memref<128xi32, #tpu.memory_space<vmem>>
    %dma_wait3A_152 = arith.constant 0 : i32
    %dma_wait3A_153 = arith.constant 0 : i32
    %dma_wait3A_154 = tpu.memref_slice %arg2[%dma_wait3A_152, %dma_wait3A_153] : memref<10240x32xf32, #tpu.memory_space<hbm>> -> memref<10240x32xf32, #tpu.memory_space<hbm>>
    tpu.wait_indirect_dma semaphore(%arg7 : memref<!tpu.dma_semaphore, #tpu.memory_space<semaphore_mem>>) src(%dma_wait3A_154 : memref<10240x32xf32, #tpu.memory_space<hbm>>) dst(%dma_wait3A_148 : memref<128x32xf32, #tpu.memory_space<vmem>>)
    %dma_wait3A_155 = arith.constant 3 : i32
    %dma_wait3A_156 = arith.constant 3 : i32
    %dma_wait3A_157 = arith.constant 0 : i32
    %dma_wait3A_158 = arith.constant 0 : i32
    %dma_wait3A_159 = tpu.memref_slice %arg6[%dma_wait3A_156, %dma_wait3A_157, %dma_wait3A_158] : memref<10x128x32xf32, #tpu.memory_space<vmem>> -> memref<1x128x32xf32, #tpu.memory_space<vmem>>
    %dma_wait3A_160 = tpu.memref_squeeze %dma_wait3A_159 : memref<1x128x32xf32, #tpu.memory_space<vmem>> -> memref<128x32xf32, #tpu.memory_space<vmem>>
    %dma_wait3A_161 = arith.constant 0 : i32
    %dma_wait3A_162 = tpu.memref_slice %arg5[%dma_wait3A_155, %dma_wait3A_161] : memref<10x128xi32, #tpu.memory_space<vmem>> -> memref<1x128xi32, #tpu.memory_space<vmem>>
    %dma_wait3A_163 = tpu.memref_squeeze %dma_wait3A_162 : memref<1x128xi32, #tpu.memory_space<vmem>> -> memref<128xi32, #tpu.memory_space<vmem>>
    %dma_wait3A_164 = arith.constant 0 : i32
    %dma_wait3A_165 = arith.constant 0 : i32
    %dma_wait3A_166 = tpu.memref_slice %arg2[%dma_wait3A_164, %dma_wait3A_165] : memref<10240x32xf32, #tpu.memory_space<hbm>> -> memref<10240x32xf32, #tpu.memory_space<hbm>>
    tpu.wait_indirect_dma semaphore(%arg7 : memref<!tpu.dma_semaphore, #tpu.memory_space<semaphore_mem>>) src(%dma_wait3A_166 : memref<10240x32xf32, #tpu.memory_space<hbm>>) dst(%dma_wait3A_160 : memref<128x32xf32, #tpu.memory_space<vmem>>)
    %dma_wait3A_167 = arith.constant 4 : i32
    %dma_wait3A_168 = arith.constant 4 : i32
    %dma_wait3A_169 = arith.constant 0 : i32
    %dma_wait3A_170 = arith.constant 0 : i32
    %dma_wait3A_171 = tpu.memref_slice %arg6[%dma_wait3A_168, %dma_wait3A_169, %dma_wait3A_170] : memref<10x128x32xf32, #tpu.memory_space<vmem>> -> memref<1x128x32xf32, #tpu.memory_space<vmem>>
    %dma_wait3A_172 = tpu.memref_squeeze %dma_wait3A_171 : memref<1x128x32xf32, #tpu.memory_space<vmem>> -> memref<128x32xf32, #tpu.memory_space<vmem>>
    %dma_wait3A_173 = arith.constant 0 : i32
    %dma_wait3A_174 = tpu.memref_slice %arg5[%dma_wait3A_167, %dma_wait3A_173] : memref<10x128xi32, #tpu.memory_space<vmem>> -> memref<1x128xi32, #tpu.memory_space<vmem>>
    %dma_wait3A_175 = tpu.memref_squeeze %dma_wait3A_174 : memref<1x128xi32, #tpu.memory_space<vmem>> -> memref<128xi32, #tpu.memory_space<vmem>>
    %dma_wait3A_176 = arith.constant 0 : i32
    %dma_wait3A_177 = arith.constant 0 : i32
    %dma_wait3A_178 = tpu.memref_slice %arg2[%dma_wait3A_176, %dma_wait3A_177] : memref<10240x32xf32, #tpu.memory_space<hbm>> -> memref<10240x32xf32, #tpu.memory_space<hbm>>
    tpu.wait_indirect_dma semaphore(%arg7 : memref<!tpu.dma_semaphore, #tpu.memory_space<semaphore_mem>>) src(%dma_wait3A_178 : memref<10240x32xf32, #tpu.memory_space<hbm>>) dst(%dma_wait3A_172 : memref<128x32xf32, #tpu.memory_space<vmem>>)
    %dma_wait3A_179 = arith.constant 5 : i32
    %dma_wait3A_180 = arith.constant 5 : i32
    %dma_wait3A_181 = arith.constant 0 : i32
    %dma_wait3A_182 = arith.constant 0 : i32
    %dma_wait3A_183 = tpu.memref_slice %arg6[%dma_wait3A_180, %dma_wait3A_181, %dma_wait3A_182] : memref<10x128x32xf32, #tpu.memory_space<vmem>> -> memref<1x128x32xf32, #tpu.memory_space<vmem>>
    %dma_wait3A_184 = tpu.memref_squeeze %dma_wait3A_183 : memref<1x128x32xf32, #tpu.memory_space<vmem>> -> memref<128x32xf32, #tpu.memory_space<vmem>>
    %dma_wait3A_185 = arith.constant 0 : i32
    %dma_wait3A_186 = tpu.memref_slice %arg5[%dma_wait3A_179, %dma_wait3A_185] : memref<10x128xi32, #tpu.memory_space<vmem>> -> memref<1x128xi32, #tpu.memory_space<vmem>>
    %dma_wait3A_187 = tpu.memref_squeeze %dma_wait3A_186 : memref<1x128xi32, #tpu.memory_space<vmem>> -> memref<128xi32, #tpu.memory_space<vmem>>
    %dma_wait3A_188 = arith.constant 0 : i32
    %dma_wait3A_189 = arith.constant 0 : i32
    %dma_wait3A_190 = tpu.memref_slice %arg2[%dma_wait3A_188, %dma_wait3A_189] : memref<10240x32xf32, #tpu.memory_space<hbm>> -> memref<10240x32xf32, #tpu.memory_space<hbm>>
    tpu.wait_indirect_dma semaphore(%arg7 : memref<!tpu.dma_semaphore, #tpu.memory_space<semaphore_mem>>) src(%dma_wait3A_190 : memref<10240x32xf32, #tpu.memory_space<hbm>>) dst(%dma_wait3A_184 : memref<128x32xf32, #tpu.memory_space<vmem>>)
    %dma_wait3A_191 = arith.constant 6 : i32
    %dma_wait3A_192 = arith.constant 6 : i32
    %dma_wait3A_193 = arith.constant 0 : i32
    %dma_wait3A_194 = arith.constant 0 : i32
    %dma_wait3A_195 = tpu.memref_slice %arg6[%dma_wait3A_192, %dma_wait3A_193, %dma_wait3A_194] : memref<10x128x32xf32, #tpu.memory_space<vmem>> -> memref<1x128x32xf32, #tpu.memory_space<vmem>>
    %dma_wait3A_196 = tpu.memref_squeeze %dma_wait3A_195 : memref<1x128x32xf32, #tpu.memory_space<vmem>> -> memref<128x32xf32, #tpu.memory_space<vmem>>
    %dma_wait3A_197 = arith.constant 0 : i32
    %dma_wait3A_198 = tpu.memref_slice %arg5[%dma_wait3A_191, %dma_wait3A_197] : memref<10x128xi32, #tpu.memory_space<vmem>> -> memref<1x128xi32, #tpu.memory_space<vmem>>
    %dma_wait3A_199 = tpu.memref_squeeze %dma_wait3A_198 : memref<1x128xi32, #tpu.memory_space<vmem>> -> memref<128xi32, #tpu.memory_space<vmem>>
    %dma_wait3A_200 = arith.constant 0 : i32
    %dma_wait3A_201 = arith.constant 0 : i32
    %dma_wait3A_202 = tpu.memref_slice %arg2[%dma_wait3A_200, %dma_wait3A_201] : memref<10240x32xf32, #tpu.memory_space<hbm>> -> memref<10240x32xf32, #tpu.memory_space<hbm>>
    tpu.wait_indirect_dma semaphore(%arg7 : memref<!tpu.dma_semaphore, #tpu.memory_space<semaphore_mem>>) src(%dma_wait3A_202 : memref<10240x32xf32, #tpu.memory_space<hbm>>) dst(%dma_wait3A_196 : memref<128x32xf32, #tpu.memory_space<vmem>>)
    %dma_wait3A_203 = arith.constant 7 : i32
    %dma_wait3A_204 = arith.constant 7 : i32
    %dma_wait3A_205 = arith.constant 0 : i32
    %dma_wait3A_206 = arith.constant 0 : i32
    %dma_wait3A_207 = tpu.memref_slice %arg6[%dma_wait3A_204, %dma_wait3A_205, %dma_wait3A_206] : memref<10x128x32xf32, #tpu.memory_space<vmem>> -> memref<1x128x32xf32, #tpu.memory_space<vmem>>
    %dma_wait3A_208 = tpu.memref_squeeze %dma_wait3A_207 : memref<1x128x32xf32, #tpu.memory_space<vmem>> -> memref<128x32xf32, #tpu.memory_space<vmem>>
    %dma_wait3A_209 = arith.constant 0 : i32
    %dma_wait3A_210 = tpu.memref_slice %arg5[%dma_wait3A_203, %dma_wait3A_209] : memref<10x128xi32, #tpu.memory_space<vmem>> -> memref<1x128xi32, #tpu.memory_space<vmem>>
    %dma_wait3A_211 = tpu.memref_squeeze %dma_wait3A_210 : memref<1x128xi32, #tpu.memory_space<vmem>> -> memref<128xi32, #tpu.memory_space<vmem>>
    %dma_wait3A_212 = arith.constant 0 : i32
    %dma_wait3A_213 = arith.constant 0 : i32
    %dma_wait3A_214 = tpu.memref_slice %arg2[%dma_wait3A_212, %dma_wait3A_213] : memref<10240x32xf32, #tpu.memory_space<hbm>> -> memref<10240x32xf32, #tpu.memory_space<hbm>>
    tpu.wait_indirect_dma semaphore(%arg7 : memref<!tpu.dma_semaphore, #tpu.memory_space<semaphore_mem>>) src(%dma_wait3A_214 : memref<10240x32xf32, #tpu.memory_space<hbm>>) dst(%dma_wait3A_208 : memref<128x32xf32, #tpu.memory_space<vmem>>)
    %dma_wait3A_215 = arith.constant 8 : i32
    %dma_wait3A_216 = arith.constant 8 : i32
    %dma_wait3A_217 = arith.constant 0 : i32
    %dma_wait3A_218 = arith.constant 0 : i32
    %dma_wait3A_219 = tpu.memref_slice %arg6[%dma_wait3A_216, %dma_wait3A_217, %dma_wait3A_218] : memref<10x128x32xf32, #tpu.memory_space<vmem>> -> memref<1x128x32xf32, #tpu.memory_space<vmem>>
    %dma_wait3A_220 = tpu.memref_squeeze %dma_wait3A_219 : memref<1x128x32xf32, #tpu.memory_space<vmem>> -> memref<128x32xf32, #tpu.memory_space<vmem>>
    %dma_wait3A_221 = arith.constant 0 : i32
    %dma_wait3A_222 = tpu.memref_slice %arg5[%dma_wait3A_215, %dma_wait3A_221] : memref<10x128xi32, #tpu.memory_space<vmem>> -> memref<1x128xi32, #tpu.memory_space<vmem>>
    %dma_wait3A_223 = tpu.memref_squeeze %dma_wait3A_222 : memref<1x128xi32, #tpu.memory_space<vmem>> -> memref<128xi32, #tpu.memory_space<vmem>>
    %dma_wait3A_224 = arith.constant 0 : i32
    %dma_wait3A_225 = arith.constant 0 : i32
    %dma_wait3A_226 = tpu.memref_slice %arg2[%dma_wait3A_224, %dma_wait3A_225] : memref<10240x32xf32, #tpu.memory_space<hbm>> -> memref<10240x32xf32, #tpu.memory_space<hbm>>
    tpu.wait_indirect_dma semaphore(%arg7 : memref<!tpu.dma_semaphore, #tpu.memory_space<semaphore_mem>>) src(%dma_wait3A_226 : memref<10240x32xf32, #tpu.memory_space<hbm>>) dst(%dma_wait3A_220 : memref<128x32xf32, #tpu.memory_space<vmem>>)
    %dma_wait3A_227 = arith.constant 9 : i32
    %dma_wait3A_228 = arith.constant 9 : i32
    %dma_wait3A_229 = arith.constant 0 : i32
    %dma_wait3A_230 = arith.constant 0 : i32
    %dma_wait3A_231 = tpu.memref_slice %arg6[%dma_wait3A_228, %dma_wait3A_229, %dma_wait3A_230] : memref<10x128x32xf32, #tpu.memory_space<vmem>> -> memref<1x128x32xf32, #tpu.memory_space<vmem>>
    %dma_wait3A_232 = tpu.memref_squeeze %dma_wait3A_231 : memref<1x128x32xf32, #tpu.memory_space<vmem>> -> memref<128x32xf32, #tpu.memory_space<vmem>>
    %dma_wait3A_233 = arith.constant 0 : i32
    %dma_wait3A_234 = tpu.memref_slice %arg5[%dma_wait3A_227, %dma_wait3A_233] : memref<10x128xi32, #tpu.memory_space<vmem>> -> memref<1x128xi32, #tpu.memory_space<vmem>>
    %dma_wait3A_235 = tpu.memref_squeeze %dma_wait3A_234 : memref<1x128xi32, #tpu.memory_space<vmem>> -> memref<128xi32, #tpu.memory_space<vmem>>
    %dma_wait3A_236 = arith.constant 0 : i32
    %dma_wait3A_237 = arith.constant 0 : i32
    %dma_wait3A_238 = tpu.memref_slice %arg2[%dma_wait3A_236, %dma_wait3A_237] : memref<10240x32xf32, #tpu.memory_space<hbm>> -> memref<10240x32xf32, #tpu.memory_space<hbm>>
    tpu.wait_indirect_dma semaphore(%arg7 : memref<!tpu.dma_semaphore, #tpu.memory_space<semaphore_mem>>) src(%dma_wait3A_238 : memref<10240x32xf32, #tpu.memory_space<hbm>>) dst(%dma_wait3A_232 : memref<128x32xf32, #tpu.memory_space<vmem>>)
    "tpu.region"() ({
      %run_scoped3A = tpu.sem_alloc : memref<!tpu.dma_semaphore, #tpu.memory_space<semaphore_mem>>
      %dma_start3A_239 = arith.constant 0 : i32
      %dma_start3A_240 = arith.constant 0 : i32
      %dma_start3A_241 = arith.constant 0 : i32
      %dma_start3A_242 = tpu.memref_slice %arg4[%add3A, %dma_start3A_239, %dma_start3A_240, %dma_start3A_241] : memref<32x10x128x32xf32, #tpu.memory_space<hbm>> -> memref<1x10x128x32xf32, #tpu.memory_space<hbm>>
      %dma_start3A_243 = tpu.memref_squeeze %dma_start3A_242 : memref<1x10x128x32xf32, #tpu.memory_space<hbm>> -> memref<10x128x32xf32, #tpu.memory_space<hbm>>
      %dma_start3A_244 = arith.constant 0 : i32
      %dma_start3A_245 = arith.constant 0 : i32
      %dma_start3A_246 = arith.constant 0 : i32
      %dma_start3A_247 = tpu.memref_slice %arg4[%add3A, %dma_start3A_244, %dma_start3A_245, %dma_start3A_246] : memref<32x10x128x32xf32, #tpu.memory_space<hbm>> -> memref<1x10x128x32xf32, #tpu.memory_space<hbm>>
      %dma_start3A_248 = tpu.memref_squeeze %dma_start3A_247 : memref<1x10x128x32xf32, #tpu.memory_space<hbm>> -> memref<10x128x32xf32, #tpu.memory_space<hbm>>
      tpu.enqueue_dma source(%arg6 : memref<10x128x32xf32, #tpu.memory_space<vmem>>) target(%dma_start3A_248 : memref<10x128x32xf32, #tpu.memory_space<hbm>>) target_semaphore(%run_scoped3A : memref<!tpu.dma_semaphore, #tpu.memory_space<semaphore_mem>>)
      %dma_wait3A_249 = arith.constant 0 : i32
      %dma_wait3A_250 = arith.constant 0 : i32
      %dma_wait3A_251 = arith.constant 0 : i32
      %dma_wait3A_252 = tpu.memref_slice %arg4[%add3A, %dma_wait3A_249, %dma_wait3A_250, %dma_wait3A_251] : memref<32x10x128x32xf32, #tpu.memory_space<hbm>> -> memref<1x10x128x32xf32, #tpu.memory_space<hbm>>
      %dma_wait3A_253 = tpu.memref_squeeze %dma_wait3A_252 : memref<1x10x128x32xf32, #tpu.memory_space<hbm>> -> memref<10x128x32xf32, #tpu.memory_space<hbm>>
      %dma_wait3A_254 = arith.constant 0 : i32
      %dma_wait3A_255 = arith.constant 0 : i32
      %dma_wait3A_256 = arith.constant 0 : i32
      %dma_wait3A_257 = tpu.memref_slice %arg4[%add3A, %dma_wait3A_254, %dma_wait3A_255, %dma_wait3A_256] : memref<32x10x128x32xf32, #tpu.memory_space<hbm>> -> memref<1x10x128x32xf32, #tpu.memory_space<hbm>>
      %dma_wait3A_258 = tpu.memref_squeeze %dma_wait3A_257 : memref<1x10x128x32xf32, #tpu.memory_space<hbm>> -> memref<10x128x32xf32, #tpu.memory_space<hbm>>
      tpu.wait_dma2 semaphore(%run_scoped3A : memref<!tpu.dma_semaphore, #tpu.memory_space<semaphore_mem>>) src(%arg6 : memref<10x128x32xf32, #tpu.memory_space<vmem>>) dst(%dma_wait3A_258 : memref<10x128x32xf32, #tpu.memory_space<hbm>>)
      tpu.yield
    }) : () -> ()
    return
  }
}

#map = affine_map<(d0, d1) -> (0, 0, 0, 0)>
#map1 = affine_map<(d0, d1) -> (0, 0, 0)>
#map2 = affine_map<(d0, d1) -> (0, 0)>
module attributes {stable_mosaic.version = 14 : i64} {
  func.func @k(%arg0: i32, %arg1: i32, %arg2: memref<32x10x128x64xf32, #tpu.memory_space<hbm>>, %arg3: memref<32x10x128xi32, #tpu.memory_space<hbm>>, %arg4: memref<10240x64xf32, #tpu.memory_space<hbm>>, %arg5: memref<2x10240x64xf32, #tpu.memory_space<hbm>>, %arg6: memref<10x128xi32, #tpu.memory_space<vmem>>, %arg7: memref<10x128x64xf32, #tpu.memory_space<vmem>>, %arg8: memref<10240x64xf32, #tpu.memory_space<vmem_shared>>) attributes {dimension_semantics = [#tpu.dimension_semantics<core_parallel>, #tpu.dimension_semantics<subcore_parallel>], iteration_bounds = array<i64: 2, 16>, scalar_prefetch = 0 : i64, scratch_operands = 3 : i64, tpu.core_type = #tpu.core_type<sc_vector_subcore>, window_params = [{transform_indices = #map}, {transform_indices = #map1}, {transform_indices = #map2}, {transform_indices = #map1}]} {
    %mul3A = arith.constant 2 : i32
    %mul3A_0 = arith.muli %arg1, %mul3A : i32
    %add3A = arith.addi %mul3A_0, %arg0 : i32
    %mul3A_1 = arith.constant 640 : i32
    %mul3A_2 = arith.muli %arg1, %mul3A_1 : i32
    %mul3A_3 = arith.constant 640 : i32
    %mul3A_4 = arith.muli %arg1, %mul3A_3 : i32
    "tpu.region"() ({
      %run_scoped3A_29 = tpu.sem_alloc : memref<!tpu.dma_semaphore, #tpu.memory_space<semaphore_mem>>
      %dma_start3A = arith.constant 0 : i32
      %dma_start3A_30 = tpu.memref_slice %arg8[%mul3A_4, %dma_start3A] : memref<10240x64xf32, #tpu.memory_space<vmem_shared>> -> memref<640x64xf32, #tpu.memory_space<vmem_shared>>
      %dma_start3A_31 = arith.constant 0 : i32
      %dma_start3A_32 = tpu.memref_slice %arg4[%mul3A_2, %dma_start3A_31] : memref<10240x64xf32, #tpu.memory_space<hbm>> -> memref<640x64xf32, #tpu.memory_space<hbm>>
      tpu.enqueue_dma source(%dma_start3A_32 : memref<640x64xf32, #tpu.memory_space<hbm>>) target(%dma_start3A_30 : memref<640x64xf32, #tpu.memory_space<vmem_shared>>) target_semaphore(%run_scoped3A_29 : memref<!tpu.dma_semaphore, #tpu.memory_space<semaphore_mem>>)
      %dma_wait3A = arith.constant 0 : i32
      %dma_wait3A_33 = tpu.memref_slice %arg8[%mul3A_4, %dma_wait3A] : memref<10240x64xf32, #tpu.memory_space<vmem_shared>> -> memref<640x64xf32, #tpu.memory_space<vmem_shared>>
      %dma_wait3A_34 = arith.constant 0 : i32
      %dma_wait3A_35 = tpu.memref_slice %arg4[%mul3A_2, %dma_wait3A_34] : memref<10240x64xf32, #tpu.memory_space<hbm>> -> memref<640x64xf32, #tpu.memory_space<hbm>>
      tpu.wait_dma2 semaphore(%run_scoped3A_29 : memref<!tpu.dma_semaphore, #tpu.memory_space<semaphore_mem>>) src(%dma_wait3A_35 : memref<640x64xf32, #tpu.memory_space<hbm>>) dst(%dma_wait3A_33 : memref<640x64xf32, #tpu.memory_space<vmem_shared>>)
      tpu.yield
    }) : () -> ()
    "tpu.region"() ({
      %run_scoped3A_29 = tpu.sem_alloc : memref<!tpu.dma_semaphore, #tpu.memory_space<semaphore_mem>>
      %dma_start3A = arith.constant 0 : i32
      %dma_start3A_30 = arith.constant 0 : i32
      %dma_start3A_31 = tpu.memref_slice %arg3[%add3A, %dma_start3A, %dma_start3A_30] : memref<32x10x128xi32, #tpu.memory_space<hbm>> -> memref<1x10x128xi32, #tpu.memory_space<hbm>>
      %dma_start3A_32 = tpu.memref_squeeze %dma_start3A_31 : memref<1x10x128xi32, #tpu.memory_space<hbm>> -> memref<10x128xi32, #tpu.memory_space<hbm>>
      %dma_start3A_33 = arith.constant 0 : i32
      %dma_start3A_34 = arith.constant 0 : i32
      %dma_start3A_35 = tpu.memref_slice %arg3[%add3A, %dma_start3A_33, %dma_start3A_34] : memref<32x10x128xi32, #tpu.memory_space<hbm>> -> memref<1x10x128xi32, #tpu.memory_space<hbm>>
      %dma_start3A_36 = tpu.memref_squeeze %dma_start3A_35 : memref<1x10x128xi32, #tpu.memory_space<hbm>> -> memref<10x128xi32, #tpu.memory_space<hbm>>
      tpu.enqueue_dma source(%dma_start3A_36 : memref<10x128xi32, #tpu.memory_space<hbm>>) target(%arg6 : memref<10x128xi32, #tpu.memory_space<vmem>>) target_semaphore(%run_scoped3A_29 : memref<!tpu.dma_semaphore, #tpu.memory_space<semaphore_mem>>)
      %dma_wait3A = arith.constant 0 : i32
      %dma_wait3A_37 = arith.constant 0 : i32
      %dma_wait3A_38 = tpu.memref_slice %arg3[%add3A, %dma_wait3A, %dma_wait3A_37] : memref<32x10x128xi32, #tpu.memory_space<hbm>> -> memref<1x10x128xi32, #tpu.memory_space<hbm>>
      %dma_wait3A_39 = tpu.memref_squeeze %dma_wait3A_38 : memref<1x10x128xi32, #tpu.memory_space<hbm>> -> memref<10x128xi32, #tpu.memory_space<hbm>>
      %dma_wait3A_40 = arith.constant 0 : i32
      %dma_wait3A_41 = arith.constant 0 : i32
      %dma_wait3A_42 = tpu.memref_slice %arg3[%add3A, %dma_wait3A_40, %dma_wait3A_41] : memref<32x10x128xi32, #tpu.memory_space<hbm>> -> memref<1x10x128xi32, #tpu.memory_space<hbm>>
      %dma_wait3A_43 = tpu.memref_squeeze %dma_wait3A_42 : memref<1x10x128xi32, #tpu.memory_space<hbm>> -> memref<10x128xi32, #tpu.memory_space<hbm>>
      tpu.wait_dma2 semaphore(%run_scoped3A_29 : memref<!tpu.dma_semaphore, #tpu.memory_space<semaphore_mem>>) src(%dma_wait3A_43 : memref<10x128xi32, #tpu.memory_space<hbm>>) dst(%arg6 : memref<10x128xi32, #tpu.memory_space<vmem>>)
      tpu.yield
    }) : () -> ()
    "tpu.region"() ({
      %run_scoped3A_29 = tpu.sem_alloc : memref<!tpu.dma_semaphore, #tpu.memory_space<semaphore_mem>>
      %dma_start3A = arith.constant 0 : i32
      %dma_start3A_30 = arith.constant 0 : i32
      %dma_start3A_31 = arith.constant 0 : i32
      %dma_start3A_32 = tpu.memref_slice %arg2[%add3A, %dma_start3A, %dma_start3A_30, %dma_start3A_31] : memref<32x10x128x64xf32, #tpu.memory_space<hbm>> -> memref<1x10x128x64xf32, #tpu.memory_space<hbm>>
      %dma_start3A_33 = tpu.memref_squeeze %dma_start3A_32 : memref<1x10x128x64xf32, #tpu.memory_space<hbm>> -> memref<10x128x64xf32, #tpu.memory_space<hbm>>
      %dma_start3A_34 = arith.constant 0 : i32
      %dma_start3A_35 = arith.constant 0 : i32
      %dma_start3A_36 = arith.constant 0 : i32
      %dma_start3A_37 = tpu.memref_slice %arg2[%add3A, %dma_start3A_34, %dma_start3A_35, %dma_start3A_36] : memref<32x10x128x64xf32, #tpu.memory_space<hbm>> -> memref<1x10x128x64xf32, #tpu.memory_space<hbm>>
      %dma_start3A_38 = tpu.memref_squeeze %dma_start3A_37 : memref<1x10x128x64xf32, #tpu.memory_space<hbm>> -> memref<10x128x64xf32, #tpu.memory_space<hbm>>
      tpu.enqueue_dma source(%dma_start3A_38 : memref<10x128x64xf32, #tpu.memory_space<hbm>>) target(%arg7 : memref<10x128x64xf32, #tpu.memory_space<vmem>>) target_semaphore(%run_scoped3A_29 : memref<!tpu.dma_semaphore, #tpu.memory_space<semaphore_mem>>)
      %dma_wait3A = arith.constant 0 : i32
      %dma_wait3A_39 = arith.constant 0 : i32
      %dma_wait3A_40 = arith.constant 0 : i32
      %dma_wait3A_41 = tpu.memref_slice %arg2[%add3A, %dma_wait3A, %dma_wait3A_39, %dma_wait3A_40] : memref<32x10x128x64xf32, #tpu.memory_space<hbm>> -> memref<1x10x128x64xf32, #tpu.memory_space<hbm>>
      %dma_wait3A_42 = tpu.memref_squeeze %dma_wait3A_41 : memref<1x10x128x64xf32, #tpu.memory_space<hbm>> -> memref<10x128x64xf32, #tpu.memory_space<hbm>>
      %dma_wait3A_43 = arith.constant 0 : i32
      %dma_wait3A_44 = arith.constant 0 : i32
      %dma_wait3A_45 = arith.constant 0 : i32
      %dma_wait3A_46 = tpu.memref_slice %arg2[%add3A, %dma_wait3A_43, %dma_wait3A_44, %dma_wait3A_45] : memref<32x10x128x64xf32, #tpu.memory_space<hbm>> -> memref<1x10x128x64xf32, #tpu.memory_space<hbm>>
      %dma_wait3A_47 = tpu.memref_squeeze %dma_wait3A_46 : memref<1x10x128x64xf32, #tpu.memory_space<hbm>> -> memref<10x128x64xf32, #tpu.memory_space<hbm>>
      tpu.wait_dma2 semaphore(%run_scoped3A_29 : memref<!tpu.dma_semaphore, #tpu.memory_space<semaphore_mem>>) src(%dma_wait3A_47 : memref<10x128x64xf32, #tpu.memory_space<hbm>>) dst(%arg7 : memref<10x128x64xf32, #tpu.memory_space<vmem>>)
      tpu.yield
    }) : () -> ()
    %barrier3A = arith.constant 0 : index
    tpu.barrier barrier_id(%barrier3A)
    %run_scoped3A = arith.constant 0 : i32
    %run_scoped3A_5 = arith.constant 0 : i32
    "tpu.region"() ({
      %run_scoped3A_29 = tpu.sem_alloc : memref<!tpu.dma_semaphore, #tpu.memory_space<semaphore_mem>>
      %dma_start3A = arith.constant 0 : i32
      %dma_start3A_30 = arith.constant 0 : i32
      %dma_start3A_31 = tpu.memref_slice %arg7[%run_scoped3A, %dma_start3A, %dma_start3A_30] : memref<10x128x64xf32, #tpu.memory_space<vmem>> -> memref<1x128x64xf32, #tpu.memory_space<vmem>>
      %dma_start3A_32 = tpu.memref_squeeze %dma_start3A_31 : memref<1x128x64xf32, #tpu.memory_space<vmem>> -> memref<128x64xf32, #tpu.memory_space<vmem>>
      %dma_start3A_33 = arith.constant 0 : i32
      %dma_start3A_34 = tpu.memref_slice %arg6[%run_scoped3A_5, %dma_start3A_33] : memref<10x128xi32, #tpu.memory_space<vmem>> -> memref<1x128xi32, #tpu.memory_space<vmem>>
      %dma_start3A_35 = tpu.memref_squeeze %dma_start3A_34 : memref<1x128xi32, #tpu.memory_space<vmem>> -> memref<128xi32, #tpu.memory_space<vmem>>
      %dma_start3A_36 = arith.constant 0 : i32
      %dma_start3A_37 = arith.constant 0 : i32
      %dma_start3A_38 = tpu.memref_slice %arg8[%dma_start3A_36, %dma_start3A_37] : memref<10240x64xf32, #tpu.memory_space<vmem_shared>> -> memref<10240x64xf32, #tpu.memory_space<vmem_shared>>
      tpu.enqueue_indirect_dma source(%dma_start3A_32 : memref<128x64xf32, #tpu.memory_space<vmem>>) target(%dma_start3A_38 : memref<10240x64xf32, #tpu.memory_space<vmem_shared>>) offsets(%dma_start3A_35 : memref<128xi32, #tpu.memory_space<vmem>>) semaphore(%run_scoped3A_29 : memref<!tpu.dma_semaphore, #tpu.memory_space<semaphore_mem>>) {add = true}
      %dma_wait3A = arith.constant 0 : i32
      %dma_wait3A_39 = arith.constant 0 : i32
      %dma_wait3A_40 = tpu.memref_slice %arg7[%run_scoped3A, %dma_wait3A, %dma_wait3A_39] : memref<10x128x64xf32, #tpu.memory_space<vmem>> -> memref<1x128x64xf32, #tpu.memory_space<vmem>>
      %dma_wait3A_41 = tpu.memref_squeeze %dma_wait3A_40 : memref<1x128x64xf32, #tpu.memory_space<vmem>> -> memref<128x64xf32, #tpu.memory_space<vmem>>
      %dma_wait3A_42 = arith.constant 0 : i32
      %dma_wait3A_43 = tpu.memref_slice %arg6[%run_scoped3A_5, %dma_wait3A_42] : memref<10x128xi32, #tpu.memory_space<vmem>> -> memref<1x128xi32, #tpu.memory_space<vmem>>
      %dma_wait3A_44 = tpu.memref_squeeze %dma_wait3A_43 : memref<1x128xi32, #tpu.memory_space<vmem>> -> memref<128xi32, #tpu.memory_space<vmem>>
      %dma_wait3A_45 = arith.constant 0 : i32
      %dma_wait3A_46 = arith.constant 0 : i32
      %dma_wait3A_47 = tpu.memref_slice %arg8[%dma_wait3A_45, %dma_wait3A_46] : memref<10240x64xf32, #tpu.memory_space<vmem_shared>> -> memref<10240x64xf32, #tpu.memory_space<vmem_shared>>
      tpu.wait_indirect_dma semaphore(%run_scoped3A_29 : memref<!tpu.dma_semaphore, #tpu.memory_space<semaphore_mem>>) src(%dma_wait3A_41 : memref<128x64xf32, #tpu.memory_space<vmem>>) dst(%dma_wait3A_47 : memref<10240x64xf32, #tpu.memory_space<vmem_shared>>)
      tpu.yield
    }) : () -> ()
    %run_scoped3A_6 = arith.constant 1 : i32
    %run_scoped3A_7 = arith.constant 1 : i32
    "tpu.region"() ({
      %run_scoped3A_29 = tpu.sem_alloc : memref<!tpu.dma_semaphore, #tpu.memory_space<semaphore_mem>>
      %dma_start3A = arith.constant 0 : i32
      %dma_start3A_30 = arith.constant 0 : i32
      %dma_start3A_31 = tpu.memref_slice %arg7[%run_scoped3A_6, %dma_start3A, %dma_start3A_30] : memref<10x128x64xf32, #tpu.memory_space<vmem>> -> memref<1x128x64xf32, #tpu.memory_space<vmem>>
      %dma_start3A_32 = tpu.memref_squeeze %dma_start3A_31 : memref<1x128x64xf32, #tpu.memory_space<vmem>> -> memref<128x64xf32, #tpu.memory_space<vmem>>
      %dma_start3A_33 = arith.constant 0 : i32
      %dma_start3A_34 = tpu.memref_slice %arg6[%run_scoped3A_7, %dma_start3A_33] : memref<10x128xi32, #tpu.memory_space<vmem>> -> memref<1x128xi32, #tpu.memory_space<vmem>>
      %dma_start3A_35 = tpu.memref_squeeze %dma_start3A_34 : memref<1x128xi32, #tpu.memory_space<vmem>> -> memref<128xi32, #tpu.memory_space<vmem>>
      %dma_start3A_36 = arith.constant 0 : i32
      %dma_start3A_37 = arith.constant 0 : i32
      %dma_start3A_38 = tpu.memref_slice %arg8[%dma_start3A_36, %dma_start3A_37] : memref<10240x64xf32, #tpu.memory_space<vmem_shared>> -> memref<10240x64xf32, #tpu.memory_space<vmem_shared>>
      tpu.enqueue_indirect_dma source(%dma_start3A_32 : memref<128x64xf32, #tpu.memory_space<vmem>>) target(%dma_start3A_38 : memref<10240x64xf32, #tpu.memory_space<vmem_shared>>) offsets(%dma_start3A_35 : memref<128xi32, #tpu.memory_space<vmem>>) semaphore(%run_scoped3A_29 : memref<!tpu.dma_semaphore, #tpu.memory_space<semaphore_mem>>) {add = true}
      %dma_wait3A = arith.constant 0 : i32
      %dma_wait3A_39 = arith.constant 0 : i32
      %dma_wait3A_40 = tpu.memref_slice %arg7[%run_scoped3A_6, %dma_wait3A, %dma_wait3A_39] : memref<10x128x64xf32, #tpu.memory_space<vmem>> -> memref<1x128x64xf32, #tpu.memory_space<vmem>>
      %dma_wait3A_41 = tpu.memref_squeeze %dma_wait3A_40 : memref<1x128x64xf32, #tpu.memory_space<vmem>> -> memref<128x64xf32, #tpu.memory_space<vmem>>
      %dma_wait3A_42 = arith.constant 0 : i32
      %dma_wait3A_43 = tpu.memref_slice %arg6[%run_scoped3A_7, %dma_wait3A_42] : memref<10x128xi32, #tpu.memory_space<vmem>> -> memref<1x128xi32, #tpu.memory_space<vmem>>
      %dma_wait3A_44 = tpu.memref_squeeze %dma_wait3A_43 : memref<1x128xi32, #tpu.memory_space<vmem>> -> memref<128xi32, #tpu.memory_space<vmem>>
      %dma_wait3A_45 = arith.constant 0 : i32
      %dma_wait3A_46 = arith.constant 0 : i32
      %dma_wait3A_47 = tpu.memref_slice %arg8[%dma_wait3A_45, %dma_wait3A_46] : memref<10240x64xf32, #tpu.memory_space<vmem_shared>> -> memref<10240x64xf32, #tpu.memory_space<vmem_shared>>
      tpu.wait_indirect_dma semaphore(%run_scoped3A_29 : memref<!tpu.dma_semaphore, #tpu.memory_space<semaphore_mem>>) src(%dma_wait3A_41 : memref<128x64xf32, #tpu.memory_space<vmem>>) dst(%dma_wait3A_47 : memref<10240x64xf32, #tpu.memory_space<vmem_shared>>)
      tpu.yield
    }) : () -> ()
    %run_scoped3A_8 = arith.constant 2 : i32
    %run_scoped3A_9 = arith.constant 2 : i32
    "tpu.region"() ({
      %run_scoped3A_29 = tpu.sem_alloc : memref<!tpu.dma_semaphore, #tpu.memory_space<semaphore_mem>>
      %dma_start3A = arith.constant 0 : i32
      %dma_start3A_30 = arith.constant 0 : i32
      %dma_start3A_31 = tpu.memref_slice %arg7[%run_scoped3A_8, %dma_start3A, %dma_start3A_30] : memref<10x128x64xf32, #tpu.memory_space<vmem>> -> memref<1x128x64xf32, #tpu.memory_space<vmem>>
      %dma_start3A_32 = tpu.memref_squeeze %dma_start3A_31 : memref<1x128x64xf32, #tpu.memory_space<vmem>> -> memref<128x64xf32, #tpu.memory_space<vmem>>
      %dma_start3A_33 = arith.constant 0 : i32
      %dma_start3A_34 = tpu.memref_slice %arg6[%run_scoped3A_9, %dma_start3A_33] : memref<10x128xi32, #tpu.memory_space<vmem>> -> memref<1x128xi32, #tpu.memory_space<vmem>>
      %dma_start3A_35 = tpu.memref_squeeze %dma_start3A_34 : memref<1x128xi32, #tpu.memory_space<vmem>> -> memref<128xi32, #tpu.memory_space<vmem>>
      %dma_start3A_36 = arith.constant 0 : i32
      %dma_start3A_37 = arith.constant 0 : i32
      %dma_start3A_38 = tpu.memref_slice %arg8[%dma_start3A_36, %dma_start3A_37] : memref<10240x64xf32, #tpu.memory_space<vmem_shared>> -> memref<10240x64xf32, #tpu.memory_space<vmem_shared>>
      tpu.enqueue_indirect_dma source(%dma_start3A_32 : memref<128x64xf32, #tpu.memory_space<vmem>>) target(%dma_start3A_38 : memref<10240x64xf32, #tpu.memory_space<vmem_shared>>) offsets(%dma_start3A_35 : memref<128xi32, #tpu.memory_space<vmem>>) semaphore(%run_scoped3A_29 : memref<!tpu.dma_semaphore, #tpu.memory_space<semaphore_mem>>) {add = true}
      %dma_wait3A = arith.constant 0 : i32
      %dma_wait3A_39 = arith.constant 0 : i32
      %dma_wait3A_40 = tpu.memref_slice %arg7[%run_scoped3A_8, %dma_wait3A, %dma_wait3A_39] : memref<10x128x64xf32, #tpu.memory_space<vmem>> -> memref<1x128x64xf32, #tpu.memory_space<vmem>>
      %dma_wait3A_41 = tpu.memref_squeeze %dma_wait3A_40 : memref<1x128x64xf32, #tpu.memory_space<vmem>> -> memref<128x64xf32, #tpu.memory_space<vmem>>
      %dma_wait3A_42 = arith.constant 0 : i32
      %dma_wait3A_43 = tpu.memref_slice %arg6[%run_scoped3A_9, %dma_wait3A_42] : memref<10x128xi32, #tpu.memory_space<vmem>> -> memref<1x128xi32, #tpu.memory_space<vmem>>
      %dma_wait3A_44 = tpu.memref_squeeze %dma_wait3A_43 : memref<1x128xi32, #tpu.memory_space<vmem>> -> memref<128xi32, #tpu.memory_space<vmem>>
      %dma_wait3A_45 = arith.constant 0 : i32
      %dma_wait3A_46 = arith.constant 0 : i32
      %dma_wait3A_47 = tpu.memref_slice %arg8[%dma_wait3A_45, %dma_wait3A_46] : memref<10240x64xf32, #tpu.memory_space<vmem_shared>> -> memref<10240x64xf32, #tpu.memory_space<vmem_shared>>
      tpu.wait_indirect_dma semaphore(%run_scoped3A_29 : memref<!tpu.dma_semaphore, #tpu.memory_space<semaphore_mem>>) src(%dma_wait3A_41 : memref<128x64xf32, #tpu.memory_space<vmem>>) dst(%dma_wait3A_47 : memref<10240x64xf32, #tpu.memory_space<vmem_shared>>)
      tpu.yield
    }) : () -> ()
    %run_scoped3A_10 = arith.constant 3 : i32
    %run_scoped3A_11 = arith.constant 3 : i32
    "tpu.region"() ({
      %run_scoped3A_29 = tpu.sem_alloc : memref<!tpu.dma_semaphore, #tpu.memory_space<semaphore_mem>>
      %dma_start3A = arith.constant 0 : i32
      %dma_start3A_30 = arith.constant 0 : i32
      %dma_start3A_31 = tpu.memref_slice %arg7[%run_scoped3A_10, %dma_start3A, %dma_start3A_30] : memref<10x128x64xf32, #tpu.memory_space<vmem>> -> memref<1x128x64xf32, #tpu.memory_space<vmem>>
      %dma_start3A_32 = tpu.memref_squeeze %dma_start3A_31 : memref<1x128x64xf32, #tpu.memory_space<vmem>> -> memref<128x64xf32, #tpu.memory_space<vmem>>
      %dma_start3A_33 = arith.constant 0 : i32
      %dma_start3A_34 = tpu.memref_slice %arg6[%run_scoped3A_11, %dma_start3A_33] : memref<10x128xi32, #tpu.memory_space<vmem>> -> memref<1x128xi32, #tpu.memory_space<vmem>>
      %dma_start3A_35 = tpu.memref_squeeze %dma_start3A_34 : memref<1x128xi32, #tpu.memory_space<vmem>> -> memref<128xi32, #tpu.memory_space<vmem>>
      %dma_start3A_36 = arith.constant 0 : i32
      %dma_start3A_37 = arith.constant 0 : i32
      %dma_start3A_38 = tpu.memref_slice %arg8[%dma_start3A_36, %dma_start3A_37] : memref<10240x64xf32, #tpu.memory_space<vmem_shared>> -> memref<10240x64xf32, #tpu.memory_space<vmem_shared>>
      tpu.enqueue_indirect_dma source(%dma_start3A_32 : memref<128x64xf32, #tpu.memory_space<vmem>>) target(%dma_start3A_38 : memref<10240x64xf32, #tpu.memory_space<vmem_shared>>) offsets(%dma_start3A_35 : memref<128xi32, #tpu.memory_space<vmem>>) semaphore(%run_scoped3A_29 : memref<!tpu.dma_semaphore, #tpu.memory_space<semaphore_mem>>) {add = true}
      %dma_wait3A = arith.constant 0 : i32
      %dma_wait3A_39 = arith.constant 0 : i32
      %dma_wait3A_40 = tpu.memref_slice %arg7[%run_scoped3A_10, %dma_wait3A, %dma_wait3A_39] : memref<10x128x64xf32, #tpu.memory_space<vmem>> -> memref<1x128x64xf32, #tpu.memory_space<vmem>>
      %dma_wait3A_41 = tpu.memref_squeeze %dma_wait3A_40 : memref<1x128x64xf32, #tpu.memory_space<vmem>> -> memref<128x64xf32, #tpu.memory_space<vmem>>
      %dma_wait3A_42 = arith.constant 0 : i32
      %dma_wait3A_43 = tpu.memref_slice %arg6[%run_scoped3A_11, %dma_wait3A_42] : memref<10x128xi32, #tpu.memory_space<vmem>> -> memref<1x128xi32, #tpu.memory_space<vmem>>
      %dma_wait3A_44 = tpu.memref_squeeze %dma_wait3A_43 : memref<1x128xi32, #tpu.memory_space<vmem>> -> memref<128xi32, #tpu.memory_space<vmem>>
      %dma_wait3A_45 = arith.constant 0 : i32
      %dma_wait3A_46 = arith.constant 0 : i32
      %dma_wait3A_47 = tpu.memref_slice %arg8[%dma_wait3A_45, %dma_wait3A_46] : memref<10240x64xf32, #tpu.memory_space<vmem_shared>> -> memref<10240x64xf32, #tpu.memory_space<vmem_shared>>
      tpu.wait_indirect_dma semaphore(%run_scoped3A_29 : memref<!tpu.dma_semaphore, #tpu.memory_space<semaphore_mem>>) src(%dma_wait3A_41 : memref<128x64xf32, #tpu.memory_space<vmem>>) dst(%dma_wait3A_47 : memref<10240x64xf32, #tpu.memory_space<vmem_shared>>)
      tpu.yield
    }) : () -> ()
    %run_scoped3A_12 = arith.constant 4 : i32
    %run_scoped3A_13 = arith.constant 4 : i32
    "tpu.region"() ({
      %run_scoped3A_29 = tpu.sem_alloc : memref<!tpu.dma_semaphore, #tpu.memory_space<semaphore_mem>>
      %dma_start3A = arith.constant 0 : i32
      %dma_start3A_30 = arith.constant 0 : i32
      %dma_start3A_31 = tpu.memref_slice %arg7[%run_scoped3A_12, %dma_start3A, %dma_start3A_30] : memref<10x128x64xf32, #tpu.memory_space<vmem>> -> memref<1x128x64xf32, #tpu.memory_space<vmem>>
      %dma_start3A_32 = tpu.memref_squeeze %dma_start3A_31 : memref<1x128x64xf32, #tpu.memory_space<vmem>> -> memref<128x64xf32, #tpu.memory_space<vmem>>
      %dma_start3A_33 = arith.constant 0 : i32
      %dma_start3A_34 = tpu.memref_slice %arg6[%run_scoped3A_13, %dma_start3A_33] : memref<10x128xi32, #tpu.memory_space<vmem>> -> memref<1x128xi32, #tpu.memory_space<vmem>>
      %dma_start3A_35 = tpu.memref_squeeze %dma_start3A_34 : memref<1x128xi32, #tpu.memory_space<vmem>> -> memref<128xi32, #tpu.memory_space<vmem>>
      %dma_start3A_36 = arith.constant 0 : i32
      %dma_start3A_37 = arith.constant 0 : i32
      %dma_start3A_38 = tpu.memref_slice %arg8[%dma_start3A_36, %dma_start3A_37] : memref<10240x64xf32, #tpu.memory_space<vmem_shared>> -> memref<10240x64xf32, #tpu.memory_space<vmem_shared>>
      tpu.enqueue_indirect_dma source(%dma_start3A_32 : memref<128x64xf32, #tpu.memory_space<vmem>>) target(%dma_start3A_38 : memref<10240x64xf32, #tpu.memory_space<vmem_shared>>) offsets(%dma_start3A_35 : memref<128xi32, #tpu.memory_space<vmem>>) semaphore(%run_scoped3A_29 : memref<!tpu.dma_semaphore, #tpu.memory_space<semaphore_mem>>) {add = true}
      %dma_wait3A = arith.constant 0 : i32
      %dma_wait3A_39 = arith.constant 0 : i32
      %dma_wait3A_40 = tpu.memref_slice %arg7[%run_scoped3A_12, %dma_wait3A, %dma_wait3A_39] : memref<10x128x64xf32, #tpu.memory_space<vmem>> -> memref<1x128x64xf32, #tpu.memory_space<vmem>>
      %dma_wait3A_41 = tpu.memref_squeeze %dma_wait3A_40 : memref<1x128x64xf32, #tpu.memory_space<vmem>> -> memref<128x64xf32, #tpu.memory_space<vmem>>
      %dma_wait3A_42 = arith.constant 0 : i32
      %dma_wait3A_43 = tpu.memref_slice %arg6[%run_scoped3A_13, %dma_wait3A_42] : memref<10x128xi32, #tpu.memory_space<vmem>> -> memref<1x128xi32, #tpu.memory_space<vmem>>
      %dma_wait3A_44 = tpu.memref_squeeze %dma_wait3A_43 : memref<1x128xi32, #tpu.memory_space<vmem>> -> memref<128xi32, #tpu.memory_space<vmem>>
      %dma_wait3A_45 = arith.constant 0 : i32
      %dma_wait3A_46 = arith.constant 0 : i32
      %dma_wait3A_47 = tpu.memref_slice %arg8[%dma_wait3A_45, %dma_wait3A_46] : memref<10240x64xf32, #tpu.memory_space<vmem_shared>> -> memref<10240x64xf32, #tpu.memory_space<vmem_shared>>
      tpu.wait_indirect_dma semaphore(%run_scoped3A_29 : memref<!tpu.dma_semaphore, #tpu.memory_space<semaphore_mem>>) src(%dma_wait3A_41 : memref<128x64xf32, #tpu.memory_space<vmem>>) dst(%dma_wait3A_47 : memref<10240x64xf32, #tpu.memory_space<vmem_shared>>)
      tpu.yield
    }) : () -> ()
    %run_scoped3A_14 = arith.constant 5 : i32
    %run_scoped3A_15 = arith.constant 5 : i32
    "tpu.region"() ({
      %run_scoped3A_29 = tpu.sem_alloc : memref<!tpu.dma_semaphore, #tpu.memory_space<semaphore_mem>>
      %dma_start3A = arith.constant 0 : i32
      %dma_start3A_30 = arith.constant 0 : i32
      %dma_start3A_31 = tpu.memref_slice %arg7[%run_scoped3A_14, %dma_start3A, %dma_start3A_30] : memref<10x128x64xf32, #tpu.memory_space<vmem>> -> memref<1x128x64xf32, #tpu.memory_space<vmem>>
      %dma_start3A_32 = tpu.memref_squeeze %dma_start3A_31 : memref<1x128x64xf32, #tpu.memory_space<vmem>> -> memref<128x64xf32, #tpu.memory_space<vmem>>
      %dma_start3A_33 = arith.constant 0 : i32
      %dma_start3A_34 = tpu.memref_slice %arg6[%run_scoped3A_15, %dma_start3A_33] : memref<10x128xi32, #tpu.memory_space<vmem>> -> memref<1x128xi32, #tpu.memory_space<vmem>>
      %dma_start3A_35 = tpu.memref_squeeze %dma_start3A_34 : memref<1x128xi32, #tpu.memory_space<vmem>> -> memref<128xi32, #tpu.memory_space<vmem>>
      %dma_start3A_36 = arith.constant 0 : i32
      %dma_start3A_37 = arith.constant 0 : i32
      %dma_start3A_38 = tpu.memref_slice %arg8[%dma_start3A_36, %dma_start3A_37] : memref<10240x64xf32, #tpu.memory_space<vmem_shared>> -> memref<10240x64xf32, #tpu.memory_space<vmem_shared>>
      tpu.enqueue_indirect_dma source(%dma_start3A_32 : memref<128x64xf32, #tpu.memory_space<vmem>>) target(%dma_start3A_38 : memref<10240x64xf32, #tpu.memory_space<vmem_shared>>) offsets(%dma_start3A_35 : memref<128xi32, #tpu.memory_space<vmem>>) semaphore(%run_scoped3A_29 : memref<!tpu.dma_semaphore, #tpu.memory_space<semaphore_mem>>) {add = true}
      %dma_wait3A = arith.constant 0 : i32
      %dma_wait3A_39 = arith.constant 0 : i32
      %dma_wait3A_40 = tpu.memref_slice %arg7[%run_scoped3A_14, %dma_wait3A, %dma_wait3A_39] : memref<10x128x64xf32, #tpu.memory_space<vmem>> -> memref<1x128x64xf32, #tpu.memory_space<vmem>>
      %dma_wait3A_41 = tpu.memref_squeeze %dma_wait3A_40 : memref<1x128x64xf32, #tpu.memory_space<vmem>> -> memref<128x64xf32, #tpu.memory_space<vmem>>
      %dma_wait3A_42 = arith.constant 0 : i32
      %dma_wait3A_43 = tpu.memref_slice %arg6[%run_scoped3A_15, %dma_wait3A_42] : memref<10x128xi32, #tpu.memory_space<vmem>> -> memref<1x128xi32, #tpu.memory_space<vmem>>
      %dma_wait3A_44 = tpu.memref_squeeze %dma_wait3A_43 : memref<1x128xi32, #tpu.memory_space<vmem>> -> memref<128xi32, #tpu.memory_space<vmem>>
      %dma_wait3A_45 = arith.constant 0 : i32
      %dma_wait3A_46 = arith.constant 0 : i32
      %dma_wait3A_47 = tpu.memref_slice %arg8[%dma_wait3A_45, %dma_wait3A_46] : memref<10240x64xf32, #tpu.memory_space<vmem_shared>> -> memref<10240x64xf32, #tpu.memory_space<vmem_shared>>
      tpu.wait_indirect_dma semaphore(%run_scoped3A_29 : memref<!tpu.dma_semaphore, #tpu.memory_space<semaphore_mem>>) src(%dma_wait3A_41 : memref<128x64xf32, #tpu.memory_space<vmem>>) dst(%dma_wait3A_47 : memref<10240x64xf32, #tpu.memory_space<vmem_shared>>)
      tpu.yield
    }) : () -> ()
    %run_scoped3A_16 = arith.constant 6 : i32
    %run_scoped3A_17 = arith.constant 6 : i32
    "tpu.region"() ({
      %run_scoped3A_29 = tpu.sem_alloc : memref<!tpu.dma_semaphore, #tpu.memory_space<semaphore_mem>>
      %dma_start3A = arith.constant 0 : i32
      %dma_start3A_30 = arith.constant 0 : i32
      %dma_start3A_31 = tpu.memref_slice %arg7[%run_scoped3A_16, %dma_start3A, %dma_start3A_30] : memref<10x128x64xf32, #tpu.memory_space<vmem>> -> memref<1x128x64xf32, #tpu.memory_space<vmem>>
      %dma_start3A_32 = tpu.memref_squeeze %dma_start3A_31 : memref<1x128x64xf32, #tpu.memory_space<vmem>> -> memref<128x64xf32, #tpu.memory_space<vmem>>
      %dma_start3A_33 = arith.constant 0 : i32
      %dma_start3A_34 = tpu.memref_slice %arg6[%run_scoped3A_17, %dma_start3A_33] : memref<10x128xi32, #tpu.memory_space<vmem>> -> memref<1x128xi32, #tpu.memory_space<vmem>>
      %dma_start3A_35 = tpu.memref_squeeze %dma_start3A_34 : memref<1x128xi32, #tpu.memory_space<vmem>> -> memref<128xi32, #tpu.memory_space<vmem>>
      %dma_start3A_36 = arith.constant 0 : i32
      %dma_start3A_37 = arith.constant 0 : i32
      %dma_start3A_38 = tpu.memref_slice %arg8[%dma_start3A_36, %dma_start3A_37] : memref<10240x64xf32, #tpu.memory_space<vmem_shared>> -> memref<10240x64xf32, #tpu.memory_space<vmem_shared>>
      tpu.enqueue_indirect_dma source(%dma_start3A_32 : memref<128x64xf32, #tpu.memory_space<vmem>>) target(%dma_start3A_38 : memref<10240x64xf32, #tpu.memory_space<vmem_shared>>) offsets(%dma_start3A_35 : memref<128xi32, #tpu.memory_space<vmem>>) semaphore(%run_scoped3A_29 : memref<!tpu.dma_semaphore, #tpu.memory_space<semaphore_mem>>) {add = true}
      %dma_wait3A = arith.constant 0 : i32
      %dma_wait3A_39 = arith.constant 0 : i32
      %dma_wait3A_40 = tpu.memref_slice %arg7[%run_scoped3A_16, %dma_wait3A, %dma_wait3A_39] : memref<10x128x64xf32, #tpu.memory_space<vmem>> -> memref<1x128x64xf32, #tpu.memory_space<vmem>>
      %dma_wait3A_41 = tpu.memref_squeeze %dma_wait3A_40 : memref<1x128x64xf32, #tpu.memory_space<vmem>> -> memref<128x64xf32, #tpu.memory_space<vmem>>
      %dma_wait3A_42 = arith.constant 0 : i32
      %dma_wait3A_43 = tpu.memref_slice %arg6[%run_scoped3A_17, %dma_wait3A_42] : memref<10x128xi32, #tpu.memory_space<vmem>> -> memref<1x128xi32, #tpu.memory_space<vmem>>
      %dma_wait3A_44 = tpu.memref_squeeze %dma_wait3A_43 : memref<1x128xi32, #tpu.memory_space<vmem>> -> memref<128xi32, #tpu.memory_space<vmem>>
      %dma_wait3A_45 = arith.constant 0 : i32
      %dma_wait3A_46 = arith.constant 0 : i32
      %dma_wait3A_47 = tpu.memref_slice %arg8[%dma_wait3A_45, %dma_wait3A_46] : memref<10240x64xf32, #tpu.memory_space<vmem_shared>> -> memref<10240x64xf32, #tpu.memory_space<vmem_shared>>
      tpu.wait_indirect_dma semaphore(%run_scoped3A_29 : memref<!tpu.dma_semaphore, #tpu.memory_space<semaphore_mem>>) src(%dma_wait3A_41 : memref<128x64xf32, #tpu.memory_space<vmem>>) dst(%dma_wait3A_47 : memref<10240x64xf32, #tpu.memory_space<vmem_shared>>)
      tpu.yield
    }) : () -> ()
    %run_scoped3A_18 = arith.constant 7 : i32
    %run_scoped3A_19 = arith.constant 7 : i32
    "tpu.region"() ({
      %run_scoped3A_29 = tpu.sem_alloc : memref<!tpu.dma_semaphore, #tpu.memory_space<semaphore_mem>>
      %dma_start3A = arith.constant 0 : i32
      %dma_start3A_30 = arith.constant 0 : i32
      %dma_start3A_31 = tpu.memref_slice %arg7[%run_scoped3A_18, %dma_start3A, %dma_start3A_30] : memref<10x128x64xf32, #tpu.memory_space<vmem>> -> memref<1x128x64xf32, #tpu.memory_space<vmem>>
      %dma_start3A_32 = tpu.memref_squeeze %dma_start3A_31 : memref<1x128x64xf32, #tpu.memory_space<vmem>> -> memref<128x64xf32, #tpu.memory_space<vmem>>
      %dma_start3A_33 = arith.constant 0 : i32
      %dma_start3A_34 = tpu.memref_slice %arg6[%run_scoped3A_19, %dma_start3A_33] : memref<10x128xi32, #tpu.memory_space<vmem>> -> memref<1x128xi32, #tpu.memory_space<vmem>>
      %dma_start3A_35 = tpu.memref_squeeze %dma_start3A_34 : memref<1x128xi32, #tpu.memory_space<vmem>> -> memref<128xi32, #tpu.memory_space<vmem>>
      %dma_start3A_36 = arith.constant 0 : i32
      %dma_start3A_37 = arith.constant 0 : i32
      %dma_start3A_38 = tpu.memref_slice %arg8[%dma_start3A_36, %dma_start3A_37] : memref<10240x64xf32, #tpu.memory_space<vmem_shared>> -> memref<10240x64xf32, #tpu.memory_space<vmem_shared>>
      tpu.enqueue_indirect_dma source(%dma_start3A_32 : memref<128x64xf32, #tpu.memory_space<vmem>>) target(%dma_start3A_38 : memref<10240x64xf32, #tpu.memory_space<vmem_shared>>) offsets(%dma_start3A_35 : memref<128xi32, #tpu.memory_space<vmem>>) semaphore(%run_scoped3A_29 : memref<!tpu.dma_semaphore, #tpu.memory_space<semaphore_mem>>) {add = true}
      %dma_wait3A = arith.constant 0 : i32
      %dma_wait3A_39 = arith.constant 0 : i32
      %dma_wait3A_40 = tpu.memref_slice %arg7[%run_scoped3A_18, %dma_wait3A, %dma_wait3A_39] : memref<10x128x64xf32, #tpu.memory_space<vmem>> -> memref<1x128x64xf32, #tpu.memory_space<vmem>>
      %dma_wait3A_41 = tpu.memref_squeeze %dma_wait3A_40 : memref<1x128x64xf32, #tpu.memory_space<vmem>> -> memref<128x64xf32, #tpu.memory_space<vmem>>
      %dma_wait3A_42 = arith.constant 0 : i32
      %dma_wait3A_43 = tpu.memref_slice %arg6[%run_scoped3A_19, %dma_wait3A_42] : memref<10x128xi32, #tpu.memory_space<vmem>> -> memref<1x128xi32, #tpu.memory_space<vmem>>
      %dma_wait3A_44 = tpu.memref_squeeze %dma_wait3A_43 : memref<1x128xi32, #tpu.memory_space<vmem>> -> memref<128xi32, #tpu.memory_space<vmem>>
      %dma_wait3A_45 = arith.constant 0 : i32
      %dma_wait3A_46 = arith.constant 0 : i32
      %dma_wait3A_47 = tpu.memref_slice %arg8[%dma_wait3A_45, %dma_wait3A_46] : memref<10240x64xf32, #tpu.memory_space<vmem_shared>> -> memref<10240x64xf32, #tpu.memory_space<vmem_shared>>
      tpu.wait_indirect_dma semaphore(%run_scoped3A_29 : memref<!tpu.dma_semaphore, #tpu.memory_space<semaphore_mem>>) src(%dma_wait3A_41 : memref<128x64xf32, #tpu.memory_space<vmem>>) dst(%dma_wait3A_47 : memref<10240x64xf32, #tpu.memory_space<vmem_shared>>)
      tpu.yield
    }) : () -> ()
    %run_scoped3A_20 = arith.constant 8 : i32
    %run_scoped3A_21 = arith.constant 8 : i32
    "tpu.region"() ({
      %run_scoped3A_29 = tpu.sem_alloc : memref<!tpu.dma_semaphore, #tpu.memory_space<semaphore_mem>>
      %dma_start3A = arith.constant 0 : i32
      %dma_start3A_30 = arith.constant 0 : i32
      %dma_start3A_31 = tpu.memref_slice %arg7[%run_scoped3A_20, %dma_start3A, %dma_start3A_30] : memref<10x128x64xf32, #tpu.memory_space<vmem>> -> memref<1x128x64xf32, #tpu.memory_space<vmem>>
      %dma_start3A_32 = tpu.memref_squeeze %dma_start3A_31 : memref<1x128x64xf32, #tpu.memory_space<vmem>> -> memref<128x64xf32, #tpu.memory_space<vmem>>
      %dma_start3A_33 = arith.constant 0 : i32
      %dma_start3A_34 = tpu.memref_slice %arg6[%run_scoped3A_21, %dma_start3A_33] : memref<10x128xi32, #tpu.memory_space<vmem>> -> memref<1x128xi32, #tpu.memory_space<vmem>>
      %dma_start3A_35 = tpu.memref_squeeze %dma_start3A_34 : memref<1x128xi32, #tpu.memory_space<vmem>> -> memref<128xi32, #tpu.memory_space<vmem>>
      %dma_start3A_36 = arith.constant 0 : i32
      %dma_start3A_37 = arith.constant 0 : i32
      %dma_start3A_38 = tpu.memref_slice %arg8[%dma_start3A_36, %dma_start3A_37] : memref<10240x64xf32, #tpu.memory_space<vmem_shared>> -> memref<10240x64xf32, #tpu.memory_space<vmem_shared>>
      tpu.enqueue_indirect_dma source(%dma_start3A_32 : memref<128x64xf32, #tpu.memory_space<vmem>>) target(%dma_start3A_38 : memref<10240x64xf32, #tpu.memory_space<vmem_shared>>) offsets(%dma_start3A_35 : memref<128xi32, #tpu.memory_space<vmem>>) semaphore(%run_scoped3A_29 : memref<!tpu.dma_semaphore, #tpu.memory_space<semaphore_mem>>) {add = true}
      %dma_wait3A = arith.constant 0 : i32
      %dma_wait3A_39 = arith.constant 0 : i32
      %dma_wait3A_40 = tpu.memref_slice %arg7[%run_scoped3A_20, %dma_wait3A, %dma_wait3A_39] : memref<10x128x64xf32, #tpu.memory_space<vmem>> -> memref<1x128x64xf32, #tpu.memory_space<vmem>>
      %dma_wait3A_41 = tpu.memref_squeeze %dma_wait3A_40 : memref<1x128x64xf32, #tpu.memory_space<vmem>> -> memref<128x64xf32, #tpu.memory_space<vmem>>
      %dma_wait3A_42 = arith.constant 0 : i32
      %dma_wait3A_43 = tpu.memref_slice %arg6[%run_scoped3A_21, %dma_wait3A_42] : memref<10x128xi32, #tpu.memory_space<vmem>> -> memref<1x128xi32, #tpu.memory_space<vmem>>
      %dma_wait3A_44 = tpu.memref_squeeze %dma_wait3A_43 : memref<1x128xi32, #tpu.memory_space<vmem>> -> memref<128xi32, #tpu.memory_space<vmem>>
      %dma_wait3A_45 = arith.constant 0 : i32
      %dma_wait3A_46 = arith.constant 0 : i32
      %dma_wait3A_47 = tpu.memref_slice %arg8[%dma_wait3A_45, %dma_wait3A_46] : memref<10240x64xf32, #tpu.memory_space<vmem_shared>> -> memref<10240x64xf32, #tpu.memory_space<vmem_shared>>
      tpu.wait_indirect_dma semaphore(%run_scoped3A_29 : memref<!tpu.dma_semaphore, #tpu.memory_space<semaphore_mem>>) src(%dma_wait3A_41 : memref<128x64xf32, #tpu.memory_space<vmem>>) dst(%dma_wait3A_47 : memref<10240x64xf32, #tpu.memory_space<vmem_shared>>)
      tpu.yield
    }) : () -> ()
    %run_scoped3A_22 = arith.constant 9 : i32
    %run_scoped3A_23 = arith.constant 9 : i32
    "tpu.region"() ({
      %run_scoped3A_29 = tpu.sem_alloc : memref<!tpu.dma_semaphore, #tpu.memory_space<semaphore_mem>>
      %dma_start3A = arith.constant 0 : i32
      %dma_start3A_30 = arith.constant 0 : i32
      %dma_start3A_31 = tpu.memref_slice %arg7[%run_scoped3A_22, %dma_start3A, %dma_start3A_30] : memref<10x128x64xf32, #tpu.memory_space<vmem>> -> memref<1x128x64xf32, #tpu.memory_space<vmem>>
      %dma_start3A_32 = tpu.memref_squeeze %dma_start3A_31 : memref<1x128x64xf32, #tpu.memory_space<vmem>> -> memref<128x64xf32, #tpu.memory_space<vmem>>
      %dma_start3A_33 = arith.constant 0 : i32
      %dma_start3A_34 = tpu.memref_slice %arg6[%run_scoped3A_23, %dma_start3A_33] : memref<10x128xi32, #tpu.memory_space<vmem>> -> memref<1x128xi32, #tpu.memory_space<vmem>>
      %dma_start3A_35 = tpu.memref_squeeze %dma_start3A_34 : memref<1x128xi32, #tpu.memory_space<vmem>> -> memref<128xi32, #tpu.memory_space<vmem>>
      %dma_start3A_36 = arith.constant 0 : i32
      %dma_start3A_37 = arith.constant 0 : i32
      %dma_start3A_38 = tpu.memref_slice %arg8[%dma_start3A_36, %dma_start3A_37] : memref<10240x64xf32, #tpu.memory_space<vmem_shared>> -> memref<10240x64xf32, #tpu.memory_space<vmem_shared>>
      tpu.enqueue_indirect_dma source(%dma_start3A_32 : memref<128x64xf32, #tpu.memory_space<vmem>>) target(%dma_start3A_38 : memref<10240x64xf32, #tpu.memory_space<vmem_shared>>) offsets(%dma_start3A_35 : memref<128xi32, #tpu.memory_space<vmem>>) semaphore(%run_scoped3A_29 : memref<!tpu.dma_semaphore, #tpu.memory_space<semaphore_mem>>) {add = true}
      %dma_wait3A = arith.constant 0 : i32
      %dma_wait3A_39 = arith.constant 0 : i32
      %dma_wait3A_40 = tpu.memref_slice %arg7[%run_scoped3A_22, %dma_wait3A, %dma_wait3A_39] : memref<10x128x64xf32, #tpu.memory_space<vmem>> -> memref<1x128x64xf32, #tpu.memory_space<vmem>>
      %dma_wait3A_41 = tpu.memref_squeeze %dma_wait3A_40 : memref<1x128x64xf32, #tpu.memory_space<vmem>> -> memref<128x64xf32, #tpu.memory_space<vmem>>
      %dma_wait3A_42 = arith.constant 0 : i32
      %dma_wait3A_43 = tpu.memref_slice %arg6[%run_scoped3A_23, %dma_wait3A_42] : memref<10x128xi32, #tpu.memory_space<vmem>> -> memref<1x128xi32, #tpu.memory_space<vmem>>
      %dma_wait3A_44 = tpu.memref_squeeze %dma_wait3A_43 : memref<1x128xi32, #tpu.memory_space<vmem>> -> memref<128xi32, #tpu.memory_space<vmem>>
      %dma_wait3A_45 = arith.constant 0 : i32
      %dma_wait3A_46 = arith.constant 0 : i32
      %dma_wait3A_47 = tpu.memref_slice %arg8[%dma_wait3A_45, %dma_wait3A_46] : memref<10240x64xf32, #tpu.memory_space<vmem_shared>> -> memref<10240x64xf32, #tpu.memory_space<vmem_shared>>
      tpu.wait_indirect_dma semaphore(%run_scoped3A_29 : memref<!tpu.dma_semaphore, #tpu.memory_space<semaphore_mem>>) src(%dma_wait3A_41 : memref<128x64xf32, #tpu.memory_space<vmem>>) dst(%dma_wait3A_47 : memref<10240x64xf32, #tpu.memory_space<vmem_shared>>)
      tpu.yield
    }) : () -> ()
    %barrier3A_24 = arith.constant 0 : index
    tpu.barrier barrier_id(%barrier3A_24)
    %mul3A_25 = arith.constant 640 : i32
    %mul3A_26 = arith.muli %arg1, %mul3A_25 : i32
    %mul3A_27 = arith.constant 640 : i32
    %mul3A_28 = arith.muli %arg1, %mul3A_27 : i32
    "tpu.region"() ({
      %run_scoped3A_29 = tpu.sem_alloc : memref<!tpu.dma_semaphore, #tpu.memory_space<semaphore_mem>>
      %dma_start3A = arith.constant 0 : i32
      %dma_start3A_30 = arith.constant 0 : i32
      %dma_start3A_31 = tpu.memref_slice %arg5[%arg0, %dma_start3A, %dma_start3A_30] : memref<2x10240x64xf32, #tpu.memory_space<hbm>> -> memref<1x10240x64xf32, #tpu.memory_space<hbm>>
      %dma_start3A_32 = tpu.memref_squeeze %dma_start3A_31 : memref<1x10240x64xf32, #tpu.memory_space<hbm>> -> memref<10240x64xf32, #tpu.memory_space<hbm>>
      %dma_start3A_33 = arith.constant 0 : i32
      %dma_start3A_34 = tpu.memref_slice %dma_start3A_32[%mul3A_28, %dma_start3A_33] : memref<10240x64xf32, #tpu.memory_space<hbm>> -> memref<640x64xf32, #tpu.memory_space<hbm>>
      %dma_start3A_35 = arith.constant 0 : i32
      %dma_start3A_36 = tpu.memref_slice %arg8[%mul3A_26, %dma_start3A_35] : memref<10240x64xf32, #tpu.memory_space<vmem_shared>> -> memref<640x64xf32, #tpu.memory_space<vmem_shared>>
      tpu.enqueue_dma source(%dma_start3A_36 : memref<640x64xf32, #tpu.memory_space<vmem_shared>>) target(%dma_start3A_34 : memref<640x64xf32, #tpu.memory_space<hbm>>) target_semaphore(%run_scoped3A_29 : memref<!tpu.dma_semaphore, #tpu.memory_space<semaphore_mem>>)
      %dma_wait3A = arith.constant 0 : i32
      %dma_wait3A_37 = arith.constant 0 : i32
      %dma_wait3A_38 = tpu.memref_slice %arg5[%arg0, %dma_wait3A, %dma_wait3A_37] : memref<2x10240x64xf32, #tpu.memory_space<hbm>> -> memref<1x10240x64xf32, #tpu.memory_space<hbm>>
      %dma_wait3A_39 = tpu.memref_squeeze %dma_wait3A_38 : memref<1x10240x64xf32, #tpu.memory_space<hbm>> -> memref<10240x64xf32, #tpu.memory_space<hbm>>
      %dma_wait3A_40 = arith.constant 0 : i32
      %dma_wait3A_41 = tpu.memref_slice %dma_wait3A_39[%mul3A_28, %dma_wait3A_40] : memref<10240x64xf32, #tpu.memory_space<hbm>> -> memref<640x64xf32, #tpu.memory_space<hbm>>
      %dma_wait3A_42 = arith.constant 0 : i32
      %dma_wait3A_43 = tpu.memref_slice %arg8[%mul3A_26, %dma_wait3A_42] : memref<10240x64xf32, #tpu.memory_space<vmem_shared>> -> memref<640x64xf32, #tpu.memory_space<vmem_shared>>
      tpu.wait_dma2 semaphore(%run_scoped3A_29 : memref<!tpu.dma_semaphore, #tpu.memory_space<semaphore_mem>>) src(%dma_wait3A_43 : memref<640x64xf32, #tpu.memory_space<vmem_shared>>) dst(%dma_wait3A_41 : memref<640x64xf32, #tpu.memory_space<hbm>>)
      tpu.yield
    }) : () -> ()
    return
  }
}

#map = affine_map<(d0, d1) -> (0, 0)>
#map1 = affine_map<(d0, d1) -> (0, 0, 0)>
#map2 = affine_map<(d0, d1) -> (0, 0, 0, 0)>
module attributes {stable_mosaic.version = 14 : i64} {
  func.func @k(%arg0: i32, %arg1: i32, %arg2: memref<10240x64xf32, #tpu.memory_space<hbm>>, %arg3: memref<32x10x128xi32, #tpu.memory_space<hbm>>, %arg4: memref<32x10x128x64xf32, #tpu.memory_space<hbm>>, %arg5: memref<10x128xi32, #tpu.memory_space<vmem>>, %arg6: memref<10x128x64xf32, #tpu.memory_space<vmem>>, %arg7: memref<!tpu.dma_semaphore, #tpu.memory_space<semaphore_mem>>) attributes {dimension_semantics = [#tpu.dimension_semantics<core_parallel>, #tpu.dimension_semantics<subcore_parallel>], iteration_bounds = array<i64: 2, 16>, scalar_prefetch = 0 : i64, scratch_operands = 3 : i64, tpu.core_type = #tpu.core_type<sc_vector_subcore>, window_params = [{transform_indices = #map}, {transform_indices = #map1}, {transform_indices = #map2}]} {
    %mul3A = arith.constant 2 : i32
    %mul3A_0 = arith.muli %arg1, %mul3A : i32
    %add3A = arith.addi %mul3A_0, %arg0 : i32
    "tpu.region"() ({
      %run_scoped3A = tpu.sem_alloc : memref<!tpu.dma_semaphore, #tpu.memory_space<semaphore_mem>>
      %dma_start3A_239 = arith.constant 0 : i32
      %dma_start3A_240 = arith.constant 0 : i32
      %dma_start3A_241 = tpu.memref_slice %arg3[%add3A, %dma_start3A_239, %dma_start3A_240] : memref<32x10x128xi32, #tpu.memory_space<hbm>> -> memref<1x10x128xi32, #tpu.memory_space<hbm>>
      %dma_start3A_242 = tpu.memref_squeeze %dma_start3A_241 : memref<1x10x128xi32, #tpu.memory_space<hbm>> -> memref<10x128xi32, #tpu.memory_space<hbm>>
      %dma_start3A_243 = arith.constant 0 : i32
      %dma_start3A_244 = arith.constant 0 : i32
      %dma_start3A_245 = tpu.memref_slice %arg3[%add3A, %dma_start3A_243, %dma_start3A_244] : memref<32x10x128xi32, #tpu.memory_space<hbm>> -> memref<1x10x128xi32, #tpu.memory_space<hbm>>
      %dma_start3A_246 = tpu.memref_squeeze %dma_start3A_245 : memref<1x10x128xi32, #tpu.memory_space<hbm>> -> memref<10x128xi32, #tpu.memory_space<hbm>>
      tpu.enqueue_dma source(%dma_start3A_246 : memref<10x128xi32, #tpu.memory_space<hbm>>) target(%arg5 : memref<10x128xi32, #tpu.memory_space<vmem>>) target_semaphore(%run_scoped3A : memref<!tpu.dma_semaphore, #tpu.memory_space<semaphore_mem>>)
      %dma_wait3A_247 = arith.constant 0 : i32
      %dma_wait3A_248 = arith.constant 0 : i32
      %dma_wait3A_249 = tpu.memref_slice %arg3[%add3A, %dma_wait3A_247, %dma_wait3A_248] : memref<32x10x128xi32, #tpu.memory_space<hbm>> -> memref<1x10x128xi32, #tpu.memory_space<hbm>>
      %dma_wait3A_250 = tpu.memref_squeeze %dma_wait3A_249 : memref<1x10x128xi32, #tpu.memory_space<hbm>> -> memref<10x128xi32, #tpu.memory_space<hbm>>
      %dma_wait3A_251 = arith.constant 0 : i32
      %dma_wait3A_252 = arith.constant 0 : i32
      %dma_wait3A_253 = tpu.memref_slice %arg3[%add3A, %dma_wait3A_251, %dma_wait3A_252] : memref<32x10x128xi32, #tpu.memory_space<hbm>> -> memref<1x10x128xi32, #tpu.memory_space<hbm>>
      %dma_wait3A_254 = tpu.memref_squeeze %dma_wait3A_253 : memref<1x10x128xi32, #tpu.memory_space<hbm>> -> memref<10x128xi32, #tpu.memory_space<hbm>>
      tpu.wait_dma2 semaphore(%run_scoped3A : memref<!tpu.dma_semaphore, #tpu.memory_space<semaphore_mem>>) src(%dma_wait3A_254 : memref<10x128xi32, #tpu.memory_space<hbm>>) dst(%arg5 : memref<10x128xi32, #tpu.memory_space<vmem>>)
      tpu.yield
    }) : () -> ()
    %dma_start3A = arith.constant 0 : i32
    %dma_start3A_1 = arith.constant 0 : i32
    %dma_start3A_2 = arith.constant 0 : i32
    %dma_start3A_3 = arith.constant 0 : i32
    %dma_start3A_4 = tpu.memref_slice %arg6[%dma_start3A_1, %dma_start3A_2, %dma_start3A_3] : memref<10x128x64xf32, #tpu.memory_space<vmem>> -> memref<1x128x64xf32, #tpu.memory_space<vmem>>
    %dma_start3A_5 = tpu.memref_squeeze %dma_start3A_4 : memref<1x128x64xf32, #tpu.memory_space<vmem>> -> memref<128x64xf32, #tpu.memory_space<vmem>>
    %dma_start3A_6 = arith.constant 0 : i32
    %dma_start3A_7 = tpu.memref_slice %arg5[%dma_start3A, %dma_start3A_6] : memref<10x128xi32, #tpu.memory_space<vmem>> -> memref<1x128xi32, #tpu.memory_space<vmem>>
    %dma_start3A_8 = tpu.memref_squeeze %dma_start3A_7 : memref<1x128xi32, #tpu.memory_space<vmem>> -> memref<128xi32, #tpu.memory_space<vmem>>
    %dma_start3A_9 = arith.constant 0 : i32
    %dma_start3A_10 = arith.constant 0 : i32
    %dma_start3A_11 = tpu.memref_slice %arg2[%dma_start3A_9, %dma_start3A_10] : memref<10240x64xf32, #tpu.memory_space<hbm>> -> memref<10240x64xf32, #tpu.memory_space<hbm>>
    tpu.enqueue_indirect_dma source(%dma_start3A_11 : memref<10240x64xf32, #tpu.memory_space<hbm>>) target(%dma_start3A_5 : memref<128x64xf32, #tpu.memory_space<vmem>>) offsets(%dma_start3A_8 : memref<128xi32, #tpu.memory_space<vmem>>) semaphore(%arg7 : memref<!tpu.dma_semaphore, #tpu.memory_space<semaphore_mem>>)
    %dma_start3A_12 = arith.constant 1 : i32
    %dma_start3A_13 = arith.constant 1 : i32
    %dma_start3A_14 = arith.constant 0 : i32
    %dma_start3A_15 = arith.constant 0 : i32
    %dma_start3A_16 = tpu.memref_slice %arg6[%dma_start3A_13, %dma_start3A_14, %dma_start3A_15] : memref<10x128x64xf32, #tpu.memory_space<vmem>> -> memref<1x128x64xf32, #tpu.memory_space<vmem>>
    %dma_start3A_17 = tpu.memref_squeeze %dma_start3A_16 : memref<1x128x64xf32, #tpu.memory_space<vmem>> -> memref<128x64xf32, #tpu.memory_space<vmem>>
    %dma_start3A_18 = arith.constant 0 : i32
    %dma_start3A_19 = tpu.memref_slice %arg5[%dma_start3A_12, %dma_start3A_18] : memref<10x128xi32, #tpu.memory_space<vmem>> -> memref<1x128xi32, #tpu.memory_space<vmem>>
    %dma_start3A_20 = tpu.memref_squeeze %dma_start3A_19 : memref<1x128xi32, #tpu.memory_space<vmem>> -> memref<128xi32, #tpu.memory_space<vmem>>
    %dma_start3A_21 = arith.constant 0 : i32
    %dma_start3A_22 = arith.constant 0 : i32
    %dma_start3A_23 = tpu.memref_slice %arg2[%dma_start3A_21, %dma_start3A_22] : memref<10240x64xf32, #tpu.memory_space<hbm>> -> memref<10240x64xf32, #tpu.memory_space<hbm>>
    tpu.enqueue_indirect_dma source(%dma_start3A_23 : memref<10240x64xf32, #tpu.memory_space<hbm>>) target(%dma_start3A_17 : memref<128x64xf32, #tpu.memory_space<vmem>>) offsets(%dma_start3A_20 : memref<128xi32, #tpu.memory_space<vmem>>) semaphore(%arg7 : memref<!tpu.dma_semaphore, #tpu.memory_space<semaphore_mem>>)
    %dma_start3A_24 = arith.constant 2 : i32
    %dma_start3A_25 = arith.constant 2 : i32
    %dma_start3A_26 = arith.constant 0 : i32
    %dma_start3A_27 = arith.constant 0 : i32
    %dma_start3A_28 = tpu.memref_slice %arg6[%dma_start3A_25, %dma_start3A_26, %dma_start3A_27] : memref<10x128x64xf32, #tpu.memory_space<vmem>> -> memref<1x128x64xf32, #tpu.memory_space<vmem>>
    %dma_start3A_29 = tpu.memref_squeeze %dma_start3A_28 : memref<1x128x64xf32, #tpu.memory_space<vmem>> -> memref<128x64xf32, #tpu.memory_space<vmem>>
    %dma_start3A_30 = arith.constant 0 : i32
    %dma_start3A_31 = tpu.memref_slice %arg5[%dma_start3A_24, %dma_start3A_30] : memref<10x128xi32, #tpu.memory_space<vmem>> -> memref<1x128xi32, #tpu.memory_space<vmem>>
    %dma_start3A_32 = tpu.memref_squeeze %dma_start3A_31 : memref<1x128xi32, #tpu.memory_space<vmem>> -> memref<128xi32, #tpu.memory_space<vmem>>
    %dma_start3A_33 = arith.constant 0 : i32
    %dma_start3A_34 = arith.constant 0 : i32
    %dma_start3A_35 = tpu.memref_slice %arg2[%dma_start3A_33, %dma_start3A_34] : memref<10240x64xf32, #tpu.memory_space<hbm>> -> memref<10240x64xf32, #tpu.memory_space<hbm>>
    tpu.enqueue_indirect_dma source(%dma_start3A_35 : memref<10240x64xf32, #tpu.memory_space<hbm>>) target(%dma_start3A_29 : memref<128x64xf32, #tpu.memory_space<vmem>>) offsets(%dma_start3A_32 : memref<128xi32, #tpu.memory_space<vmem>>) semaphore(%arg7 : memref<!tpu.dma_semaphore, #tpu.memory_space<semaphore_mem>>)
    %dma_start3A_36 = arith.constant 3 : i32
    %dma_start3A_37 = arith.constant 3 : i32
    %dma_start3A_38 = arith.constant 0 : i32
    %dma_start3A_39 = arith.constant 0 : i32
    %dma_start3A_40 = tpu.memref_slice %arg6[%dma_start3A_37, %dma_start3A_38, %dma_start3A_39] : memref<10x128x64xf32, #tpu.memory_space<vmem>> -> memref<1x128x64xf32, #tpu.memory_space<vmem>>
    %dma_start3A_41 = tpu.memref_squeeze %dma_start3A_40 : memref<1x128x64xf32, #tpu.memory_space<vmem>> -> memref<128x64xf32, #tpu.memory_space<vmem>>
    %dma_start3A_42 = arith.constant 0 : i32
    %dma_start3A_43 = tpu.memref_slice %arg5[%dma_start3A_36, %dma_start3A_42] : memref<10x128xi32, #tpu.memory_space<vmem>> -> memref<1x128xi32, #tpu.memory_space<vmem>>
    %dma_start3A_44 = tpu.memref_squeeze %dma_start3A_43 : memref<1x128xi32, #tpu.memory_space<vmem>> -> memref<128xi32, #tpu.memory_space<vmem>>
    %dma_start3A_45 = arith.constant 0 : i32
    %dma_start3A_46 = arith.constant 0 : i32
    %dma_start3A_47 = tpu.memref_slice %arg2[%dma_start3A_45, %dma_start3A_46] : memref<10240x64xf32, #tpu.memory_space<hbm>> -> memref<10240x64xf32, #tpu.memory_space<hbm>>
    tpu.enqueue_indirect_dma source(%dma_start3A_47 : memref<10240x64xf32, #tpu.memory_space<hbm>>) target(%dma_start3A_41 : memref<128x64xf32, #tpu.memory_space<vmem>>) offsets(%dma_start3A_44 : memref<128xi32, #tpu.memory_space<vmem>>) semaphore(%arg7 : memref<!tpu.dma_semaphore, #tpu.memory_space<semaphore_mem>>)
    %dma_start3A_48 = arith.constant 4 : i32
    %dma_start3A_49 = arith.constant 4 : i32
    %dma_start3A_50 = arith.constant 0 : i32
    %dma_start3A_51 = arith.constant 0 : i32
    %dma_start3A_52 = tpu.memref_slice %arg6[%dma_start3A_49, %dma_start3A_50, %dma_start3A_51] : memref<10x128x64xf32, #tpu.memory_space<vmem>> -> memref<1x128x64xf32, #tpu.memory_space<vmem>>
    %dma_start3A_53 = tpu.memref_squeeze %dma_start3A_52 : memref<1x128x64xf32, #tpu.memory_space<vmem>> -> memref<128x64xf32, #tpu.memory_space<vmem>>
    %dma_start3A_54 = arith.constant 0 : i32
    %dma_start3A_55 = tpu.memref_slice %arg5[%dma_start3A_48, %dma_start3A_54] : memref<10x128xi32, #tpu.memory_space<vmem>> -> memref<1x128xi32, #tpu.memory_space<vmem>>
    %dma_start3A_56 = tpu.memref_squeeze %dma_start3A_55 : memref<1x128xi32, #tpu.memory_space<vmem>> -> memref<128xi32, #tpu.memory_space<vmem>>
    %dma_start3A_57 = arith.constant 0 : i32
    %dma_start3A_58 = arith.constant 0 : i32
    %dma_start3A_59 = tpu.memref_slice %arg2[%dma_start3A_57, %dma_start3A_58] : memref<10240x64xf32, #tpu.memory_space<hbm>> -> memref<10240x64xf32, #tpu.memory_space<hbm>>
    tpu.enqueue_indirect_dma source(%dma_start3A_59 : memref<10240x64xf32, #tpu.memory_space<hbm>>) target(%dma_start3A_53 : memref<128x64xf32, #tpu.memory_space<vmem>>) offsets(%dma_start3A_56 : memref<128xi32, #tpu.memory_space<vmem>>) semaphore(%arg7 : memref<!tpu.dma_semaphore, #tpu.memory_space<semaphore_mem>>)
    %dma_start3A_60 = arith.constant 5 : i32
    %dma_start3A_61 = arith.constant 5 : i32
    %dma_start3A_62 = arith.constant 0 : i32
    %dma_start3A_63 = arith.constant 0 : i32
    %dma_start3A_64 = tpu.memref_slice %arg6[%dma_start3A_61, %dma_start3A_62, %dma_start3A_63] : memref<10x128x64xf32, #tpu.memory_space<vmem>> -> memref<1x128x64xf32, #tpu.memory_space<vmem>>
    %dma_start3A_65 = tpu.memref_squeeze %dma_start3A_64 : memref<1x128x64xf32, #tpu.memory_space<vmem>> -> memref<128x64xf32, #tpu.memory_space<vmem>>
    %dma_start3A_66 = arith.constant 0 : i32
    %dma_start3A_67 = tpu.memref_slice %arg5[%dma_start3A_60, %dma_start3A_66] : memref<10x128xi32, #tpu.memory_space<vmem>> -> memref<1x128xi32, #tpu.memory_space<vmem>>
    %dma_start3A_68 = tpu.memref_squeeze %dma_start3A_67 : memref<1x128xi32, #tpu.memory_space<vmem>> -> memref<128xi32, #tpu.memory_space<vmem>>
    %dma_start3A_69 = arith.constant 0 : i32
    %dma_start3A_70 = arith.constant 0 : i32
    %dma_start3A_71 = tpu.memref_slice %arg2[%dma_start3A_69, %dma_start3A_70] : memref<10240x64xf32, #tpu.memory_space<hbm>> -> memref<10240x64xf32, #tpu.memory_space<hbm>>
    tpu.enqueue_indirect_dma source(%dma_start3A_71 : memref<10240x64xf32, #tpu.memory_space<hbm>>) target(%dma_start3A_65 : memref<128x64xf32, #tpu.memory_space<vmem>>) offsets(%dma_start3A_68 : memref<128xi32, #tpu.memory_space<vmem>>) semaphore(%arg7 : memref<!tpu.dma_semaphore, #tpu.memory_space<semaphore_mem>>)
    %dma_start3A_72 = arith.constant 6 : i32
    %dma_start3A_73 = arith.constant 6 : i32
    %dma_start3A_74 = arith.constant 0 : i32
    %dma_start3A_75 = arith.constant 0 : i32
    %dma_start3A_76 = tpu.memref_slice %arg6[%dma_start3A_73, %dma_start3A_74, %dma_start3A_75] : memref<10x128x64xf32, #tpu.memory_space<vmem>> -> memref<1x128x64xf32, #tpu.memory_space<vmem>>
    %dma_start3A_77 = tpu.memref_squeeze %dma_start3A_76 : memref<1x128x64xf32, #tpu.memory_space<vmem>> -> memref<128x64xf32, #tpu.memory_space<vmem>>
    %dma_start3A_78 = arith.constant 0 : i32
    %dma_start3A_79 = tpu.memref_slice %arg5[%dma_start3A_72, %dma_start3A_78] : memref<10x128xi32, #tpu.memory_space<vmem>> -> memref<1x128xi32, #tpu.memory_space<vmem>>
    %dma_start3A_80 = tpu.memref_squeeze %dma_start3A_79 : memref<1x128xi32, #tpu.memory_space<vmem>> -> memref<128xi32, #tpu.memory_space<vmem>>
    %dma_start3A_81 = arith.constant 0 : i32
    %dma_start3A_82 = arith.constant 0 : i32
    %dma_start3A_83 = tpu.memref_slice %arg2[%dma_start3A_81, %dma_start3A_82] : memref<10240x64xf32, #tpu.memory_space<hbm>> -> memref<10240x64xf32, #tpu.memory_space<hbm>>
    tpu.enqueue_indirect_dma source(%dma_start3A_83 : memref<10240x64xf32, #tpu.memory_space<hbm>>) target(%dma_start3A_77 : memref<128x64xf32, #tpu.memory_space<vmem>>) offsets(%dma_start3A_80 : memref<128xi32, #tpu.memory_space<vmem>>) semaphore(%arg7 : memref<!tpu.dma_semaphore, #tpu.memory_space<semaphore_mem>>)
    %dma_start3A_84 = arith.constant 7 : i32
    %dma_start3A_85 = arith.constant 7 : i32
    %dma_start3A_86 = arith.constant 0 : i32
    %dma_start3A_87 = arith.constant 0 : i32
    %dma_start3A_88 = tpu.memref_slice %arg6[%dma_start3A_85, %dma_start3A_86, %dma_start3A_87] : memref<10x128x64xf32, #tpu.memory_space<vmem>> -> memref<1x128x64xf32, #tpu.memory_space<vmem>>
    %dma_start3A_89 = tpu.memref_squeeze %dma_start3A_88 : memref<1x128x64xf32, #tpu.memory_space<vmem>> -> memref<128x64xf32, #tpu.memory_space<vmem>>
    %dma_start3A_90 = arith.constant 0 : i32
    %dma_start3A_91 = tpu.memref_slice %arg5[%dma_start3A_84, %dma_start3A_90] : memref<10x128xi32, #tpu.memory_space<vmem>> -> memref<1x128xi32, #tpu.memory_space<vmem>>
    %dma_start3A_92 = tpu.memref_squeeze %dma_start3A_91 : memref<1x128xi32, #tpu.memory_space<vmem>> -> memref<128xi32, #tpu.memory_space<vmem>>
    %dma_start3A_93 = arith.constant 0 : i32
    %dma_start3A_94 = arith.constant 0 : i32
    %dma_start3A_95 = tpu.memref_slice %arg2[%dma_start3A_93, %dma_start3A_94] : memref<10240x64xf32, #tpu.memory_space<hbm>> -> memref<10240x64xf32, #tpu.memory_space<hbm>>
    tpu.enqueue_indirect_dma source(%dma_start3A_95 : memref<10240x64xf32, #tpu.memory_space<hbm>>) target(%dma_start3A_89 : memref<128x64xf32, #tpu.memory_space<vmem>>) offsets(%dma_start3A_92 : memref<128xi32, #tpu.memory_space<vmem>>) semaphore(%arg7 : memref<!tpu.dma_semaphore, #tpu.memory_space<semaphore_mem>>)
    %dma_start3A_96 = arith.constant 8 : i32
    %dma_start3A_97 = arith.constant 8 : i32
    %dma_start3A_98 = arith.constant 0 : i32
    %dma_start3A_99 = arith.constant 0 : i32
    %dma_start3A_100 = tpu.memref_slice %arg6[%dma_start3A_97, %dma_start3A_98, %dma_start3A_99] : memref<10x128x64xf32, #tpu.memory_space<vmem>> -> memref<1x128x64xf32, #tpu.memory_space<vmem>>
    %dma_start3A_101 = tpu.memref_squeeze %dma_start3A_100 : memref<1x128x64xf32, #tpu.memory_space<vmem>> -> memref<128x64xf32, #tpu.memory_space<vmem>>
    %dma_start3A_102 = arith.constant 0 : i32
    %dma_start3A_103 = tpu.memref_slice %arg5[%dma_start3A_96, %dma_start3A_102] : memref<10x128xi32, #tpu.memory_space<vmem>> -> memref<1x128xi32, #tpu.memory_space<vmem>>
    %dma_start3A_104 = tpu.memref_squeeze %dma_start3A_103 : memref<1x128xi32, #tpu.memory_space<vmem>> -> memref<128xi32, #tpu.memory_space<vmem>>
    %dma_start3A_105 = arith.constant 0 : i32
    %dma_start3A_106 = arith.constant 0 : i32
    %dma_start3A_107 = tpu.memref_slice %arg2[%dma_start3A_105, %dma_start3A_106] : memref<10240x64xf32, #tpu.memory_space<hbm>> -> memref<10240x64xf32, #tpu.memory_space<hbm>>
    tpu.enqueue_indirect_dma source(%dma_start3A_107 : memref<10240x64xf32, #tpu.memory_space<hbm>>) target(%dma_start3A_101 : memref<128x64xf32, #tpu.memory_space<vmem>>) offsets(%dma_start3A_104 : memref<128xi32, #tpu.memory_space<vmem>>) semaphore(%arg7 : memref<!tpu.dma_semaphore, #tpu.memory_space<semaphore_mem>>)
    %dma_start3A_108 = arith.constant 9 : i32
    %dma_start3A_109 = arith.constant 9 : i32
    %dma_start3A_110 = arith.constant 0 : i32
    %dma_start3A_111 = arith.constant 0 : i32
    %dma_start3A_112 = tpu.memref_slice %arg6[%dma_start3A_109, %dma_start3A_110, %dma_start3A_111] : memref<10x128x64xf32, #tpu.memory_space<vmem>> -> memref<1x128x64xf32, #tpu.memory_space<vmem>>
    %dma_start3A_113 = tpu.memref_squeeze %dma_start3A_112 : memref<1x128x64xf32, #tpu.memory_space<vmem>> -> memref<128x64xf32, #tpu.memory_space<vmem>>
    %dma_start3A_114 = arith.constant 0 : i32
    %dma_start3A_115 = tpu.memref_slice %arg5[%dma_start3A_108, %dma_start3A_114] : memref<10x128xi32, #tpu.memory_space<vmem>> -> memref<1x128xi32, #tpu.memory_space<vmem>>
    %dma_start3A_116 = tpu.memref_squeeze %dma_start3A_115 : memref<1x128xi32, #tpu.memory_space<vmem>> -> memref<128xi32, #tpu.memory_space<vmem>>
    %dma_start3A_117 = arith.constant 0 : i32
    %dma_start3A_118 = arith.constant 0 : i32
    %dma_start3A_119 = tpu.memref_slice %arg2[%dma_start3A_117, %dma_start3A_118] : memref<10240x64xf32, #tpu.memory_space<hbm>> -> memref<10240x64xf32, #tpu.memory_space<hbm>>
    tpu.enqueue_indirect_dma source(%dma_start3A_119 : memref<10240x64xf32, #tpu.memory_space<hbm>>) target(%dma_start3A_113 : memref<128x64xf32, #tpu.memory_space<vmem>>) offsets(%dma_start3A_116 : memref<128xi32, #tpu.memory_space<vmem>>) semaphore(%arg7 : memref<!tpu.dma_semaphore, #tpu.memory_space<semaphore_mem>>)
    %dma_wait3A = arith.constant 0 : i32
    %dma_wait3A_120 = arith.constant 0 : i32
    %dma_wait3A_121 = arith.constant 0 : i32
    %dma_wait3A_122 = arith.constant 0 : i32
    %dma_wait3A_123 = tpu.memref_slice %arg6[%dma_wait3A_120, %dma_wait3A_121, %dma_wait3A_122] : memref<10x128x64xf32, #tpu.memory_space<vmem>> -> memref<1x128x64xf32, #tpu.memory_space<vmem>>
    %dma_wait3A_124 = tpu.memref_squeeze %dma_wait3A_123 : memref<1x128x64xf32, #tpu.memory_space<vmem>> -> memref<128x64xf32, #tpu.memory_space<vmem>>
    %dma_wait3A_125 = arith.constant 0 : i32
    %dma_wait3A_126 = tpu.memref_slice %arg5[%dma_wait3A, %dma_wait3A_125] : memref<10x128xi32, #tpu.memory_space<vmem>> -> memref<1x128xi32, #tpu.memory_space<vmem>>
    %dma_wait3A_127 = tpu.memref_squeeze %dma_wait3A_126 : memref<1x128xi32, #tpu.memory_space<vmem>> -> memref<128xi32, #tpu.memory_space<vmem>>
    %dma_wait3A_128 = arith.constant 0 : i32
    %dma_wait3A_129 = arith.constant 0 : i32
    %dma_wait3A_130 = tpu.memref_slice %arg2[%dma_wait3A_128, %dma_wait3A_129] : memref<10240x64xf32, #tpu.memory_space<hbm>> -> memref<10240x64xf32, #tpu.memory_space<hbm>>
    tpu.wait_indirect_dma semaphore(%arg7 : memref<!tpu.dma_semaphore, #tpu.memory_space<semaphore_mem>>) src(%dma_wait3A_130 : memref<10240x64xf32, #tpu.memory_space<hbm>>) dst(%dma_wait3A_124 : memref<128x64xf32, #tpu.memory_space<vmem>>)
    %dma_wait3A_131 = arith.constant 1 : i32
    %dma_wait3A_132 = arith.constant 1 : i32
    %dma_wait3A_133 = arith.constant 0 : i32
    %dma_wait3A_134 = arith.constant 0 : i32
    %dma_wait3A_135 = tpu.memref_slice %arg6[%dma_wait3A_132, %dma_wait3A_133, %dma_wait3A_134] : memref<10x128x64xf32, #tpu.memory_space<vmem>> -> memref<1x128x64xf32, #tpu.memory_space<vmem>>
    %dma_wait3A_136 = tpu.memref_squeeze %dma_wait3A_135 : memref<1x128x64xf32, #tpu.memory_space<vmem>> -> memref<128x64xf32, #tpu.memory_space<vmem>>
    %dma_wait3A_137 = arith.constant 0 : i32
    %dma_wait3A_138 = tpu.memref_slice %arg5[%dma_wait3A_131, %dma_wait3A_137] : memref<10x128xi32, #tpu.memory_space<vmem>> -> memref<1x128xi32, #tpu.memory_space<vmem>>
    %dma_wait3A_139 = tpu.memref_squeeze %dma_wait3A_138 : memref<1x128xi32, #tpu.memory_space<vmem>> -> memref<128xi32, #tpu.memory_space<vmem>>
    %dma_wait3A_140 = arith.constant 0 : i32
    %dma_wait3A_141 = arith.constant 0 : i32
    %dma_wait3A_142 = tpu.memref_slice %arg2[%dma_wait3A_140, %dma_wait3A_141] : memref<10240x64xf32, #tpu.memory_space<hbm>> -> memref<10240x64xf32, #tpu.memory_space<hbm>>
    tpu.wait_indirect_dma semaphore(%arg7 : memref<!tpu.dma_semaphore, #tpu.memory_space<semaphore_mem>>) src(%dma_wait3A_142 : memref<10240x64xf32, #tpu.memory_space<hbm>>) dst(%dma_wait3A_136 : memref<128x64xf32, #tpu.memory_space<vmem>>)
    %dma_wait3A_143 = arith.constant 2 : i32
    %dma_wait3A_144 = arith.constant 2 : i32
    %dma_wait3A_145 = arith.constant 0 : i32
    %dma_wait3A_146 = arith.constant 0 : i32
    %dma_wait3A_147 = tpu.memref_slice %arg6[%dma_wait3A_144, %dma_wait3A_145, %dma_wait3A_146] : memref<10x128x64xf32, #tpu.memory_space<vmem>> -> memref<1x128x64xf32, #tpu.memory_space<vmem>>
    %dma_wait3A_148 = tpu.memref_squeeze %dma_wait3A_147 : memref<1x128x64xf32, #tpu.memory_space<vmem>> -> memref<128x64xf32, #tpu.memory_space<vmem>>
    %dma_wait3A_149 = arith.constant 0 : i32
    %dma_wait3A_150 = tpu.memref_slice %arg5[%dma_wait3A_143, %dma_wait3A_149] : memref<10x128xi32, #tpu.memory_space<vmem>> -> memref<1x128xi32, #tpu.memory_space<vmem>>
    %dma_wait3A_151 = tpu.memref_squeeze %dma_wait3A_150 : memref<1x128xi32, #tpu.memory_space<vmem>> -> memref<128xi32, #tpu.memory_space<vmem>>
    %dma_wait3A_152 = arith.constant 0 : i32
    %dma_wait3A_153 = arith.constant 0 : i32
    %dma_wait3A_154 = tpu.memref_slice %arg2[%dma_wait3A_152, %dma_wait3A_153] : memref<10240x64xf32, #tpu.memory_space<hbm>> -> memref<10240x64xf32, #tpu.memory_space<hbm>>
    tpu.wait_indirect_dma semaphore(%arg7 : memref<!tpu.dma_semaphore, #tpu.memory_space<semaphore_mem>>) src(%dma_wait3A_154 : memref<10240x64xf32, #tpu.memory_space<hbm>>) dst(%dma_wait3A_148 : memref<128x64xf32, #tpu.memory_space<vmem>>)
    %dma_wait3A_155 = arith.constant 3 : i32
    %dma_wait3A_156 = arith.constant 3 : i32
    %dma_wait3A_157 = arith.constant 0 : i32
    %dma_wait3A_158 = arith.constant 0 : i32
    %dma_wait3A_159 = tpu.memref_slice %arg6[%dma_wait3A_156, %dma_wait3A_157, %dma_wait3A_158] : memref<10x128x64xf32, #tpu.memory_space<vmem>> -> memref<1x128x64xf32, #tpu.memory_space<vmem>>
    %dma_wait3A_160 = tpu.memref_squeeze %dma_wait3A_159 : memref<1x128x64xf32, #tpu.memory_space<vmem>> -> memref<128x64xf32, #tpu.memory_space<vmem>>
    %dma_wait3A_161 = arith.constant 0 : i32
    %dma_wait3A_162 = tpu.memref_slice %arg5[%dma_wait3A_155, %dma_wait3A_161] : memref<10x128xi32, #tpu.memory_space<vmem>> -> memref<1x128xi32, #tpu.memory_space<vmem>>
    %dma_wait3A_163 = tpu.memref_squeeze %dma_wait3A_162 : memref<1x128xi32, #tpu.memory_space<vmem>> -> memref<128xi32, #tpu.memory_space<vmem>>
    %dma_wait3A_164 = arith.constant 0 : i32
    %dma_wait3A_165 = arith.constant 0 : i32
    %dma_wait3A_166 = tpu.memref_slice %arg2[%dma_wait3A_164, %dma_wait3A_165] : memref<10240x64xf32, #tpu.memory_space<hbm>> -> memref<10240x64xf32, #tpu.memory_space<hbm>>
    tpu.wait_indirect_dma semaphore(%arg7 : memref<!tpu.dma_semaphore, #tpu.memory_space<semaphore_mem>>) src(%dma_wait3A_166 : memref<10240x64xf32, #tpu.memory_space<hbm>>) dst(%dma_wait3A_160 : memref<128x64xf32, #tpu.memory_space<vmem>>)
    %dma_wait3A_167 = arith.constant 4 : i32
    %dma_wait3A_168 = arith.constant 4 : i32
    %dma_wait3A_169 = arith.constant 0 : i32
    %dma_wait3A_170 = arith.constant 0 : i32
    %dma_wait3A_171 = tpu.memref_slice %arg6[%dma_wait3A_168, %dma_wait3A_169, %dma_wait3A_170] : memref<10x128x64xf32, #tpu.memory_space<vmem>> -> memref<1x128x64xf32, #tpu.memory_space<vmem>>
    %dma_wait3A_172 = tpu.memref_squeeze %dma_wait3A_171 : memref<1x128x64xf32, #tpu.memory_space<vmem>> -> memref<128x64xf32, #tpu.memory_space<vmem>>
    %dma_wait3A_173 = arith.constant 0 : i32
    %dma_wait3A_174 = tpu.memref_slice %arg5[%dma_wait3A_167, %dma_wait3A_173] : memref<10x128xi32, #tpu.memory_space<vmem>> -> memref<1x128xi32, #tpu.memory_space<vmem>>
    %dma_wait3A_175 = tpu.memref_squeeze %dma_wait3A_174 : memref<1x128xi32, #tpu.memory_space<vmem>> -> memref<128xi32, #tpu.memory_space<vmem>>
    %dma_wait3A_176 = arith.constant 0 : i32
    %dma_wait3A_177 = arith.constant 0 : i32
    %dma_wait3A_178 = tpu.memref_slice %arg2[%dma_wait3A_176, %dma_wait3A_177] : memref<10240x64xf32, #tpu.memory_space<hbm>> -> memref<10240x64xf32, #tpu.memory_space<hbm>>
    tpu.wait_indirect_dma semaphore(%arg7 : memref<!tpu.dma_semaphore, #tpu.memory_space<semaphore_mem>>) src(%dma_wait3A_178 : memref<10240x64xf32, #tpu.memory_space<hbm>>) dst(%dma_wait3A_172 : memref<128x64xf32, #tpu.memory_space<vmem>>)
    %dma_wait3A_179 = arith.constant 5 : i32
    %dma_wait3A_180 = arith.constant 5 : i32
    %dma_wait3A_181 = arith.constant 0 : i32
    %dma_wait3A_182 = arith.constant 0 : i32
    %dma_wait3A_183 = tpu.memref_slice %arg6[%dma_wait3A_180, %dma_wait3A_181, %dma_wait3A_182] : memref<10x128x64xf32, #tpu.memory_space<vmem>> -> memref<1x128x64xf32, #tpu.memory_space<vmem>>
    %dma_wait3A_184 = tpu.memref_squeeze %dma_wait3A_183 : memref<1x128x64xf32, #tpu.memory_space<vmem>> -> memref<128x64xf32, #tpu.memory_space<vmem>>
    %dma_wait3A_185 = arith.constant 0 : i32
    %dma_wait3A_186 = tpu.memref_slice %arg5[%dma_wait3A_179, %dma_wait3A_185] : memref<10x128xi32, #tpu.memory_space<vmem>> -> memref<1x128xi32, #tpu.memory_space<vmem>>
    %dma_wait3A_187 = tpu.memref_squeeze %dma_wait3A_186 : memref<1x128xi32, #tpu.memory_space<vmem>> -> memref<128xi32, #tpu.memory_space<vmem>>
    %dma_wait3A_188 = arith.constant 0 : i32
    %dma_wait3A_189 = arith.constant 0 : i32
    %dma_wait3A_190 = tpu.memref_slice %arg2[%dma_wait3A_188, %dma_wait3A_189] : memref<10240x64xf32, #tpu.memory_space<hbm>> -> memref<10240x64xf32, #tpu.memory_space<hbm>>
    tpu.wait_indirect_dma semaphore(%arg7 : memref<!tpu.dma_semaphore, #tpu.memory_space<semaphore_mem>>) src(%dma_wait3A_190 : memref<10240x64xf32, #tpu.memory_space<hbm>>) dst(%dma_wait3A_184 : memref<128x64xf32, #tpu.memory_space<vmem>>)
    %dma_wait3A_191 = arith.constant 6 : i32
    %dma_wait3A_192 = arith.constant 6 : i32
    %dma_wait3A_193 = arith.constant 0 : i32
    %dma_wait3A_194 = arith.constant 0 : i32
    %dma_wait3A_195 = tpu.memref_slice %arg6[%dma_wait3A_192, %dma_wait3A_193, %dma_wait3A_194] : memref<10x128x64xf32, #tpu.memory_space<vmem>> -> memref<1x128x64xf32, #tpu.memory_space<vmem>>
    %dma_wait3A_196 = tpu.memref_squeeze %dma_wait3A_195 : memref<1x128x64xf32, #tpu.memory_space<vmem>> -> memref<128x64xf32, #tpu.memory_space<vmem>>
    %dma_wait3A_197 = arith.constant 0 : i32
    %dma_wait3A_198 = tpu.memref_slice %arg5[%dma_wait3A_191, %dma_wait3A_197] : memref<10x128xi32, #tpu.memory_space<vmem>> -> memref<1x128xi32, #tpu.memory_space<vmem>>
    %dma_wait3A_199 = tpu.memref_squeeze %dma_wait3A_198 : memref<1x128xi32, #tpu.memory_space<vmem>> -> memref<128xi32, #tpu.memory_space<vmem>>
    %dma_wait3A_200 = arith.constant 0 : i32
    %dma_wait3A_201 = arith.constant 0 : i32
    %dma_wait3A_202 = tpu.memref_slice %arg2[%dma_wait3A_200, %dma_wait3A_201] : memref<10240x64xf32, #tpu.memory_space<hbm>> -> memref<10240x64xf32, #tpu.memory_space<hbm>>
    tpu.wait_indirect_dma semaphore(%arg7 : memref<!tpu.dma_semaphore, #tpu.memory_space<semaphore_mem>>) src(%dma_wait3A_202 : memref<10240x64xf32, #tpu.memory_space<hbm>>) dst(%dma_wait3A_196 : memref<128x64xf32, #tpu.memory_space<vmem>>)
    %dma_wait3A_203 = arith.constant 7 : i32
    %dma_wait3A_204 = arith.constant 7 : i32
    %dma_wait3A_205 = arith.constant 0 : i32
    %dma_wait3A_206 = arith.constant 0 : i32
    %dma_wait3A_207 = tpu.memref_slice %arg6[%dma_wait3A_204, %dma_wait3A_205, %dma_wait3A_206] : memref<10x128x64xf32, #tpu.memory_space<vmem>> -> memref<1x128x64xf32, #tpu.memory_space<vmem>>
    %dma_wait3A_208 = tpu.memref_squeeze %dma_wait3A_207 : memref<1x128x64xf32, #tpu.memory_space<vmem>> -> memref<128x64xf32, #tpu.memory_space<vmem>>
    %dma_wait3A_209 = arith.constant 0 : i32
    %dma_wait3A_210 = tpu.memref_slice %arg5[%dma_wait3A_203, %dma_wait3A_209] : memref<10x128xi32, #tpu.memory_space<vmem>> -> memref<1x128xi32, #tpu.memory_space<vmem>>
    %dma_wait3A_211 = tpu.memref_squeeze %dma_wait3A_210 : memref<1x128xi32, #tpu.memory_space<vmem>> -> memref<128xi32, #tpu.memory_space<vmem>>
    %dma_wait3A_212 = arith.constant 0 : i32
    %dma_wait3A_213 = arith.constant 0 : i32
    %dma_wait3A_214 = tpu.memref_slice %arg2[%dma_wait3A_212, %dma_wait3A_213] : memref<10240x64xf32, #tpu.memory_space<hbm>> -> memref<10240x64xf32, #tpu.memory_space<hbm>>
    tpu.wait_indirect_dma semaphore(%arg7 : memref<!tpu.dma_semaphore, #tpu.memory_space<semaphore_mem>>) src(%dma_wait3A_214 : memref<10240x64xf32, #tpu.memory_space<hbm>>) dst(%dma_wait3A_208 : memref<128x64xf32, #tpu.memory_space<vmem>>)
    %dma_wait3A_215 = arith.constant 8 : i32
    %dma_wait3A_216 = arith.constant 8 : i32
    %dma_wait3A_217 = arith.constant 0 : i32
    %dma_wait3A_218 = arith.constant 0 : i32
    %dma_wait3A_219 = tpu.memref_slice %arg6[%dma_wait3A_216, %dma_wait3A_217, %dma_wait3A_218] : memref<10x128x64xf32, #tpu.memory_space<vmem>> -> memref<1x128x64xf32, #tpu.memory_space<vmem>>
    %dma_wait3A_220 = tpu.memref_squeeze %dma_wait3A_219 : memref<1x128x64xf32, #tpu.memory_space<vmem>> -> memref<128x64xf32, #tpu.memory_space<vmem>>
    %dma_wait3A_221 = arith.constant 0 : i32
    %dma_wait3A_222 = tpu.memref_slice %arg5[%dma_wait3A_215, %dma_wait3A_221] : memref<10x128xi32, #tpu.memory_space<vmem>> -> memref<1x128xi32, #tpu.memory_space<vmem>>
    %dma_wait3A_223 = tpu.memref_squeeze %dma_wait3A_222 : memref<1x128xi32, #tpu.memory_space<vmem>> -> memref<128xi32, #tpu.memory_space<vmem>>
    %dma_wait3A_224 = arith.constant 0 : i32
    %dma_wait3A_225 = arith.constant 0 : i32
    %dma_wait3A_226 = tpu.memref_slice %arg2[%dma_wait3A_224, %dma_wait3A_225] : memref<10240x64xf32, #tpu.memory_space<hbm>> -> memref<10240x64xf32, #tpu.memory_space<hbm>>
    tpu.wait_indirect_dma semaphore(%arg7 : memref<!tpu.dma_semaphore, #tpu.memory_space<semaphore_mem>>) src(%dma_wait3A_226 : memref<10240x64xf32, #tpu.memory_space<hbm>>) dst(%dma_wait3A_220 : memref<128x64xf32, #tpu.memory_space<vmem>>)
    %dma_wait3A_227 = arith.constant 9 : i32
    %dma_wait3A_228 = arith.constant 9 : i32
    %dma_wait3A_229 = arith.constant 0 : i32
    %dma_wait3A_230 = arith.constant 0 : i32
    %dma_wait3A_231 = tpu.memref_slice %arg6[%dma_wait3A_228, %dma_wait3A_229, %dma_wait3A_230] : memref<10x128x64xf32, #tpu.memory_space<vmem>> -> memref<1x128x64xf32, #tpu.memory_space<vmem>>
    %dma_wait3A_232 = tpu.memref_squeeze %dma_wait3A_231 : memref<1x128x64xf32, #tpu.memory_space<vmem>> -> memref<128x64xf32, #tpu.memory_space<vmem>>
    %dma_wait3A_233 = arith.constant 0 : i32
    %dma_wait3A_234 = tpu.memref_slice %arg5[%dma_wait3A_227, %dma_wait3A_233] : memref<10x128xi32, #tpu.memory_space<vmem>> -> memref<1x128xi32, #tpu.memory_space<vmem>>
    %dma_wait3A_235 = tpu.memref_squeeze %dma_wait3A_234 : memref<1x128xi32, #tpu.memory_space<vmem>> -> memref<128xi32, #tpu.memory_space<vmem>>
    %dma_wait3A_236 = arith.constant 0 : i32
    %dma_wait3A_237 = arith.constant 0 : i32
    %dma_wait3A_238 = tpu.memref_slice %arg2[%dma_wait3A_236, %dma_wait3A_237] : memref<10240x64xf32, #tpu.memory_space<hbm>> -> memref<10240x64xf32, #tpu.memory_space<hbm>>
    tpu.wait_indirect_dma semaphore(%arg7 : memref<!tpu.dma_semaphore, #tpu.memory_space<semaphore_mem>>) src(%dma_wait3A_238 : memref<10240x64xf32, #tpu.memory_space<hbm>>) dst(%dma_wait3A_232 : memref<128x64xf32, #tpu.memory_space<vmem>>)
    "tpu.region"() ({
      %run_scoped3A = tpu.sem_alloc : memref<!tpu.dma_semaphore, #tpu.memory_space<semaphore_mem>>
      %dma_start3A_239 = arith.constant 0 : i32
      %dma_start3A_240 = arith.constant 0 : i32
      %dma_start3A_241 = arith.constant 0 : i32
      %dma_start3A_242 = tpu.memref_slice %arg4[%add3A, %dma_start3A_239, %dma_start3A_240, %dma_start3A_241] : memref<32x10x128x64xf32, #tpu.memory_space<hbm>> -> memref<1x10x128x64xf32, #tpu.memory_space<hbm>>
      %dma_start3A_243 = tpu.memref_squeeze %dma_start3A_242 : memref<1x10x128x64xf32, #tpu.memory_space<hbm>> -> memref<10x128x64xf32, #tpu.memory_space<hbm>>
      %dma_start3A_244 = arith.constant 0 : i32
      %dma_start3A_245 = arith.constant 0 : i32
      %dma_start3A_246 = arith.constant 0 : i32
      %dma_start3A_247 = tpu.memref_slice %arg4[%add3A, %dma_start3A_244, %dma_start3A_245, %dma_start3A_246] : memref<32x10x128x64xf32, #tpu.memory_space<hbm>> -> memref<1x10x128x64xf32, #tpu.memory_space<hbm>>
      %dma_start3A_248 = tpu.memref_squeeze %dma_start3A_247 : memref<1x10x128x64xf32, #tpu.memory_space<hbm>> -> memref<10x128x64xf32, #tpu.memory_space<hbm>>
      tpu.enqueue_dma source(%arg6 : memref<10x128x64xf32, #tpu.memory_space<vmem>>) target(%dma_start3A_248 : memref<10x128x64xf32, #tpu.memory_space<hbm>>) target_semaphore(%run_scoped3A : memref<!tpu.dma_semaphore, #tpu.memory_space<semaphore_mem>>)
      %dma_wait3A_249 = arith.constant 0 : i32
      %dma_wait3A_250 = arith.constant 0 : i32
      %dma_wait3A_251 = arith.constant 0 : i32
      %dma_wait3A_252 = tpu.memref_slice %arg4[%add3A, %dma_wait3A_249, %dma_wait3A_250, %dma_wait3A_251] : memref<32x10x128x64xf32, #tpu.memory_space<hbm>> -> memref<1x10x128x64xf32, #tpu.memory_space<hbm>>
      %dma_wait3A_253 = tpu.memref_squeeze %dma_wait3A_252 : memref<1x10x128x64xf32, #tpu.memory_space<hbm>> -> memref<10x128x64xf32, #tpu.memory_space<hbm>>
      %dma_wait3A_254 = arith.constant 0 : i32
      %dma_wait3A_255 = arith.constant 0 : i32
      %dma_wait3A_256 = arith.constant 0 : i32
      %dma_wait3A_257 = tpu.memref_slice %arg4[%add3A, %dma_wait3A_254, %dma_wait3A_255, %dma_wait3A_256] : memref<32x10x128x64xf32, #tpu.memory_space<hbm>> -> memref<1x10x128x64xf32, #tpu.memory_space<hbm>>
      %dma_wait3A_258 = tpu.memref_squeeze %dma_wait3A_257 : memref<1x10x128x64xf32, #tpu.memory_space<hbm>> -> memref<10x128x64xf32, #tpu.memory_space<hbm>>
      tpu.wait_dma2 semaphore(%run_scoped3A : memref<!tpu.dma_semaphore, #tpu.memory_space<semaphore_mem>>) src(%arg6 : memref<10x128x64xf32, #tpu.memory_space<vmem>>) dst(%dma_wait3A_258 : memref<10x128x64xf32, #tpu.memory_space<hbm>>)
      tpu.yield
    }) : () -> ()
    return
  }
}

#map = affine_map<(d0, d1) -> (0, 0, 0, 0)>
#map1 = affine_map<(d0, d1) -> (0, 0, 0)>
#map2 = affine_map<(d0, d1) -> (0, 0)>
module attributes {stable_mosaic.version = 14 : i64} {
  func.func @k(%arg0: i32, %arg1: i32, %arg2: memref<32x10x128x64xf32, #tpu.memory_space<hbm>>, %arg3: memref<32x10x128xi32, #tpu.memory_space<hbm>>, %arg4: memref<10240x64xf32, #tpu.memory_space<hbm>>, %arg5: memref<2x10240x64xf32, #tpu.memory_space<hbm>>, %arg6: memref<10x128xi32, #tpu.memory_space<vmem>>, %arg7: memref<10x128x64xf32, #tpu.memory_space<vmem>>, %arg8: memref<10240x64xf32, #tpu.memory_space<vmem_shared>>) attributes {dimension_semantics = [#tpu.dimension_semantics<core_parallel>, #tpu.dimension_semantics<subcore_parallel>], iteration_bounds = array<i64: 2, 16>, scalar_prefetch = 0 : i64, scratch_operands = 3 : i64, tpu.core_type = #tpu.core_type<sc_vector_subcore>, window_params = [{transform_indices = #map}, {transform_indices = #map1}, {transform_indices = #map2}, {transform_indices = #map1}]} {
    %mul3A = arith.constant 2 : i32
    %mul3A_0 = arith.muli %arg1, %mul3A : i32
    %add3A = arith.addi %mul3A_0, %arg0 : i32
    %mul3A_1 = arith.constant 640 : i32
    %mul3A_2 = arith.muli %arg1, %mul3A_1 : i32
    %mul3A_3 = arith.constant 640 : i32
    %mul3A_4 = arith.muli %arg1, %mul3A_3 : i32
    "tpu.region"() ({
      %run_scoped3A_29 = tpu.sem_alloc : memref<!tpu.dma_semaphore, #tpu.memory_space<semaphore_mem>>
      %dma_start3A = arith.constant 0 : i32
      %dma_start3A_30 = tpu.memref_slice %arg8[%mul3A_4, %dma_start3A] : memref<10240x64xf32, #tpu.memory_space<vmem_shared>> -> memref<640x64xf32, #tpu.memory_space<vmem_shared>>
      %dma_start3A_31 = arith.constant 0 : i32
      %dma_start3A_32 = tpu.memref_slice %arg4[%mul3A_2, %dma_start3A_31] : memref<10240x64xf32, #tpu.memory_space<hbm>> -> memref<640x64xf32, #tpu.memory_space<hbm>>
      tpu.enqueue_dma source(%dma_start3A_32 : memref<640x64xf32, #tpu.memory_space<hbm>>) target(%dma_start3A_30 : memref<640x64xf32, #tpu.memory_space<vmem_shared>>) target_semaphore(%run_scoped3A_29 : memref<!tpu.dma_semaphore, #tpu.memory_space<semaphore_mem>>)
      %dma_wait3A = arith.constant 0 : i32
      %dma_wait3A_33 = tpu.memref_slice %arg8[%mul3A_4, %dma_wait3A] : memref<10240x64xf32, #tpu.memory_space<vmem_shared>> -> memref<640x64xf32, #tpu.memory_space<vmem_shared>>
      %dma_wait3A_34 = arith.constant 0 : i32
      %dma_wait3A_35 = tpu.memref_slice %arg4[%mul3A_2, %dma_wait3A_34] : memref<10240x64xf32, #tpu.memory_space<hbm>> -> memref<640x64xf32, #tpu.memory_space<hbm>>
      tpu.wait_dma2 semaphore(%run_scoped3A_29 : memref<!tpu.dma_semaphore, #tpu.memory_space<semaphore_mem>>) src(%dma_wait3A_35 : memref<640x64xf32, #tpu.memory_space<hbm>>) dst(%dma_wait3A_33 : memref<640x64xf32, #tpu.memory_space<vmem_shared>>)
      tpu.yield
    }) : () -> ()
    "tpu.region"() ({
      %run_scoped3A_29 = tpu.sem_alloc : memref<!tpu.dma_semaphore, #tpu.memory_space<semaphore_mem>>
      %dma_start3A = arith.constant 0 : i32
      %dma_start3A_30 = arith.constant 0 : i32
      %dma_start3A_31 = tpu.memref_slice %arg3[%add3A, %dma_start3A, %dma_start3A_30] : memref<32x10x128xi32, #tpu.memory_space<hbm>> -> memref<1x10x128xi32, #tpu.memory_space<hbm>>
      %dma_start3A_32 = tpu.memref_squeeze %dma_start3A_31 : memref<1x10x128xi32, #tpu.memory_space<hbm>> -> memref<10x128xi32, #tpu.memory_space<hbm>>
      %dma_start3A_33 = arith.constant 0 : i32
      %dma_start3A_34 = arith.constant 0 : i32
      %dma_start3A_35 = tpu.memref_slice %arg3[%add3A, %dma_start3A_33, %dma_start3A_34] : memref<32x10x128xi32, #tpu.memory_space<hbm>> -> memref<1x10x128xi32, #tpu.memory_space<hbm>>
      %dma_start3A_36 = tpu.memref_squeeze %dma_start3A_35 : memref<1x10x128xi32, #tpu.memory_space<hbm>> -> memref<10x128xi32, #tpu.memory_space<hbm>>
      tpu.enqueue_dma source(%dma_start3A_36 : memref<10x128xi32, #tpu.memory_space<hbm>>) target(%arg6 : memref<10x128xi32, #tpu.memory_space<vmem>>) target_semaphore(%run_scoped3A_29 : memref<!tpu.dma_semaphore, #tpu.memory_space<semaphore_mem>>)
      %dma_wait3A = arith.constant 0 : i32
      %dma_wait3A_37 = arith.constant 0 : i32
      %dma_wait3A_38 = tpu.memref_slice %arg3[%add3A, %dma_wait3A, %dma_wait3A_37] : memref<32x10x128xi32, #tpu.memory_space<hbm>> -> memref<1x10x128xi32, #tpu.memory_space<hbm>>
      %dma_wait3A_39 = tpu.memref_squeeze %dma_wait3A_38 : memref<1x10x128xi32, #tpu.memory_space<hbm>> -> memref<10x128xi32, #tpu.memory_space<hbm>>
      %dma_wait3A_40 = arith.constant 0 : i32
      %dma_wait3A_41 = arith.constant 0 : i32
      %dma_wait3A_42 = tpu.memref_slice %arg3[%add3A, %dma_wait3A_40, %dma_wait3A_41] : memref<32x10x128xi32, #tpu.memory_space<hbm>> -> memref<1x10x128xi32, #tpu.memory_space<hbm>>
      %dma_wait3A_43 = tpu.memref_squeeze %dma_wait3A_42 : memref<1x10x128xi32, #tpu.memory_space<hbm>> -> memref<10x128xi32, #tpu.memory_space<hbm>>
      tpu.wait_dma2 semaphore(%run_scoped3A_29 : memref<!tpu.dma_semaphore, #tpu.memory_space<semaphore_mem>>) src(%dma_wait3A_43 : memref<10x128xi32, #tpu.memory_space<hbm>>) dst(%arg6 : memref<10x128xi32, #tpu.memory_space<vmem>>)
      tpu.yield
    }) : () -> ()
    "tpu.region"() ({
      %run_scoped3A_29 = tpu.sem_alloc : memref<!tpu.dma_semaphore, #tpu.memory_space<semaphore_mem>>
      %dma_start3A = arith.constant 0 : i32
      %dma_start3A_30 = arith.constant 0 : i32
      %dma_start3A_31 = arith.constant 0 : i32
      %dma_start3A_32 = tpu.memref_slice %arg2[%add3A, %dma_start3A, %dma_start3A_30, %dma_start3A_31] : memref<32x10x128x64xf32, #tpu.memory_space<hbm>> -> memref<1x10x128x64xf32, #tpu.memory_space<hbm>>
      %dma_start3A_33 = tpu.memref_squeeze %dma_start3A_32 : memref<1x10x128x64xf32, #tpu.memory_space<hbm>> -> memref<10x128x64xf32, #tpu.memory_space<hbm>>
      %dma_start3A_34 = arith.constant 0 : i32
      %dma_start3A_35 = arith.constant 0 : i32
      %dma_start3A_36 = arith.constant 0 : i32
      %dma_start3A_37 = tpu.memref_slice %arg2[%add3A, %dma_start3A_34, %dma_start3A_35, %dma_start3A_36] : memref<32x10x128x64xf32, #tpu.memory_space<hbm>> -> memref<1x10x128x64xf32, #tpu.memory_space<hbm>>
      %dma_start3A_38 = tpu.memref_squeeze %dma_start3A_37 : memref<1x10x128x64xf32, #tpu.memory_space<hbm>> -> memref<10x128x64xf32, #tpu.memory_space<hbm>>
      tpu.enqueue_dma source(%dma_start3A_38 : memref<10x128x64xf32, #tpu.memory_space<hbm>>) target(%arg7 : memref<10x128x64xf32, #tpu.memory_space<vmem>>) target_semaphore(%run_scoped3A_29 : memref<!tpu.dma_semaphore, #tpu.memory_space<semaphore_mem>>)
      %dma_wait3A = arith.constant 0 : i32
      %dma_wait3A_39 = arith.constant 0 : i32
      %dma_wait3A_40 = arith.constant 0 : i32
      %dma_wait3A_41 = tpu.memref_slice %arg2[%add3A, %dma_wait3A, %dma_wait3A_39, %dma_wait3A_40] : memref<32x10x128x64xf32, #tpu.memory_space<hbm>> -> memref<1x10x128x64xf32, #tpu.memory_space<hbm>>
      %dma_wait3A_42 = tpu.memref_squeeze %dma_wait3A_41 : memref<1x10x128x64xf32, #tpu.memory_space<hbm>> -> memref<10x128x64xf32, #tpu.memory_space<hbm>>
      %dma_wait3A_43 = arith.constant 0 : i32
      %dma_wait3A_44 = arith.constant 0 : i32
      %dma_wait3A_45 = arith.constant 0 : i32
      %dma_wait3A_46 = tpu.memref_slice %arg2[%add3A, %dma_wait3A_43, %dma_wait3A_44, %dma_wait3A_45] : memref<32x10x128x64xf32, #tpu.memory_space<hbm>> -> memref<1x10x128x64xf32, #tpu.memory_space<hbm>>
      %dma_wait3A_47 = tpu.memref_squeeze %dma_wait3A_46 : memref<1x10x128x64xf32, #tpu.memory_space<hbm>> -> memref<10x128x64xf32, #tpu.memory_space<hbm>>
      tpu.wait_dma2 semaphore(%run_scoped3A_29 : memref<!tpu.dma_semaphore, #tpu.memory_space<semaphore_mem>>) src(%dma_wait3A_47 : memref<10x128x64xf32, #tpu.memory_space<hbm>>) dst(%arg7 : memref<10x128x64xf32, #tpu.memory_space<vmem>>)
      tpu.yield
    }) : () -> ()
    %barrier3A = arith.constant 0 : index
    tpu.barrier barrier_id(%barrier3A)
    %run_scoped3A = arith.constant 0 : i32
    %run_scoped3A_5 = arith.constant 0 : i32
    "tpu.region"() ({
      %run_scoped3A_29 = tpu.sem_alloc : memref<!tpu.dma_semaphore, #tpu.memory_space<semaphore_mem>>
      %dma_start3A = arith.constant 0 : i32
      %dma_start3A_30 = arith.constant 0 : i32
      %dma_start3A_31 = tpu.memref_slice %arg7[%run_scoped3A, %dma_start3A, %dma_start3A_30] : memref<10x128x64xf32, #tpu.memory_space<vmem>> -> memref<1x128x64xf32, #tpu.memory_space<vmem>>
      %dma_start3A_32 = tpu.memref_squeeze %dma_start3A_31 : memref<1x128x64xf32, #tpu.memory_space<vmem>> -> memref<128x64xf32, #tpu.memory_space<vmem>>
      %dma_start3A_33 = arith.constant 0 : i32
      %dma_start3A_34 = tpu.memref_slice %arg6[%run_scoped3A_5, %dma_start3A_33] : memref<10x128xi32, #tpu.memory_space<vmem>> -> memref<1x128xi32, #tpu.memory_space<vmem>>
      %dma_start3A_35 = tpu.memref_squeeze %dma_start3A_34 : memref<1x128xi32, #tpu.memory_space<vmem>> -> memref<128xi32, #tpu.memory_space<vmem>>
      %dma_start3A_36 = arith.constant 0 : i32
      %dma_start3A_37 = arith.constant 0 : i32
      %dma_start3A_38 = tpu.memref_slice %arg8[%dma_start3A_36, %dma_start3A_37] : memref<10240x64xf32, #tpu.memory_space<vmem_shared>> -> memref<10240x64xf32, #tpu.memory_space<vmem_shared>>
      tpu.enqueue_indirect_dma source(%dma_start3A_32 : memref<128x64xf32, #tpu.memory_space<vmem>>) target(%dma_start3A_38 : memref<10240x64xf32, #tpu.memory_space<vmem_shared>>) offsets(%dma_start3A_35 : memref<128xi32, #tpu.memory_space<vmem>>) semaphore(%run_scoped3A_29 : memref<!tpu.dma_semaphore, #tpu.memory_space<semaphore_mem>>) {add = true}
      %dma_wait3A = arith.constant 0 : i32
      %dma_wait3A_39 = arith.constant 0 : i32
      %dma_wait3A_40 = tpu.memref_slice %arg7[%run_scoped3A, %dma_wait3A, %dma_wait3A_39] : memref<10x128x64xf32, #tpu.memory_space<vmem>> -> memref<1x128x64xf32, #tpu.memory_space<vmem>>
      %dma_wait3A_41 = tpu.memref_squeeze %dma_wait3A_40 : memref<1x128x64xf32, #tpu.memory_space<vmem>> -> memref<128x64xf32, #tpu.memory_space<vmem>>
      %dma_wait3A_42 = arith.constant 0 : i32
      %dma_wait3A_43 = tpu.memref_slice %arg6[%run_scoped3A_5, %dma_wait3A_42] : memref<10x128xi32, #tpu.memory_space<vmem>> -> memref<1x128xi32, #tpu.memory_space<vmem>>
      %dma_wait3A_44 = tpu.memref_squeeze %dma_wait3A_43 : memref<1x128xi32, #tpu.memory_space<vmem>> -> memref<128xi32, #tpu.memory_space<vmem>>
      %dma_wait3A_45 = arith.constant 0 : i32
      %dma_wait3A_46 = arith.constant 0 : i32
      %dma_wait3A_47 = tpu.memref_slice %arg8[%dma_wait3A_45, %dma_wait3A_46] : memref<10240x64xf32, #tpu.memory_space<vmem_shared>> -> memref<10240x64xf32, #tpu.memory_space<vmem_shared>>
      tpu.wait_indirect_dma semaphore(%run_scoped3A_29 : memref<!tpu.dma_semaphore, #tpu.memory_space<semaphore_mem>>) src(%dma_wait3A_41 : memref<128x64xf32, #tpu.memory_space<vmem>>) dst(%dma_wait3A_47 : memref<10240x64xf32, #tpu.memory_space<vmem_shared>>)
      tpu.yield
    }) : () -> ()
    %run_scoped3A_6 = arith.constant 1 : i32
    %run_scoped3A_7 = arith.constant 1 : i32
    "tpu.region"() ({
      %run_scoped3A_29 = tpu.sem_alloc : memref<!tpu.dma_semaphore, #tpu.memory_space<semaphore_mem>>
      %dma_start3A = arith.constant 0 : i32
      %dma_start3A_30 = arith.constant 0 : i32
      %dma_start3A_31 = tpu.memref_slice %arg7[%run_scoped3A_6, %dma_start3A, %dma_start3A_30] : memref<10x128x64xf32, #tpu.memory_space<vmem>> -> memref<1x128x64xf32, #tpu.memory_space<vmem>>
      %dma_start3A_32 = tpu.memref_squeeze %dma_start3A_31 : memref<1x128x64xf32, #tpu.memory_space<vmem>> -> memref<128x64xf32, #tpu.memory_space<vmem>>
      %dma_start3A_33 = arith.constant 0 : i32
      %dma_start3A_34 = tpu.memref_slice %arg6[%run_scoped3A_7, %dma_start3A_33] : memref<10x128xi32, #tpu.memory_space<vmem>> -> memref<1x128xi32, #tpu.memory_space<vmem>>
      %dma_start3A_35 = tpu.memref_squeeze %dma_start3A_34 : memref<1x128xi32, #tpu.memory_space<vmem>> -> memref<128xi32, #tpu.memory_space<vmem>>
      %dma_start3A_36 = arith.constant 0 : i32
      %dma_start3A_37 = arith.constant 0 : i32
      %dma_start3A_38 = tpu.memref_slice %arg8[%dma_start3A_36, %dma_start3A_37] : memref<10240x64xf32, #tpu.memory_space<vmem_shared>> -> memref<10240x64xf32, #tpu.memory_space<vmem_shared>>
      tpu.enqueue_indirect_dma source(%dma_start3A_32 : memref<128x64xf32, #tpu.memory_space<vmem>>) target(%dma_start3A_38 : memref<10240x64xf32, #tpu.memory_space<vmem_shared>>) offsets(%dma_start3A_35 : memref<128xi32, #tpu.memory_space<vmem>>) semaphore(%run_scoped3A_29 : memref<!tpu.dma_semaphore, #tpu.memory_space<semaphore_mem>>) {add = true}
      %dma_wait3A = arith.constant 0 : i32
      %dma_wait3A_39 = arith.constant 0 : i32
      %dma_wait3A_40 = tpu.memref_slice %arg7[%run_scoped3A_6, %dma_wait3A, %dma_wait3A_39] : memref<10x128x64xf32, #tpu.memory_space<vmem>> -> memref<1x128x64xf32, #tpu.memory_space<vmem>>
      %dma_wait3A_41 = tpu.memref_squeeze %dma_wait3A_40 : memref<1x128x64xf32, #tpu.memory_space<vmem>> -> memref<128x64xf32, #tpu.memory_space<vmem>>
      %dma_wait3A_42 = arith.constant 0 : i32
      %dma_wait3A_43 = tpu.memref_slice %arg6[%run_scoped3A_7, %dma_wait3A_42] : memref<10x128xi32, #tpu.memory_space<vmem>> -> memref<1x128xi32, #tpu.memory_space<vmem>>
      %dma_wait3A_44 = tpu.memref_squeeze %dma_wait3A_43 : memref<1x128xi32, #tpu.memory_space<vmem>> -> memref<128xi32, #tpu.memory_space<vmem>>
      %dma_wait3A_45 = arith.constant 0 : i32
      %dma_wait3A_46 = arith.constant 0 : i32
      %dma_wait3A_47 = tpu.memref_slice %arg8[%dma_wait3A_45, %dma_wait3A_46] : memref<10240x64xf32, #tpu.memory_space<vmem_shared>> -> memref<10240x64xf32, #tpu.memory_space<vmem_shared>>
      tpu.wait_indirect_dma semaphore(%run_scoped3A_29 : memref<!tpu.dma_semaphore, #tpu.memory_space<semaphore_mem>>) src(%dma_wait3A_41 : memref<128x64xf32, #tpu.memory_space<vmem>>) dst(%dma_wait3A_47 : memref<10240x64xf32, #tpu.memory_space<vmem_shared>>)
      tpu.yield
    }) : () -> ()
    %run_scoped3A_8 = arith.constant 2 : i32
    %run_scoped3A_9 = arith.constant 2 : i32
    "tpu.region"() ({
      %run_scoped3A_29 = tpu.sem_alloc : memref<!tpu.dma_semaphore, #tpu.memory_space<semaphore_mem>>
      %dma_start3A = arith.constant 0 : i32
      %dma_start3A_30 = arith.constant 0 : i32
      %dma_start3A_31 = tpu.memref_slice %arg7[%run_scoped3A_8, %dma_start3A, %dma_start3A_30] : memref<10x128x64xf32, #tpu.memory_space<vmem>> -> memref<1x128x64xf32, #tpu.memory_space<vmem>>
      %dma_start3A_32 = tpu.memref_squeeze %dma_start3A_31 : memref<1x128x64xf32, #tpu.memory_space<vmem>> -> memref<128x64xf32, #tpu.memory_space<vmem>>
      %dma_start3A_33 = arith.constant 0 : i32
      %dma_start3A_34 = tpu.memref_slice %arg6[%run_scoped3A_9, %dma_start3A_33] : memref<10x128xi32, #tpu.memory_space<vmem>> -> memref<1x128xi32, #tpu.memory_space<vmem>>
      %dma_start3A_35 = tpu.memref_squeeze %dma_start3A_34 : memref<1x128xi32, #tpu.memory_space<vmem>> -> memref<128xi32, #tpu.memory_space<vmem>>
      %dma_start3A_36 = arith.constant 0 : i32
      %dma_start3A_37 = arith.constant 0 : i32
      %dma_start3A_38 = tpu.memref_slice %arg8[%dma_start3A_36, %dma_start3A_37] : memref<10240x64xf32, #tpu.memory_space<vmem_shared>> -> memref<10240x64xf32, #tpu.memory_space<vmem_shared>>
      tpu.enqueue_indirect_dma source(%dma_start3A_32 : memref<128x64xf32, #tpu.memory_space<vmem>>) target(%dma_start3A_38 : memref<10240x64xf32, #tpu.memory_space<vmem_shared>>) offsets(%dma_start3A_35 : memref<128xi32, #tpu.memory_space<vmem>>) semaphore(%run_scoped3A_29 : memref<!tpu.dma_semaphore, #tpu.memory_space<semaphore_mem>>) {add = true}
      %dma_wait3A = arith.constant 0 : i32
      %dma_wait3A_39 = arith.constant 0 : i32
      %dma_wait3A_40 = tpu.memref_slice %arg7[%run_scoped3A_8, %dma_wait3A, %dma_wait3A_39] : memref<10x128x64xf32, #tpu.memory_space<vmem>> -> memref<1x128x64xf32, #tpu.memory_space<vmem>>
      %dma_wait3A_41 = tpu.memref_squeeze %dma_wait3A_40 : memref<1x128x64xf32, #tpu.memory_space<vmem>> -> memref<128x64xf32, #tpu.memory_space<vmem>>
      %dma_wait3A_42 = arith.constant 0 : i32
      %dma_wait3A_43 = tpu.memref_slice %arg6[%run_scoped3A_9, %dma_wait3A_42] : memref<10x128xi32, #tpu.memory_space<vmem>> -> memref<1x128xi32, #tpu.memory_space<vmem>>
      %dma_wait3A_44 = tpu.memref_squeeze %dma_wait3A_43 : memref<1x128xi32, #tpu.memory_space<vmem>> -> memref<128xi32, #tpu.memory_space<vmem>>
      %dma_wait3A_45 = arith.constant 0 : i32
      %dma_wait3A_46 = arith.constant 0 : i32
      %dma_wait3A_47 = tpu.memref_slice %arg8[%dma_wait3A_45, %dma_wait3A_46] : memref<10240x64xf32, #tpu.memory_space<vmem_shared>> -> memref<10240x64xf32, #tpu.memory_space<vmem_shared>>
      tpu.wait_indirect_dma semaphore(%run_scoped3A_29 : memref<!tpu.dma_semaphore, #tpu.memory_space<semaphore_mem>>) src(%dma_wait3A_41 : memref<128x64xf32, #tpu.memory_space<vmem>>) dst(%dma_wait3A_47 : memref<10240x64xf32, #tpu.memory_space<vmem_shared>>)
      tpu.yield
    }) : () -> ()
    %run_scoped3A_10 = arith.constant 3 : i32
    %run_scoped3A_11 = arith.constant 3 : i32
    "tpu.region"() ({
      %run_scoped3A_29 = tpu.sem_alloc : memref<!tpu.dma_semaphore, #tpu.memory_space<semaphore_mem>>
      %dma_start3A = arith.constant 0 : i32
      %dma_start3A_30 = arith.constant 0 : i32
      %dma_start3A_31 = tpu.memref_slice %arg7[%run_scoped3A_10, %dma_start3A, %dma_start3A_30] : memref<10x128x64xf32, #tpu.memory_space<vmem>> -> memref<1x128x64xf32, #tpu.memory_space<vmem>>
      %dma_start3A_32 = tpu.memref_squeeze %dma_start3A_31 : memref<1x128x64xf32, #tpu.memory_space<vmem>> -> memref<128x64xf32, #tpu.memory_space<vmem>>
      %dma_start3A_33 = arith.constant 0 : i32
      %dma_start3A_34 = tpu.memref_slice %arg6[%run_scoped3A_11, %dma_start3A_33] : memref<10x128xi32, #tpu.memory_space<vmem>> -> memref<1x128xi32, #tpu.memory_space<vmem>>
      %dma_start3A_35 = tpu.memref_squeeze %dma_start3A_34 : memref<1x128xi32, #tpu.memory_space<vmem>> -> memref<128xi32, #tpu.memory_space<vmem>>
      %dma_start3A_36 = arith.constant 0 : i32
      %dma_start3A_37 = arith.constant 0 : i32
      %dma_start3A_38 = tpu.memref_slice %arg8[%dma_start3A_36, %dma_start3A_37] : memref<10240x64xf32, #tpu.memory_space<vmem_shared>> -> memref<10240x64xf32, #tpu.memory_space<vmem_shared>>
      tpu.enqueue_indirect_dma source(%dma_start3A_32 : memref<128x64xf32, #tpu.memory_space<vmem>>) target(%dma_start3A_38 : memref<10240x64xf32, #tpu.memory_space<vmem_shared>>) offsets(%dma_start3A_35 : memref<128xi32, #tpu.memory_space<vmem>>) semaphore(%run_scoped3A_29 : memref<!tpu.dma_semaphore, #tpu.memory_space<semaphore_mem>>) {add = true}
      %dma_wait3A = arith.constant 0 : i32
      %dma_wait3A_39 = arith.constant 0 : i32
      %dma_wait3A_40 = tpu.memref_slice %arg7[%run_scoped3A_10, %dma_wait3A, %dma_wait3A_39] : memref<10x128x64xf32, #tpu.memory_space<vmem>> -> memref<1x128x64xf32, #tpu.memory_space<vmem>>
      %dma_wait3A_41 = tpu.memref_squeeze %dma_wait3A_40 : memref<1x128x64xf32, #tpu.memory_space<vmem>> -> memref<128x64xf32, #tpu.memory_space<vmem>>
      %dma_wait3A_42 = arith.constant 0 : i32
      %dma_wait3A_43 = tpu.memref_slice %arg6[%run_scoped3A_11, %dma_wait3A_42] : memref<10x128xi32, #tpu.memory_space<vmem>> -> memref<1x128xi32, #tpu.memory_space<vmem>>
      %dma_wait3A_44 = tpu.memref_squeeze %dma_wait3A_43 : memref<1x128xi32, #tpu.memory_space<vmem>> -> memref<128xi32, #tpu.memory_space<vmem>>
      %dma_wait3A_45 = arith.constant 0 : i32
      %dma_wait3A_46 = arith.constant 0 : i32
      %dma_wait3A_47 = tpu.memref_slice %arg8[%dma_wait3A_45, %dma_wait3A_46] : memref<10240x64xf32, #tpu.memory_space<vmem_shared>> -> memref<10240x64xf32, #tpu.memory_space<vmem_shared>>
      tpu.wait_indirect_dma semaphore(%run_scoped3A_29 : memref<!tpu.dma_semaphore, #tpu.memory_space<semaphore_mem>>) src(%dma_wait3A_41 : memref<128x64xf32, #tpu.memory_space<vmem>>) dst(%dma_wait3A_47 : memref<10240x64xf32, #tpu.memory_space<vmem_shared>>)
      tpu.yield
    }) : () -> ()
    %run_scoped3A_12 = arith.constant 4 : i32
    %run_scoped3A_13 = arith.constant 4 : i32
    "tpu.region"() ({
      %run_scoped3A_29 = tpu.sem_alloc : memref<!tpu.dma_semaphore, #tpu.memory_space<semaphore_mem>>
      %dma_start3A = arith.constant 0 : i32
      %dma_start3A_30 = arith.constant 0 : i32
      %dma_start3A_31 = tpu.memref_slice %arg7[%run_scoped3A_12, %dma_start3A, %dma_start3A_30] : memref<10x128x64xf32, #tpu.memory_space<vmem>> -> memref<1x128x64xf32, #tpu.memory_space<vmem>>
      %dma_start3A_32 = tpu.memref_squeeze %dma_start3A_31 : memref<1x128x64xf32, #tpu.memory_space<vmem>> -> memref<128x64xf32, #tpu.memory_space<vmem>>
      %dma_start3A_33 = arith.constant 0 : i32
      %dma_start3A_34 = tpu.memref_slice %arg6[%run_scoped3A_13, %dma_start3A_33] : memref<10x128xi32, #tpu.memory_space<vmem>> -> memref<1x128xi32, #tpu.memory_space<vmem>>
      %dma_start3A_35 = tpu.memref_squeeze %dma_start3A_34 : memref<1x128xi32, #tpu.memory_space<vmem>> -> memref<128xi32, #tpu.memory_space<vmem>>
      %dma_start3A_36 = arith.constant 0 : i32
      %dma_start3A_37 = arith.constant 0 : i32
      %dma_start3A_38 = tpu.memref_slice %arg8[%dma_start3A_36, %dma_start3A_37] : memref<10240x64xf32, #tpu.memory_space<vmem_shared>> -> memref<10240x64xf32, #tpu.memory_space<vmem_shared>>
      tpu.enqueue_indirect_dma source(%dma_start3A_32 : memref<128x64xf32, #tpu.memory_space<vmem>>) target(%dma_start3A_38 : memref<10240x64xf32, #tpu.memory_space<vmem_shared>>) offsets(%dma_start3A_35 : memref<128xi32, #tpu.memory_space<vmem>>) semaphore(%run_scoped3A_29 : memref<!tpu.dma_semaphore, #tpu.memory_space<semaphore_mem>>) {add = true}
      %dma_wait3A = arith.constant 0 : i32
      %dma_wait3A_39 = arith.constant 0 : i32
      %dma_wait3A_40 = tpu.memref_slice %arg7[%run_scoped3A_12, %dma_wait3A, %dma_wait3A_39] : memref<10x128x64xf32, #tpu.memory_space<vmem>> -> memref<1x128x64xf32, #tpu.memory_space<vmem>>
      %dma_wait3A_41 = tpu.memref_squeeze %dma_wait3A_40 : memref<1x128x64xf32, #tpu.memory_space<vmem>> -> memref<128x64xf32, #tpu.memory_space<vmem>>
      %dma_wait3A_42 = arith.constant 0 : i32
      %dma_wait3A_43 = tpu.memref_slice %arg6[%run_scoped3A_13, %dma_wait3A_42] : memref<10x128xi32, #tpu.memory_space<vmem>> -> memref<1x128xi32, #tpu.memory_space<vmem>>
      %dma_wait3A_44 = tpu.memref_squeeze %dma_wait3A_43 : memref<1x128xi32, #tpu.memory_space<vmem>> -> memref<128xi32, #tpu.memory_space<vmem>>
      %dma_wait3A_45 = arith.constant 0 : i32
      %dma_wait3A_46 = arith.constant 0 : i32
      %dma_wait3A_47 = tpu.memref_slice %arg8[%dma_wait3A_45, %dma_wait3A_46] : memref<10240x64xf32, #tpu.memory_space<vmem_shared>> -> memref<10240x64xf32, #tpu.memory_space<vmem_shared>>
      tpu.wait_indirect_dma semaphore(%run_scoped3A_29 : memref<!tpu.dma_semaphore, #tpu.memory_space<semaphore_mem>>) src(%dma_wait3A_41 : memref<128x64xf32, #tpu.memory_space<vmem>>) dst(%dma_wait3A_47 : memref<10240x64xf32, #tpu.memory_space<vmem_shared>>)
      tpu.yield
    }) : () -> ()
    %run_scoped3A_14 = arith.constant 5 : i32
    %run_scoped3A_15 = arith.constant 5 : i32
    "tpu.region"() ({
      %run_scoped3A_29 = tpu.sem_alloc : memref<!tpu.dma_semaphore, #tpu.memory_space<semaphore_mem>>
      %dma_start3A = arith.constant 0 : i32
      %dma_start3A_30 = arith.constant 0 : i32
      %dma_start3A_31 = tpu.memref_slice %arg7[%run_scoped3A_14, %dma_start3A, %dma_start3A_30] : memref<10x128x64xf32, #tpu.memory_space<vmem>> -> memref<1x128x64xf32, #tpu.memory_space<vmem>>
      %dma_start3A_32 = tpu.memref_squeeze %dma_start3A_31 : memref<1x128x64xf32, #tpu.memory_space<vmem>> -> memref<128x64xf32, #tpu.memory_space<vmem>>
      %dma_start3A_33 = arith.constant 0 : i32
      %dma_start3A_34 = tpu.memref_slice %arg6[%run_scoped3A_15, %dma_start3A_33] : memref<10x128xi32, #tpu.memory_space<vmem>> -> memref<1x128xi32, #tpu.memory_space<vmem>>
      %dma_start3A_35 = tpu.memref_squeeze %dma_start3A_34 : memref<1x128xi32, #tpu.memory_space<vmem>> -> memref<128xi32, #tpu.memory_space<vmem>>
      %dma_start3A_36 = arith.constant 0 : i32
      %dma_start3A_37 = arith.constant 0 : i32
      %dma_start3A_38 = tpu.memref_slice %arg8[%dma_start3A_36, %dma_start3A_37] : memref<10240x64xf32, #tpu.memory_space<vmem_shared>> -> memref<10240x64xf32, #tpu.memory_space<vmem_shared>>
      tpu.enqueue_indirect_dma source(%dma_start3A_32 : memref<128x64xf32, #tpu.memory_space<vmem>>) target(%dma_start3A_38 : memref<10240x64xf32, #tpu.memory_space<vmem_shared>>) offsets(%dma_start3A_35 : memref<128xi32, #tpu.memory_space<vmem>>) semaphore(%run_scoped3A_29 : memref<!tpu.dma_semaphore, #tpu.memory_space<semaphore_mem>>) {add = true}
      %dma_wait3A = arith.constant 0 : i32
      %dma_wait3A_39 = arith.constant 0 : i32
      %dma_wait3A_40 = tpu.memref_slice %arg7[%run_scoped3A_14, %dma_wait3A, %dma_wait3A_39] : memref<10x128x64xf32, #tpu.memory_space<vmem>> -> memref<1x128x64xf32, #tpu.memory_space<vmem>>
      %dma_wait3A_41 = tpu.memref_squeeze %dma_wait3A_40 : memref<1x128x64xf32, #tpu.memory_space<vmem>> -> memref<128x64xf32, #tpu.memory_space<vmem>>
      %dma_wait3A_42 = arith.constant 0 : i32
      %dma_wait3A_43 = tpu.memref_slice %arg6[%run_scoped3A_15, %dma_wait3A_42] : memref<10x128xi32, #tpu.memory_space<vmem>> -> memref<1x128xi32, #tpu.memory_space<vmem>>
      %dma_wait3A_44 = tpu.memref_squeeze %dma_wait3A_43 : memref<1x128xi32, #tpu.memory_space<vmem>> -> memref<128xi32, #tpu.memory_space<vmem>>
      %dma_wait3A_45 = arith.constant 0 : i32
      %dma_wait3A_46 = arith.constant 0 : i32
      %dma_wait3A_47 = tpu.memref_slice %arg8[%dma_wait3A_45, %dma_wait3A_46] : memref<10240x64xf32, #tpu.memory_space<vmem_shared>> -> memref<10240x64xf32, #tpu.memory_space<vmem_shared>>
      tpu.wait_indirect_dma semaphore(%run_scoped3A_29 : memref<!tpu.dma_semaphore, #tpu.memory_space<semaphore_mem>>) src(%dma_wait3A_41 : memref<128x64xf32, #tpu.memory_space<vmem>>) dst(%dma_wait3A_47 : memref<10240x64xf32, #tpu.memory_space<vmem_shared>>)
      tpu.yield
    }) : () -> ()
    %run_scoped3A_16 = arith.constant 6 : i32
    %run_scoped3A_17 = arith.constant 6 : i32
    "tpu.region"() ({
      %run_scoped3A_29 = tpu.sem_alloc : memref<!tpu.dma_semaphore, #tpu.memory_space<semaphore_mem>>
      %dma_start3A = arith.constant 0 : i32
      %dma_start3A_30 = arith.constant 0 : i32
      %dma_start3A_31 = tpu.memref_slice %arg7[%run_scoped3A_16, %dma_start3A, %dma_start3A_30] : memref<10x128x64xf32, #tpu.memory_space<vmem>> -> memref<1x128x64xf32, #tpu.memory_space<vmem>>
      %dma_start3A_32 = tpu.memref_squeeze %dma_start3A_31 : memref<1x128x64xf32, #tpu.memory_space<vmem>> -> memref<128x64xf32, #tpu.memory_space<vmem>>
      %dma_start3A_33 = arith.constant 0 : i32
      %dma_start3A_34 = tpu.memref_slice %arg6[%run_scoped3A_17, %dma_start3A_33] : memref<10x128xi32, #tpu.memory_space<vmem>> -> memref<1x128xi32, #tpu.memory_space<vmem>>
      %dma_start3A_35 = tpu.memref_squeeze %dma_start3A_34 : memref<1x128xi32, #tpu.memory_space<vmem>> -> memref<128xi32, #tpu.memory_space<vmem>>
      %dma_start3A_36 = arith.constant 0 : i32
      %dma_start3A_37 = arith.constant 0 : i32
      %dma_start3A_38 = tpu.memref_slice %arg8[%dma_start3A_36, %dma_start3A_37] : memref<10240x64xf32, #tpu.memory_space<vmem_shared>> -> memref<10240x64xf32, #tpu.memory_space<vmem_shared>>
      tpu.enqueue_indirect_dma source(%dma_start3A_32 : memref<128x64xf32, #tpu.memory_space<vmem>>) target(%dma_start3A_38 : memref<10240x64xf32, #tpu.memory_space<vmem_shared>>) offsets(%dma_start3A_35 : memref<128xi32, #tpu.memory_space<vmem>>) semaphore(%run_scoped3A_29 : memref<!tpu.dma_semaphore, #tpu.memory_space<semaphore_mem>>) {add = true}
      %dma_wait3A = arith.constant 0 : i32
      %dma_wait3A_39 = arith.constant 0 : i32
      %dma_wait3A_40 = tpu.memref_slice %arg7[%run_scoped3A_16, %dma_wait3A, %dma_wait3A_39] : memref<10x128x64xf32, #tpu.memory_space<vmem>> -> memref<1x128x64xf32, #tpu.memory_space<vmem>>
      %dma_wait3A_41 = tpu.memref_squeeze %dma_wait3A_40 : memref<1x128x64xf32, #tpu.memory_space<vmem>> -> memref<128x64xf32, #tpu.memory_space<vmem>>
      %dma_wait3A_42 = arith.constant 0 : i32
      %dma_wait3A_43 = tpu.memref_slice %arg6[%run_scoped3A_17, %dma_wait3A_42] : memref<10x128xi32, #tpu.memory_space<vmem>> -> memref<1x128xi32, #tpu.memory_space<vmem>>
      %dma_wait3A_44 = tpu.memref_squeeze %dma_wait3A_43 : memref<1x128xi32, #tpu.memory_space<vmem>> -> memref<128xi32, #tpu.memory_space<vmem>>
      %dma_wait3A_45 = arith.constant 0 : i32
      %dma_wait3A_46 = arith.constant 0 : i32
      %dma_wait3A_47 = tpu.memref_slice %arg8[%dma_wait3A_45, %dma_wait3A_46] : memref<10240x64xf32, #tpu.memory_space<vmem_shared>> -> memref<10240x64xf32, #tpu.memory_space<vmem_shared>>
      tpu.wait_indirect_dma semaphore(%run_scoped3A_29 : memref<!tpu.dma_semaphore, #tpu.memory_space<semaphore_mem>>) src(%dma_wait3A_41 : memref<128x64xf32, #tpu.memory_space<vmem>>) dst(%dma_wait3A_47 : memref<10240x64xf32, #tpu.memory_space<vmem_shared>>)
      tpu.yield
    }) : () -> ()
    %run_scoped3A_18 = arith.constant 7 : i32
    %run_scoped3A_19 = arith.constant 7 : i32
    "tpu.region"() ({
      %run_scoped3A_29 = tpu.sem_alloc : memref<!tpu.dma_semaphore, #tpu.memory_space<semaphore_mem>>
      %dma_start3A = arith.constant 0 : i32
      %dma_start3A_30 = arith.constant 0 : i32
      %dma_start3A_31 = tpu.memref_slice %arg7[%run_scoped3A_18, %dma_start3A, %dma_start3A_30] : memref<10x128x64xf32, #tpu.memory_space<vmem>> -> memref<1x128x64xf32, #tpu.memory_space<vmem>>
      %dma_start3A_32 = tpu.memref_squeeze %dma_start3A_31 : memref<1x128x64xf32, #tpu.memory_space<vmem>> -> memref<128x64xf32, #tpu.memory_space<vmem>>
      %dma_start3A_33 = arith.constant 0 : i32
      %dma_start3A_34 = tpu.memref_slice %arg6[%run_scoped3A_19, %dma_start3A_33] : memref<10x128xi32, #tpu.memory_space<vmem>> -> memref<1x128xi32, #tpu.memory_space<vmem>>
      %dma_start3A_35 = tpu.memref_squeeze %dma_start3A_34 : memref<1x128xi32, #tpu.memory_space<vmem>> -> memref<128xi32, #tpu.memory_space<vmem>>
      %dma_start3A_36 = arith.constant 0 : i32
      %dma_start3A_37 = arith.constant 0 : i32
      %dma_start3A_38 = tpu.memref_slice %arg8[%dma_start3A_36, %dma_start3A_37] : memref<10240x64xf32, #tpu.memory_space<vmem_shared>> -> memref<10240x64xf32, #tpu.memory_space<vmem_shared>>
      tpu.enqueue_indirect_dma source(%dma_start3A_32 : memref<128x64xf32, #tpu.memory_space<vmem>>) target(%dma_start3A_38 : memref<10240x64xf32, #tpu.memory_space<vmem_shared>>) offsets(%dma_start3A_35 : memref<128xi32, #tpu.memory_space<vmem>>) semaphore(%run_scoped3A_29 : memref<!tpu.dma_semaphore, #tpu.memory_space<semaphore_mem>>) {add = true}
      %dma_wait3A = arith.constant 0 : i32
      %dma_wait3A_39 = arith.constant 0 : i32
      %dma_wait3A_40 = tpu.memref_slice %arg7[%run_scoped3A_18, %dma_wait3A, %dma_wait3A_39] : memref<10x128x64xf32, #tpu.memory_space<vmem>> -> memref<1x128x64xf32, #tpu.memory_space<vmem>>
      %dma_wait3A_41 = tpu.memref_squeeze %dma_wait3A_40 : memref<1x128x64xf32, #tpu.memory_space<vmem>> -> memref<128x64xf32, #tpu.memory_space<vmem>>
      %dma_wait3A_42 = arith.constant 0 : i32
      %dma_wait3A_43 = tpu.memref_slice %arg6[%run_scoped3A_19, %dma_wait3A_42] : memref<10x128xi32, #tpu.memory_space<vmem>> -> memref<1x128xi32, #tpu.memory_space<vmem>>
      %dma_wait3A_44 = tpu.memref_squeeze %dma_wait3A_43 : memref<1x128xi32, #tpu.memory_space<vmem>> -> memref<128xi32, #tpu.memory_space<vmem>>
      %dma_wait3A_45 = arith.constant 0 : i32
      %dma_wait3A_46 = arith.constant 0 : i32
      %dma_wait3A_47 = tpu.memref_slice %arg8[%dma_wait3A_45, %dma_wait3A_46] : memref<10240x64xf32, #tpu.memory_space<vmem_shared>> -> memref<10240x64xf32, #tpu.memory_space<vmem_shared>>
      tpu.wait_indirect_dma semaphore(%run_scoped3A_29 : memref<!tpu.dma_semaphore, #tpu.memory_space<semaphore_mem>>) src(%dma_wait3A_41 : memref<128x64xf32, #tpu.memory_space<vmem>>) dst(%dma_wait3A_47 : memref<10240x64xf32, #tpu.memory_space<vmem_shared>>)
      tpu.yield
    }) : () -> ()
    %run_scoped3A_20 = arith.constant 8 : i32
    %run_scoped3A_21 = arith.constant 8 : i32
    "tpu.region"() ({
      %run_scoped3A_29 = tpu.sem_alloc : memref<!tpu.dma_semaphore, #tpu.memory_space<semaphore_mem>>
      %dma_start3A = arith.constant 0 : i32
      %dma_start3A_30 = arith.constant 0 : i32
      %dma_start3A_31 = tpu.memref_slice %arg7[%run_scoped3A_20, %dma_start3A, %dma_start3A_30] : memref<10x128x64xf32, #tpu.memory_space<vmem>> -> memref<1x128x64xf32, #tpu.memory_space<vmem>>
      %dma_start3A_32 = tpu.memref_squeeze %dma_start3A_31 : memref<1x128x64xf32, #tpu.memory_space<vmem>> -> memref<128x64xf32, #tpu.memory_space<vmem>>
      %dma_start3A_33 = arith.constant 0 : i32
      %dma_start3A_34 = tpu.memref_slice %arg6[%run_scoped3A_21, %dma_start3A_33] : memref<10x128xi32, #tpu.memory_space<vmem>> -> memref<1x128xi32, #tpu.memory_space<vmem>>
      %dma_start3A_35 = tpu.memref_squeeze %dma_start3A_34 : memref<1x128xi32, #tpu.memory_space<vmem>> -> memref<128xi32, #tpu.memory_space<vmem>>
      %dma_start3A_36 = arith.constant 0 : i32
      %dma_start3A_37 = arith.constant 0 : i32
      %dma_start3A_38 = tpu.memref_slice %arg8[%dma_start3A_36, %dma_start3A_37] : memref<10240x64xf32, #tpu.memory_space<vmem_shared>> -> memref<10240x64xf32, #tpu.memory_space<vmem_shared>>
      tpu.enqueue_indirect_dma source(%dma_start3A_32 : memref<128x64xf32, #tpu.memory_space<vmem>>) target(%dma_start3A_38 : memref<10240x64xf32, #tpu.memory_space<vmem_shared>>) offsets(%dma_start3A_35 : memref<128xi32, #tpu.memory_space<vmem>>) semaphore(%run_scoped3A_29 : memref<!tpu.dma_semaphore, #tpu.memory_space<semaphore_mem>>) {add = true}
      %dma_wait3A = arith.constant 0 : i32
      %dma_wait3A_39 = arith.constant 0 : i32
      %dma_wait3A_40 = tpu.memref_slice %arg7[%run_scoped3A_20, %dma_wait3A, %dma_wait3A_39] : memref<10x128x64xf32, #tpu.memory_space<vmem>> -> memref<1x128x64xf32, #tpu.memory_space<vmem>>
      %dma_wait3A_41 = tpu.memref_squeeze %dma_wait3A_40 : memref<1x128x64xf32, #tpu.memory_space<vmem>> -> memref<128x64xf32, #tpu.memory_space<vmem>>
      %dma_wait3A_42 = arith.constant 0 : i32
      %dma_wait3A_43 = tpu.memref_slice %arg6[%run_scoped3A_21, %dma_wait3A_42] : memref<10x128xi32, #tpu.memory_space<vmem>> -> memref<1x128xi32, #tpu.memory_space<vmem>>
      %dma_wait3A_44 = tpu.memref_squeeze %dma_wait3A_43 : memref<1x128xi32, #tpu.memory_space<vmem>> -> memref<128xi32, #tpu.memory_space<vmem>>
      %dma_wait3A_45 = arith.constant 0 : i32
      %dma_wait3A_46 = arith.constant 0 : i32
      %dma_wait3A_47 = tpu.memref_slice %arg8[%dma_wait3A_45, %dma_wait3A_46] : memref<10240x64xf32, #tpu.memory_space<vmem_shared>> -> memref<10240x64xf32, #tpu.memory_space<vmem_shared>>
      tpu.wait_indirect_dma semaphore(%run_scoped3A_29 : memref<!tpu.dma_semaphore, #tpu.memory_space<semaphore_mem>>) src(%dma_wait3A_41 : memref<128x64xf32, #tpu.memory_space<vmem>>) dst(%dma_wait3A_47 : memref<10240x64xf32, #tpu.memory_space<vmem_shared>>)
      tpu.yield
    }) : () -> ()
    %run_scoped3A_22 = arith.constant 9 : i32
    %run_scoped3A_23 = arith.constant 9 : i32
    "tpu.region"() ({
      %run_scoped3A_29 = tpu.sem_alloc : memref<!tpu.dma_semaphore, #tpu.memory_space<semaphore_mem>>
      %dma_start3A = arith.constant 0 : i32
      %dma_start3A_30 = arith.constant 0 : i32
      %dma_start3A_31 = tpu.memref_slice %arg7[%run_scoped3A_22, %dma_start3A, %dma_start3A_30] : memref<10x128x64xf32, #tpu.memory_space<vmem>> -> memref<1x128x64xf32, #tpu.memory_space<vmem>>
      %dma_start3A_32 = tpu.memref_squeeze %dma_start3A_31 : memref<1x128x64xf32, #tpu.memory_space<vmem>> -> memref<128x64xf32, #tpu.memory_space<vmem>>
      %dma_start3A_33 = arith.constant 0 : i32
      %dma_start3A_34 = tpu.memref_slice %arg6[%run_scoped3A_23, %dma_start3A_33] : memref<10x128xi32, #tpu.memory_space<vmem>> -> memref<1x128xi32, #tpu.memory_space<vmem>>
      %dma_start3A_35 = tpu.memref_squeeze %dma_start3A_34 : memref<1x128xi32, #tpu.memory_space<vmem>> -> memref<128xi32, #tpu.memory_space<vmem>>
      %dma_start3A_36 = arith.constant 0 : i32
      %dma_start3A_37 = arith.constant 0 : i32
      %dma_start3A_38 = tpu.memref_slice %arg8[%dma_start3A_36, %dma_start3A_37] : memref<10240x64xf32, #tpu.memory_space<vmem_shared>> -> memref<10240x64xf32, #tpu.memory_space<vmem_shared>>
      tpu.enqueue_indirect_dma source(%dma_start3A_32 : memref<128x64xf32, #tpu.memory_space<vmem>>) target(%dma_start3A_38 : memref<10240x64xf32, #tpu.memory_space<vmem_shared>>) offsets(%dma_start3A_35 : memref<128xi32, #tpu.memory_space<vmem>>) semaphore(%run_scoped3A_29 : memref<!tpu.dma_semaphore, #tpu.memory_space<semaphore_mem>>) {add = true}
      %dma_wait3A = arith.constant 0 : i32
      %dma_wait3A_39 = arith.constant 0 : i32
      %dma_wait3A_40 = tpu.memref_slice %arg7[%run_scoped3A_22, %dma_wait3A, %dma_wait3A_39] : memref<10x128x64xf32, #tpu.memory_space<vmem>> -> memref<1x128x64xf32, #tpu.memory_space<vmem>>
      %dma_wait3A_41 = tpu.memref_squeeze %dma_wait3A_40 : memref<1x128x64xf32, #tpu.memory_space<vmem>> -> memref<128x64xf32, #tpu.memory_space<vmem>>
      %dma_wait3A_42 = arith.constant 0 : i32
      %dma_wait3A_43 = tpu.memref_slice %arg6[%run_scoped3A_23, %dma_wait3A_42] : memref<10x128xi32, #tpu.memory_space<vmem>> -> memref<1x128xi32, #tpu.memory_space<vmem>>
      %dma_wait3A_44 = tpu.memref_squeeze %dma_wait3A_43 : memref<1x128xi32, #tpu.memory_space<vmem>> -> memref<128xi32, #tpu.memory_space<vmem>>
      %dma_wait3A_45 = arith.constant 0 : i32
      %dma_wait3A_46 = arith.constant 0 : i32
      %dma_wait3A_47 = tpu.memref_slice %arg8[%dma_wait3A_45, %dma_wait3A_46] : memref<10240x64xf32, #tpu.memory_space<vmem_shared>> -> memref<10240x64xf32, #tpu.memory_space<vmem_shared>>
      tpu.wait_indirect_dma semaphore(%run_scoped3A_29 : memref<!tpu.dma_semaphore, #tpu.memory_space<semaphore_mem>>) src(%dma_wait3A_41 : memref<128x64xf32, #tpu.memory_space<vmem>>) dst(%dma_wait3A_47 : memref<10240x64xf32, #tpu.memory_space<vmem_shared>>)
      tpu.yield
    }) : () -> ()
    %barrier3A_24 = arith.constant 0 : index
    tpu.barrier barrier_id(%barrier3A_24)
    %mul3A_25 = arith.constant 640 : i32
    %mul3A_26 = arith.muli %arg1, %mul3A_25 : i32
    %mul3A_27 = arith.constant 640 : i32
    %mul3A_28 = arith.muli %arg1, %mul3A_27 : i32
    "tpu.region"() ({
      %run_scoped3A_29 = tpu.sem_alloc : memref<!tpu.dma_semaphore, #tpu.memory_space<semaphore_mem>>
      %dma_start3A = arith.constant 0 : i32
      %dma_start3A_30 = arith.constant 0 : i32
      %dma_start3A_31 = tpu.memref_slice %arg5[%arg0, %dma_start3A, %dma_start3A_30] : memref<2x10240x64xf32, #tpu.memory_space<hbm>> -> memref<1x10240x64xf32, #tpu.memory_space<hbm>>
      %dma_start3A_32 = tpu.memref_squeeze %dma_start3A_31 : memref<1x10240x64xf32, #tpu.memory_space<hbm>> -> memref<10240x64xf32, #tpu.memory_space<hbm>>
      %dma_start3A_33 = arith.constant 0 : i32
      %dma_start3A_34 = tpu.memref_slice %dma_start3A_32[%mul3A_28, %dma_start3A_33] : memref<10240x64xf32, #tpu.memory_space<hbm>> -> memref<640x64xf32, #tpu.memory_space<hbm>>
      %dma_start3A_35 = arith.constant 0 : i32
      %dma_start3A_36 = tpu.memref_slice %arg8[%mul3A_26, %dma_start3A_35] : memref<10240x64xf32, #tpu.memory_space<vmem_shared>> -> memref<640x64xf32, #tpu.memory_space<vmem_shared>>
      tpu.enqueue_dma source(%dma_start3A_36 : memref<640x64xf32, #tpu.memory_space<vmem_shared>>) target(%dma_start3A_34 : memref<640x64xf32, #tpu.memory_space<hbm>>) target_semaphore(%run_scoped3A_29 : memref<!tpu.dma_semaphore, #tpu.memory_space<semaphore_mem>>)
      %dma_wait3A = arith.constant 0 : i32
      %dma_wait3A_37 = arith.constant 0 : i32
      %dma_wait3A_38 = tpu.memref_slice %arg5[%arg0, %dma_wait3A, %dma_wait3A_37] : memref<2x10240x64xf32, #tpu.memory_space<hbm>> -> memref<1x10240x64xf32, #tpu.memory_space<hbm>>
      %dma_wait3A_39 = tpu.memref_squeeze %dma_wait3A_38 : memref<1x10240x64xf32, #tpu.memory_space<hbm>> -> memref<10240x64xf32, #tpu.memory_space<hbm>>
      %dma_wait3A_40 = arith.constant 0 : i32
      %dma_wait3A_41 = tpu.memref_slice %dma_wait3A_39[%mul3A_28, %dma_wait3A_40] : memref<10240x64xf32, #tpu.memory_space<hbm>> -> memref<640x64xf32, #tpu.memory_space<hbm>>
      %dma_wait3A_42 = arith.constant 0 : i32
      %dma_wait3A_43 = tpu.memref_slice %arg8[%mul3A_26, %dma_wait3A_42] : memref<10240x64xf32, #tpu.memory_space<vmem_shared>> -> memref<640x64xf32, #tpu.memory_space<vmem_shared>>
      tpu.wait_dma2 semaphore(%run_scoped3A_29 : memref<!tpu.dma_semaphore, #tpu.memory_space<semaphore_mem>>) src(%dma_wait3A_43 : memref<640x64xf32, #tpu.memory_space<vmem_shared>>) dst(%dma_wait3A_41 : memref<640x64xf32, #tpu.memory_space<hbm>>)
      tpu.yield
    }) : () -> ()
    return
  }
}

module attributes {stable_mosaic.version = 14 : i64} {
  func.func @_embed_body(%arg0: i32, %arg1: memref<1024x1xi32, #tpu.memory_space<vmem>>, %arg2: memref<8x8xf32, #tpu.memory_space<vmem>>, %arg3: memref<1024x16xf32, #tpu.memory_space<vmem>>) attributes {dimension_semantics = [#tpu.dimension_semantics<arbitrary>], iteration_bounds = array<i64: 10>, scalar_prefetch = 0 : i64, scratch_operands = 0 : i64, tpu.core_type = #tpu.core_type<tc>, window_params = [{transform_indices = @transform_0, window_bounds = array<i64: 1024, 1>}, {pipeline_mode = #tpu.pipeline_mode<synchronous>, transform_indices = @transform_1, window_bounds = array<i64: 8, 8>}, {transform_indices = @transform_2, window_bounds = array<i64: 1024, 16>}]} {
    %get3A = arith.constant 0 : index
    %get3A_0 = arith.constant 0 : index
    %get3A_1 = vector.load %arg1[%get3A, %get3A_0] : memref<1024x1xi32, #tpu.memory_space<vmem>>, vector<1024x1xi32>
    %iota3A = tpu.iota {dimensions = array<i32: 1>} : vector<1024x8xi32>
    %eq3A = vector.broadcast %get3A_1 : vector<1024x1xi32> to vector<1024x8xi32>
    %eq3A_2 = arith.cmpi eq, %iota3A, %eq3A : vector<1024x8xi32>
    %convert_element_type3A = arith.extui %eq3A_2 : vector<1024x8xi1> to vector<1024x8xi32>
    %convert_element_type3A_3 = arith.sitofp %convert_element_type3A : vector<1024x8xi32> to vector<1024x8xf32>
    %get3A_4 = arith.constant 0 : index
    %get3A_5 = arith.constant 0 : index
    %get3A_6 = vector.load %arg2[%get3A_4, %get3A_5] : memref<8x8xf32, #tpu.memory_space<vmem>>, vector<8x8xf32>
    %dot_general3A = arith.constant dense<0.000000e+00> : vector<1024x8xf32>
    %dot_general3A_7 = tpu.matmul %convert_element_type3A_3, %get3A_6, %dot_general3A {dimension_numbers = #tpu.dot_dimension_numbers<[1], [0], [0], [1], [0, 0, 1, 1], [], []>, transpose_lhs_hint = false} : vector<1024x8xf32>, vector<8x8xf32>, vector<1024x8xf32> -> vector<1024x8xf32>
    %convert_element_type3A_8 = arith.sitofp %get3A_1 : vector<1024x1xi32> to vector<1024x1xf32>
    %broadcast_in_dim3A = arith.constant 0.000000e+00 : f32
    %broadcast_in_dim3A_9 = vector.broadcast %broadcast_in_dim3A : f32 to vector<1024x7xf32>
    %concatenate3A = tpu.concatenate %dot_general3A_7, %convert_element_type3A_8, %broadcast_in_dim3A_9 in 1 : vector<1024x8xf32>, vector<1024x1xf32>, vector<1024x7xf32> -> vector<1024x16xf32>
    %swap3A = arith.constant 0 : index
    %swap3A_10 = arith.constant 0 : index
    %swap3A_11 = vector.load %arg3[%swap3A, %swap3A_10] : memref<1024x16xf32, #tpu.memory_space<vmem>>, vector<1024x16xf32>
    tpu.vector_store %arg3[%swap3A, %swap3A_10], %concatenate3A {strides = array<i32>} : memref<1024x16xf32, #tpu.memory_space<vmem>>, vector<1024x16xf32>,
    return
  }
  func.func @transform_0(%arg0: i32) -> (i32, i32) {
    %c0_i32 = arith.constant 0 : i32
    %c0_i32_0 = arith.constant 0 : i32
    return %arg0, %c0_i32 : i32, i32
  }
  func.func @transform_1(%arg0: i32) -> (i32, i32) {
    %c0_i32 = arith.constant 0 : i32
    %c0_i32_0 = arith.constant 0 : i32
    %c0_i32_1 = arith.constant 0 : i32
    return %c0_i32, %c0_i32_0 : i32, i32
  }
  func.func @transform_2(%arg0: i32) -> (i32, i32) {
    %c0_i32 = arith.constant 0 : i32
    %c0_i32_0 = arith.constant 0 : i32
    return %arg0, %c0_i32 : i32, i32
  }
}

module attributes {stable_mosaic.version = 14 : i64} {
  func.func @body(%arg0: i32, %arg1: memref<512x16xf32, #tpu.memory_space<vmem>>, %arg2: memref<512x16xf32, #tpu.memory_space<vmem>>, %arg3: memref<128x16xf32, #tpu.memory_space<vmem>>, %arg4: memref<128x1xf32, #tpu.memory_space<vmem>>, %arg5: memref<288x128xf32, #tpu.memory_space<vmem>>, %arg6: memref<32x16xf32, #tpu.memory_space<vmem>>, %arg7: memref<512x32xf32, #tpu.memory_space<vmem>>) attributes {dimension_semantics = [#tpu.dimension_semantics<arbitrary>], iteration_bounds = array<i64: 80>, scalar_prefetch = 0 : i64, scratch_operands = 0 : i64, tpu.core_type = #tpu.core_type<tc>, window_params = [{transform_indices = @transform_0, window_bounds = array<i64: 512, 16>}, {transform_indices = @transform_1, window_bounds = array<i64: 512, 16>}, {pipeline_mode = #tpu.pipeline_mode<synchronous>, transform_indices = @transform_2, window_bounds = array<i64: 128, 16>}, {pipeline_mode = #tpu.pipeline_mode<synchronous>, transform_indices = @transform_3, window_bounds = array<i64: 128, 1>}, {pipeline_mode = #tpu.pipeline_mode<synchronous>, transform_indices = @transform_4, window_bounds = array<i64: 288, 128>}, {pipeline_mode = #tpu.pipeline_mode<synchronous>, transform_indices = @transform_5, window_bounds = array<i64: 32, 16>}, {transform_indices = @transform_6, window_bounds = array<i64: 512, 32>}]} {
    %get3A = arith.constant 0 : index
    %get3A_0 = arith.constant 0 : index
    %get3A_1 = vector.load %arg1[%get3A, %get3A_0] : memref<512x16xf32, #tpu.memory_space<vmem>>, vector<512x16xf32>
    %transpose3A = tpu.transpose %get3A_1, [1, 0] : vector<512x16xf32> -> vector<16x512xf32>
    %convert_element_type3A = arith.truncf %transpose3A : vector<16x512xf32> to vector<16x512xbf16>
    %get3A_2 = arith.constant 0 : index
    %get3A_3 = arith.constant 0 : index
    %get3A_4 = vector.load %arg3[%get3A_2, %get3A_3] : memref<128x16xf32, #tpu.memory_space<vmem>>, vector<128x16xf32>
    %convert_element_type3A_5 = arith.truncf %get3A_4 : vector<128x16xf32> to vector<128x16xbf16>
    %dot_general3A = arith.constant dense<0.000000e+00> : vector<128x512xf32>
    %dot_general3A_6 = tpu.matmul %convert_element_type3A_5, %convert_element_type3A, %dot_general3A {dimension_numbers = #tpu.dot_dimension_numbers<[1], [0], [0], [1], [0, 0, 1, 1], [], []>, transpose_lhs_hint = false} : vector<128x16xbf16>, vector<16x512xbf16>, vector<128x512xf32> -> vector<128x512xf32>
    %get3A_7 = arith.constant 0 : index
    %get3A_8 = arith.constant 0 : index
    %get3A_9 = vector.load %arg4[%get3A_7, %get3A_8] : memref<128x1xf32, #tpu.memory_space<vmem>>, vector<128x1xf32>
    %add3A = vector.broadcast %get3A_9 : vector<128x1xf32> to vector<128x512xf32>
    %add3A_10 = arith.addf %dot_general3A_6, %add3A : vector<128x512xf32>
    %max3A = arith.constant 0.000000e+00 : f32
    %max3A_11 = vector.broadcast %max3A : f32 to vector<128x512xf32>
    %max3A_12 = arith.maximumf %add3A_10, %max3A_11 : vector<128x512xf32>
    %get3A_13 = arith.constant 0 : index
    %get3A_14 = arith.constant 0 : index
    %get3A_15 = vector.load %arg5[%get3A_13, %get3A_14] : memref<288x128xf32, #tpu.memory_space<vmem>>, vector<288x128xf32>
    %convert_element_type3A_16 = arith.truncf %get3A_15 : vector<288x128xf32> to vector<288x128xbf16>
    %convert_element_type3A_17 = arith.truncf %max3A_12 : vector<128x512xf32> to vector<128x512xbf16>
    %dot_general3A_18 = arith.constant dense<0.000000e+00> : vector<288x512xf32>
    %dot_general3A_19 = tpu.matmul %convert_element_type3A_16, %convert_element_type3A_17, %dot_general3A_18 {dimension_numbers = #tpu.dot_dimension_numbers<[1], [0], [0], [1], [0, 0, 1, 1], [], []>, transpose_lhs_hint = false} : vector<288x128xbf16>, vector<128x512xbf16>, vector<288x512xf32> -> vector<288x512xf32>
    %convert_element_type3A_20 = arith.truncf %dot_general3A_19 : vector<288x512xf32> to vector<288x512xbf16>
    %convert_element_type3A_21 = arith.extf %convert_element_type3A_20 : vector<288x512xbf16> to vector<288x512xf32>
    %get3A_22 = arith.constant 0 : index
    %get3A_23 = arith.constant 0 : index
    %get3A_24 = vector.load %arg2[%get3A_22, %get3A_23] : memref<512x16xf32, #tpu.memory_space<vmem>>, vector<512x16xf32>
    %transpose3A_25 = tpu.transpose %get3A_24, [1, 0] : vector<512x16xf32> -> vector<16x512xf32>
    %convert_element_type3A_26 = arith.truncf %transpose3A_25 : vector<16x512xf32> to vector<16x512xbf16>
    %convert_element_type3A_27 = arith.extf %convert_element_type3A_26 : vector<16x512xbf16> to vector<16x512xf32>
    %get3A_28 = arith.constant 0 : index
    %get3A_29 = arith.constant 0 : index
    %get3A_30 = vector.load %arg6[%get3A_28, %get3A_29] : memref<32x16xf32, #tpu.memory_space<vmem>>, vector<32x16xf32>
    %dot_general3A_31 = arith.constant dense<0.000000e+00> : vector<32x512xf32>
    %dot_general3A_32 = tpu.matmul %get3A_30, %transpose3A_25, %dot_general3A_31 {dimension_numbers = #tpu.dot_dimension_numbers<[1], [0], [0], [1], [0, 0, 1, 1], [], []>, transpose_lhs_hint = false} : vector<32x16xf32>, vector<16x512xf32>, vector<32x512xf32> -> vector<32x512xf32>
    %slice3A = vector.extract_strided_slice %convert_element_type3A_27 {offsets = [0, 0], sizes = [1, 512], strides = [1, 1]} : vector<16x512xf32> to vector<1x512xf32>
    %slice3A_33 = vector.extract_strided_slice %convert_element_type3A_21 {offsets = [0, 0], sizes = [32, 512], strides = [1, 1]} : vector<288x512xf32> to vector<32x512xf32>
    %mul3A = vector.broadcast %slice3A : vector<1x512xf32> to vector<32x512xf32>
    %mul3A_34 = arith.mulf %mul3A, %slice3A_33 : vector<32x512xf32>
    %add3A_35 = arith.addf %dot_general3A_32, %mul3A_34 : vector<32x512xf32>
    %slice3A_36 = vector.extract_strided_slice %convert_element_type3A_27 {offsets = [1, 0], sizes = [1, 512], strides = [1, 1]} : vector<16x512xf32> to vector<1x512xf32>
    %slice3A_37 = vector.extract_strided_slice %convert_element_type3A_21 {offsets = [32, 0], sizes = [32, 512], strides = [1, 1]} : vector<288x512xf32> to vector<32x512xf32>
    %mul3A_38 = vector.broadcast %slice3A_36 : vector<1x512xf32> to vector<32x512xf32>
    %mul3A_39 = arith.mulf %mul3A_38, %slice3A_37 : vector<32x512xf32>
    %add3A_40 = arith.addf %add3A_35, %mul3A_39 : vector<32x512xf32>
    %slice3A_41 = vector.extract_strided_slice %convert_element_type3A_27 {offsets = [2, 0], sizes = [1, 512], strides = [1, 1]} : vector<16x512xf32> to vector<1x512xf32>
    %slice3A_42 = vector.extract_strided_slice %convert_element_type3A_21 {offsets = [64, 0], sizes = [32, 512], strides = [1, 1]} : vector<288x512xf32> to vector<32x512xf32>
    %mul3A_43 = vector.broadcast %slice3A_41 : vector<1x512xf32> to vector<32x512xf32>
    %mul3A_44 = arith.mulf %mul3A_43, %slice3A_42 : vector<32x512xf32>
    %add3A_45 = arith.addf %add3A_40, %mul3A_44 : vector<32x512xf32>
    %slice3A_46 = vector.extract_strided_slice %convert_element_type3A_27 {offsets = [3, 0], sizes = [1, 512], strides = [1, 1]} : vector<16x512xf32> to vector<1x512xf32>
    %slice3A_47 = vector.extract_strided_slice %convert_element_type3A_21 {offsets = [96, 0], sizes = [32, 512], strides = [1, 1]} : vector<288x512xf32> to vector<32x512xf32>
    %mul3A_48 = vector.broadcast %slice3A_46 : vector<1x512xf32> to vector<32x512xf32>
    %mul3A_49 = arith.mulf %mul3A_48, %slice3A_47 : vector<32x512xf32>
    %add3A_50 = arith.addf %add3A_45, %mul3A_49 : vector<32x512xf32>
    %slice3A_51 = vector.extract_strided_slice %convert_element_type3A_27 {offsets = [4, 0], sizes = [1, 512], strides = [1, 1]} : vector<16x512xf32> to vector<1x512xf32>
    %slice3A_52 = vector.extract_strided_slice %convert_element_type3A_21 {offsets = [128, 0], sizes = [32, 512], strides = [1, 1]} : vector<288x512xf32> to vector<32x512xf32>
    %mul3A_53 = vector.broadcast %slice3A_51 : vector<1x512xf32> to vector<32x512xf32>
    %mul3A_54 = arith.mulf %mul3A_53, %slice3A_52 : vector<32x512xf32>
    %add3A_55 = arith.addf %add3A_50, %mul3A_54 : vector<32x512xf32>
    %slice3A_56 = vector.extract_strided_slice %convert_element_type3A_27 {offsets = [5, 0], sizes = [1, 512], strides = [1, 1]} : vector<16x512xf32> to vector<1x512xf32>
    %slice3A_57 = vector.extract_strided_slice %convert_element_type3A_21 {offsets = [160, 0], sizes = [32, 512], strides = [1, 1]} : vector<288x512xf32> to vector<32x512xf32>
    %mul3A_58 = vector.broadcast %slice3A_56 : vector<1x512xf32> to vector<32x512xf32>
    %mul3A_59 = arith.mulf %mul3A_58, %slice3A_57 : vector<32x512xf32>
    %add3A_60 = arith.addf %add3A_55, %mul3A_59 : vector<32x512xf32>
    %slice3A_61 = vector.extract_strided_slice %convert_element_type3A_27 {offsets = [6, 0], sizes = [1, 512], strides = [1, 1]} : vector<16x512xf32> to vector<1x512xf32>
    %slice3A_62 = vector.extract_strided_slice %convert_element_type3A_21 {offsets = [192, 0], sizes = [32, 512], strides = [1, 1]} : vector<288x512xf32> to vector<32x512xf32>
    %mul3A_63 = vector.broadcast %slice3A_61 : vector<1x512xf32> to vector<32x512xf32>
    %mul3A_64 = arith.mulf %mul3A_63, %slice3A_62 : vector<32x512xf32>
    %add3A_65 = arith.addf %add3A_60, %mul3A_64 : vector<32x512xf32>
    %slice3A_66 = vector.extract_strided_slice %convert_element_type3A_27 {offsets = [7, 0], sizes = [1, 512], strides = [1, 1]} : vector<16x512xf32> to vector<1x512xf32>
    %slice3A_67 = vector.extract_strided_slice %convert_element_type3A_21 {offsets = [224, 0], sizes = [32, 512], strides = [1, 1]} : vector<288x512xf32> to vector<32x512xf32>
    %mul3A_68 = vector.broadcast %slice3A_66 : vector<1x512xf32> to vector<32x512xf32>
    %mul3A_69 = arith.mulf %mul3A_68, %slice3A_67 : vector<32x512xf32>
    %add3A_70 = arith.addf %add3A_65, %mul3A_69 : vector<32x512xf32>
    %slice3A_71 = vector.extract_strided_slice %convert_element_type3A_27 {offsets = [8, 0], sizes = [1, 512], strides = [1, 1]} : vector<16x512xf32> to vector<1x512xf32>
    %slice3A_72 = vector.extract_strided_slice %convert_element_type3A_21 {offsets = [256, 0], sizes = [32, 512], strides = [1, 1]} : vector<288x512xf32> to vector<32x512xf32>
    %mul3A_73 = vector.broadcast %slice3A_71 : vector<1x512xf32> to vector<32x512xf32>
    %mul3A_74 = arith.mulf %mul3A_73, %slice3A_72 : vector<32x512xf32>
    %add3A_75 = arith.addf %add3A_70, %mul3A_74 : vector<32x512xf32>
    %transpose3A_76 = tpu.transpose %add3A_75, [1, 0] : vector<32x512xf32> -> vector<512x32xf32>
    %swap3A = arith.constant 0 : index
    %swap3A_77 = arith.constant 0 : index
    %swap3A_78 = vector.load %arg7[%swap3A, %swap3A_77] : memref<512x32xf32, #tpu.memory_space<vmem>>, vector<512x32xf32>
    tpu.vector_store %arg7[%swap3A, %swap3A_77], %transpose3A_76 {strides = array<i32>} : memref<512x32xf32, #tpu.memory_space<vmem>>, vector<512x32xf32>,
    return
  }
  func.func @transform_0(%arg0: i32) -> (i32, i32) {
    %c0_i32 = arith.constant 0 : i32
    %c0_i32_0 = arith.constant 0 : i32
    return %arg0, %c0_i32 : i32, i32
  }
  func.func @transform_1(%arg0: i32) -> (i32, i32) {
    %c0_i32 = arith.constant 0 : i32
    %c0_i32_0 = arith.constant 0 : i32
    return %arg0, %c0_i32 : i32, i32
  }
  func.func @transform_2(%arg0: i32) -> (i32, i32) {
    %c0_i32 = arith.constant 0 : i32
    %c0_i32_0 = arith.constant 0 : i32
    %c0_i32_1 = arith.constant 0 : i32
    return %c0_i32, %c0_i32_0 : i32, i32
  }
  func.func @transform_3(%arg0: i32) -> (i32, i32) {
    %c0_i32 = arith.constant 0 : i32
    %c0_i32_0 = arith.constant 0 : i32
    %c0_i32_1 = arith.constant 0 : i32
    return %c0_i32, %c0_i32_0 : i32, i32
  }
  func.func @transform_4(%arg0: i32) -> (i32, i32) {
    %c0_i32 = arith.constant 0 : i32
    %c0_i32_0 = arith.constant 0 : i32
    %c0_i32_1 = arith.constant 0 : i32
    return %c0_i32, %c0_i32_0 : i32, i32
  }
  func.func @transform_5(%arg0: i32) -> (i32, i32) {
    %c0_i32 = arith.constant 0 : i32
    %c0_i32_0 = arith.constant 0 : i32
    %c0_i32_1 = arith.constant 0 : i32
    return %c0_i32, %c0_i32_0 : i32, i32
  }
  func.func @transform_6(%arg0: i32) -> (i32, i32) {
    %c0_i32 = arith.constant 0 : i32
    %c0_i32_0 = arith.constant 0 : i32
    return %arg0, %c0_i32 : i32, i32
  }
}

module attributes {stable_mosaic.version = 14 : i64} {
  func.func @body(%arg0: i32, %arg1: memref<1024x16xf32, #tpu.memory_space<vmem>>, %arg2: memref<1024x32xf32, #tpu.memory_space<vmem>>, %arg3: memref<1024x32xf32, #tpu.memory_space<vmem>>, %arg4: memref<16x32xf32, #tpu.memory_space<vmem>>, %arg5: memref<1x32xf32, #tpu.memory_space<vmem>>, %arg6: memref<1024x32xf32, #tpu.memory_space<vmem>>) attributes {dimension_semantics = [#tpu.dimension_semantics<arbitrary>], iteration_bounds = array<i64: 10>, scalar_prefetch = 0 : i64, scratch_operands = 0 : i64, tpu.core_type = #tpu.core_type<tc>, window_params = [{transform_indices = @transform_0, window_bounds = array<i64: 1024, 16>}, {transform_indices = @transform_1, window_bounds = array<i64: 1024, 32>}, {transform_indices = @transform_2, window_bounds = array<i64: 1024, 32>}, {pipeline_mode = #tpu.pipeline_mode<synchronous>, transform_indices = @transform_3, window_bounds = array<i64: 16, 32>}, {pipeline_mode = #tpu.pipeline_mode<synchronous>, transform_indices = @transform_4, window_bounds = array<i64: 1, 32>}, {transform_indices = @transform_5, window_bounds = array<i64: 1024, 32>}]} {
    %get3A = arith.constant 0 : index
    %get3A_0 = arith.constant 0 : index
    %get3A_1 = vector.load %arg2[%get3A, %get3A_0] : memref<1024x32xf32, #tpu.memory_space<vmem>>, vector<1024x32xf32>
    %get3A_2 = arith.constant 0 : index
    %get3A_3 = arith.constant 0 : index
    %get3A_4 = vector.load %arg3[%get3A_2, %get3A_3] : memref<1024x32xf32, #tpu.memory_space<vmem>>, vector<1024x32xf32>
    %add3A = arith.addf %get3A_1, %get3A_4 : vector<1024x32xf32>
    %get3A_5 = arith.constant 0 : index
    %get3A_6 = arith.constant 0 : index
    %get3A_7 = vector.load %arg1[%get3A_5, %get3A_6] : memref<1024x16xf32, #tpu.memory_space<vmem>>, vector<1024x16xf32>
    %convert_element_type3A = arith.truncf %get3A_7 : vector<1024x16xf32> to vector<1024x16xbf16>
    %get3A_8 = arith.constant 0 : index
    %get3A_9 = arith.constant 0 : index
    %get3A_10 = vector.load %arg4[%get3A_8, %get3A_9] : memref<16x32xf32, #tpu.memory_space<vmem>>, vector<16x32xf32>
    %convert_element_type3A_11 = arith.truncf %get3A_10 : vector<16x32xf32> to vector<16x32xbf16>
    %dot_general3A = arith.constant dense<0.000000e+00> : vector<1024x32xf32>
    %dot_general3A_12 = tpu.matmul %convert_element_type3A, %convert_element_type3A_11, %dot_general3A {dimension_numbers = #tpu.dot_dimension_numbers<[1], [0], [0], [1], [0, 0, 1, 1], [], []>, transpose_lhs_hint = false} : vector<1024x16xbf16>, vector<16x32xbf16>, vector<1024x32xf32> -> vector<1024x32xf32>
    %add3A_13 = arith.addf %add3A, %dot_general3A_12 : vector<1024x32xf32>
    %get3A_14 = arith.constant 0 : index
    %get3A_15 = arith.constant 0 : index
    %get3A_16 = vector.load %arg5[%get3A_14, %get3A_15] : memref<1x32xf32, #tpu.memory_space<vmem>>, vector<1x32xf32>
    %add3A_17 = vector.broadcast %get3A_16 : vector<1x32xf32> to vector<1024x32xf32>
    %add3A_18 = arith.addf %add3A_13, %add3A_17 : vector<1024x32xf32>
    %gt3A = arith.constant 0.000000e+00 : f32
    %gt3A_19 = vector.broadcast %gt3A : f32 to vector<1024x32xf32>
    %gt3A_20 = arith.cmpf ogt, %add3A_18, %gt3A_19 : vector<1024x32xf32>
    %min3A = arith.constant 0.000000e+00 : f32
    %min3A_21 = vector.broadcast %min3A : f32 to vector<1024x32xf32>
    %min3A_22 = arith.minimumf %add3A_18, %min3A_21 : vector<1024x32xf32>
    %exp3A = math.exp %min3A_22 : vector<1024x32xf32>
    %sub3A = arith.constant 1.000000e+00 : f32
    %sub3A_23 = vector.broadcast %sub3A : f32 to vector<1024x32xf32>
    %sub3A_24 = arith.subf %exp3A, %sub3A_23 : vector<1024x32xf32>
    %select_n3A = arith.select %gt3A_20, %add3A_18, %sub3A_24 : vector<1024x32xi1>, vector<1024x32xf32>
    %swap3A = arith.constant 0 : index
    %swap3A_25 = arith.constant 0 : index
    %swap3A_26 = vector.load %arg6[%swap3A, %swap3A_25] : memref<1024x32xf32, #tpu.memory_space<vmem>>, vector<1024x32xf32>
    tpu.vector_store %arg6[%swap3A, %swap3A_25], %select_n3A {strides = array<i32>} : memref<1024x32xf32, #tpu.memory_space<vmem>>, vector<1024x32xf32>,
    return
  }
  func.func @transform_0(%arg0: i32) -> (i32, i32) {
    %c0_i32 = arith.constant 0 : i32
    %c0_i32_0 = arith.constant 0 : i32
    return %arg0, %c0_i32 : i32, i32
  }
  func.func @transform_1(%arg0: i32) -> (i32, i32) {
    %c0_i32 = arith.constant 0 : i32
    %c0_i32_0 = arith.constant 0 : i32
    return %arg0, %c0_i32 : i32, i32
  }
  func.func @transform_2(%arg0: i32) -> (i32, i32) {
    %c0_i32 = arith.constant 0 : i32
    %c0_i32_0 = arith.constant 0 : i32
    return %arg0, %c0_i32 : i32, i32
  }
  func.func @transform_3(%arg0: i32) -> (i32, i32) {
    %c0_i32 = arith.constant 0 : i32
    %c0_i32_0 = arith.constant 0 : i32
    %c0_i32_1 = arith.constant 0 : i32
    return %c0_i32, %c0_i32_0 : i32, i32
  }
  func.func @transform_4(%arg0: i32) -> (i32, i32) {
    %c0_i32 = arith.constant 0 : i32
    %c0_i32_0 = arith.constant 0 : i32
    %c0_i32_1 = arith.constant 0 : i32
    return %c0_i32, %c0_i32_0 : i32, i32
  }
  func.func @transform_5(%arg0: i32) -> (i32, i32) {
    %c0_i32 = arith.constant 0 : i32
    %c0_i32_0 = arith.constant 0 : i32
    return %arg0, %c0_i32 : i32, i32
  }
}

module attributes {stable_mosaic.version = 14 : i64} {
  func.func @body(%arg0: i32, %arg1: memref<512x16xf32, #tpu.memory_space<vmem>>, %arg2: memref<512x32xf32, #tpu.memory_space<vmem>>, %arg3: memref<128x16xf32, #tpu.memory_space<vmem>>, %arg4: memref<128x1xf32, #tpu.memory_space<vmem>>, %arg5: memref<2048x128xf32, #tpu.memory_space<vmem>>, %arg6: memref<64x32xf32, #tpu.memory_space<vmem>>, %arg7: memref<512x64xf32, #tpu.memory_space<vmem>>) attributes {dimension_semantics = [#tpu.dimension_semantics<arbitrary>], iteration_bounds = array<i64: 80>, scalar_prefetch = 0 : i64, scratch_operands = 0 : i64, tpu.core_type = #tpu.core_type<tc>, window_params = [{transform_indices = @transform_0, window_bounds = array<i64: 512, 16>}, {transform_indices = @transform_1, window_bounds = array<i64: 512, 32>}, {pipeline_mode = #tpu.pipeline_mode<synchronous>, transform_indices = @transform_2, window_bounds = array<i64: 128, 16>}, {pipeline_mode = #tpu.pipeline_mode<synchronous>, transform_indices = @transform_3, window_bounds = array<i64: 128, 1>}, {pipeline_mode = #tpu.pipeline_mode<synchronous>, transform_indices = @transform_4, window_bounds = array<i64: 2048, 128>}, {pipeline_mode = #tpu.pipeline_mode<synchronous>, transform_indices = @transform_5, window_bounds = array<i64: 64, 32>}, {transform_indices = @transform_6, window_bounds = array<i64: 512, 64>}]} {
    %get3A = arith.constant 0 : index
    %get3A_0 = arith.constant 0 : index
    %get3A_1 = vector.load %arg1[%get3A, %get3A_0] : memref<512x16xf32, #tpu.memory_space<vmem>>, vector<512x16xf32>
    %transpose3A = tpu.transpose %get3A_1, [1, 0] : vector<512x16xf32> -> vector<16x512xf32>
    %convert_element_type3A = arith.truncf %transpose3A : vector<16x512xf32> to vector<16x512xbf16>
    %get3A_2 = arith.constant 0 : index
    %get3A_3 = arith.constant 0 : index
    %get3A_4 = vector.load %arg3[%get3A_2, %get3A_3] : memref<128x16xf32, #tpu.memory_space<vmem>>, vector<128x16xf32>
    %convert_element_type3A_5 = arith.truncf %get3A_4 : vector<128x16xf32> to vector<128x16xbf16>
    %dot_general3A = arith.constant dense<0.000000e+00> : vector<128x512xf32>
    %dot_general3A_6 = tpu.matmul %convert_element_type3A_5, %convert_element_type3A, %dot_general3A {dimension_numbers = #tpu.dot_dimension_numbers<[1], [0], [0], [1], [0, 0, 1, 1], [], []>, transpose_lhs_hint = false} : vector<128x16xbf16>, vector<16x512xbf16>, vector<128x512xf32> -> vector<128x512xf32>
    %get3A_7 = arith.constant 0 : index
    %get3A_8 = arith.constant 0 : index
    %get3A_9 = vector.load %arg4[%get3A_7, %get3A_8] : memref<128x1xf32, #tpu.memory_space<vmem>>, vector<128x1xf32>
    %add3A = vector.broadcast %get3A_9 : vector<128x1xf32> to vector<128x512xf32>
    %add3A_10 = arith.addf %dot_general3A_6, %add3A : vector<128x512xf32>
    %max3A = arith.constant 0.000000e+00 : f32
    %max3A_11 = vector.broadcast %max3A : f32 to vector<128x512xf32>
    %max3A_12 = arith.maximumf %add3A_10, %max3A_11 : vector<128x512xf32>
    %get3A_13 = arith.constant 0 : index
    %get3A_14 = arith.constant 0 : index
    %get3A_15 = vector.load %arg5[%get3A_13, %get3A_14] : memref<2048x128xf32, #tpu.memory_space<vmem>>, vector<2048x128xf32>
    %convert_element_type3A_16 = arith.truncf %get3A_15 : vector<2048x128xf32> to vector<2048x128xbf16>
    %convert_element_type3A_17 = arith.truncf %max3A_12 : vector<128x512xf32> to vector<128x512xbf16>
    %dot_general3A_18 = arith.constant dense<0.000000e+00> : vector<2048x512xf32>
    %dot_general3A_19 = tpu.matmul %convert_element_type3A_16, %convert_element_type3A_17, %dot_general3A_18 {dimension_numbers = #tpu.dot_dimension_numbers<[1], [0], [0], [1], [0, 0, 1, 1], [], []>, transpose_lhs_hint = false} : vector<2048x128xbf16>, vector<128x512xbf16>, vector<2048x512xf32> -> vector<2048x512xf32>
    %convert_element_type3A_20 = arith.truncf %dot_general3A_19 : vector<2048x512xf32> to vector<2048x512xbf16>
    %convert_element_type3A_21 = arith.extf %convert_element_type3A_20 : vector<2048x512xbf16> to vector<2048x512xf32>
    %get3A_22 = arith.constant 0 : index
    %get3A_23 = arith.constant 0 : index
    %get3A_24 = vector.load %arg2[%get3A_22, %get3A_23] : memref<512x32xf32, #tpu.memory_space<vmem>>, vector<512x32xf32>
    %transpose3A_25 = tpu.transpose %get3A_24, [1, 0] : vector<512x32xf32> -> vector<32x512xf32>
    %convert_element_type3A_26 = arith.truncf %transpose3A_25 : vector<32x512xf32> to vector<32x512xbf16>
    %convert_element_type3A_27 = arith.extf %convert_element_type3A_26 : vector<32x512xbf16> to vector<32x512xf32>
    %get3A_28 = arith.constant 0 : index
    %get3A_29 = arith.constant 0 : index
    %get3A_30 = vector.load %arg6[%get3A_28, %get3A_29] : memref<64x32xf32, #tpu.memory_space<vmem>>, vector<64x32xf32>
    %dot_general3A_31 = arith.constant dense<0.000000e+00> : vector<64x512xf32>
    %dot_general3A_32 = tpu.matmul %get3A_30, %transpose3A_25, %dot_general3A_31 {dimension_numbers = #tpu.dot_dimension_numbers<[1], [0], [0], [1], [0, 0, 1, 1], [], []>, transpose_lhs_hint = false} : vector<64x32xf32>, vector<32x512xf32>, vector<64x512xf32> -> vector<64x512xf32>
    %slice3A = vector.extract_strided_slice %convert_element_type3A_27 {offsets = [0, 0], sizes = [1, 512], strides = [1, 1]} : vector<32x512xf32> to vector<1x512xf32>
    %slice3A_33 = vector.extract_strided_slice %convert_element_type3A_21 {offsets = [0, 0], sizes = [64, 512], strides = [1, 1]} : vector<2048x512xf32> to vector<64x512xf32>
    %mul3A = vector.broadcast %slice3A : vector<1x512xf32> to vector<64x512xf32>
    %mul3A_34 = arith.mulf %mul3A, %slice3A_33 : vector<64x512xf32>
    %add3A_35 = arith.addf %dot_general3A_32, %mul3A_34 : vector<64x512xf32>
    %slice3A_36 = vector.extract_strided_slice %convert_element_type3A_27 {offsets = [1, 0], sizes = [1, 512], strides = [1, 1]} : vector<32x512xf32> to vector<1x512xf32>
    %slice3A_37 = vector.extract_strided_slice %convert_element_type3A_21 {offsets = [64, 0], sizes = [64, 512], strides = [1, 1]} : vector<2048x512xf32> to vector<64x512xf32>
    %mul3A_38 = vector.broadcast %slice3A_36 : vector<1x512xf32> to vector<64x512xf32>
    %mul3A_39 = arith.mulf %mul3A_38, %slice3A_37 : vector<64x512xf32>
    %add3A_40 = arith.addf %add3A_35, %mul3A_39 : vector<64x512xf32>
    %slice3A_41 = vector.extract_strided_slice %convert_element_type3A_27 {offsets = [2, 0], sizes = [1, 512], strides = [1, 1]} : vector<32x512xf32> to vector<1x512xf32>
    %slice3A_42 = vector.extract_strided_slice %convert_element_type3A_21 {offsets = [128, 0], sizes = [64, 512], strides = [1, 1]} : vector<2048x512xf32> to vector<64x512xf32>
    %mul3A_43 = vector.broadcast %slice3A_41 : vector<1x512xf32> to vector<64x512xf32>
    %mul3A_44 = arith.mulf %mul3A_43, %slice3A_42 : vector<64x512xf32>
    %add3A_45 = arith.addf %add3A_40, %mul3A_44 : vector<64x512xf32>
    %slice3A_46 = vector.extract_strided_slice %convert_element_type3A_27 {offsets = [3, 0], sizes = [1, 512], strides = [1, 1]} : vector<32x512xf32> to vector<1x512xf32>
    %slice3A_47 = vector.extract_strided_slice %convert_element_type3A_21 {offsets = [192, 0], sizes = [64, 512], strides = [1, 1]} : vector<2048x512xf32> to vector<64x512xf32>
    %mul3A_48 = vector.broadcast %slice3A_46 : vector<1x512xf32> to vector<64x512xf32>
    %mul3A_49 = arith.mulf %mul3A_48, %slice3A_47 : vector<64x512xf32>
    %add3A_50 = arith.addf %add3A_45, %mul3A_49 : vector<64x512xf32>
    %slice3A_51 = vector.extract_strided_slice %convert_element_type3A_27 {offsets = [4, 0], sizes = [1, 512], strides = [1, 1]} : vector<32x512xf32> to vector<1x512xf32>
    %slice3A_52 = vector.extract_strided_slice %convert_element_type3A_21 {offsets = [256, 0], sizes = [64, 512], strides = [1, 1]} : vector<2048x512xf32> to vector<64x512xf32>
    %mul3A_53 = vector.broadcast %slice3A_51 : vector<1x512xf32> to vector<64x512xf32>
    %mul3A_54 = arith.mulf %mul3A_53, %slice3A_52 : vector<64x512xf32>
    %add3A_55 = arith.addf %add3A_50, %mul3A_54 : vector<64x512xf32>
    %slice3A_56 = vector.extract_strided_slice %convert_element_type3A_27 {offsets = [5, 0], sizes = [1, 512], strides = [1, 1]} : vector<32x512xf32> to vector<1x512xf32>
    %slice3A_57 = vector.extract_strided_slice %convert_element_type3A_21 {offsets = [320, 0], sizes = [64, 512], strides = [1, 1]} : vector<2048x512xf32> to vector<64x512xf32>
    %mul3A_58 = vector.broadcast %slice3A_56 : vector<1x512xf32> to vector<64x512xf32>
    %mul3A_59 = arith.mulf %mul3A_58, %slice3A_57 : vector<64x512xf32>
    %add3A_60 = arith.addf %add3A_55, %mul3A_59 : vector<64x512xf32>
    %slice3A_61 = vector.extract_strided_slice %convert_element_type3A_27 {offsets = [6, 0], sizes = [1, 512], strides = [1, 1]} : vector<32x512xf32> to vector<1x512xf32>
    %slice3A_62 = vector.extract_strided_slice %convert_element_type3A_21 {offsets = [384, 0], sizes = [64, 512], strides = [1, 1]} : vector<2048x512xf32> to vector<64x512xf32>
    %mul3A_63 = vector.broadcast %slice3A_61 : vector<1x512xf32> to vector<64x512xf32>
    %mul3A_64 = arith.mulf %mul3A_63, %slice3A_62 : vector<64x512xf32>
    %add3A_65 = arith.addf %add3A_60, %mul3A_64 : vector<64x512xf32>
    %slice3A_66 = vector.extract_strided_slice %convert_element_type3A_27 {offsets = [7, 0], sizes = [1, 512], strides = [1, 1]} : vector<32x512xf32> to vector<1x512xf32>
    %slice3A_67 = vector.extract_strided_slice %convert_element_type3A_21 {offsets = [448, 0], sizes = [64, 512], strides = [1, 1]} : vector<2048x512xf32> to vector<64x512xf32>
    %mul3A_68 = vector.broadcast %slice3A_66 : vector<1x512xf32> to vector<64x512xf32>
    %mul3A_69 = arith.mulf %mul3A_68, %slice3A_67 : vector<64x512xf32>
    %add3A_70 = arith.addf %add3A_65, %mul3A_69 : vector<64x512xf32>
    %slice3A_71 = vector.extract_strided_slice %convert_element_type3A_27 {offsets = [8, 0], sizes = [1, 512], strides = [1, 1]} : vector<32x512xf32> to vector<1x512xf32>
    %slice3A_72 = vector.extract_strided_slice %convert_element_type3A_21 {offsets = [512, 0], sizes = [64, 512], strides = [1, 1]} : vector<2048x512xf32> to vector<64x512xf32>
    %mul3A_73 = vector.broadcast %slice3A_71 : vector<1x512xf32> to vector<64x512xf32>
    %mul3A_74 = arith.mulf %mul3A_73, %slice3A_72 : vector<64x512xf32>
    %add3A_75 = arith.addf %add3A_70, %mul3A_74 : vector<64x512xf32>
    %slice3A_76 = vector.extract_strided_slice %convert_element_type3A_27 {offsets = [9, 0], sizes = [1, 512], strides = [1, 1]} : vector<32x512xf32> to vector<1x512xf32>
    %slice3A_77 = vector.extract_strided_slice %convert_element_type3A_21 {offsets = [576, 0], sizes = [64, 512], strides = [1, 1]} : vector<2048x512xf32> to vector<64x512xf32>
    %mul3A_78 = vector.broadcast %slice3A_76 : vector<1x512xf32> to vector<64x512xf32>
    %mul3A_79 = arith.mulf %mul3A_78, %slice3A_77 : vector<64x512xf32>
    %add3A_80 = arith.addf %add3A_75, %mul3A_79 : vector<64x512xf32>
    %slice3A_81 = vector.extract_strided_slice %convert_element_type3A_27 {offsets = [10, 0], sizes = [1, 512], strides = [1, 1]} : vector<32x512xf32> to vector<1x512xf32>
    %slice3A_82 = vector.extract_strided_slice %convert_element_type3A_21 {offsets = [640, 0], sizes = [64, 512], strides = [1, 1]} : vector<2048x512xf32> to vector<64x512xf32>
    %mul3A_83 = vector.broadcast %slice3A_81 : vector<1x512xf32> to vector<64x512xf32>
    %mul3A_84 = arith.mulf %mul3A_83, %slice3A_82 : vector<64x512xf32>
    %add3A_85 = arith.addf %add3A_80, %mul3A_84 : vector<64x512xf32>
    %slice3A_86 = vector.extract_strided_slice %convert_element_type3A_27 {offsets = [11, 0], sizes = [1, 512], strides = [1, 1]} : vector<32x512xf32> to vector<1x512xf32>
    %slice3A_87 = vector.extract_strided_slice %convert_element_type3A_21 {offsets = [704, 0], sizes = [64, 512], strides = [1, 1]} : vector<2048x512xf32> to vector<64x512xf32>
    %mul3A_88 = vector.broadcast %slice3A_86 : vector<1x512xf32> to vector<64x512xf32>
    %mul3A_89 = arith.mulf %mul3A_88, %slice3A_87 : vector<64x512xf32>
    %add3A_90 = arith.addf %add3A_85, %mul3A_89 : vector<64x512xf32>
    %slice3A_91 = vector.extract_strided_slice %convert_element_type3A_27 {offsets = [12, 0], sizes = [1, 512], strides = [1, 1]} : vector<32x512xf32> to vector<1x512xf32>
    %slice3A_92 = vector.extract_strided_slice %convert_element_type3A_21 {offsets = [768, 0], sizes = [64, 512], strides = [1, 1]} : vector<2048x512xf32> to vector<64x512xf32>
    %mul3A_93 = vector.broadcast %slice3A_91 : vector<1x512xf32> to vector<64x512xf32>
    %mul3A_94 = arith.mulf %mul3A_93, %slice3A_92 : vector<64x512xf32>
    %add3A_95 = arith.addf %add3A_90, %mul3A_94 : vector<64x512xf32>
    %slice3A_96 = vector.extract_strided_slice %convert_element_type3A_27 {offsets = [13, 0], sizes = [1, 512], strides = [1, 1]} : vector<32x512xf32> to vector<1x512xf32>
    %slice3A_97 = vector.extract_strided_slice %convert_element_type3A_21 {offsets = [832, 0], sizes = [64, 512], strides = [1, 1]} : vector<2048x512xf32> to vector<64x512xf32>
    %mul3A_98 = vector.broadcast %slice3A_96 : vector<1x512xf32> to vector<64x512xf32>
    %mul3A_99 = arith.mulf %mul3A_98, %slice3A_97 : vector<64x512xf32>
    %add3A_100 = arith.addf %add3A_95, %mul3A_99 : vector<64x512xf32>
    %slice3A_101 = vector.extract_strided_slice %convert_element_type3A_27 {offsets = [14, 0], sizes = [1, 512], strides = [1, 1]} : vector<32x512xf32> to vector<1x512xf32>
    %slice3A_102 = vector.extract_strided_slice %convert_element_type3A_21 {offsets = [896, 0], sizes = [64, 512], strides = [1, 1]} : vector<2048x512xf32> to vector<64x512xf32>
    %mul3A_103 = vector.broadcast %slice3A_101 : vector<1x512xf32> to vector<64x512xf32>
    %mul3A_104 = arith.mulf %mul3A_103, %slice3A_102 : vector<64x512xf32>
    %add3A_105 = arith.addf %add3A_100, %mul3A_104 : vector<64x512xf32>
    %slice3A_106 = vector.extract_strided_slice %convert_element_type3A_27 {offsets = [15, 0], sizes = [1, 512], strides = [1, 1]} : vector<32x512xf32> to vector<1x512xf32>
    %slice3A_107 = vector.extract_strided_slice %convert_element_type3A_21 {offsets = [960, 0], sizes = [64, 512], strides = [1, 1]} : vector<2048x512xf32> to vector<64x512xf32>
    %mul3A_108 = vector.broadcast %slice3A_106 : vector<1x512xf32> to vector<64x512xf32>
    %mul3A_109 = arith.mulf %mul3A_108, %slice3A_107 : vector<64x512xf32>
    %add3A_110 = arith.addf %add3A_105, %mul3A_109 : vector<64x512xf32>
    %slice3A_111 = vector.extract_strided_slice %convert_element_type3A_27 {offsets = [16, 0], sizes = [1, 512], strides = [1, 1]} : vector<32x512xf32> to vector<1x512xf32>
    %slice3A_112 = vector.extract_strided_slice %convert_element_type3A_21 {offsets = [1024, 0], sizes = [64, 512], strides = [1, 1]} : vector<2048x512xf32> to vector<64x512xf32>
    %mul3A_113 = vector.broadcast %slice3A_111 : vector<1x512xf32> to vector<64x512xf32>
    %mul3A_114 = arith.mulf %mul3A_113, %slice3A_112 : vector<64x512xf32>
    %add3A_115 = arith.addf %add3A_110, %mul3A_114 : vector<64x512xf32>
    %slice3A_116 = vector.extract_strided_slice %convert_element_type3A_27 {offsets = [17, 0], sizes = [1, 512], strides = [1, 1]} : vector<32x512xf32> to vector<1x512xf32>
    %slice3A_117 = vector.extract_strided_slice %convert_element_type3A_21 {offsets = [1088, 0], sizes = [64, 512], strides = [1, 1]} : vector<2048x512xf32> to vector<64x512xf32>
    %mul3A_118 = vector.broadcast %slice3A_116 : vector<1x512xf32> to vector<64x512xf32>
    %mul3A_119 = arith.mulf %mul3A_118, %slice3A_117 : vector<64x512xf32>
    %add3A_120 = arith.addf %add3A_115, %mul3A_119 : vector<64x512xf32>
    %slice3A_121 = vector.extract_strided_slice %convert_element_type3A_27 {offsets = [18, 0], sizes = [1, 512], strides = [1, 1]} : vector<32x512xf32> to vector<1x512xf32>
    %slice3A_122 = vector.extract_strided_slice %convert_element_type3A_21 {offsets = [1152, 0], sizes = [64, 512], strides = [1, 1]} : vector<2048x512xf32> to vector<64x512xf32>
    %mul3A_123 = vector.broadcast %slice3A_121 : vector<1x512xf32> to vector<64x512xf32>
    %mul3A_124 = arith.mulf %mul3A_123, %slice3A_122 : vector<64x512xf32>
    %add3A_125 = arith.addf %add3A_120, %mul3A_124 : vector<64x512xf32>
    %slice3A_126 = vector.extract_strided_slice %convert_element_type3A_27 {offsets = [19, 0], sizes = [1, 512], strides = [1, 1]} : vector<32x512xf32> to vector<1x512xf32>
    %slice3A_127 = vector.extract_strided_slice %convert_element_type3A_21 {offsets = [1216, 0], sizes = [64, 512], strides = [1, 1]} : vector<2048x512xf32> to vector<64x512xf32>
    %mul3A_128 = vector.broadcast %slice3A_126 : vector<1x512xf32> to vector<64x512xf32>
    %mul3A_129 = arith.mulf %mul3A_128, %slice3A_127 : vector<64x512xf32>
    %add3A_130 = arith.addf %add3A_125, %mul3A_129 : vector<64x512xf32>
    %slice3A_131 = vector.extract_strided_slice %convert_element_type3A_27 {offsets = [20, 0], sizes = [1, 512], strides = [1, 1]} : vector<32x512xf32> to vector<1x512xf32>
    %slice3A_132 = vector.extract_strided_slice %convert_element_type3A_21 {offsets = [1280, 0], sizes = [64, 512], strides = [1, 1]} : vector<2048x512xf32> to vector<64x512xf32>
    %mul3A_133 = vector.broadcast %slice3A_131 : vector<1x512xf32> to vector<64x512xf32>
    %mul3A_134 = arith.mulf %mul3A_133, %slice3A_132 : vector<64x512xf32>
    %add3A_135 = arith.addf %add3A_130, %mul3A_134 : vector<64x512xf32>
    %slice3A_136 = vector.extract_strided_slice %convert_element_type3A_27 {offsets = [21, 0], sizes = [1, 512], strides = [1, 1]} : vector<32x512xf32> to vector<1x512xf32>
    %slice3A_137 = vector.extract_strided_slice %convert_element_type3A_21 {offsets = [1344, 0], sizes = [64, 512], strides = [1, 1]} : vector<2048x512xf32> to vector<64x512xf32>
    %mul3A_138 = vector.broadcast %slice3A_136 : vector<1x512xf32> to vector<64x512xf32>
    %mul3A_139 = arith.mulf %mul3A_138, %slice3A_137 : vector<64x512xf32>
    %add3A_140 = arith.addf %add3A_135, %mul3A_139 : vector<64x512xf32>
    %slice3A_141 = vector.extract_strided_slice %convert_element_type3A_27 {offsets = [22, 0], sizes = [1, 512], strides = [1, 1]} : vector<32x512xf32> to vector<1x512xf32>
    %slice3A_142 = vector.extract_strided_slice %convert_element_type3A_21 {offsets = [1408, 0], sizes = [64, 512], strides = [1, 1]} : vector<2048x512xf32> to vector<64x512xf32>
    %mul3A_143 = vector.broadcast %slice3A_141 : vector<1x512xf32> to vector<64x512xf32>
    %mul3A_144 = arith.mulf %mul3A_143, %slice3A_142 : vector<64x512xf32>
    %add3A_145 = arith.addf %add3A_140, %mul3A_144 : vector<64x512xf32>
    %slice3A_146 = vector.extract_strided_slice %convert_element_type3A_27 {offsets = [23, 0], sizes = [1, 512], strides = [1, 1]} : vector<32x512xf32> to vector<1x512xf32>
    %slice3A_147 = vector.extract_strided_slice %convert_element_type3A_21 {offsets = [1472, 0], sizes = [64, 512], strides = [1, 1]} : vector<2048x512xf32> to vector<64x512xf32>
    %mul3A_148 = vector.broadcast %slice3A_146 : vector<1x512xf32> to vector<64x512xf32>
    %mul3A_149 = arith.mulf %mul3A_148, %slice3A_147 : vector<64x512xf32>
    %add3A_150 = arith.addf %add3A_145, %mul3A_149 : vector<64x512xf32>
    %slice3A_151 = vector.extract_strided_slice %convert_element_type3A_27 {offsets = [24, 0], sizes = [1, 512], strides = [1, 1]} : vector<32x512xf32> to vector<1x512xf32>
    %slice3A_152 = vector.extract_strided_slice %convert_element_type3A_21 {offsets = [1536, 0], sizes = [64, 512], strides = [1, 1]} : vector<2048x512xf32> to vector<64x512xf32>
    %mul3A_153 = vector.broadcast %slice3A_151 : vector<1x512xf32> to vector<64x512xf32>
    %mul3A_154 = arith.mulf %mul3A_153, %slice3A_152 : vector<64x512xf32>
    %add3A_155 = arith.addf %add3A_150, %mul3A_154 : vector<64x512xf32>
    %slice3A_156 = vector.extract_strided_slice %convert_element_type3A_27 {offsets = [25, 0], sizes = [1, 512], strides = [1, 1]} : vector<32x512xf32> to vector<1x512xf32>
    %slice3A_157 = vector.extract_strided_slice %convert_element_type3A_21 {offsets = [1600, 0], sizes = [64, 512], strides = [1, 1]} : vector<2048x512xf32> to vector<64x512xf32>
    %mul3A_158 = vector.broadcast %slice3A_156 : vector<1x512xf32> to vector<64x512xf32>
    %mul3A_159 = arith.mulf %mul3A_158, %slice3A_157 : vector<64x512xf32>
    %add3A_160 = arith.addf %add3A_155, %mul3A_159 : vector<64x512xf32>
    %slice3A_161 = vector.extract_strided_slice %convert_element_type3A_27 {offsets = [26, 0], sizes = [1, 512], strides = [1, 1]} : vector<32x512xf32> to vector<1x512xf32>
    %slice3A_162 = vector.extract_strided_slice %convert_element_type3A_21 {offsets = [1664, 0], sizes = [64, 512], strides = [1, 1]} : vector<2048x512xf32> to vector<64x512xf32>
    %mul3A_163 = vector.broadcast %slice3A_161 : vector<1x512xf32> to vector<64x512xf32>
    %mul3A_164 = arith.mulf %mul3A_163, %slice3A_162 : vector<64x512xf32>
    %add3A_165 = arith.addf %add3A_160, %mul3A_164 : vector<64x512xf32>
    %slice3A_166 = vector.extract_strided_slice %convert_element_type3A_27 {offsets = [27, 0], sizes = [1, 512], strides = [1, 1]} : vector<32x512xf32> to vector<1x512xf32>
    %slice3A_167 = vector.extract_strided_slice %convert_element_type3A_21 {offsets = [1728, 0], sizes = [64, 512], strides = [1, 1]} : vector<2048x512xf32> to vector<64x512xf32>
    %mul3A_168 = vector.broadcast %slice3A_166 : vector<1x512xf32> to vector<64x512xf32>
    %mul3A_169 = arith.mulf %mul3A_168, %slice3A_167 : vector<64x512xf32>
    %add3A_170 = arith.addf %add3A_165, %mul3A_169 : vector<64x512xf32>
    %slice3A_171 = vector.extract_strided_slice %convert_element_type3A_27 {offsets = [28, 0], sizes = [1, 512], strides = [1, 1]} : vector<32x512xf32> to vector<1x512xf32>
    %slice3A_172 = vector.extract_strided_slice %convert_element_type3A_21 {offsets = [1792, 0], sizes = [64, 512], strides = [1, 1]} : vector<2048x512xf32> to vector<64x512xf32>
    %mul3A_173 = vector.broadcast %slice3A_171 : vector<1x512xf32> to vector<64x512xf32>
    %mul3A_174 = arith.mulf %mul3A_173, %slice3A_172 : vector<64x512xf32>
    %add3A_175 = arith.addf %add3A_170, %mul3A_174 : vector<64x512xf32>
    %slice3A_176 = vector.extract_strided_slice %convert_element_type3A_27 {offsets = [29, 0], sizes = [1, 512], strides = [1, 1]} : vector<32x512xf32> to vector<1x512xf32>
    %slice3A_177 = vector.extract_strided_slice %convert_element_type3A_21 {offsets = [1856, 0], sizes = [64, 512], strides = [1, 1]} : vector<2048x512xf32> to vector<64x512xf32>
    %mul3A_178 = vector.broadcast %slice3A_176 : vector<1x512xf32> to vector<64x512xf32>
    %mul3A_179 = arith.mulf %mul3A_178, %slice3A_177 : vector<64x512xf32>
    %add3A_180 = arith.addf %add3A_175, %mul3A_179 : vector<64x512xf32>
    %slice3A_181 = vector.extract_strided_slice %convert_element_type3A_27 {offsets = [30, 0], sizes = [1, 512], strides = [1, 1]} : vector<32x512xf32> to vector<1x512xf32>
    %slice3A_182 = vector.extract_strided_slice %convert_element_type3A_21 {offsets = [1920, 0], sizes = [64, 512], strides = [1, 1]} : vector<2048x512xf32> to vector<64x512xf32>
    %mul3A_183 = vector.broadcast %slice3A_181 : vector<1x512xf32> to vector<64x512xf32>
    %mul3A_184 = arith.mulf %mul3A_183, %slice3A_182 : vector<64x512xf32>
    %add3A_185 = arith.addf %add3A_180, %mul3A_184 : vector<64x512xf32>
    %slice3A_186 = vector.extract_strided_slice %convert_element_type3A_27 {offsets = [31, 0], sizes = [1, 512], strides = [1, 1]} : vector<32x512xf32> to vector<1x512xf32>
    %slice3A_187 = vector.extract_strided_slice %convert_element_type3A_21 {offsets = [1984, 0], sizes = [64, 512], strides = [1, 1]} : vector<2048x512xf32> to vector<64x512xf32>
    %mul3A_188 = vector.broadcast %slice3A_186 : vector<1x512xf32> to vector<64x512xf32>
    %mul3A_189 = arith.mulf %mul3A_188, %slice3A_187 : vector<64x512xf32>
    %add3A_190 = arith.addf %add3A_185, %mul3A_189 : vector<64x512xf32>
    %transpose3A_191 = tpu.transpose %add3A_190, [1, 0] : vector<64x512xf32> -> vector<512x64xf32>
    %swap3A = arith.constant 0 : index
    %swap3A_192 = arith.constant 0 : index
    %swap3A_193 = vector.load %arg7[%swap3A, %swap3A_192] : memref<512x64xf32, #tpu.memory_space<vmem>>, vector<512x64xf32>
    tpu.vector_store %arg7[%swap3A, %swap3A_192], %transpose3A_191 {strides = array<i32>} : memref<512x64xf32, #tpu.memory_space<vmem>>, vector<512x64xf32>,
    return
  }
  func.func @transform_0(%arg0: i32) -> (i32, i32) {
    %c0_i32 = arith.constant 0 : i32
    %c0_i32_0 = arith.constant 0 : i32
    return %arg0, %c0_i32 : i32, i32
  }
  func.func @transform_1(%arg0: i32) -> (i32, i32) {
    %c0_i32 = arith.constant 0 : i32
    %c0_i32_0 = arith.constant 0 : i32
    return %arg0, %c0_i32 : i32, i32
  }
  func.func @transform_2(%arg0: i32) -> (i32, i32) {
    %c0_i32 = arith.constant 0 : i32
    %c0_i32_0 = arith.constant 0 : i32
    %c0_i32_1 = arith.constant 0 : i32
    return %c0_i32, %c0_i32_0 : i32, i32
  }
  func.func @transform_3(%arg0: i32) -> (i32, i32) {
    %c0_i32 = arith.constant 0 : i32
    %c0_i32_0 = arith.constant 0 : i32
    %c0_i32_1 = arith.constant 0 : i32
    return %c0_i32, %c0_i32_0 : i32, i32
  }
  func.func @transform_4(%arg0: i32) -> (i32, i32) {
    %c0_i32 = arith.constant 0 : i32
    %c0_i32_0 = arith.constant 0 : i32
    %c0_i32_1 = arith.constant 0 : i32
    return %c0_i32, %c0_i32_0 : i32, i32
  }
  func.func @transform_5(%arg0: i32) -> (i32, i32) {
    %c0_i32 = arith.constant 0 : i32
    %c0_i32_0 = arith.constant 0 : i32
    %c0_i32_1 = arith.constant 0 : i32
    return %c0_i32, %c0_i32_0 : i32, i32
  }
  func.func @transform_6(%arg0: i32) -> (i32, i32) {
    %c0_i32 = arith.constant 0 : i32
    %c0_i32_0 = arith.constant 0 : i32
    return %arg0, %c0_i32 : i32, i32
  }
}

module attributes {stable_mosaic.version = 14 : i64} {
  func.func @body(%arg0: i32, %arg1: memref<1024x32xf32, #tpu.memory_space<vmem>>, %arg2: memref<1024x64xf32, #tpu.memory_space<vmem>>, %arg3: memref<1024x64xf32, #tpu.memory_space<vmem>>, %arg4: memref<32x64xf32, #tpu.memory_space<vmem>>, %arg5: memref<1x64xf32, #tpu.memory_space<vmem>>, %arg6: memref<1024x64xf32, #tpu.memory_space<vmem>>) attributes {dimension_semantics = [#tpu.dimension_semantics<arbitrary>], iteration_bounds = array<i64: 10>, scalar_prefetch = 0 : i64, scratch_operands = 0 : i64, tpu.core_type = #tpu.core_type<tc>, window_params = [{transform_indices = @transform_0, window_bounds = array<i64: 1024, 32>}, {transform_indices = @transform_1, window_bounds = array<i64: 1024, 64>}, {transform_indices = @transform_2, window_bounds = array<i64: 1024, 64>}, {pipeline_mode = #tpu.pipeline_mode<synchronous>, transform_indices = @transform_3, window_bounds = array<i64: 32, 64>}, {pipeline_mode = #tpu.pipeline_mode<synchronous>, transform_indices = @transform_4, window_bounds = array<i64: 1, 64>}, {transform_indices = @transform_5, window_bounds = array<i64: 1024, 64>}]} {
    %get3A = arith.constant 0 : index
    %get3A_0 = arith.constant 0 : index
    %get3A_1 = vector.load %arg2[%get3A, %get3A_0] : memref<1024x64xf32, #tpu.memory_space<vmem>>, vector<1024x64xf32>
    %get3A_2 = arith.constant 0 : index
    %get3A_3 = arith.constant 0 : index
    %get3A_4 = vector.load %arg3[%get3A_2, %get3A_3] : memref<1024x64xf32, #tpu.memory_space<vmem>>, vector<1024x64xf32>
    %add3A = arith.addf %get3A_1, %get3A_4 : vector<1024x64xf32>
    %get3A_5 = arith.constant 0 : index
    %get3A_6 = arith.constant 0 : index
    %get3A_7 = vector.load %arg1[%get3A_5, %get3A_6] : memref<1024x32xf32, #tpu.memory_space<vmem>>, vector<1024x32xf32>
    %convert_element_type3A = arith.truncf %get3A_7 : vector<1024x32xf32> to vector<1024x32xbf16>
    %get3A_8 = arith.constant 0 : index
    %get3A_9 = arith.constant 0 : index
    %get3A_10 = vector.load %arg4[%get3A_8, %get3A_9] : memref<32x64xf32, #tpu.memory_space<vmem>>, vector<32x64xf32>
    %convert_element_type3A_11 = arith.truncf %get3A_10 : vector<32x64xf32> to vector<32x64xbf16>
    %dot_general3A = arith.constant dense<0.000000e+00> : vector<1024x64xf32>
    %dot_general3A_12 = tpu.matmul %convert_element_type3A, %convert_element_type3A_11, %dot_general3A {dimension_numbers = #tpu.dot_dimension_numbers<[1], [0], [0], [1], [0, 0, 1, 1], [], []>, transpose_lhs_hint = false} : vector<1024x32xbf16>, vector<32x64xbf16>, vector<1024x64xf32> -> vector<1024x64xf32>
    %add3A_13 = arith.addf %add3A, %dot_general3A_12 : vector<1024x64xf32>
    %get3A_14 = arith.constant 0 : index
    %get3A_15 = arith.constant 0 : index
    %get3A_16 = vector.load %arg5[%get3A_14, %get3A_15] : memref<1x64xf32, #tpu.memory_space<vmem>>, vector<1x64xf32>
    %add3A_17 = vector.broadcast %get3A_16 : vector<1x64xf32> to vector<1024x64xf32>
    %add3A_18 = arith.addf %add3A_13, %add3A_17 : vector<1024x64xf32>
    %gt3A = arith.constant 0.000000e+00 : f32
    %gt3A_19 = vector.broadcast %gt3A : f32 to vector<1024x64xf32>
    %gt3A_20 = arith.cmpf ogt, %add3A_18, %gt3A_19 : vector<1024x64xf32>
    %min3A = arith.constant 0.000000e+00 : f32
    %min3A_21 = vector.broadcast %min3A : f32 to vector<1024x64xf32>
    %min3A_22 = arith.minimumf %add3A_18, %min3A_21 : vector<1024x64xf32>
    %exp3A = math.exp %min3A_22 : vector<1024x64xf32>
    %sub3A = arith.constant 1.000000e+00 : f32
    %sub3A_23 = vector.broadcast %sub3A : f32 to vector<1024x64xf32>
    %sub3A_24 = arith.subf %exp3A, %sub3A_23 : vector<1024x64xf32>
    %select_n3A = arith.select %gt3A_20, %add3A_18, %sub3A_24 : vector<1024x64xi1>, vector<1024x64xf32>
    %swap3A = arith.constant 0 : index
    %swap3A_25 = arith.constant 0 : index
    %swap3A_26 = vector.load %arg6[%swap3A, %swap3A_25] : memref<1024x64xf32, #tpu.memory_space<vmem>>, vector<1024x64xf32>
    tpu.vector_store %arg6[%swap3A, %swap3A_25], %select_n3A {strides = array<i32>} : memref<1024x64xf32, #tpu.memory_space<vmem>>, vector<1024x64xf32>,
    return
  }
  func.func @transform_0(%arg0: i32) -> (i32, i32) {
    %c0_i32 = arith.constant 0 : i32
    %c0_i32_0 = arith.constant 0 : i32
    return %arg0, %c0_i32 : i32, i32
  }
  func.func @transform_1(%arg0: i32) -> (i32, i32) {
    %c0_i32 = arith.constant 0 : i32
    %c0_i32_0 = arith.constant 0 : i32
    return %arg0, %c0_i32 : i32, i32
  }
  func.func @transform_2(%arg0: i32) -> (i32, i32) {
    %c0_i32 = arith.constant 0 : i32
    %c0_i32_0 = arith.constant 0 : i32
    return %arg0, %c0_i32 : i32, i32
  }
  func.func @transform_3(%arg0: i32) -> (i32, i32) {
    %c0_i32 = arith.constant 0 : i32
    %c0_i32_0 = arith.constant 0 : i32
    %c0_i32_1 = arith.constant 0 : i32
    return %c0_i32, %c0_i32_0 : i32, i32
  }
  func.func @transform_4(%arg0: i32) -> (i32, i32) {
    %c0_i32 = arith.constant 0 : i32
    %c0_i32_0 = arith.constant 0 : i32
    %c0_i32_1 = arith.constant 0 : i32
    return %c0_i32, %c0_i32_0 : i32, i32
  }
  func.func @transform_5(%arg0: i32) -> (i32, i32) {
    %c0_i32 = arith.constant 0 : i32
    %c0_i32_0 = arith.constant 0 : i32
    return %arg0, %c0_i32 : i32, i32
  }
}

module attributes {stable_mosaic.version = 14 : i64} {
  func.func @body(%arg0: i32, %arg1: memref<512x16xf32, #tpu.memory_space<vmem>>, %arg2: memref<512x64xf32, #tpu.memory_space<vmem>>, %arg3: memref<128x16xf32, #tpu.memory_space<vmem>>, %arg4: memref<128x1xf32, #tpu.memory_space<vmem>>, %arg5: memref<4096x128xf32, #tpu.memory_space<vmem>>, %arg6: memref<64x64xf32, #tpu.memory_space<vmem>>, %arg7: memref<512x64xf32, #tpu.memory_space<vmem>>) attributes {dimension_semantics = [#tpu.dimension_semantics<arbitrary>], iteration_bounds = array<i64: 80>, scalar_prefetch = 0 : i64, scratch_operands = 0 : i64, tpu.core_type = #tpu.core_type<tc>, window_params = [{transform_indices = @transform_0, window_bounds = array<i64: 512, 16>}, {transform_indices = @transform_1, window_bounds = array<i64: 512, 64>}, {pipeline_mode = #tpu.pipeline_mode<synchronous>, transform_indices = @transform_2, window_bounds = array<i64: 128, 16>}, {pipeline_mode = #tpu.pipeline_mode<synchronous>, transform_indices = @transform_3, window_bounds = array<i64: 128, 1>}, {pipeline_mode = #tpu.pipeline_mode<synchronous>, transform_indices = @transform_4, window_bounds = array<i64: 4096, 128>}, {pipeline_mode = #tpu.pipeline_mode<synchronous>, transform_indices = @transform_5, window_bounds = array<i64: 64, 64>}, {transform_indices = @transform_6, window_bounds = array<i64: 512, 64>}]} {
    %get3A = arith.constant 0 : index
    %get3A_0 = arith.constant 0 : index
    %get3A_1 = vector.load %arg1[%get3A, %get3A_0] : memref<512x16xf32, #tpu.memory_space<vmem>>, vector<512x16xf32>
    %transpose3A = tpu.transpose %get3A_1, [1, 0] : vector<512x16xf32> -> vector<16x512xf32>
    %convert_element_type3A = arith.truncf %transpose3A : vector<16x512xf32> to vector<16x512xbf16>
    %get3A_2 = arith.constant 0 : index
    %get3A_3 = arith.constant 0 : index
    %get3A_4 = vector.load %arg3[%get3A_2, %get3A_3] : memref<128x16xf32, #tpu.memory_space<vmem>>, vector<128x16xf32>
    %convert_element_type3A_5 = arith.truncf %get3A_4 : vector<128x16xf32> to vector<128x16xbf16>
    %dot_general3A = arith.constant dense<0.000000e+00> : vector<128x512xf32>
    %dot_general3A_6 = tpu.matmul %convert_element_type3A_5, %convert_element_type3A, %dot_general3A {dimension_numbers = #tpu.dot_dimension_numbers<[1], [0], [0], [1], [0, 0, 1, 1], [], []>, transpose_lhs_hint = false} : vector<128x16xbf16>, vector<16x512xbf16>, vector<128x512xf32> -> vector<128x512xf32>
    %get3A_7 = arith.constant 0 : index
    %get3A_8 = arith.constant 0 : index
    %get3A_9 = vector.load %arg4[%get3A_7, %get3A_8] : memref<128x1xf32, #tpu.memory_space<vmem>>, vector<128x1xf32>
    %add3A = vector.broadcast %get3A_9 : vector<128x1xf32> to vector<128x512xf32>
    %add3A_10 = arith.addf %dot_general3A_6, %add3A : vector<128x512xf32>
    %max3A = arith.constant 0.000000e+00 : f32
    %max3A_11 = vector.broadcast %max3A : f32 to vector<128x512xf32>
    %max3A_12 = arith.maximumf %add3A_10, %max3A_11 : vector<128x512xf32>
    %get3A_13 = arith.constant 0 : index
    %get3A_14 = arith.constant 0 : index
    %get3A_15 = vector.load %arg5[%get3A_13, %get3A_14] : memref<4096x128xf32, #tpu.memory_space<vmem>>, vector<4096x128xf32>
    %convert_element_type3A_16 = arith.truncf %get3A_15 : vector<4096x128xf32> to vector<4096x128xbf16>
    %convert_element_type3A_17 = arith.truncf %max3A_12 : vector<128x512xf32> to vector<128x512xbf16>
    %dot_general3A_18 = arith.constant dense<0.000000e+00> : vector<4096x512xf32>
    %dot_general3A_19 = tpu.matmul %convert_element_type3A_16, %convert_element_type3A_17, %dot_general3A_18 {dimension_numbers = #tpu.dot_dimension_numbers<[1], [0], [0], [1], [0, 0, 1, 1], [], []>, transpose_lhs_hint = false} : vector<4096x128xbf16>, vector<128x512xbf16>, vector<4096x512xf32> -> vector<4096x512xf32>
    %convert_element_type3A_20 = arith.truncf %dot_general3A_19 : vector<4096x512xf32> to vector<4096x512xbf16>
    %convert_element_type3A_21 = arith.extf %convert_element_type3A_20 : vector<4096x512xbf16> to vector<4096x512xf32>
    %get3A_22 = arith.constant 0 : index
    %get3A_23 = arith.constant 0 : index
    %get3A_24 = vector.load %arg2[%get3A_22, %get3A_23] : memref<512x64xf32, #tpu.memory_space<vmem>>, vector<512x64xf32>
    %transpose3A_25 = tpu.transpose %get3A_24, [1, 0] : vector<512x64xf32> -> vector<64x512xf32>
    %convert_element_type3A_26 = arith.truncf %transpose3A_25 : vector<64x512xf32> to vector<64x512xbf16>
    %convert_element_type3A_27 = arith.extf %convert_element_type3A_26 : vector<64x512xbf16> to vector<64x512xf32>
    %get3A_28 = arith.constant 0 : index
    %get3A_29 = arith.constant 0 : index
    %get3A_30 = vector.load %arg6[%get3A_28, %get3A_29] : memref<64x64xf32, #tpu.memory_space<vmem>>, vector<64x64xf32>
    %dot_general3A_31 = arith.constant dense<0.000000e+00> : vector<64x512xf32>
    %dot_general3A_32 = tpu.matmul %get3A_30, %transpose3A_25, %dot_general3A_31 {dimension_numbers = #tpu.dot_dimension_numbers<[1], [0], [0], [1], [0, 0, 1, 1], [], []>, transpose_lhs_hint = false} : vector<64x64xf32>, vector<64x512xf32>, vector<64x512xf32> -> vector<64x512xf32>
    %slice3A = vector.extract_strided_slice %convert_element_type3A_27 {offsets = [0, 0], sizes = [1, 512], strides = [1, 1]} : vector<64x512xf32> to vector<1x512xf32>
    %slice3A_33 = vector.extract_strided_slice %convert_element_type3A_21 {offsets = [0, 0], sizes = [64, 512], strides = [1, 1]} : vector<4096x512xf32> to vector<64x512xf32>
    %mul3A = vector.broadcast %slice3A : vector<1x512xf32> to vector<64x512xf32>
    %mul3A_34 = arith.mulf %mul3A, %slice3A_33 : vector<64x512xf32>
    %add3A_35 = arith.addf %dot_general3A_32, %mul3A_34 : vector<64x512xf32>
    %slice3A_36 = vector.extract_strided_slice %convert_element_type3A_27 {offsets = [1, 0], sizes = [1, 512], strides = [1, 1]} : vector<64x512xf32> to vector<1x512xf32>
    %slice3A_37 = vector.extract_strided_slice %convert_element_type3A_21 {offsets = [64, 0], sizes = [64, 512], strides = [1, 1]} : vector<4096x512xf32> to vector<64x512xf32>
    %mul3A_38 = vector.broadcast %slice3A_36 : vector<1x512xf32> to vector<64x512xf32>
    %mul3A_39 = arith.mulf %mul3A_38, %slice3A_37 : vector<64x512xf32>
    %add3A_40 = arith.addf %add3A_35, %mul3A_39 : vector<64x512xf32>
    %slice3A_41 = vector.extract_strided_slice %convert_element_type3A_27 {offsets = [2, 0], sizes = [1, 512], strides = [1, 1]} : vector<64x512xf32> to vector<1x512xf32>
    %slice3A_42 = vector.extract_strided_slice %convert_element_type3A_21 {offsets = [128, 0], sizes = [64, 512], strides = [1, 1]} : vector<4096x512xf32> to vector<64x512xf32>
    %mul3A_43 = vector.broadcast %slice3A_41 : vector<1x512xf32> to vector<64x512xf32>
    %mul3A_44 = arith.mulf %mul3A_43, %slice3A_42 : vector<64x512xf32>
    %add3A_45 = arith.addf %add3A_40, %mul3A_44 : vector<64x512xf32>
    %slice3A_46 = vector.extract_strided_slice %convert_element_type3A_27 {offsets = [3, 0], sizes = [1, 512], strides = [1, 1]} : vector<64x512xf32> to vector<1x512xf32>
    %slice3A_47 = vector.extract_strided_slice %convert_element_type3A_21 {offsets = [192, 0], sizes = [64, 512], strides = [1, 1]} : vector<4096x512xf32> to vector<64x512xf32>
    %mul3A_48 = vector.broadcast %slice3A_46 : vector<1x512xf32> to vector<64x512xf32>
    %mul3A_49 = arith.mulf %mul3A_48, %slice3A_47 : vector<64x512xf32>
    %add3A_50 = arith.addf %add3A_45, %mul3A_49 : vector<64x512xf32>
    %slice3A_51 = vector.extract_strided_slice %convert_element_type3A_27 {offsets = [4, 0], sizes = [1, 512], strides = [1, 1]} : vector<64x512xf32> to vector<1x512xf32>
    %slice3A_52 = vector.extract_strided_slice %convert_element_type3A_21 {offsets = [256, 0], sizes = [64, 512], strides = [1, 1]} : vector<4096x512xf32> to vector<64x512xf32>
    %mul3A_53 = vector.broadcast %slice3A_51 : vector<1x512xf32> to vector<64x512xf32>
    %mul3A_54 = arith.mulf %mul3A_53, %slice3A_52 : vector<64x512xf32>
    %add3A_55 = arith.addf %add3A_50, %mul3A_54 : vector<64x512xf32>
    %slice3A_56 = vector.extract_strided_slice %convert_element_type3A_27 {offsets = [5, 0], sizes = [1, 512], strides = [1, 1]} : vector<64x512xf32> to vector<1x512xf32>
    %slice3A_57 = vector.extract_strided_slice %convert_element_type3A_21 {offsets = [320, 0], sizes = [64, 512], strides = [1, 1]} : vector<4096x512xf32> to vector<64x512xf32>
    %mul3A_58 = vector.broadcast %slice3A_56 : vector<1x512xf32> to vector<64x512xf32>
    %mul3A_59 = arith.mulf %mul3A_58, %slice3A_57 : vector<64x512xf32>
    %add3A_60 = arith.addf %add3A_55, %mul3A_59 : vector<64x512xf32>
    %slice3A_61 = vector.extract_strided_slice %convert_element_type3A_27 {offsets = [6, 0], sizes = [1, 512], strides = [1, 1]} : vector<64x512xf32> to vector<1x512xf32>
    %slice3A_62 = vector.extract_strided_slice %convert_element_type3A_21 {offsets = [384, 0], sizes = [64, 512], strides = [1, 1]} : vector<4096x512xf32> to vector<64x512xf32>
    %mul3A_63 = vector.broadcast %slice3A_61 : vector<1x512xf32> to vector<64x512xf32>
    %mul3A_64 = arith.mulf %mul3A_63, %slice3A_62 : vector<64x512xf32>
    %add3A_65 = arith.addf %add3A_60, %mul3A_64 : vector<64x512xf32>
    %slice3A_66 = vector.extract_strided_slice %convert_element_type3A_27 {offsets = [7, 0], sizes = [1, 512], strides = [1, 1]} : vector<64x512xf32> to vector<1x512xf32>
    %slice3A_67 = vector.extract_strided_slice %convert_element_type3A_21 {offsets = [448, 0], sizes = [64, 512], strides = [1, 1]} : vector<4096x512xf32> to vector<64x512xf32>
    %mul3A_68 = vector.broadcast %slice3A_66 : vector<1x512xf32> to vector<64x512xf32>
    %mul3A_69 = arith.mulf %mul3A_68, %slice3A_67 : vector<64x512xf32>
    %add3A_70 = arith.addf %add3A_65, %mul3A_69 : vector<64x512xf32>
    %slice3A_71 = vector.extract_strided_slice %convert_element_type3A_27 {offsets = [8, 0], sizes = [1, 512], strides = [1, 1]} : vector<64x512xf32> to vector<1x512xf32>
    %slice3A_72 = vector.extract_strided_slice %convert_element_type3A_21 {offsets = [512, 0], sizes = [64, 512], strides = [1, 1]} : vector<4096x512xf32> to vector<64x512xf32>
    %mul3A_73 = vector.broadcast %slice3A_71 : vector<1x512xf32> to vector<64x512xf32>
    %mul3A_74 = arith.mulf %mul3A_73, %slice3A_72 : vector<64x512xf32>
    %add3A_75 = arith.addf %add3A_70, %mul3A_74 : vector<64x512xf32>
    %slice3A_76 = vector.extract_strided_slice %convert_element_type3A_27 {offsets = [9, 0], sizes = [1, 512], strides = [1, 1]} : vector<64x512xf32> to vector<1x512xf32>
    %slice3A_77 = vector.extract_strided_slice %convert_element_type3A_21 {offsets = [576, 0], sizes = [64, 512], strides = [1, 1]} : vector<4096x512xf32> to vector<64x512xf32>
    %mul3A_78 = vector.broadcast %slice3A_76 : vector<1x512xf32> to vector<64x512xf32>
    %mul3A_79 = arith.mulf %mul3A_78, %slice3A_77 : vector<64x512xf32>
    %add3A_80 = arith.addf %add3A_75, %mul3A_79 : vector<64x512xf32>
    %slice3A_81 = vector.extract_strided_slice %convert_element_type3A_27 {offsets = [10, 0], sizes = [1, 512], strides = [1, 1]} : vector<64x512xf32> to vector<1x512xf32>
    %slice3A_82 = vector.extract_strided_slice %convert_element_type3A_21 {offsets = [640, 0], sizes = [64, 512], strides = [1, 1]} : vector<4096x512xf32> to vector<64x512xf32>
    %mul3A_83 = vector.broadcast %slice3A_81 : vector<1x512xf32> to vector<64x512xf32>
    %mul3A_84 = arith.mulf %mul3A_83, %slice3A_82 : vector<64x512xf32>
    %add3A_85 = arith.addf %add3A_80, %mul3A_84 : vector<64x512xf32>
    %slice3A_86 = vector.extract_strided_slice %convert_element_type3A_27 {offsets = [11, 0], sizes = [1, 512], strides = [1, 1]} : vector<64x512xf32> to vector<1x512xf32>
    %slice3A_87 = vector.extract_strided_slice %convert_element_type3A_21 {offsets = [704, 0], sizes = [64, 512], strides = [1, 1]} : vector<4096x512xf32> to vector<64x512xf32>
    %mul3A_88 = vector.broadcast %slice3A_86 : vector<1x512xf32> to vector<64x512xf32>
    %mul3A_89 = arith.mulf %mul3A_88, %slice3A_87 : vector<64x512xf32>
    %add3A_90 = arith.addf %add3A_85, %mul3A_89 : vector<64x512xf32>
    %slice3A_91 = vector.extract_strided_slice %convert_element_type3A_27 {offsets = [12, 0], sizes = [1, 512], strides = [1, 1]} : vector<64x512xf32> to vector<1x512xf32>
    %slice3A_92 = vector.extract_strided_slice %convert_element_type3A_21 {offsets = [768, 0], sizes = [64, 512], strides = [1, 1]} : vector<4096x512xf32> to vector<64x512xf32>
    %mul3A_93 = vector.broadcast %slice3A_91 : vector<1x512xf32> to vector<64x512xf32>
    %mul3A_94 = arith.mulf %mul3A_93, %slice3A_92 : vector<64x512xf32>
    %add3A_95 = arith.addf %add3A_90, %mul3A_94 : vector<64x512xf32>
    %slice3A_96 = vector.extract_strided_slice %convert_element_type3A_27 {offsets = [13, 0], sizes = [1, 512], strides = [1, 1]} : vector<64x512xf32> to vector<1x512xf32>
    %slice3A_97 = vector.extract_strided_slice %convert_element_type3A_21 {offsets = [832, 0], sizes = [64, 512], strides = [1, 1]} : vector<4096x512xf32> to vector<64x512xf32>
    %mul3A_98 = vector.broadcast %slice3A_96 : vector<1x512xf32> to vector<64x512xf32>
    %mul3A_99 = arith.mulf %mul3A_98, %slice3A_97 : vector<64x512xf32>
    %add3A_100 = arith.addf %add3A_95, %mul3A_99 : vector<64x512xf32>
    %slice3A_101 = vector.extract_strided_slice %convert_element_type3A_27 {offsets = [14, 0], sizes = [1, 512], strides = [1, 1]} : vector<64x512xf32> to vector<1x512xf32>
    %slice3A_102 = vector.extract_strided_slice %convert_element_type3A_21 {offsets = [896, 0], sizes = [64, 512], strides = [1, 1]} : vector<4096x512xf32> to vector<64x512xf32>
    %mul3A_103 = vector.broadcast %slice3A_101 : vector<1x512xf32> to vector<64x512xf32>
    %mul3A_104 = arith.mulf %mul3A_103, %slice3A_102 : vector<64x512xf32>
    %add3A_105 = arith.addf %add3A_100, %mul3A_104 : vector<64x512xf32>
    %slice3A_106 = vector.extract_strided_slice %convert_element_type3A_27 {offsets = [15, 0], sizes = [1, 512], strides = [1, 1]} : vector<64x512xf32> to vector<1x512xf32>
    %slice3A_107 = vector.extract_strided_slice %convert_element_type3A_21 {offsets = [960, 0], sizes = [64, 512], strides = [1, 1]} : vector<4096x512xf32> to vector<64x512xf32>
    %mul3A_108 = vector.broadcast %slice3A_106 : vector<1x512xf32> to vector<64x512xf32>
    %mul3A_109 = arith.mulf %mul3A_108, %slice3A_107 : vector<64x512xf32>
    %add3A_110 = arith.addf %add3A_105, %mul3A_109 : vector<64x512xf32>
    %slice3A_111 = vector.extract_strided_slice %convert_element_type3A_27 {offsets = [16, 0], sizes = [1, 512], strides = [1, 1]} : vector<64x512xf32> to vector<1x512xf32>
    %slice3A_112 = vector.extract_strided_slice %convert_element_type3A_21 {offsets = [1024, 0], sizes = [64, 512], strides = [1, 1]} : vector<4096x512xf32> to vector<64x512xf32>
    %mul3A_113 = vector.broadcast %slice3A_111 : vector<1x512xf32> to vector<64x512xf32>
    %mul3A_114 = arith.mulf %mul3A_113, %slice3A_112 : vector<64x512xf32>
    %add3A_115 = arith.addf %add3A_110, %mul3A_114 : vector<64x512xf32>
    %slice3A_116 = vector.extract_strided_slice %convert_element_type3A_27 {offsets = [17, 0], sizes = [1, 512], strides = [1, 1]} : vector<64x512xf32> to vector<1x512xf32>
    %slice3A_117 = vector.extract_strided_slice %convert_element_type3A_21 {offsets = [1088, 0], sizes = [64, 512], strides = [1, 1]} : vector<4096x512xf32> to vector<64x512xf32>
    %mul3A_118 = vector.broadcast %slice3A_116 : vector<1x512xf32> to vector<64x512xf32>
    %mul3A_119 = arith.mulf %mul3A_118, %slice3A_117 : vector<64x512xf32>
    %add3A_120 = arith.addf %add3A_115, %mul3A_119 : vector<64x512xf32>
    %slice3A_121 = vector.extract_strided_slice %convert_element_type3A_27 {offsets = [18, 0], sizes = [1, 512], strides = [1, 1]} : vector<64x512xf32> to vector<1x512xf32>
    %slice3A_122 = vector.extract_strided_slice %convert_element_type3A_21 {offsets = [1152, 0], sizes = [64, 512], strides = [1, 1]} : vector<4096x512xf32> to vector<64x512xf32>
    %mul3A_123 = vector.broadcast %slice3A_121 : vector<1x512xf32> to vector<64x512xf32>
    %mul3A_124 = arith.mulf %mul3A_123, %slice3A_122 : vector<64x512xf32>
    %add3A_125 = arith.addf %add3A_120, %mul3A_124 : vector<64x512xf32>
    %slice3A_126 = vector.extract_strided_slice %convert_element_type3A_27 {offsets = [19, 0], sizes = [1, 512], strides = [1, 1]} : vector<64x512xf32> to vector<1x512xf32>
    %slice3A_127 = vector.extract_strided_slice %convert_element_type3A_21 {offsets = [1216, 0], sizes = [64, 512], strides = [1, 1]} : vector<4096x512xf32> to vector<64x512xf32>
    %mul3A_128 = vector.broadcast %slice3A_126 : vector<1x512xf32> to vector<64x512xf32>
    %mul3A_129 = arith.mulf %mul3A_128, %slice3A_127 : vector<64x512xf32>
    %add3A_130 = arith.addf %add3A_125, %mul3A_129 : vector<64x512xf32>
    %slice3A_131 = vector.extract_strided_slice %convert_element_type3A_27 {offsets = [20, 0], sizes = [1, 512], strides = [1, 1]} : vector<64x512xf32> to vector<1x512xf32>
    %slice3A_132 = vector.extract_strided_slice %convert_element_type3A_21 {offsets = [1280, 0], sizes = [64, 512], strides = [1, 1]} : vector<4096x512xf32> to vector<64x512xf32>
    %mul3A_133 = vector.broadcast %slice3A_131 : vector<1x512xf32> to vector<64x512xf32>
    %mul3A_134 = arith.mulf %mul3A_133, %slice3A_132 : vector<64x512xf32>
    %add3A_135 = arith.addf %add3A_130, %mul3A_134 : vector<64x512xf32>
    %slice3A_136 = vector.extract_strided_slice %convert_element_type3A_27 {offsets = [21, 0], sizes = [1, 512], strides = [1, 1]} : vector<64x512xf32> to vector<1x512xf32>
    %slice3A_137 = vector.extract_strided_slice %convert_element_type3A_21 {offsets = [1344, 0], sizes = [64, 512], strides = [1, 1]} : vector<4096x512xf32> to vector<64x512xf32>
    %mul3A_138 = vector.broadcast %slice3A_136 : vector<1x512xf32> to vector<64x512xf32>
    %mul3A_139 = arith.mulf %mul3A_138, %slice3A_137 : vector<64x512xf32>
    %add3A_140 = arith.addf %add3A_135, %mul3A_139 : vector<64x512xf32>
    %slice3A_141 = vector.extract_strided_slice %convert_element_type3A_27 {offsets = [22, 0], sizes = [1, 512], strides = [1, 1]} : vector<64x512xf32> to vector<1x512xf32>
    %slice3A_142 = vector.extract_strided_slice %convert_element_type3A_21 {offsets = [1408, 0], sizes = [64, 512], strides = [1, 1]} : vector<4096x512xf32> to vector<64x512xf32>
    %mul3A_143 = vector.broadcast %slice3A_141 : vector<1x512xf32> to vector<64x512xf32>
    %mul3A_144 = arith.mulf %mul3A_143, %slice3A_142 : vector<64x512xf32>
    %add3A_145 = arith.addf %add3A_140, %mul3A_144 : vector<64x512xf32>
    %slice3A_146 = vector.extract_strided_slice %convert_element_type3A_27 {offsets = [23, 0], sizes = [1, 512], strides = [1, 1]} : vector<64x512xf32> to vector<1x512xf32>
    %slice3A_147 = vector.extract_strided_slice %convert_element_type3A_21 {offsets = [1472, 0], sizes = [64, 512], strides = [1, 1]} : vector<4096x512xf32> to vector<64x512xf32>
    %mul3A_148 = vector.broadcast %slice3A_146 : vector<1x512xf32> to vector<64x512xf32>
    %mul3A_149 = arith.mulf %mul3A_148, %slice3A_147 : vector<64x512xf32>
    %add3A_150 = arith.addf %add3A_145, %mul3A_149 : vector<64x512xf32>
    %slice3A_151 = vector.extract_strided_slice %convert_element_type3A_27 {offsets = [24, 0], sizes = [1, 512], strides = [1, 1]} : vector<64x512xf32> to vector<1x512xf32>
    %slice3A_152 = vector.extract_strided_slice %convert_element_type3A_21 {offsets = [1536, 0], sizes = [64, 512], strides = [1, 1]} : vector<4096x512xf32> to vector<64x512xf32>
    %mul3A_153 = vector.broadcast %slice3A_151 : vector<1x512xf32> to vector<64x512xf32>
    %mul3A_154 = arith.mulf %mul3A_153, %slice3A_152 : vector<64x512xf32>
    %add3A_155 = arith.addf %add3A_150, %mul3A_154 : vector<64x512xf32>
    %slice3A_156 = vector.extract_strided_slice %convert_element_type3A_27 {offsets = [25, 0], sizes = [1, 512], strides = [1, 1]} : vector<64x512xf32> to vector<1x512xf32>
    %slice3A_157 = vector.extract_strided_slice %convert_element_type3A_21 {offsets = [1600, 0], sizes = [64, 512], strides = [1, 1]} : vector<4096x512xf32> to vector<64x512xf32>
    %mul3A_158 = vector.broadcast %slice3A_156 : vector<1x512xf32> to vector<64x512xf32>
    %mul3A_159 = arith.mulf %mul3A_158, %slice3A_157 : vector<64x512xf32>
    %add3A_160 = arith.addf %add3A_155, %mul3A_159 : vector<64x512xf32>
    %slice3A_161 = vector.extract_strided_slice %convert_element_type3A_27 {offsets = [26, 0], sizes = [1, 512], strides = [1, 1]} : vector<64x512xf32> to vector<1x512xf32>
    %slice3A_162 = vector.extract_strided_slice %convert_element_type3A_21 {offsets = [1664, 0], sizes = [64, 512], strides = [1, 1]} : vector<4096x512xf32> to vector<64x512xf32>
    %mul3A_163 = vector.broadcast %slice3A_161 : vector<1x512xf32> to vector<64x512xf32>
    %mul3A_164 = arith.mulf %mul3A_163, %slice3A_162 : vector<64x512xf32>
    %add3A_165 = arith.addf %add3A_160, %mul3A_164 : vector<64x512xf32>
    %slice3A_166 = vector.extract_strided_slice %convert_element_type3A_27 {offsets = [27, 0], sizes = [1, 512], strides = [1, 1]} : vector<64x512xf32> to vector<1x512xf32>
    %slice3A_167 = vector.extract_strided_slice %convert_element_type3A_21 {offsets = [1728, 0], sizes = [64, 512], strides = [1, 1]} : vector<4096x512xf32> to vector<64x512xf32>
    %mul3A_168 = vector.broadcast %slice3A_166 : vector<1x512xf32> to vector<64x512xf32>
    %mul3A_169 = arith.mulf %mul3A_168, %slice3A_167 : vector<64x512xf32>
    %add3A_170 = arith.addf %add3A_165, %mul3A_169 : vector<64x512xf32>
    %slice3A_171 = vector.extract_strided_slice %convert_element_type3A_27 {offsets = [28, 0], sizes = [1, 512], strides = [1, 1]} : vector<64x512xf32> to vector<1x512xf32>
    %slice3A_172 = vector.extract_strided_slice %convert_element_type3A_21 {offsets = [1792, 0], sizes = [64, 512], strides = [1, 1]} : vector<4096x512xf32> to vector<64x512xf32>
    %mul3A_173 = vector.broadcast %slice3A_171 : vector<1x512xf32> to vector<64x512xf32>
    %mul3A_174 = arith.mulf %mul3A_173, %slice3A_172 : vector<64x512xf32>
    %add3A_175 = arith.addf %add3A_170, %mul3A_174 : vector<64x512xf32>
    %slice3A_176 = vector.extract_strided_slice %convert_element_type3A_27 {offsets = [29, 0], sizes = [1, 512], strides = [1, 1]} : vector<64x512xf32> to vector<1x512xf32>
    %slice3A_177 = vector.extract_strided_slice %convert_element_type3A_21 {offsets = [1856, 0], sizes = [64, 512], strides = [1, 1]} : vector<4096x512xf32> to vector<64x512xf32>
    %mul3A_178 = vector.broadcast %slice3A_176 : vector<1x512xf32> to vector<64x512xf32>
    %mul3A_179 = arith.mulf %mul3A_178, %slice3A_177 : vector<64x512xf32>
    %add3A_180 = arith.addf %add3A_175, %mul3A_179 : vector<64x512xf32>
    %slice3A_181 = vector.extract_strided_slice %convert_element_type3A_27 {offsets = [30, 0], sizes = [1, 512], strides = [1, 1]} : vector<64x512xf32> to vector<1x512xf32>
    %slice3A_182 = vector.extract_strided_slice %convert_element_type3A_21 {offsets = [1920, 0], sizes = [64, 512], strides = [1, 1]} : vector<4096x512xf32> to vector<64x512xf32>
    %mul3A_183 = vector.broadcast %slice3A_181 : vector<1x512xf32> to vector<64x512xf32>
    %mul3A_184 = arith.mulf %mul3A_183, %slice3A_182 : vector<64x512xf32>
    %add3A_185 = arith.addf %add3A_180, %mul3A_184 : vector<64x512xf32>
    %slice3A_186 = vector.extract_strided_slice %convert_element_type3A_27 {offsets = [31, 0], sizes = [1, 512], strides = [1, 1]} : vector<64x512xf32> to vector<1x512xf32>
    %slice3A_187 = vector.extract_strided_slice %convert_element_type3A_21 {offsets = [1984, 0], sizes = [64, 512], strides = [1, 1]} : vector<4096x512xf32> to vector<64x512xf32>
    %mul3A_188 = vector.broadcast %slice3A_186 : vector<1x512xf32> to vector<64x512xf32>
    %mul3A_189 = arith.mulf %mul3A_188, %slice3A_187 : vector<64x512xf32>
    %add3A_190 = arith.addf %add3A_185, %mul3A_189 : vector<64x512xf32>
    %slice3A_191 = vector.extract_strided_slice %convert_element_type3A_27 {offsets = [32, 0], sizes = [1, 512], strides = [1, 1]} : vector<64x512xf32> to vector<1x512xf32>
    %slice3A_192 = vector.extract_strided_slice %convert_element_type3A_21 {offsets = [2048, 0], sizes = [64, 512], strides = [1, 1]} : vector<4096x512xf32> to vector<64x512xf32>
    %mul3A_193 = vector.broadcast %slice3A_191 : vector<1x512xf32> to vector<64x512xf32>
    %mul3A_194 = arith.mulf %mul3A_193, %slice3A_192 : vector<64x512xf32>
    %add3A_195 = arith.addf %add3A_190, %mul3A_194 : vector<64x512xf32>
    %slice3A_196 = vector.extract_strided_slice %convert_element_type3A_27 {offsets = [33, 0], sizes = [1, 512], strides = [1, 1]} : vector<64x512xf32> to vector<1x512xf32>
    %slice3A_197 = vector.extract_strided_slice %convert_element_type3A_21 {offsets = [2112, 0], sizes = [64, 512], strides = [1, 1]} : vector<4096x512xf32> to vector<64x512xf32>
    %mul3A_198 = vector.broadcast %slice3A_196 : vector<1x512xf32> to vector<64x512xf32>
    %mul3A_199 = arith.mulf %mul3A_198, %slice3A_197 : vector<64x512xf32>
    %add3A_200 = arith.addf %add3A_195, %mul3A_199 : vector<64x512xf32>
    %slice3A_201 = vector.extract_strided_slice %convert_element_type3A_27 {offsets = [34, 0], sizes = [1, 512], strides = [1, 1]} : vector<64x512xf32> to vector<1x512xf32>
    %slice3A_202 = vector.extract_strided_slice %convert_element_type3A_21 {offsets = [2176, 0], sizes = [64, 512], strides = [1, 1]} : vector<4096x512xf32> to vector<64x512xf32>
    %mul3A_203 = vector.broadcast %slice3A_201 : vector<1x512xf32> to vector<64x512xf32>
    %mul3A_204 = arith.mulf %mul3A_203, %slice3A_202 : vector<64x512xf32>
    %add3A_205 = arith.addf %add3A_200, %mul3A_204 : vector<64x512xf32>
    %slice3A_206 = vector.extract_strided_slice %convert_element_type3A_27 {offsets = [35, 0], sizes = [1, 512], strides = [1, 1]} : vector<64x512xf32> to vector<1x512xf32>
    %slice3A_207 = vector.extract_strided_slice %convert_element_type3A_21 {offsets = [2240, 0], sizes = [64, 512], strides = [1, 1]} : vector<4096x512xf32> to vector<64x512xf32>
    %mul3A_208 = vector.broadcast %slice3A_206 : vector<1x512xf32> to vector<64x512xf32>
    %mul3A_209 = arith.mulf %mul3A_208, %slice3A_207 : vector<64x512xf32>
    %add3A_210 = arith.addf %add3A_205, %mul3A_209 : vector<64x512xf32>
    %slice3A_211 = vector.extract_strided_slice %convert_element_type3A_27 {offsets = [36, 0], sizes = [1, 512], strides = [1, 1]} : vector<64x512xf32> to vector<1x512xf32>
    %slice3A_212 = vector.extract_strided_slice %convert_element_type3A_21 {offsets = [2304, 0], sizes = [64, 512], strides = [1, 1]} : vector<4096x512xf32> to vector<64x512xf32>
    %mul3A_213 = vector.broadcast %slice3A_211 : vector<1x512xf32> to vector<64x512xf32>
    %mul3A_214 = arith.mulf %mul3A_213, %slice3A_212 : vector<64x512xf32>
    %add3A_215 = arith.addf %add3A_210, %mul3A_214 : vector<64x512xf32>
    %slice3A_216 = vector.extract_strided_slice %convert_element_type3A_27 {offsets = [37, 0], sizes = [1, 512], strides = [1, 1]} : vector<64x512xf32> to vector<1x512xf32>
    %slice3A_217 = vector.extract_strided_slice %convert_element_type3A_21 {offsets = [2368, 0], sizes = [64, 512], strides = [1, 1]} : vector<4096x512xf32> to vector<64x512xf32>
    %mul3A_218 = vector.broadcast %slice3A_216 : vector<1x512xf32> to vector<64x512xf32>
    %mul3A_219 = arith.mulf %mul3A_218, %slice3A_217 : vector<64x512xf32>
    %add3A_220 = arith.addf %add3A_215, %mul3A_219 : vector<64x512xf32>
    %slice3A_221 = vector.extract_strided_slice %convert_element_type3A_27 {offsets = [38, 0], sizes = [1, 512], strides = [1, 1]} : vector<64x512xf32> to vector<1x512xf32>
    %slice3A_222 = vector.extract_strided_slice %convert_element_type3A_21 {offsets = [2432, 0], sizes = [64, 512], strides = [1, 1]} : vector<4096x512xf32> to vector<64x512xf32>
    %mul3A_223 = vector.broadcast %slice3A_221 : vector<1x512xf32> to vector<64x512xf32>
    %mul3A_224 = arith.mulf %mul3A_223, %slice3A_222 : vector<64x512xf32>
    %add3A_225 = arith.addf %add3A_220, %mul3A_224 : vector<64x512xf32>
    %slice3A_226 = vector.extract_strided_slice %convert_element_type3A_27 {offsets = [39, 0], sizes = [1, 512], strides = [1, 1]} : vector<64x512xf32> to vector<1x512xf32>
    %slice3A_227 = vector.extract_strided_slice %convert_element_type3A_21 {offsets = [2496, 0], sizes = [64, 512], strides = [1, 1]} : vector<4096x512xf32> to vector<64x512xf32>
    %mul3A_228 = vector.broadcast %slice3A_226 : vector<1x512xf32> to vector<64x512xf32>
    %mul3A_229 = arith.mulf %mul3A_228, %slice3A_227 : vector<64x512xf32>
    %add3A_230 = arith.addf %add3A_225, %mul3A_229 : vector<64x512xf32>
    %slice3A_231 = vector.extract_strided_slice %convert_element_type3A_27 {offsets = [40, 0], sizes = [1, 512], strides = [1, 1]} : vector<64x512xf32> to vector<1x512xf32>
    %slice3A_232 = vector.extract_strided_slice %convert_element_type3A_21 {offsets = [2560, 0], sizes = [64, 512], strides = [1, 1]} : vector<4096x512xf32> to vector<64x512xf32>
    %mul3A_233 = vector.broadcast %slice3A_231 : vector<1x512xf32> to vector<64x512xf32>
    %mul3A_234 = arith.mulf %mul3A_233, %slice3A_232 : vector<64x512xf32>
    %add3A_235 = arith.addf %add3A_230, %mul3A_234 : vector<64x512xf32>
    %slice3A_236 = vector.extract_strided_slice %convert_element_type3A_27 {offsets = [41, 0], sizes = [1, 512], strides = [1, 1]} : vector<64x512xf32> to vector<1x512xf32>
    %slice3A_237 = vector.extract_strided_slice %convert_element_type3A_21 {offsets = [2624, 0], sizes = [64, 512], strides = [1, 1]} : vector<4096x512xf32> to vector<64x512xf32>
    %mul3A_238 = vector.broadcast %slice3A_236 : vector<1x512xf32> to vector<64x512xf32>
    %mul3A_239 = arith.mulf %mul3A_238, %slice3A_237 : vector<64x512xf32>
    %add3A_240 = arith.addf %add3A_235, %mul3A_239 : vector<64x512xf32>
    %slice3A_241 = vector.extract_strided_slice %convert_element_type3A_27 {offsets = [42, 0], sizes = [1, 512], strides = [1, 1]} : vector<64x512xf32> to vector<1x512xf32>
    %slice3A_242 = vector.extract_strided_slice %convert_element_type3A_21 {offsets = [2688, 0], sizes = [64, 512], strides = [1, 1]} : vector<4096x512xf32> to vector<64x512xf32>
    %mul3A_243 = vector.broadcast %slice3A_241 : vector<1x512xf32> to vector<64x512xf32>
    %mul3A_244 = arith.mulf %mul3A_243, %slice3A_242 : vector<64x512xf32>
    %add3A_245 = arith.addf %add3A_240, %mul3A_244 : vector<64x512xf32>
    %slice3A_246 = vector.extract_strided_slice %convert_element_type3A_27 {offsets = [43, 0], sizes = [1, 512], strides = [1, 1]} : vector<64x512xf32> to vector<1x512xf32>
    %slice3A_247 = vector.extract_strided_slice %convert_element_type3A_21 {offsets = [2752, 0], sizes = [64, 512], strides = [1, 1]} : vector<4096x512xf32> to vector<64x512xf32>
    %mul3A_248 = vector.broadcast %slice3A_246 : vector<1x512xf32> to vector<64x512xf32>
    %mul3A_249 = arith.mulf %mul3A_248, %slice3A_247 : vector<64x512xf32>
    %add3A_250 = arith.addf %add3A_245, %mul3A_249 : vector<64x512xf32>
    %slice3A_251 = vector.extract_strided_slice %convert_element_type3A_27 {offsets = [44, 0], sizes = [1, 512], strides = [1, 1]} : vector<64x512xf32> to vector<1x512xf32>
    %slice3A_252 = vector.extract_strided_slice %convert_element_type3A_21 {offsets = [2816, 0], sizes = [64, 512], strides = [1, 1]} : vector<4096x512xf32> to vector<64x512xf32>
    %mul3A_253 = vector.broadcast %slice3A_251 : vector<1x512xf32> to vector<64x512xf32>
    %mul3A_254 = arith.mulf %mul3A_253, %slice3A_252 : vector<64x512xf32>
    %add3A_255 = arith.addf %add3A_250, %mul3A_254 : vector<64x512xf32>
    %slice3A_256 = vector.extract_strided_slice %convert_element_type3A_27 {offsets = [45, 0], sizes = [1, 512], strides = [1, 1]} : vector<64x512xf32> to vector<1x512xf32>
    %slice3A_257 = vector.extract_strided_slice %convert_element_type3A_21 {offsets = [2880, 0], sizes = [64, 512], strides = [1, 1]} : vector<4096x512xf32> to vector<64x512xf32>
    %mul3A_258 = vector.broadcast %slice3A_256 : vector<1x512xf32> to vector<64x512xf32>
    %mul3A_259 = arith.mulf %mul3A_258, %slice3A_257 : vector<64x512xf32>
    %add3A_260 = arith.addf %add3A_255, %mul3A_259 : vector<64x512xf32>
    %slice3A_261 = vector.extract_strided_slice %convert_element_type3A_27 {offsets = [46, 0], sizes = [1, 512], strides = [1, 1]} : vector<64x512xf32> to vector<1x512xf32>
    %slice3A_262 = vector.extract_strided_slice %convert_element_type3A_21 {offsets = [2944, 0], sizes = [64, 512], strides = [1, 1]} : vector<4096x512xf32> to vector<64x512xf32>
    %mul3A_263 = vector.broadcast %slice3A_261 : vector<1x512xf32> to vector<64x512xf32>
    %mul3A_264 = arith.mulf %mul3A_263, %slice3A_262 : vector<64x512xf32>
    %add3A_265 = arith.addf %add3A_260, %mul3A_264 : vector<64x512xf32>
    %slice3A_266 = vector.extract_strided_slice %convert_element_type3A_27 {offsets = [47, 0], sizes = [1, 512], strides = [1, 1]} : vector<64x512xf32> to vector<1x512xf32>
    %slice3A_267 = vector.extract_strided_slice %convert_element_type3A_21 {offsets = [3008, 0], sizes = [64, 512], strides = [1, 1]} : vector<4096x512xf32> to vector<64x512xf32>
    %mul3A_268 = vector.broadcast %slice3A_266 : vector<1x512xf32> to vector<64x512xf32>
    %mul3A_269 = arith.mulf %mul3A_268, %slice3A_267 : vector<64x512xf32>
    %add3A_270 = arith.addf %add3A_265, %mul3A_269 : vector<64x512xf32>
    %slice3A_271 = vector.extract_strided_slice %convert_element_type3A_27 {offsets = [48, 0], sizes = [1, 512], strides = [1, 1]} : vector<64x512xf32> to vector<1x512xf32>
    %slice3A_272 = vector.extract_strided_slice %convert_element_type3A_21 {offsets = [3072, 0], sizes = [64, 512], strides = [1, 1]} : vector<4096x512xf32> to vector<64x512xf32>
    %mul3A_273 = vector.broadcast %slice3A_271 : vector<1x512xf32> to vector<64x512xf32>
    %mul3A_274 = arith.mulf %mul3A_273, %slice3A_272 : vector<64x512xf32>
    %add3A_275 = arith.addf %add3A_270, %mul3A_274 : vector<64x512xf32>
    %slice3A_276 = vector.extract_strided_slice %convert_element_type3A_27 {offsets = [49, 0], sizes = [1, 512], strides = [1, 1]} : vector<64x512xf32> to vector<1x512xf32>
    %slice3A_277 = vector.extract_strided_slice %convert_element_type3A_21 {offsets = [3136, 0], sizes = [64, 512], strides = [1, 1]} : vector<4096x512xf32> to vector<64x512xf32>
    %mul3A_278 = vector.broadcast %slice3A_276 : vector<1x512xf32> to vector<64x512xf32>
    %mul3A_279 = arith.mulf %mul3A_278, %slice3A_277 : vector<64x512xf32>
    %add3A_280 = arith.addf %add3A_275, %mul3A_279 : vector<64x512xf32>
    %slice3A_281 = vector.extract_strided_slice %convert_element_type3A_27 {offsets = [50, 0], sizes = [1, 512], strides = [1, 1]} : vector<64x512xf32> to vector<1x512xf32>
    %slice3A_282 = vector.extract_strided_slice %convert_element_type3A_21 {offsets = [3200, 0], sizes = [64, 512], strides = [1, 1]} : vector<4096x512xf32> to vector<64x512xf32>
    %mul3A_283 = vector.broadcast %slice3A_281 : vector<1x512xf32> to vector<64x512xf32>
    %mul3A_284 = arith.mulf %mul3A_283, %slice3A_282 : vector<64x512xf32>
    %add3A_285 = arith.addf %add3A_280, %mul3A_284 : vector<64x512xf32>
    %slice3A_286 = vector.extract_strided_slice %convert_element_type3A_27 {offsets = [51, 0], sizes = [1, 512], strides = [1, 1]} : vector<64x512xf32> to vector<1x512xf32>
    %slice3A_287 = vector.extract_strided_slice %convert_element_type3A_21 {offsets = [3264, 0], sizes = [64, 512], strides = [1, 1]} : vector<4096x512xf32> to vector<64x512xf32>
    %mul3A_288 = vector.broadcast %slice3A_286 : vector<1x512xf32> to vector<64x512xf32>
    %mul3A_289 = arith.mulf %mul3A_288, %slice3A_287 : vector<64x512xf32>
    %add3A_290 = arith.addf %add3A_285, %mul3A_289 : vector<64x512xf32>
    %slice3A_291 = vector.extract_strided_slice %convert_element_type3A_27 {offsets = [52, 0], sizes = [1, 512], strides = [1, 1]} : vector<64x512xf32> to vector<1x512xf32>
    %slice3A_292 = vector.extract_strided_slice %convert_element_type3A_21 {offsets = [3328, 0], sizes = [64, 512], strides = [1, 1]} : vector<4096x512xf32> to vector<64x512xf32>
    %mul3A_293 = vector.broadcast %slice3A_291 : vector<1x512xf32> to vector<64x512xf32>
    %mul3A_294 = arith.mulf %mul3A_293, %slice3A_292 : vector<64x512xf32>
    %add3A_295 = arith.addf %add3A_290, %mul3A_294 : vector<64x512xf32>
    %slice3A_296 = vector.extract_strided_slice %convert_element_type3A_27 {offsets = [53, 0], sizes = [1, 512], strides = [1, 1]} : vector<64x512xf32> to vector<1x512xf32>
    %slice3A_297 = vector.extract_strided_slice %convert_element_type3A_21 {offsets = [3392, 0], sizes = [64, 512], strides = [1, 1]} : vector<4096x512xf32> to vector<64x512xf32>
    %mul3A_298 = vector.broadcast %slice3A_296 : vector<1x512xf32> to vector<64x512xf32>
    %mul3A_299 = arith.mulf %mul3A_298, %slice3A_297 : vector<64x512xf32>
    %add3A_300 = arith.addf %add3A_295, %mul3A_299 : vector<64x512xf32>
    %slice3A_301 = vector.extract_strided_slice %convert_element_type3A_27 {offsets = [54, 0], sizes = [1, 512], strides = [1, 1]} : vector<64x512xf32> to vector<1x512xf32>
    %slice3A_302 = vector.extract_strided_slice %convert_element_type3A_21 {offsets = [3456, 0], sizes = [64, 512], strides = [1, 1]} : vector<4096x512xf32> to vector<64x512xf32>
    %mul3A_303 = vector.broadcast %slice3A_301 : vector<1x512xf32> to vector<64x512xf32>
    %mul3A_304 = arith.mulf %mul3A_303, %slice3A_302 : vector<64x512xf32>
    %add3A_305 = arith.addf %add3A_300, %mul3A_304 : vector<64x512xf32>
    %slice3A_306 = vector.extract_strided_slice %convert_element_type3A_27 {offsets = [55, 0], sizes = [1, 512], strides = [1, 1]} : vector<64x512xf32> to vector<1x512xf32>
    %slice3A_307 = vector.extract_strided_slice %convert_element_type3A_21 {offsets = [3520, 0], sizes = [64, 512], strides = [1, 1]} : vector<4096x512xf32> to vector<64x512xf32>
    %mul3A_308 = vector.broadcast %slice3A_306 : vector<1x512xf32> to vector<64x512xf32>
    %mul3A_309 = arith.mulf %mul3A_308, %slice3A_307 : vector<64x512xf32>
    %add3A_310 = arith.addf %add3A_305, %mul3A_309 : vector<64x512xf32>
    %slice3A_311 = vector.extract_strided_slice %convert_element_type3A_27 {offsets = [56, 0], sizes = [1, 512], strides = [1, 1]} : vector<64x512xf32> to vector<1x512xf32>
    %slice3A_312 = vector.extract_strided_slice %convert_element_type3A_21 {offsets = [3584, 0], sizes = [64, 512], strides = [1, 1]} : vector<4096x512xf32> to vector<64x512xf32>
    %mul3A_313 = vector.broadcast %slice3A_311 : vector<1x512xf32> to vector<64x512xf32>
    %mul3A_314 = arith.mulf %mul3A_313, %slice3A_312 : vector<64x512xf32>
    %add3A_315 = arith.addf %add3A_310, %mul3A_314 : vector<64x512xf32>
    %slice3A_316 = vector.extract_strided_slice %convert_element_type3A_27 {offsets = [57, 0], sizes = [1, 512], strides = [1, 1]} : vector<64x512xf32> to vector<1x512xf32>
    %slice3A_317 = vector.extract_strided_slice %convert_element_type3A_21 {offsets = [3648, 0], sizes = [64, 512], strides = [1, 1]} : vector<4096x512xf32> to vector<64x512xf32>
    %mul3A_318 = vector.broadcast %slice3A_316 : vector<1x512xf32> to vector<64x512xf32>
    %mul3A_319 = arith.mulf %mul3A_318, %slice3A_317 : vector<64x512xf32>
    %add3A_320 = arith.addf %add3A_315, %mul3A_319 : vector<64x512xf32>
    %slice3A_321 = vector.extract_strided_slice %convert_element_type3A_27 {offsets = [58, 0], sizes = [1, 512], strides = [1, 1]} : vector<64x512xf32> to vector<1x512xf32>
    %slice3A_322 = vector.extract_strided_slice %convert_element_type3A_21 {offsets = [3712, 0], sizes = [64, 512], strides = [1, 1]} : vector<4096x512xf32> to vector<64x512xf32>
    %mul3A_323 = vector.broadcast %slice3A_321 : vector<1x512xf32> to vector<64x512xf32>
    %mul3A_324 = arith.mulf %mul3A_323, %slice3A_322 : vector<64x512xf32>
    %add3A_325 = arith.addf %add3A_320, %mul3A_324 : vector<64x512xf32>
    %slice3A_326 = vector.extract_strided_slice %convert_element_type3A_27 {offsets = [59, 0], sizes = [1, 512], strides = [1, 1]} : vector<64x512xf32> to vector<1x512xf32>
    %slice3A_327 = vector.extract_strided_slice %convert_element_type3A_21 {offsets = [3776, 0], sizes = [64, 512], strides = [1, 1]} : vector<4096x512xf32> to vector<64x512xf32>
    %mul3A_328 = vector.broadcast %slice3A_326 : vector<1x512xf32> to vector<64x512xf32>
    %mul3A_329 = arith.mulf %mul3A_328, %slice3A_327 : vector<64x512xf32>
    %add3A_330 = arith.addf %add3A_325, %mul3A_329 : vector<64x512xf32>
    %slice3A_331 = vector.extract_strided_slice %convert_element_type3A_27 {offsets = [60, 0], sizes = [1, 512], strides = [1, 1]} : vector<64x512xf32> to vector<1x512xf32>
    %slice3A_332 = vector.extract_strided_slice %convert_element_type3A_21 {offsets = [3840, 0], sizes = [64, 512], strides = [1, 1]} : vector<4096x512xf32> to vector<64x512xf32>
    %mul3A_333 = vector.broadcast %slice3A_331 : vector<1x512xf32> to vector<64x512xf32>
    %mul3A_334 = arith.mulf %mul3A_333, %slice3A_332 : vector<64x512xf32>
    %add3A_335 = arith.addf %add3A_330, %mul3A_334 : vector<64x512xf32>
    %slice3A_336 = vector.extract_strided_slice %convert_element_type3A_27 {offsets = [61, 0], sizes = [1, 512], strides = [1, 1]} : vector<64x512xf32> to vector<1x512xf32>
    %slice3A_337 = vector.extract_strided_slice %convert_element_type3A_21 {offsets = [3904, 0], sizes = [64, 512], strides = [1, 1]} : vector<4096x512xf32> to vector<64x512xf32>
    %mul3A_338 = vector.broadcast %slice3A_336 : vector<1x512xf32> to vector<64x512xf32>
    %mul3A_339 = arith.mulf %mul3A_338, %slice3A_337 : vector<64x512xf32>
    %add3A_340 = arith.addf %add3A_335, %mul3A_339 : vector<64x512xf32>
    %slice3A_341 = vector.extract_strided_slice %convert_element_type3A_27 {offsets = [62, 0], sizes = [1, 512], strides = [1, 1]} : vector<64x512xf32> to vector<1x512xf32>
    %slice3A_342 = vector.extract_strided_slice %convert_element_type3A_21 {offsets = [3968, 0], sizes = [64, 512], strides = [1, 1]} : vector<4096x512xf32> to vector<64x512xf32>
    %mul3A_343 = vector.broadcast %slice3A_341 : vector<1x512xf32> to vector<64x512xf32>
    %mul3A_344 = arith.mulf %mul3A_343, %slice3A_342 : vector<64x512xf32>
    %add3A_345 = arith.addf %add3A_340, %mul3A_344 : vector<64x512xf32>
    %slice3A_346 = vector.extract_strided_slice %convert_element_type3A_27 {offsets = [63, 0], sizes = [1, 512], strides = [1, 1]} : vector<64x512xf32> to vector<1x512xf32>
    %slice3A_347 = vector.extract_strided_slice %convert_element_type3A_21 {offsets = [4032, 0], sizes = [64, 512], strides = [1, 1]} : vector<4096x512xf32> to vector<64x512xf32>
    %mul3A_348 = vector.broadcast %slice3A_346 : vector<1x512xf32> to vector<64x512xf32>
    %mul3A_349 = arith.mulf %mul3A_348, %slice3A_347 : vector<64x512xf32>
    %add3A_350 = arith.addf %add3A_345, %mul3A_349 : vector<64x512xf32>
    %transpose3A_351 = tpu.transpose %add3A_350, [1, 0] : vector<64x512xf32> -> vector<512x64xf32>
    %swap3A = arith.constant 0 : index
    %swap3A_352 = arith.constant 0 : index
    %swap3A_353 = vector.load %arg7[%swap3A, %swap3A_352] : memref<512x64xf32, #tpu.memory_space<vmem>>, vector<512x64xf32>
    tpu.vector_store %arg7[%swap3A, %swap3A_352], %transpose3A_351 {strides = array<i32>} : memref<512x64xf32, #tpu.memory_space<vmem>>, vector<512x64xf32>,
    return
  }
  func.func @transform_0(%arg0: i32) -> (i32, i32) {
    %c0_i32 = arith.constant 0 : i32
    %c0_i32_0 = arith.constant 0 : i32
    return %arg0, %c0_i32 : i32, i32
  }
  func.func @transform_1(%arg0: i32) -> (i32, i32) {
    %c0_i32 = arith.constant 0 : i32
    %c0_i32_0 = arith.constant 0 : i32
    return %arg0, %c0_i32 : i32, i32
  }
  func.func @transform_2(%arg0: i32) -> (i32, i32) {
    %c0_i32 = arith.constant 0 : i32
    %c0_i32_0 = arith.constant 0 : i32
    %c0_i32_1 = arith.constant 0 : i32
    return %c0_i32, %c0_i32_0 : i32, i32
  }
  func.func @transform_3(%arg0: i32) -> (i32, i32) {
    %c0_i32 = arith.constant 0 : i32
    %c0_i32_0 = arith.constant 0 : i32
    %c0_i32_1 = arith.constant 0 : i32
    return %c0_i32, %c0_i32_0 : i32, i32
  }
  func.func @transform_4(%arg0: i32) -> (i32, i32) {
    %c0_i32 = arith.constant 0 : i32
    %c0_i32_0 = arith.constant 0 : i32
    %c0_i32_1 = arith.constant 0 : i32
    return %c0_i32, %c0_i32_0 : i32, i32
  }
  func.func @transform_5(%arg0: i32) -> (i32, i32) {
    %c0_i32 = arith.constant 0 : i32
    %c0_i32_0 = arith.constant 0 : i32
    %c0_i32_1 = arith.constant 0 : i32
    return %c0_i32, %c0_i32_0 : i32, i32
  }
  func.func @transform_6(%arg0: i32) -> (i32, i32) {
    %c0_i32 = arith.constant 0 : i32
    %c0_i32_0 = arith.constant 0 : i32
    return %arg0, %c0_i32 : i32, i32
  }
}

module attributes {stable_mosaic.version = 14 : i64} {
  func.func @body(%arg0: i32, %arg1: memref<1024x64xf32, #tpu.memory_space<vmem>>, %arg2: memref<1024x64xf32, #tpu.memory_space<vmem>>, %arg3: memref<1024x64xf32, #tpu.memory_space<vmem>>, %arg4: memref<64x64xf32, #tpu.memory_space<vmem>>, %arg5: memref<1x64xf32, #tpu.memory_space<vmem>>, %arg6: memref<1x1024xi32, #tpu.memory_space<vmem>>, %arg7: memref<64x32xf32, #tpu.memory_space<vmem>>, %arg8: memref<1x32xf32, #tpu.memory_space<vmem>>, %arg9: memref<32x16xf32, #tpu.memory_space<vmem>>, %arg10: memref<1x16xf32, #tpu.memory_space<vmem>>, %arg11: memref<16x1xf32, #tpu.memory_space<vmem>>, %arg12: memref<1x1xf32, #tpu.memory_space<vmem>>, %arg13: memref<64x1xf32, #tpu.memory_space<vmem>>, %arg14: memref<128x65xf32, #tpu.memory_space<vmem>>) attributes {dimension_semantics = [#tpu.dimension_semantics<arbitrary>], iteration_bounds = array<i64: 10>, scalar_prefetch = 0 : i64, scratch_operands = 1 : i64, tpu.core_type = #tpu.core_type<tc>, window_params = [{transform_indices = @transform_0, window_bounds = array<i64: 1024, 64>}, {transform_indices = @transform_1, window_bounds = array<i64: 1024, 64>}, {transform_indices = @transform_2, window_bounds = array<i64: 1024, 64>}, {pipeline_mode = #tpu.pipeline_mode<synchronous>, transform_indices = @transform_3, window_bounds = array<i64: 64, 64>}, {pipeline_mode = #tpu.pipeline_mode<synchronous>, transform_indices = @transform_4, window_bounds = array<i64: 1, 64>}, {transform_indices = @transform_5, window_bounds = array<i64: 1, 1024>}, {pipeline_mode = #tpu.pipeline_mode<synchronous>, transform_indices = @transform_6, window_bounds = array<i64: 64, 32>}, {pipeline_mode = #tpu.pipeline_mode<synchronous>, transform_indices = @transform_7, window_bounds = array<i64: 1, 32>}, {pipeline_mode = #tpu.pipeline_mode<synchronous>, transform_indices = @transform_8, window_bounds = array<i64: 32, 16>}, {pipeline_mode = #tpu.pipeline_mode<synchronous>, transform_indices = @transform_9, window_bounds = array<i64: 1, 16>}, {pipeline_mode = #tpu.pipeline_mode<synchronous>, transform_indices = @transform_10, window_bounds = array<i64: 16, 1>}, {pipeline_mode = #tpu.pipeline_mode<synchronous>, transform_indices = @transform_11, window_bounds = array<i64: 1, 1>}, {pipeline_mode = #tpu.pipeline_mode<synchronous>, transform_indices = @transform_12, window_bounds = array<i64: 64, 1>}]} {
    %eq3A = arith.constant 0 : i32
    %eq3A_0 = arith.cmpi eq, %arg0, %eq3A : i32
    %convert_element_type3A = arith.extui %eq3A_0 : i1 to i32
    %cond3A = arith.constant 0 : i32
    %cond3A_1 = arith.cmpi ne, %convert_element_type3A, %cond3A : i32
    scf.if %cond3A_1 {
      %broadcast_in_dim3A_47 = arith.constant 0.000000e+00 : f32
      %broadcast_in_dim3A_48 = vector.broadcast %broadcast_in_dim3A_47 : f32 to vector<128x65xf32>
      %swap3A_49 = arith.constant 0 : index
      %swap3A_50 = arith.constant 0 : index
      %swap3A_51 = vector.load %arg14[%swap3A_49, %swap3A_50] : memref<128x65xf32, #tpu.memory_space<vmem>>, vector<128x65xf32>
      tpu.vector_store %arg14[%swap3A_49, %swap3A_50], %broadcast_in_dim3A_48 {strides = array<i32>} : memref<128x65xf32, #tpu.memory_space<vmem>>, vector<128x65xf32>,
    } else {
    }
    %get3A = arith.constant 0 : index
    %get3A_2 = arith.constant 0 : index
    %get3A_3 = vector.load %arg2[%get3A, %get3A_2] : memref<1024x64xf32, #tpu.memory_space<vmem>>, vector<1024x64xf32>
    %get3A_4 = arith.constant 0 : index
    %get3A_5 = arith.constant 0 : index
    %get3A_6 = vector.load %arg3[%get3A_4, %get3A_5] : memref<1024x64xf32, #tpu.memory_space<vmem>>, vector<1024x64xf32>
    %add3A = arith.addf %get3A_3, %get3A_6 : vector<1024x64xf32>
    %get3A_7 = arith.constant 0 : index
    %get3A_8 = arith.constant 0 : index
    %get3A_9 = vector.load %arg1[%get3A_7, %get3A_8] : memref<1024x64xf32, #tpu.memory_space<vmem>>, vector<1024x64xf32>
    %get3A_10 = arith.constant 0 : index
    %get3A_11 = arith.constant 0 : index
    %get3A_12 = vector.load %arg4[%get3A_10, %get3A_11] : memref<64x64xf32, #tpu.memory_space<vmem>>, vector<64x64xf32>
    %dot_general3A = arith.constant dense<0.000000e+00> : vector<1024x64xf32>
    %dot_general3A_13 = tpu.matmul %get3A_9, %get3A_12, %dot_general3A {dimension_numbers = #tpu.dot_dimension_numbers<[1], [0], [0], [1], [0, 0, 1, 1], [], []>, transpose_lhs_hint = false} : vector<1024x64xf32>, vector<64x64xf32>, vector<1024x64xf32> -> vector<1024x64xf32>
    %add3A_14 = arith.addf %add3A, %dot_general3A_13 : vector<1024x64xf32>
    %get3A_15 = arith.constant 0 : index
    %get3A_16 = arith.constant 0 : index
    %get3A_17 = vector.load %arg5[%get3A_15, %get3A_16] : memref<1x64xf32, #tpu.memory_space<vmem>>, vector<1x64xf32>
    %add3A_18 = vector.broadcast %get3A_17 : vector<1x64xf32> to vector<1024x64xf32>
    %add3A_19 = arith.addf %add3A_14, %add3A_18 : vector<1024x64xf32>
    %gt3A = arith.constant 0.000000e+00 : f32
    %gt3A_20 = vector.broadcast %gt3A : f32 to vector<1024x64xf32>
    %gt3A_21 = arith.cmpf ogt, %add3A_19, %gt3A_20 : vector<1024x64xf32>
    %min3A = arith.constant 0.000000e+00 : f32
    %min3A_22 = vector.broadcast %min3A : f32 to vector<1024x64xf32>
    %min3A_23 = arith.minimumf %add3A_19, %min3A_22 : vector<1024x64xf32>
    %exp3A = math.exp %min3A_23 : vector<1024x64xf32>
    %sub3A = arith.constant 1.000000e+00 : f32
    %sub3A_24 = vector.broadcast %sub3A : f32 to vector<1024x64xf32>
    %sub3A_25 = arith.subf %exp3A, %sub3A_24 : vector<1024x64xf32>
    %select_n3A = arith.select %gt3A_21, %add3A_19, %sub3A_25 : vector<1024x64xi1>, vector<1024x64xf32>
    %broadcast_in_dim3A = arith.constant 1.000000e+00 : f32
    %broadcast_in_dim3A_26 = vector.broadcast %broadcast_in_dim3A : f32 to vector<1024x1xf32>
    %concatenate3A = tpu.concatenate %select_n3A, %broadcast_in_dim3A_26 in 1 : vector<1024x64xf32>, vector<1024x1xf32> -> vector<1024x65xf32>
    %iota3A = tpu.iota {dimensions = array<i32: 0>} : vector<128x1024xi32>
    %get3A_27 = arith.constant 0 : index
    %get3A_28 = arith.constant 0 : index
    %get3A_29 = vector.load %arg6[%get3A_27, %get3A_28] : memref<1x1024xi32, #tpu.memory_space<vmem>>, vector<1x1024xi32>
    %eq3A_30 = vector.broadcast %get3A_29 : vector<1x1024xi32> to vector<128x1024xi32>
    %eq3A_31 = arith.cmpi eq, %iota3A, %eq3A_30 : vector<128x1024xi32>
    %convert_element_type3A_32 = arith.extui %eq3A_31 : vector<128x1024xi1> to vector<128x1024xi32>
    %convert_element_type3A_33 = arith.sitofp %convert_element_type3A_32 : vector<128x1024xi32> to vector<128x1024xf32>
    %get3A_34 = arith.constant 0 : index
    %get3A_35 = arith.constant 0 : index
    %get3A_36 = vector.load %arg14[%get3A_34, %get3A_35] : memref<128x65xf32, #tpu.memory_space<vmem>>, vector<128x65xf32>
    %dot_general3A_37 = arith.constant dense<0.000000e+00> : vector<128x65xf32>
    %dot_general3A_38 = tpu.matmul %convert_element_type3A_33, %concatenate3A, %dot_general3A_37 {dimension_numbers = #tpu.dot_dimension_numbers<[1], [0], [0], [1], [0, 0, 1, 1], [], []>, transpose_lhs_hint = false} : vector<128x1024xf32>, vector<1024x65xf32>, vector<128x65xf32> -> vector<128x65xf32>
    %add3A_39 = arith.addf %get3A_36, %dot_general3A_38 : vector<128x65xf32>
    %swap3A = arith.constant 0 : index
    %swap3A_40 = arith.constant 0 : index
    %swap3A_41 = vector.load %arg14[%swap3A, %swap3A_40] : memref<128x65xf32, #tpu.memory_space<vmem>>, vector<128x65xf32>
    tpu.vector_store %arg14[%swap3A, %swap3A_40], %add3A_39 {strides = array<i32>} : memref<128x65xf32, #tpu.memory_space<vmem>>, vector<128x65xf32>,
    %eq3A_42 = arith.constant 9 : i32
    %eq3A_43 = arith.cmpi eq, %arg0, %eq3A_42 : i32
    %convert_element_type3A_44 = arith.extui %eq3A_43 : i1 to i32
    %cond3A_45 = arith.constant 0 : i32
    %cond3A_46 = arith.cmpi ne, %convert_element_type3A_44, %cond3A_45 : i32
    scf.if %cond3A_46 {
      %get3A_47 = arith.constant 0 : index
      %get3A_48 = arith.constant 0 : index
      %get3A_49 = vector.load %arg14[%get3A_47, %get3A_48] : memref<128x65xf32, #tpu.memory_space<vmem>>, vector<128x65xf32>
      %slice3A = vector.extract_strided_slice %get3A_49 {offsets = [0, 0], sizes = [64, 64], strides = [1, 1]} : vector<128x65xf32> to vector<64x64xf32>
      %slice3A_50 = vector.extract_strided_slice %get3A_49 {offsets = [0, 64], sizes = [64, 1], strides = [1, 1]} : vector<128x65xf32> to vector<64x1xf32>
      %max3A = arith.constant 1.000000e+00 : f32
      %max3A_51 = vector.broadcast %max3A : f32 to vector<64x1xf32>
      %max3A_52 = arith.maximumf %slice3A_50, %max3A_51 : vector<64x1xf32>
      %div3A = vector.broadcast %max3A_52 : vector<64x1xf32> to vector<64x64xf32>
      %div3A_53 = arith.divf %slice3A, %div3A : vector<64x64xf32>
      %get3A_54 = arith.constant 0 : index
      %get3A_55 = arith.constant 0 : index
      %get3A_56 = vector.load %arg7[%get3A_54, %get3A_55] : memref<64x32xf32, #tpu.memory_space<vmem>>, vector<64x32xf32>
      %dot_general3A_57 = arith.constant dense<0.000000e+00> : vector<64x32xf32>
      %dot_general3A_58 = tpu.matmul %div3A_53, %get3A_56, %dot_general3A_57 {dimension_numbers = #tpu.dot_dimension_numbers<[1], [0], [0], [1], [0, 0, 1, 1], [], []>, transpose_lhs_hint = false} : vector<64x64xf32>, vector<64x32xf32>, vector<64x32xf32> -> vector<64x32xf32>
      %get3A_59 = arith.constant 0 : index
      %get3A_60 = arith.constant 0 : index
      %get3A_61 = vector.load %arg8[%get3A_59, %get3A_60] : memref<1x32xf32, #tpu.memory_space<vmem>>, vector<1x32xf32>
      %add3A_62 = vector.broadcast %get3A_61 : vector<1x32xf32> to vector<64x32xf32>
      %add3A_63 = arith.addf %dot_general3A_58, %add3A_62 : vector<64x32xf32>
      %gt3A_64 = arith.constant 0.000000e+00 : f32
      %gt3A_65 = vector.broadcast %gt3A_64 : f32 to vector<64x32xf32>
      %gt3A_66 = arith.cmpf ogt, %add3A_63, %gt3A_65 : vector<64x32xf32>
      %min3A_67 = arith.constant 0.000000e+00 : f32
      %min3A_68 = vector.broadcast %min3A_67 : f32 to vector<64x32xf32>
      %min3A_69 = arith.minimumf %add3A_63, %min3A_68 : vector<64x32xf32>
      %exp3A_70 = math.exp %min3A_69 : vector<64x32xf32>
      %sub3A_71 = arith.constant 1.000000e+00 : f32
      %sub3A_72 = vector.broadcast %sub3A_71 : f32 to vector<64x32xf32>
      %sub3A_73 = arith.subf %exp3A_70, %sub3A_72 : vector<64x32xf32>
      %select_n3A_74 = arith.select %gt3A_66, %add3A_63, %sub3A_73 : vector<64x32xi1>, vector<64x32xf32>
      %get3A_75 = arith.constant 0 : index
      %get3A_76 = arith.constant 0 : index
      %get3A_77 = vector.load %arg9[%get3A_75, %get3A_76] : memref<32x16xf32, #tpu.memory_space<vmem>>, vector<32x16xf32>
      %dot_general3A_78 = arith.constant dense<0.000000e+00> : vector<64x16xf32>
      %dot_general3A_79 = tpu.matmul %select_n3A_74, %get3A_77, %dot_general3A_78 {dimension_numbers = #tpu.dot_dimension_numbers<[1], [0], [0], [1], [0, 0, 1, 1], [], []>, transpose_lhs_hint = false} : vector<64x32xf32>, vector<32x16xf32>, vector<64x16xf32> -> vector<64x16xf32>
      %get3A_80 = arith.constant 0 : index
      %get3A_81 = arith.constant 0 : index
      %get3A_82 = vector.load %arg10[%get3A_80, %get3A_81] : memref<1x16xf32, #tpu.memory_space<vmem>>, vector<1x16xf32>
      %add3A_83 = vector.broadcast %get3A_82 : vector<1x16xf32> to vector<64x16xf32>
      %add3A_84 = arith.addf %dot_general3A_79, %add3A_83 : vector<64x16xf32>
      %gt3A_85 = arith.constant 0.000000e+00 : f32
      %gt3A_86 = vector.broadcast %gt3A_85 : f32 to vector<64x16xf32>
      %gt3A_87 = arith.cmpf ogt, %add3A_84, %gt3A_86 : vector<64x16xf32>
      %min3A_88 = arith.constant 0.000000e+00 : f32
      %min3A_89 = vector.broadcast %min3A_88 : f32 to vector<64x16xf32>
      %min3A_90 = arith.minimumf %add3A_84, %min3A_89 : vector<64x16xf32>
      %exp3A_91 = math.exp %min3A_90 : vector<64x16xf32>
      %sub3A_92 = arith.constant 1.000000e+00 : f32
      %sub3A_93 = vector.broadcast %sub3A_92 : f32 to vector<64x16xf32>
      %sub3A_94 = arith.subf %exp3A_91, %sub3A_93 : vector<64x16xf32>
      %select_n3A_95 = arith.select %gt3A_87, %add3A_84, %sub3A_94 : vector<64x16xi1>, vector<64x16xf32>
      %get3A_96 = arith.constant 0 : index
      %get3A_97 = arith.constant 0 : index
      %get3A_98 = vector.load %arg11[%get3A_96, %get3A_97] : memref<16x1xf32, #tpu.memory_space<vmem>>, vector<16x1xf32>
      %dot_general3A_99 = arith.constant dense<0.000000e+00> : vector<64x1xf32>
      %dot_general3A_100 = tpu.matmul %select_n3A_95, %get3A_98, %dot_general3A_99 {dimension_numbers = #tpu.dot_dimension_numbers<[1], [0], [0], [1], [0, 0, 1, 1], [], []>, transpose_lhs_hint = false} : vector<64x16xf32>, vector<16x1xf32>, vector<64x1xf32> -> vector<64x1xf32>
      %get3A_101 = arith.constant 0 : index
      %get3A_102 = arith.constant 0 : index
      %get3A_103 = vector.load %arg12[%get3A_101, %get3A_102] : memref<1x1xf32, #tpu.memory_space<vmem>>, vector<1x1xf32>
      %add3A_104 = vector.broadcast %get3A_103 : vector<1x1xf32> to vector<64x1xf32>
      %add3A_105 = arith.addf %dot_general3A_100, %add3A_104 : vector<64x1xf32>
      %swap3A_106 = arith.constant 0 : index
      %swap3A_107 = arith.constant 0 : index
      %swap3A_108 = vector.load %arg13[%swap3A_106, %swap3A_107] : memref<64x1xf32, #tpu.memory_space<vmem>>, vector<64x1xf32>
      tpu.vector_store %arg13[%swap3A_106, %swap3A_107], %add3A_105 {strides = array<i32>} : memref<64x1xf32, #tpu.memory_space<vmem>>, vector<64x1xf32>,
    } else {
    }
    return
  }
  func.func @transform_0(%arg0: i32) -> (i32, i32) {
    %c0_i32 = arith.constant 0 : i32
    %c0_i32_0 = arith.constant 0 : i32
    return %arg0, %c0_i32 : i32, i32
  }
  func.func @transform_1(%arg0: i32) -> (i32, i32) {
    %c0_i32 = arith.constant 0 : i32
    %c0_i32_0 = arith.constant 0 : i32
    return %arg0, %c0_i32 : i32, i32
  }
  func.func @transform_2(%arg0: i32) -> (i32, i32) {
    %c0_i32 = arith.constant 0 : i32
    %c0_i32_0 = arith.constant 0 : i32
    return %arg0, %c0_i32 : i32, i32
  }
  func.func @transform_3(%arg0: i32) -> (i32, i32) {
    %c0_i32 = arith.constant 0 : i32
    %c0_i32_0 = arith.constant 0 : i32
    %c0_i32_1 = arith.constant 0 : i32
    return %c0_i32, %c0_i32_0 : i32, i32
  }
  func.func @transform_4(%arg0: i32) -> (i32, i32) {
    %c0_i32 = arith.constant 0 : i32
    %c0_i32_0 = arith.constant 0 : i32
    %c0_i32_1 = arith.constant 0 : i32
    return %c0_i32, %c0_i32_0 : i32, i32
  }
  func.func @transform_5(%arg0: i32) -> (i32, i32) {
    %c0_i32 = arith.constant 0 : i32
    %c0_i32_0 = arith.constant 0 : i32
    return %c0_i32, %arg0 : i32, i32
  }
  func.func @transform_6(%arg0: i32) -> (i32, i32) {
    %c0_i32 = arith.constant 0 : i32
    %c0_i32_0 = arith.constant 0 : i32
    %c0_i32_1 = arith.constant 0 : i32
    return %c0_i32, %c0_i32_0 : i32, i32
  }
  func.func @transform_7(%arg0: i32) -> (i32, i32) {
    %c0_i32 = arith.constant 0 : i32
    %c0_i32_0 = arith.constant 0 : i32
    %c0_i32_1 = arith.constant 0 : i32
    return %c0_i32, %c0_i32_0 : i32, i32
  }
  func.func @transform_8(%arg0: i32) -> (i32, i32) {
    %c0_i32 = arith.constant 0 : i32
    %c0_i32_0 = arith.constant 0 : i32
    %c0_i32_1 = arith.constant 0 : i32
    return %c0_i32, %c0_i32_0 : i32, i32
  }
  func.func @transform_9(%arg0: i32) -> (i32, i32) {
    %c0_i32 = arith.constant 0 : i32
    %c0_i32_0 = arith.constant 0 : i32
    %c0_i32_1 = arith.constant 0 : i32
    return %c0_i32, %c0_i32_0 : i32, i32
  }
  func.func @transform_10(%arg0: i32) -> (i32, i32) {
    %c0_i32 = arith.constant 0 : i32
    %c0_i32_0 = arith.constant 0 : i32
    %c0_i32_1 = arith.constant 0 : i32
    return %c0_i32, %c0_i32_0 : i32, i32
  }
  func.func @transform_11(%arg0: i32) -> (i32, i32) {
    %c0_i32 = arith.constant 0 : i32
    %c0_i32_0 = arith.constant 0 : i32
    %c0_i32_1 = arith.constant 0 : i32
    return %c0_i32, %c0_i32_0 : i32, i32
  }
  func.func @transform_12(%arg0: i32) -> (i32, i32) {
    %c0_i32 = arith.constant 0 : i32
    %c0_i32_0 = arith.constant 0 : i32
    %c0_i32_1 = arith.constant 0 : i32
    return %c0_i32, %c0_i32_0 : i32, i32
  }
}

</mosaic_0001>

<sc_bundles>
// kernel: kernel.15.cloned.1.call-start
scs
__scs_entry_jumppad:
0x0: {  	(pc) =	sbr.rel $0x88, $3  }
0x1: {  	(tag) =	ssettag $0x0;
	lr =	simm.s32 $0x1  }
0x2: {  	[smem:$0x3F84] =	sst lr;
	_ =	strace $0xD0000000  }
0x3: {  	_ = 	snop  }
0x4: {  	_ = 	snop  }
0x5: {  	_ = 	snop  }
0x6: {  	_ = 	snop  }
0x7: {  	_ = 	snop  }
__scs_overlays_trampoline_lowered:
0x8: {  	[smem:$0x3F93] =	sst s0  }
0x9: {  	[smem:$0x3F94] =	sst s1  }
0xa: {  	[smem:$0x3F95] =	sst s2  }
0xb: {  	[smem:$0x3F96] =	sst s3  }
0xc: {  	[smem:$0x3F97] =	sst s4  }
0xd: {  	[smem:$0x3F98] =	sst s5  }
0xe: {  	[smem:$0x3F99] =	sst s6  }
0xf: {  	[smem:$0x3F9A] =	sst s7  }
0x10: {  	[smem:$0x3F9B] =	sst s8  }
0x11: {  	[smem:$0x3F9C] =	sst s9;
	s0 =	simm.s32 @!p0 $0x0  }
0x12: {  	s1 =	sld [smem:$0x3F82];
	s0 =	simm.s32 @p0 $0x1  }
0x13: {  	[smem:$0x3F9D] =	sst s0;
	s0 =	simm.s32 @!p1 $0x0  }
0x14: {  	s2 =	sld [smem:$0x3F81];
	s0 =	simm.s32 @p1 $0x1  }
0x15: {  	[smem:$0x3F9E] =	sst s0;
	s0 =	simm.s32 @!p2 $0x0  }
0x16: {  	s3 =	sld [smem:$0x3FDB];
	s0 =	simm.s32 @p2 $0x1  }
0x17: {  	s4 =	simm.s32 $0x1BF5;
	[smem:$0x3FA0] =	sst s0  }
0x18: {  	s0 =	sld [smem:$0x3F83];
	_ =	swait.ge [sflag:s4], $0x0  }
0x19: {  	s7 =	sld [smem:$0x3F84]  }
0x1a: {  	s8 =	sadd.s32 $0xFFFFE003, lr  }
0x1b: {  	s9 =	sadd.s32 $0xFFFFFEF7, lr;
	s5 =	simm.s32 $0xFFFFFFFF;
	p2 =	slt.u32 s8, $0xFFFFF086  }
0x1c: {  	p1 =	slt.u32 s9, $0xF7A;
	s5 =	simm.s32 @!p2 $0x0  }
0x1d: {  	s5 =	simm.s32 @p1 $0x1;
	p0 =	seq.s32 s7, s2  }
0x1e: {  	s7 =	smul.u32 @!p0 $0xF7A, s2;
	p2 =	seq.s32 @!p0 s5, $0x0  }
0x1f: {  	s9 =	smul.u32 $0xF7A, s1;
	s8 =	simm.s32 @!p0 $0x1BF5;
	p2 =	por !p2, p0  }
0x20: {  	[sflag:s8] =	ssyncset.s32 @!p0 $0xFFFFF086;
	s6 =	sadd.s32 @!p0 s3, s7;
	s7 =	simm.s32 @!p0 $0x108  }
0x21: {  	s3 =	sadd.s32 s3, s9;
	s6 =	sadd.s32 @!p0 $0x88, s6;
	s7 =	simm.s32 @p2 $0x1082  }
0x22: {  	[simem:s7], [sflag:s8] =	dma.local @!p0 [hbm:s6], $0xF7A  }
0x23: {  	s9 =	sor.u32 $0xD0000000, s2;
	s6 =	simm.s32 $0x108;
	_ =	swait.ge @!p0 [sflag:s8], $0x0  }
0x24: {  	s3 =	sadd.s32 $0x88, s3;
	s6 =	simm.s32 @!p1 $0x1082;
	[sflag:s4] =	ssyncset.s32 $0xFFFFF086  }
0x25: {  	[simem:s6], [sflag:s4] =	dma.local [hbm:s3], $0xF7A  }
0x26: {  	[smem:$0x3F84] =	sst s1;
	(tag) =	ssettag s2;
	_ =	strace s9  }
0x27: {  	s1 =	sld [smem:$0x3F94]  }
0x28: {  	s2 =	sld [smem:$0x3F95]  }
0x29: {  	s4 =	sld [smem:$0x3F97]  }
0x2a: {  	p0 =	seq.s32 s5, $0x0;
	s5 =	sld [smem:$0x3F98]  }
0x2b: {  	s6 =	sld [smem:$0x3F99]  }
0x2c: {  	s7 =	sld [smem:$0x3F9A]  }
0x2d: {  	s3 =	simm.s32 $0x108;
	s8 =	sld [smem:$0x3F9B]  }
0x2e: {  	s3 =	simm.s32 @!p0 $0x1082;
	s9 =	sld [smem:$0x3F9C]  }
0x2f: {  	lr =	sadd.s32 s0, s3;
	s0 =	sld [smem:$0x3F93]  }
0x30: {  	s3 =	sld [smem:$0x3F96]  }
0x31: {  	[smem:$0x3F9F] =	sst s10  }
0x32: {  	s10 =	sld [smem:$0x3F9D];
	_ =	sdelay $0x3  }
0x33: {  	p0 =	seq.s32 s10, $0x1;
	s10 =	sld [smem:$0x3F9F];
	_ =	sdelay $0x3  }
0x34: {  	[smem:$0x3F9F] =	sst s10  }
0x35: {  	s10 =	sld [smem:$0x3F9E];
	_ =	sdelay $0x3  }
0x36: {  	p1 =	seq.s32 s10, $0x1;
	s10 =	sld [smem:$0x3F9F];
	_ =	sdelay $0x3  }
0x37: {  	[smem:$0x3F9F] =	sst s10  }
0x38: {  	s10 =	sld [smem:$0x3FA0]  }
0x39: {  	_ = 	snop;
	(pc) =	sbr.ind lr, $3  }
0x3a: {  	_ = 	snop  }
0x3b: {  	_ = 	snop  }
0x3c: {  	p2 =	seq.s32 s10, $0x1;
	s10 =	sld [smem:$0x3F9F]  }
0x3d: {  	_ =	shalt  }
0x3e: {  	_ =	shalt  }
0x3f: {  	_ =	shalt  }
0x40: {  	_ =	shalt  }
0x41: {  	_ =	shalt  }
0x42: {  	_ =	shalt  }
0x43: {  	_ =	shalt  }
0x44: {  	_ =	shalt  }
0x45: {  	_ =	shalt  }
0x46: {  	_ =	shalt  }
0x47: {  	_ =	shalt  }
0x48: {  	_ =	shalt  }
0x49: {  	_ =	shalt  }
0x4a: {  	_ =	shalt  }
0x4b: {  	_ =	shalt  }
0x4c: {  	_ =	shalt  }
0x4d: {  	_ =	shalt  }
0x4e: {  	_ =	shalt  }
0x4f: {  	_ =	shalt  }
0x50: {  	_ =	shalt  }
0x51: {  	_ =	shalt  }
0x52: {  	_ =	shalt  }
0x53: {  	_ =	shalt  }
0x54: {  	_ =	shalt  }
0x55: {  	_ =	shalt  }
0x56: {  	_ =	shalt  }
0x57: {  	_ =	shalt  }
0x58: {  	_ =	shalt  }
0x59: {  	_ =	shalt  }
0x5a: {  	_ =	shalt  }
0x5b: {  	_ =	shalt  }
0x5c: {  	_ =	shalt  }
0x5d: {  	_ =	shalt  }
0x5e: {  	_ =	shalt  }
0x5f: {  	_ =	shalt  }
0x60: {  	_ =	shalt  }
0x61: {  	_ =	shalt  }
0x62: {  	_ =	shalt  }
0x63: {  	_ =	shalt  }
0x64: {  	_ =	shalt  }
0x65: {  	_ =	shalt  }
0x66: {  	_ =	shalt  }
0x67: {  	_ =	shalt  }
0x68: {  	_ =	shalt  }
0x69: {  	_ =	shalt  }
0x6a: {  	_ =	shalt  }
0x6b: {  	_ =	shalt  }
0x6c: {  	_ =	shalt  }
0x6d: {  	_ =	shalt  }
0x6e: {  	_ =	shalt  }
0x6f: {  	_ =	shalt  }
0x70: {  	_ =	shalt  }
0x71: {  	_ =	shalt  }
0x72: {  	_ =	shalt  }
0x73: {  	_ =	shalt  }
0x74: {  	_ =	shalt  }
0x75: {  	_ =	shalt  }
0x76: {  	_ =	shalt  }
0x77: {  	_ =	shalt  }
0x78: {  	_ =	shalt  }
0x79: {  	_ =	shalt  }
0x7a: {  	_ =	shalt  }
0x7b: {  	_ =	shalt  }
0x7c: {  	_ =	shalt  }
0x7d: {  	_ =	shalt  }
0x7e: {  	_ =	shalt  }
0x7f: {  	_ =	shalt  }
0x80: {  	_ =	shalt  }
0x81: {  	_ =	shalt  }
0x82: {  	_ =	shalt  }
0x83: {  	_ =	shalt  }
0x84: {  	_ =	shalt  }
0x85: {  	_ =	shalt  }
0x86: {  	_ =	shalt  }
0x87: {  	_ =	shalt  }
.Lfunc_end0:
.L_simem_size_0:
called_computation_lowered:
.L_overlay_start_0:
0x88: {  	s2 =	sld [smem:$0x3FD9]  }
0x89: {  	s3 =	sld [smem:$0x3FFE];
	_ =	sdelay $0x1  }
0x8a: {  	s1 =	srdreg.scid  }
0x8b: {  	s0 =	sand.u32 $0x1, s1  }
0x8c: {  	s16 =	sshll.u32 s0, $0xA;
	s2 =	sadd.s32 s3, s2  }
0x8d: {  	s2 =	sadd.s32 s2, s16  }
0x8e: {  	[smem:$0x3FAB] =	sst s2  }
0x8f: {  	_ = 	snop  }
0x90: {  	(tm) =	ssettm $0x1  }
0x91: {  	s17 =	sld [smem:$0x3FFB];
	_ =	sdelay $0x3  }
0x92: {  	_ =	strace s17  }
0x93: {  	s2 =	sld [smem:$0x3FFC];
	_ =	sdelay $0x3  }
0x94: {  	_ =	strace s2  }
0x95: {  	s2 =	sld [smem:$0x3FFD];
	_ =	sdelay $0x3  }
0x96: {  	_ =	strace s2  }
0x97: {  	_ =	strace $0x8FFFFFFF  }
0x98: {  	s18 =	sld [smem:$0x3FDB];
	_ =	sdelay $0x1  }
0x99: {  	s19 =	simm.s32 $_scs_section_size  }
0x9a: {  	s4 =	simm.s32 $_size__tile_overlayer_lowered;
	s5 =	simm.s32 $_tile_overlayer_lowered  }
0x9b: {  	s22 =	simm.s32 $0x1BFF;
	s21 =	sshll.u32 s5, $0x1;
	s2 =	sadd.s32 s19, s18  }
0x9c: {  	s6 =	simm.s32 $0x0;
	s20 =	sshll.u32 s4, $0x1;
	s4 =	sadd.s32 s21, s2  }
0x9d: {  	[timem:s6], [sflag:s22] =	dma.local [hbm:s4], s20  }
0x9e: {  	_ =	swait.ge [sflag:s22], s20  }
0x9f: {  	s3 =	ssub.s32 $0x0, s20;
	[sflag:s22] =	ssyncset.done $0x0  }
0xa0: {  	[sflag:s22] =	ssyncadd.s32 s3;
	_ =	sdelay $0x1  }
0xa1: {  	s23 =	simm.s32 $0x1B8B  }
0xa2: {  	_ =	swait.ge [sflag:s23], $0x1  }
0xa3: {  	[sflag:s23] =	ssyncset.done $0x0  }
0xa4: {  	s25 =	simm.s32 $0x1B8E;
	s24 =	sld [smem:$0x3FFE];
	[sflag:s23] =	ssyncadd.s32 $0xFFFFFFFF  }
0xa5: {  	s26 =	simm.s32 $execute0_lowered;
	[smem:$0x3FD2] =	sst s25  }
0xa6: {  	s4 =	sshll.u32 s26, $0x1;
	_ =	strace $0x80000046;
	[dreg:$0x1] =	wrdreg $0xFFFFFFFF  }
0xa7: {  	s28 =	simm.s32 $_size_execute0_lowered;
	s2 =	sadd.s32 s2, s4;
	[dreg:$0x0] =	wrdreg $0x0  }
0xa8: {  	s4 =	sshll.u32 s28, $0x1;
	[dreg:$0x2] =	wrdreg s2  }
0xa9: {  	[dreg:$0x3] =	wrdreg s4  }
0xaa: {  	[dreg:$0x4] =	wrdreg $0xC0  }
0xab: {  	_ =	task [dreg:s6], $0x5FFFF  }
0xac: {  	[dreg:$0x1] =	wrdreg $0xFFFFFFFF  }
0xad: {  	[dreg:$0x0] =	wrdreg $0x60  }
0xae: {  	[dreg:$0x2] =	wrdreg s24  }
0xaf: {  	[dreg:$0x3] =	wrdreg $0x9  }
0xb0: {  	_ =	task.clear_ibuf [dreg:s6], $0x4FFFF;
	_ =	strace $0x90000046  }
0xb1: {  	s29 =	simm.s32 $0x9;
	_ =	strace $0x80000048  }
0xb2: {  	_ =	swait.ge [sflag:s29], $0x1  }
0xb3: {  	[sflag:s29] =	ssyncadd.s32 $0xFFFFFFFF  }
0xb4: {  	_ =	strace $0x90000048  }
0xb5: {  	_ =	sfence  }
0xb6: {  	s30 =	sld [smem:$0x0];
	_ =	sdelay $0x2  }
0xb7: {  	s31 =	sshll.u32 s1, $0xD;
	s1 =	sshrl.u32 s1, $0x2  }
0xb8: {  	s3 =	sand.u32 $0x4000, s31;
	s1 =	sadd.s32 s1, s30  }
0xb9: {  	s0 =	sor.u32 s3, s0;
	s1 =	sshll.u32 s1, $0x11  }
0xba: {  	s0 =	sor.u32 s1, s0  }
0xbb: {  	s0 =	sadd.s32 $0x8F2B, s0  }
0xbc: {  	[sflag:s0] =	ssyncadd.remote.s32 $0x1  }
0xbd: {  	_ =	sfence.sel $0xFFFF  }
0xbe: {  	[dreg:$0x0] =	wrdreg $0xFFFFFFFF;
	(pc) =	sbr.abs _section_cstart, $3  }
0xbf: {  	[dreg:$0x1] =	wrdreg $0xFFFFFFFF  }
0xc0: {  	_ =	task.clear_ibuf [dreg:s6], $0x2FFFF;
	_ =	strace $0x9FFFFFFF  }
0xc1: {  	(tm) =	ssettm $0x7FFFFFFF  }
tec
execute0_lowered:
.L_overlay_start_1:
0x0: {  	(tag) =	ssettag $0x1  }
0x1: {  	s1 =	srdreg.scid;
	s0 =	stileid.u32  }
0x2: {  	s28 =	sand.u32 $0x1, s1;
	s31 =	sshll.u32 s0, $0x1  }
0x3: {  	s29 =	sor.u32 s28, s31  }
0x4: {  	s26 =	rddreg [dreg:$0x0];
	s3 =	smul.u32 $0xA0, s29  }
0x5: {  	s2 =	simm.s32 $0x0;
	s1 =	rddreg [dreg:$0x1]  }
0x6: {  	[smem:$0x7FF] =	sst s2;
	s3 =	sadd.s32 s3, s26  }
0x7: {  	_ =	strace $0x80000047;
	s4 =	sadd.s32 $0x4A00, s3;
	s3 =	simm.s32 $0x2  }
0x8: {  	[tilespmem:s2], [sflag:$0x2] =	stream.linear.gather [hbm4b:s4+s2], $0x500, $0x38;
	[tilespmem:$0x5500] =	vst v63  }
0x9: {  	_ =	swait.ge [sflag:s3], $0x500  }
0xa: {  	s6 =	simm.s32 $0x80;
	[sflag:s3] =	ssyncset.done $0x0  }
0xb: {  	s7 =	simm.s32 $0x500;
	s5 =	sadd.s32 $0x5E00, s26;
	[sflag:s3] =	ssyncadd.s32 $0xFFFFFB00  }
0xc: {  	[tilespmem:s7], [sflag:$0x1] =	stream.indirect.gather [hbm4b:s5+s6], $0x10, s2, s6, $0xb8;
	[tilespmem:$0x5500] =	vst v63  }
0xd: {  	s8 =	simm.s32 $0xD00  }
0xe: {  	[tilespmem:s8], [sflag:$0x1] =	stream.indirect.gather [hbm4b:s5+s6], $0x10, s6, s6, $0xb8;
	[tilespmem:$0x5500] =	vst v63  }
0xf: {  	s9 =	simm.s32 $0x100;
	s10 =	simm.s32 $0x1500  }
0x10: {  	[tilespmem:s10], [sflag:$0x1] =	stream.indirect.gather [hbm4b:s5+s6], $0x10, s9, s6, $0xb8;
	[tilespmem:$0x5500] =	vst v63  }
0x11: {  	s11 =	simm.s32 $0x180;
	s12 =	simm.s32 $0x1D00  }
0x12: {  	[tilespmem:s12], [sflag:$0x1] =	stream.indirect.gather [hbm4b:s5+s6], $0x10, s11, s6, $0xb8;
	[tilespmem:$0x5500] =	vst v63  }
0x13: {  	s13 =	simm.s32 $0x200;
	s14 =	simm.s32 $0x2500  }
0x14: {  	[tilespmem:s14], [sflag:$0x1] =	stream.indirect.gather [hbm4b:s5+s6], $0x10, s13, s6, $0xb8;
	[tilespmem:$0x5500] =	vst v63  }
0x15: {  	s15 =	simm.s32 $0x280;
	s16 =	simm.s32 $0x2D00  }
0x16: {  	[tilespmem:s16], [sflag:$0x1] =	stream.indirect.gather [hbm4b:s5+s6], $0x10, s15, s6, $0xb8;
	[tilespmem:$0x5500] =	vst v63  }
0x17: {  	s17 =	simm.s32 $0x300;
	s18 =	simm.s32 $0x3500  }
0x18: {  	[tilespmem:s18], [sflag:$0x1] =	stream.indirect.gather [hbm4b:s5+s6], $0x10, s17, s6, $0xb8;
	[tilespmem:$0x5500] =	vst v63  }
0x19: {  	s19 =	simm.s32 $0x380;
	s20 =	simm.s32 $0x3D00  }
0x1a: {  	[tilespmem:s20], [sflag:$0x1] =	stream.indirect.gather [hbm4b:s5+s6], $0x10, s19, s6, $0xb8;
	[tilespmem:$0x5500] =	vst v63  }
0x1b: {  	s21 =	simm.s32 $0x400;
	s22 =	simm.s32 $0x4500  }
0x1c: {  	[tilespmem:s22], [sflag:$0x1] =	stream.indirect.gather [hbm4b:s5+s6], $0x10, s21, s6, $0xb8;
	[tilespmem:$0x5500] =	vst v63  }
0x1d: {  	s23 =	simm.s32 $0x480;
	s24 =	simm.s32 $0x4D00;
	s25 =	simm.s32 $0x1  }
0x1e: {  	[tilespmem:s24], [sflag:$0x1] =	stream.indirect.gather [hbm4b:s5+s6], $0x10, s23, s6, $0xb8;
	[tilespmem:$0x5500] =	vst v63  }
0x1f: {  	_ =	swait.ge [sflag:s25], $0x800  }
0x20: {  	[sflag:s25] =	ssyncset.done $0x0  }
0x21: {  	[sflag:s25] =	ssyncadd.s32 $0xFFFFF800  }
0x22: {  	_ =	swait.ge [sflag:s25], $0x800  }
0x23: {  	[sflag:s25] =	ssyncset.done $0x0  }
0x24: {  	[sflag:s25] =	ssyncadd.s32 $0xFFFFF800  }
0x25: {  	_ =	swait.ge [sflag:s25], $0x800  }
0x26: {  	[sflag:s25] =	ssyncset.done $0x0  }
0x27: {  	[sflag:s25] =	ssyncadd.s32 $0xFFFFF800  }
0x28: {  	_ =	swait.ge [sflag:s25], $0x800  }
0x29: {  	[sflag:s25] =	ssyncset.done $0x0  }
0x2a: {  	[sflag:s25] =	ssyncadd.s32 $0xFFFFF800  }
0x2b: {  	_ =	swait.ge [sflag:s25], $0x800  }
0x2c: {  	[sflag:s25] =	ssyncset.done $0x0  }
0x2d: {  	[sflag:s25] =	ssyncadd.s32 $0xFFFFF800  }
0x2e: {  	_ =	swait.ge [sflag:s25], $0x800  }
0x2f: {  	[sflag:s25] =	ssyncset.done $0x0  }
0x30: {  	[sflag:s25] =	ssyncadd.s32 $0xFFFFF800  }
0x31: {  	_ =	swait.ge [sflag:s25], $0x800  }
0x32: {  	[sflag:s25] =	ssyncset.done $0x0  }
0x33: {  	[sflag:s25] =	ssyncadd.s32 $0xFFFFF800  }
0x34: {  	_ =	swait.ge [sflag:s25], $0x800  }
0x35: {  	[sflag:s25] =	ssyncset.done $0x0  }
0x36: {  	s28 =	ssub.s32 $0x2, s28;
	[sflag:s25] =	ssyncadd.s32 $0xFFFFF800  }
0x37: {  	s30 =	sshrl.u32 s28, $0x1;
	_ =	swait.ge [sflag:s25], $0x800  }
0x38: {  	s28 =	ssub.s32 s28, s30;
	[sflag:s25] =	ssyncset.done $0x0  }
0x39: {  	s29 =	smul.u32 $0xA00, s29;
	s28 =	smax.u32 s28, $0x1;
	[sflag:s25] =	ssyncadd.s32 $0xFFFFF800  }
0x3a: {  	p0 =	sne.s32 s28, $0x1;
	_ =	swait.ge [sflag:s25], $0x800  }
.Ltmp0:
0x3b: {  	s26 =	sadd.s32 s29, s26;
	[sflag:s25] =	ssyncset.done $0x0;
	(pc) =	sbr.rel @!p0 .LBB2_2-.Ltmp0, $4  }
0x3c: {  	s26 =	sadd.s32 $0xAE00, s26;
	[sflag:s25] =	ssyncadd.s32 $0xFFFFF800  }
0x3d: {  	[hbm4b:s26+s2] =	stream.linear.scatter [tilespmem:s7], [sflag:$0x2], $0x5000, $0x38;
	[tilespmem:$0x5500] =	vst v63  }
0x3e: {  	_ =	swait.ge [sflag:s3], $0x5000  }
0x3f: {  	s28 =	sadd.s32 $0xFFFFFFFF, s28;
	[sflag:s3] =	ssyncset.done $0x0  }
.LBB2_1:
0x40: {  	p0 =	sne.s32 s28, $0x1;
	s28 =	sadd.s32 $0xFFFFFFFF, s28;
	[sflag:s3] =	ssyncadd.s32 $0xFFFFB000  }
0x41: {  	[tilespmem:s2], [sflag:$0x2] =	stream.linear.gather [hbm4b:s4+s2], $0x500, $0x38;
	[tilespmem:$0x5500] =	vst v63  }
0x42: {  	_ =	swait.ge [sflag:s3], $0x500  }
0x43: {  	[sflag:s3] =	ssyncset.done $0x0  }
0x44: {  	[sflag:s3] =	ssyncadd.s32 $0xFFFFFB00  }
0x45: {  	[tilespmem:s7], [sflag:$0x1] =	stream.indirect.gather [hbm4b:s5+s6], $0x10, s2, s6, $0xb8;
	[tilespmem:$0x5500] =	vst v63  }
0x46: {  	_ = 	snop  }
0x47: {  	[tilespmem:s8], [sflag:$0x1] =	stream.indirect.gather [hbm4b:s5+s6], $0x10, s6, s6, $0xb8;
	[tilespmem:$0x5500] =	vst v63  }
0x48: {  	_ = 	snop  }
0x49: {  	[tilespmem:s10], [sflag:$0x1] =	stream.indirect.gather [hbm4b:s5+s6], $0x10, s9, s6, $0xb8;
	[tilespmem:$0x5500] =	vst v63  }
0x4a: {  	_ = 	snop  }
0x4b: {  	[tilespmem:s12], [sflag:$0x1] =	stream.indirect.gather [hbm4b:s5+s6], $0x10, s11, s6, $0xb8;
	[tilespmem:$0x5500] =	vst v63  }
0x4c: {  	_ = 	snop  }
0x4d: {  	[tilespmem:s14], [sflag:$0x1] =	stream.indirect.gather [hbm4b:s5+s6], $0x10, s13, s6, $0xb8;
	[tilespmem:$0x5500] =	vst v63  }
0x4e: {  	_ = 	snop  }
0x4f: {  	[tilespmem:s16], [sflag:$0x1] =	stream.indirect.gather [hbm4b:s5+s6], $0x10, s15, s6, $0xb8;
	[tilespmem:$0x5500] =	vst v63  }
0x50: {  	_ = 	snop  }
0x51: {  	[tilespmem:s18], [sflag:$0x1] =	stream.indirect.gather [hbm4b:s5+s6], $0x10, s17, s6, $0xb8;
	[tilespmem:$0x5500] =	vst v63  }
0x52: {  	_ = 	snop  }
0x53: {  	[tilespmem:s20], [sflag:$0x1] =	stream.indirect.gather [hbm4b:s5+s6], $0x10, s19, s6, $0xb8;
	[tilespmem:$0x5500] =	vst v63  }
0x54: {  	_ = 	snop  }
0x55: {  	[tilespmem:s22], [sflag:$0x1] =	stream.indirect.gather [hbm4b:s5+s6], $0x10, s21, s6, $0xb8;
	[tilespmem:$0x5500] =	vst v63  }
0x56: {  	_ = 	snop  }
0x57: {  	[tilespmem:s24], [sflag:$0x1] =	stream.indirect.gather [hbm4b:s5+s6], $0x10, s23, s6, $0xb8;
	[tilespmem:$0x5500] =	vst v63  }
0x58: {  	_ =	swait.ge [sflag:s25], $0x800  }
0x59: {  	[sflag:s25] =	ssyncset.done $0x0  }
0x5a: {  	[sflag:s25] =	ssyncadd.s32 $0xFFFFF800  }
0x5b: {  	_ =	swait.ge [sflag:s25], $0x800  }
0x5c: {  	[sflag:s25] =	ssyncset.done $0x0  }
0x5d: {  	[sflag:s25] =	ssyncadd.s32 $0xFFFFF800  }
0x5e: {  	_ =	swait.ge [sflag:s25], $0x800  }
0x5f: {  	[sflag:s25] =	ssyncset.done $0x0  }
0x60: {  	[sflag:s25] =	ssyncadd.s32 $0xFFFFF800  }
0x61: {  	_ =	swait.ge [sflag:s25], $0x800  }
0x62: {  	[sflag:s25] =	ssyncset.done $0x0  }
0x63: {  	[sflag:s25] =	ssyncadd.s32 $0xFFFFF800  }
0x64: {  	_ =	swait.ge [sflag:s25], $0x800  }
0x65: {  	[sflag:s25] =	ssyncset.done $0x0  }
0x66: {  	[sflag:s25] =	ssyncadd.s32 $0xFFFFF800  }
0x67: {  	_ =	swait.ge [sflag:s25], $0x800  }
0x68: {  	[sflag:s25] =	ssyncset.done $0x0  }
0x69: {  	[sflag:s25] =	ssyncadd.s32 $0xFFFFF800  }
0x6a: {  	_ =	swait.ge [sflag:s25], $0x800  }
0x6b: {  	[sflag:s25] =	ssyncset.done $0x0  }
0x6c: {  	[sflag:s25] =	ssyncadd.s32 $0xFFFFF800  }
0x6d: {  	_ =	swait.ge [sflag:s25], $0x800  }
0x6e: {  	[sflag:s25] =	ssyncset.done $0x0  }
0x6f: {  	[sflag:s25] =	ssyncadd.s32 $0xFFFFF800  }
0x70: {  	_ =	swait.ge [sflag:s25], $0x800  }
0x71: {  	[sflag:s25] =	ssyncset.done $0x0  }
0x72: {  	[sflag:s25] =	ssyncadd.s32 $0xFFFFF800  }
0x73: {  	_ =	swait.ge [sflag:s25], $0x800  }
.Ltmp1:
0x74: {  	[sflag:s25] =	ssyncset.done $0x0;
	(pc) =	sbr.rel @p0 .LBB2_1-.Ltmp1, $4  }
0x75: {  	[sflag:s25] =	ssyncadd.s32 $0xFFFFF800  }
0x76: {  	[hbm4b:s26+s2] =	stream.linear.scatter [tilespmem:s7], [sflag:$0x2], $0x5000, $0x38;
	[tilespmem:$0x5500] =	vst v63  }
0x77: {  	_ =	swait.ge [sflag:s3], $0x5000  }
0x78: {  	[sflag:s3] =	ssyncset.done $0x0  }
.LBB2_2:
0x79: {  	[sflag:s3] =	ssyncadd.s32 $0xFFFFB000  }
0x7a: {  	_ =	sfence.sel $0x180000  }
0x7b: {  	[bflag:$0x0] =	sbarrier.arrive $0xFFFF  }
0x7c: {  	p0 =	sne.s32 s0, $0x0;
	_ =	strace $0x90000047  }
0x7d: {  	s0 =	sadd.s32 @!p0 $0x100000, s1;
	[bflag:$0x2] =	sbarrier.arrive $0xFFFF  }
0x7e: {  	[sflag:s0] =	ssyncadd.tile.s32 @!p0 $0x1;
	_ =	shalt  }
.Lfunc_end2:
_tile_overlayer_lowered:
.L_overlay_start_2:
0x7f: {  	(tag) =	ssettag $0x2  }
0x80: {  	s0 =	rddreg [dreg:$0x0];
	s2 =	stileid.u32  }
0x81: {  	s1 =	rddreg [dreg:$0x1];
	p0 =	sne.s32 s2, $0x0  }
0x82: {  	s3 =	rddreg [dreg:$0x2];
	[bflag:$0x3] =	sbarrier.arrive $0xFFFF;
	s2 =	simm.s32 @!p0 $0x1C02  }
0x83: {  	[timem:s3], [sflag:s2] =	dma.local @!p0 [hbm:s0], s1  }
0x84: {  	s0 =	simm.s32 @!p0 $0x2  }
0x85: {  	_ =	swait.ge @!p0 [sflag:s0], s1  }
0x86: {  	s1 =	ssub.s32 @!p0 $0x0, s1;
	[sflag:s0] =	ssyncset.done @!p0 $0x0  }
0x87: {  	[sflag:s0] =	ssyncadd.s32 @!p0 s1  }
0x88: {  	[bflag:$0x3] =	sbarrier.arrive $0xFFFF  }
0x89: {  	_ =	shalt  }

// kernel: kernel.18.cloned.1.call-start
scs
__scs_entry_jumppad:
0x0: {  	(pc) =	sbr.rel $0x88, $3  }
0x1: {  	(tag) =	ssettag $0x0;
	lr =	simm.s32 $0x1  }
0x2: {  	[smem:$0x3F84] =	sst lr;
	_ =	strace $0xD0000000  }
0x3: {  	_ = 	snop  }
0x4: {  	_ = 	snop  }
0x5: {  	_ = 	snop  }
0x6: {  	_ = 	snop  }
0x7: {  	_ = 	snop  }
__scs_overlays_trampoline_lowered:
0x8: {  	[smem:$0x3F93] =	sst s0  }
0x9: {  	[smem:$0x3F94] =	sst s1  }
0xa: {  	[smem:$0x3F95] =	sst s2  }
0xb: {  	[smem:$0x3F96] =	sst s3  }
0xc: {  	[smem:$0x3F97] =	sst s4  }
0xd: {  	[smem:$0x3F98] =	sst s5  }
0xe: {  	[smem:$0x3F99] =	sst s6  }
0xf: {  	[smem:$0x3F9A] =	sst s7  }
0x10: {  	[smem:$0x3F9B] =	sst s8  }
0x11: {  	[smem:$0x3F9C] =	sst s9;
	s0 =	simm.s32 @!p0 $0x0  }
0x12: {  	s1 =	sld [smem:$0x3F82];
	s0 =	simm.s32 @p0 $0x1  }
0x13: {  	[smem:$0x3F9D] =	sst s0;
	s0 =	simm.s32 @!p1 $0x0  }
0x14: {  	s2 =	sld [smem:$0x3F81];
	s0 =	simm.s32 @p1 $0x1  }
0x15: {  	[smem:$0x3F9E] =	sst s0;
	s0 =	simm.s32 @!p2 $0x0  }
0x16: {  	s3 =	sld [smem:$0x3FDB];
	s0 =	simm.s32 @p2 $0x1  }
0x17: {  	s4 =	simm.s32 $0x1BF5;
	[smem:$0x3FA0] =	sst s0  }
0x18: {  	s0 =	sld [smem:$0x3F83];
	_ =	swait.ge [sflag:s4], $0x0  }
0x19: {  	s7 =	sld [smem:$0x3F84]  }
0x1a: {  	s8 =	sadd.s32 $0xFFFFE003, lr  }
0x1b: {  	s9 =	sadd.s32 $0xFFFFFEF7, lr;
	s5 =	simm.s32 $0xFFFFFFFF;
	p2 =	slt.u32 s8, $0xFFFFF086  }
0x1c: {  	p1 =	slt.u32 s9, $0xF7A;
	s5 =	simm.s32 @!p2 $0x0  }
0x1d: {  	s5 =	simm.s32 @p1 $0x1;
	p0 =	seq.s32 s7, s2  }
0x1e: {  	s7 =	smul.u32 @!p0 $0xF7A, s2;
	p2 =	seq.s32 @!p0 s5, $0x0  }
0x1f: {  	s9 =	smul.u32 $0xF7A, s1;
	s8 =	simm.s32 @!p0 $0x1BF5;
	p2 =	por !p2, p0  }
0x20: {  	[sflag:s8] =	ssyncset.s32 @!p0 $0xFFFFF086;
	s6 =	sadd.s32 @!p0 s3, s7;
	s7 =	simm.s32 @!p0 $0x108  }
0x21: {  	s3 =	sadd.s32 s3, s9;
	s6 =	sadd.s32 @!p0 $0x88, s6;
	s7 =	simm.s32 @p2 $0x1082  }
0x22: {  	[simem:s7], [sflag:s8] =	dma.local @!p0 [hbm:s6], $0xF7A  }
0x23: {  	s9 =	sor.u32 $0xD0000000, s2;
	s6 =	simm.s32 $0x108;
	_ =	swait.ge @!p0 [sflag:s8], $0x0  }
0x24: {  	s3 =	sadd.s32 $0x88, s3;
	s6 =	simm.s32 @!p1 $0x1082;
	[sflag:s4] =	ssyncset.s32 $0xFFFFF086  }
0x25: {  	[simem:s6], [sflag:s4] =	dma.local [hbm:s3], $0xF7A  }
0x26: {  	[smem:$0x3F84] =	sst s1;
	(tag) =	ssettag s2;
	_ =	strace s9  }
0x27: {  	s1 =	sld [smem:$0x3F94]  }
0x28: {  	s2 =	sld [smem:$0x3F95]  }
0x29: {  	s4 =	sld [smem:$0x3F97]  }
0x2a: {  	p0 =	seq.s32 s5, $0x0;
	s5 =	sld [smem:$0x3F98]  }
0x2b: {  	s6 =	sld [smem:$0x3F99]  }
0x2c: {  	s7 =	sld [smem:$0x3F9A]  }
0x2d: {  	s3 =	simm.s32 $0x108;
	s8 =	sld [smem:$0x3F9B]  }
0x2e: {  	s3 =	simm.s32 @!p0 $0x1082;
	s9 =	sld [smem:$0x3F9C]  }
0x2f: {  	lr =	sadd.s32 s0, s3;
	s0 =	sld [smem:$0x3F93]  }
0x30: {  	s3 =	sld [smem:$0x3F96]  }
0x31: {  	[smem:$0x3F9F] =	sst s10  }
0x32: {  	s10 =	sld [smem:$0x3F9D];
	_ =	sdelay $0x3  }
0x33: {  	p0 =	seq.s32 s10, $0x1;
	s10 =	sld [smem:$0x3F9F];
	_ =	sdelay $0x3  }
0x34: {  	[smem:$0x3F9F] =	sst s10  }
0x35: {  	s10 =	sld [smem:$0x3F9E];
	_ =	sdelay $0x3  }
0x36: {  	p1 =	seq.s32 s10, $0x1;
	s10 =	sld [smem:$0x3F9F];
	_ =	sdelay $0x3  }
0x37: {  	[smem:$0x3F9F] =	sst s10  }
0x38: {  	s10 =	sld [smem:$0x3FA0]  }
0x39: {  	_ = 	snop;
	(pc) =	sbr.ind lr, $3  }
0x3a: {  	_ = 	snop  }
0x3b: {  	_ = 	snop  }
0x3c: {  	p2 =	seq.s32 s10, $0x1;
	s10 =	sld [smem:$0x3F9F]  }
0x3d: {  	_ =	shalt  }
0x3e: {  	_ =	shalt  }
0x3f: {  	_ =	shalt  }
0x40: {  	_ =	shalt  }
0x41: {  	_ =	shalt  }
0x42: {  	_ =	shalt  }
0x43: {  	_ =	shalt  }
0x44: {  	_ =	shalt  }
0x45: {  	_ =	shalt  }
0x46: {  	_ =	shalt  }
0x47: {  	_ =	shalt  }
0x48: {  	_ =	shalt  }
0x49: {  	_ =	shalt  }
0x4a: {  	_ =	shalt  }
0x4b: {  	_ =	shalt  }
0x4c: {  	_ =	shalt  }
0x4d: {  	_ =	shalt  }
0x4e: {  	_ =	shalt  }
0x4f: {  	_ =	shalt  }
0x50: {  	_ =	shalt  }
0x51: {  	_ =	shalt  }
0x52: {  	_ =	shalt  }
0x53: {  	_ =	shalt  }
0x54: {  	_ =	shalt  }
0x55: {  	_ =	shalt  }
0x56: {  	_ =	shalt  }
0x57: {  	_ =	shalt  }
0x58: {  	_ =	shalt  }
0x59: {  	_ =	shalt  }
0x5a: {  	_ =	shalt  }
0x5b: {  	_ =	shalt  }
0x5c: {  	_ =	shalt  }
0x5d: {  	_ =	shalt  }
0x5e: {  	_ =	shalt  }
0x5f: {  	_ =	shalt  }
0x60: {  	_ =	shalt  }
0x61: {  	_ =	shalt  }
0x62: {  	_ =	shalt  }
0x63: {  	_ =	shalt  }
0x64: {  	_ =	shalt  }
0x65: {  	_ =	shalt  }
0x66: {  	_ =	shalt  }
0x67: {  	_ =	shalt  }
0x68: {  	_ =	shalt  }
0x69: {  	_ =	shalt  }
0x6a: {  	_ =	shalt  }
0x6b: {  	_ =	shalt  }
0x6c: {  	_ =	shalt  }
0x6d: {  	_ =	shalt  }
0x6e: {  	_ =	shalt  }
0x6f: {  	_ =	shalt  }
0x70: {  	_ =	shalt  }
0x71: {  	_ =	shalt  }
0x72: {  	_ =	shalt  }
0x73: {  	_ =	shalt  }
0x74: {  	_ =	shalt  }
0x75: {  	_ =	shalt  }
0x76: {  	_ =	shalt  }
0x77: {  	_ =	shalt  }
0x78: {  	_ =	shalt  }
0x79: {  	_ =	shalt  }
0x7a: {  	_ =	shalt  }
0x7b: {  	_ =	shalt  }
0x7c: {  	_ =	shalt  }
0x7d: {  	_ =	shalt  }
0x7e: {  	_ =	shalt  }
0x7f: {  	_ =	shalt  }
0x80: {  	_ =	shalt  }
0x81: {  	_ =	shalt  }
0x82: {  	_ =	shalt  }
0x83: {  	_ =	shalt  }
0x84: {  	_ =	shalt  }
0x85: {  	_ =	shalt  }
0x86: {  	_ =	shalt  }
0x87: {  	_ =	shalt  }
.Lfunc_end0:
.L_simem_size_0:
called_computation.1_lowered:
.L_overlay_start_0:
0x88: {  	s2 =	sld [smem:$0x3FD9]  }
0x89: {  	s3 =	sld [smem:$0x3FFE];
	_ =	sdelay $0x1  }
0x8a: {  	s1 =	srdreg.scid  }
0x8b: {  	s0 =	sand.u32 $0x1, s1  }
0x8c: {  	s16 =	sshll.u32 s0, $0xA;
	s2 =	sadd.s32 s3, s2  }
0x8d: {  	s2 =	sadd.s32 s2, s16  }
0x8e: {  	[smem:$0x3FAB] =	sst s2  }
0x8f: {  	_ = 	snop  }
0x90: {  	(tm) =	ssettm $0x1  }
0x91: {  	s17 =	sld [smem:$0x3FFB];
	_ =	sdelay $0x3  }
0x92: {  	_ =	strace s17  }
0x93: {  	s2 =	sld [smem:$0x3FFC];
	_ =	sdelay $0x3  }
0x94: {  	_ =	strace s2  }
0x95: {  	s2 =	sld [smem:$0x3FFD];
	_ =	sdelay $0x3  }
0x96: {  	_ =	strace s2  }
0x97: {  	_ =	strace $0x8FFFFFFF  }
0x98: {  	s18 =	sld [smem:$0x3FDB];
	_ =	sdelay $0x1  }
0x99: {  	s19 =	simm.s32 $_scs_section_size  }
0x9a: {  	s4 =	simm.s32 $_size__tile_overlayer_lowered;
	s5 =	simm.s32 $_tile_overlayer_lowered  }
0x9b: {  	s22 =	simm.s32 $0x1BFF;
	s21 =	sshll.u32 s5, $0x1;
	s2 =	sadd.s32 s19, s18  }
0x9c: {  	s6 =	simm.s32 $0x0;
	s20 =	sshll.u32 s4, $0x1;
	s4 =	sadd.s32 s21, s2  }
0x9d: {  	[timem:s6], [sflag:s22] =	dma.local [hbm:s4], s20  }
0x9e: {  	_ =	swait.ge [sflag:s22], s20  }
0x9f: {  	s3 =	ssub.s32 $0x0, s20;
	[sflag:s22] =	ssyncset.done $0x0  }
0xa0: {  	[sflag:s22] =	ssyncadd.s32 s3;
	_ =	sdelay $0x1  }
0xa1: {  	s23 =	simm.s32 $0x1B8B  }
0xa2: {  	_ =	swait.ge [sflag:s23], $0x1  }
0xa3: {  	[sflag:s23] =	ssyncset.done $0x0  }
0xa4: {  	s25 =	simm.s32 $0x1B8E;
	s24 =	sld [smem:$0x3FFE];
	[sflag:s23] =	ssyncadd.s32 $0xFFFFFFFF  }
0xa5: {  	s26 =	simm.s32 $execute0_lowered;
	[smem:$0x3FD2] =	sst s25  }
0xa6: {  	s4 =	sshll.u32 s26, $0x1;
	_ =	strace $0x80000049;
	[dreg:$0x1] =	wrdreg $0xFFFFFFFF  }
0xa7: {  	s28 =	simm.s32 $_size_execute0_lowered;
	s2 =	sadd.s32 s2, s4;
	[dreg:$0x0] =	wrdreg $0x0  }
0xa8: {  	s4 =	sshll.u32 s28, $0x1;
	[dreg:$0x2] =	wrdreg s2  }
0xa9: {  	[dreg:$0x3] =	wrdreg s4  }
0xaa: {  	[dreg:$0x4] =	wrdreg $0xC0  }
0xab: {  	_ =	task [dreg:s6], $0x5FFFF  }
0xac: {  	[dreg:$0x1] =	wrdreg $0xFFFFFFFF  }
0xad: {  	[dreg:$0x0] =	wrdreg $0x60  }
0xae: {  	[dreg:$0x2] =	wrdreg s24  }
0xaf: {  	[dreg:$0x3] =	wrdreg $0xA5000  }
0xb0: {  	[dreg:$0x4] =	wrdreg $0x9  }
0xb1: {  	_ =	task.clear_ibuf [dreg:s6], $0x5FFFF;
	_ =	strace $0x90000049  }
0xb2: {  	s29 =	simm.s32 $0x9;
	_ =	strace $0x8000004B  }
0xb3: {  	_ =	swait.ge [sflag:s29], $0x1  }
0xb4: {  	[sflag:s29] =	ssyncadd.s32 $0xFFFFFFFF  }
0xb5: {  	_ =	strace $0x9000004B  }
0xb6: {  	_ =	sfence  }
0xb7: {  	s30 =	sld [smem:$0x0];
	_ =	sdelay $0x2  }
0xb8: {  	s31 =	sshll.u32 s1, $0xD;
	s1 =	sshrl.u32 s1, $0x2  }
0xb9: {  	s3 =	sand.u32 $0x4000, s31;
	s1 =	sadd.s32 s1, s30  }
0xba: {  	s0 =	sor.u32 s3, s0;
	s1 =	sshll.u32 s1, $0x11  }
0xbb: {  	s0 =	sor.u32 s1, s0  }
0xbc: {  	s0 =	sadd.s32 $0x8F2B, s0  }
0xbd: {  	[sflag:s0] =	ssyncadd.remote.s32 $0x1  }
0xbe: {  	_ =	sfence.sel $0xFFFF  }
0xbf: {  	[dreg:$0x0] =	wrdreg $0xFFFFFFFF;
	(pc) =	sbr.abs _section_cstart, $3  }
0xc0: {  	[dreg:$0x1] =	wrdreg $0xFFFFFFFF  }
0xc1: {  	_ =	task.clear_ibuf [dreg:s6], $0x2FFFF;
	_ =	strace $0x9FFFFFFF  }
0xc2: {  	(tm) =	ssettm $0x7FFFFFFF  }
0xc3: {  	_ =	shalt  }
tec
execute0_lowered:
.L_overlay_start_1:
0x0: {  	(tag) =	ssettag $0x1  }
0x1: {  	s30 =	rddreg [dreg:$0x0]  }
0x2: {  	s2 =	rddreg [dreg:$0x1]  }
0x3: {  	s1 =	stileid.u32;
	s0 =	srdreg.scid;
	s3 =	simm.s32 $0x0  }
0x4: {  	s4 =	smul.u32 $0x5000, s1;
	s0 =	sand.u32 $0x1, s0;
	s5 =	sshll.u32 s1, $0x1  }
0x5: {  	[smem:$0x7FF] =	sst s3;
	s25 =	sshll.u32 s1, $0x6;
	s8 =	sor.u32 s0, s5  }
0x6: {  	_ =	strace $0x8000004A;
	s5 =	sor.u32 $0x1C01, s25;
	s31 =	sshrl.u32 s4, $0x3  }
0x7: {  	s9 =	smul.u32 $0xA0, s8;
	s6 =	sadd.s32 s4, s2;
	s24 =	sadd.s32 s31, s30  }
0x8: {  	s7 =	sshrl.u32 s6, $0x3;
	s6 =	simm.s32 $0x1;
	s4 =	sadd.s32 $0x5E00, s24  }
0x9: {  	[spmem:s7], [sflag:s5] =	dma.local [hbm:s4], $0xA00  }
0xa: {  	_ =	swait.ge [sflag:s6], $0xA00  }
0xb: {  	s9 =	sadd.s32 s9, s30;
	[sflag:s6] =	ssyncset.done $0x0  }
0xc: {  	s10 =	smul.u32 $0x1400, s8;
	s8 =	sadd.s32 $0xBEE00, s9;
	[sflag:s6] =	ssyncadd.s32 $0xFFFFF600  }
0xd: {  	[tilespmem:s3], [sflag:$0x1] =	stream.linear.gather [hbm4b:s8+s3], $0x500, $0x38;
	[tilespmem:$0xF500] =	vst v63  }
0xe: {  	_ =	swait.ge [sflag:s6], $0x500  }
0xf: {  	s26 =	sadd.s32 s10, s30;
	[sflag:s6] =	ssyncset.done $0x0  }
0x10: {  	s10 =	simm.s32 $0x500;
	s9 =	sadd.s32 $0xC0200, s26;
	[sflag:s6] =	ssyncadd.s32 $0xFFFFFB00  }
0x11: {  	[tilespmem:s10], [sflag:$0x1] =	stream.linear.gather [hbm4b:s9+s3], $0xA000, $0x38;
	[tilespmem:$0xF500] =	vst v63  }
0x12: {  	_ =	swait.ge [sflag:s6], $0xA000  }
0x13: {  	[sflag:s6] =	ssyncset.done $0x0  }
0x14: {  	[sflag:s6] =	ssyncadd.s32 $0xFFFF6000  }
0x15: {  	s11 =	simm.s32 $0x80;
	[bflag:$0x0] =	sbarrier.arrive $0xFFFF  }
0x16: {  	[spmem:s2] =	stream.indirect.scatter.add.f32 [tilespmem:s10], [sflag:$0x1], $0x20, s3, s11, $0xb8;
	[tilespmem:$0xF500] =	vst v63  }
0x17: {  	_ =	swait.ge [sflag:s6], $0x1000  }
0x18: {  	[sflag:s6] =	ssyncset.done $0x0  }
0x19: {  	s12 =	simm.s32 $0x1500;
	[sflag:s6] =	ssyncadd.s32 $0xFFFFF000  }
0x1a: {  	[spmem:s2] =	stream.indirect.scatter.add.f32 [tilespmem:s12], [sflag:$0x1], $0x20, s11, s11, $0xb8;
	[tilespmem:$0xF500] =	vst v63  }
0x1b: {  	_ =	swait.ge [sflag:s6], $0x1000  }
0x1c: {  	[sflag:s6] =	ssyncset.done $0x0  }
0x1d: {  	s13 =	simm.s32 $0x100;
	s14 =	simm.s32 $0x2500;
	[sflag:s6] =	ssyncadd.s32 $0xFFFFF000  }
0x1e: {  	[spmem:s2] =	stream.indirect.scatter.add.f32 [tilespmem:s14], [sflag:$0x1], $0x20, s13, s11, $0xb8;
	[tilespmem:$0xF500] =	vst v63  }
0x1f: {  	_ =	swait.ge [sflag:s6], $0x1000  }
0x20: {  	[sflag:s6] =	ssyncset.done $0x0  }
0x21: {  	s15 =	simm.s32 $0x180;
	s16 =	simm.s32 $0x3500;
	[sflag:s6] =	ssyncadd.s32 $0xFFFFF000  }
0x22: {  	[spmem:s2] =	stream.indirect.scatter.add.f32 [tilespmem:s16], [sflag:$0x1], $0x20, s15, s11, $0xb8;
	[tilespmem:$0xF500] =	vst v63  }
0x23: {  	_ =	swait.ge [sflag:s6], $0x1000  }
0x24: {  	[sflag:s6] =	ssyncset.done $0x0  }
0x25: {  	s17 =	simm.s32 $0x200;
	s18 =	simm.s32 $0x4500;
	[sflag:s6] =	ssyncadd.s32 $0xFFFFF000  }
0x26: {  	[spmem:s2] =	stream.indirect.scatter.add.f32 [tilespmem:s18], [sflag:$0x1], $0x20, s17, s11, $0xb8;
	[tilespmem:$0xF500] =	vst v63  }
0x27: {  	_ =	swait.ge [sflag:s6], $0x1000  }
0x28: {  	[sflag:s6] =	ssyncset.done $0x0  }
0x29: {  	s19 =	simm.s32 $0x280;
	s20 =	simm.s32 $0x5500;
	[sflag:s6] =	ssyncadd.s32 $0xFFFFF000  }
0x2a: {  	[spmem:s2] =	stream.indirect.scatter.add.f32 [tilespmem:s20], [sflag:$0x1], $0x20, s19, s11, $0xb8;
	[tilespmem:$0xF500] =	vst v63  }
0x2b: {  	_ =	swait.ge [sflag:s6], $0x1000  }
0x2c: {  	[sflag:s6] =	ssyncset.done $0x0  }
0x2d: {  	s21 =	simm.s32 $0x300;
	s22 =	simm.s32 $0x6500;
	[sflag:s6] =	ssyncadd.s32 $0xFFFFF000  }
0x2e: {  	[spmem:s2] =	stream.indirect.scatter.add.f32 [tilespmem:s22], [sflag:$0x1], $0x20, s21, s11, $0xb8;
	[tilespmem:$0xF500] =	vst v63  }
0x2f: {  	_ =	swait.ge [sflag:s6], $0x1000  }
0x30: {  	[sflag:s6] =	ssyncset.done $0x0  }
0x31: {  	s23 =	simm.s32 $0x380;
	s24 =	simm.s32 $0x7500;
	[sflag:s6] =	ssyncadd.s32 $0xFFFFF000  }
0x32: {  	[spmem:s2] =	stream.indirect.scatter.add.f32 [tilespmem:s24], [sflag:$0x1], $0x20, s23, s11, $0xb8;
	[tilespmem:$0xF500] =	vst v63  }
0x33: {  	_ =	swait.ge [sflag:s6], $0x1000  }
0x34: {  	s25 =	simm.s32 $0x400;
	[sflag:s6] =	ssyncset.done $0x0  }
0x35: {  	s1 =	smul.u32 $0xA000, s0;
	s26 =	simm.s32 $0x8500;
	[sflag:s6] =	ssyncadd.s32 $0xFFFFF000  }
0x36: {  	[spmem:s2] =	stream.indirect.scatter.add.f32 [tilespmem:s26], [sflag:$0x1], $0x20, s25, s11, $0xb8;
	[tilespmem:$0xF500] =	vst v63  }
0x37: {  	s28 =	simm.s32 $0x480;
	s0 =	ssub.s32 $0x2, s0;
	_ =	swait.ge [sflag:s6], $0x1000  }
0x38: {  	s1 =	sadd.s32 s1, s30;
	s30 =	sshrl.u32 s0, $0x1;
	[sflag:s6] =	ssyncset.done $0x0  }
0x39: {  	s29 =	simm.s32 $0x9500;
	s0 =	ssub.s32 s0, s30;
	[sflag:s6] =	ssyncadd.s32 $0xFFFFF000  }
0x3a: {  	[spmem:s2] =	stream.indirect.scatter.add.f32 [tilespmem:s29], [sflag:$0x1], $0x20, s28, s11, $0xb8;
	[tilespmem:$0xF500] =	vst v63  }
0x3b: {  	s0 =	smax.u32 s0, $0x1;
	_ =	swait.ge [sflag:s6], $0x1000  }
0x3c: {  	p0 =	sne.s32 s0, $0x1;
	[sflag:s6] =	ssyncset.done $0x0  }
.Ltmp0:
0x3d: {  	s1 =	sadd.s32 $0xE8200, s1;
	[sflag:s6] =	ssyncadd.s32 $0xFFFFF000;
	(pc) =	sbr.rel @!p0 .LBB2_2-.Ltmp0, $4  }
0x3e: {  	s30 =	sadd.s32 s31, s1;
	[bflag:$0x0] =	sbarrier.arrive $0xFFFF  }
0x3f: {  	[hbm:s30], [sflag:s5] =	dma.local [spmem:s7], $0xA00  }
0x40: {  	_ =	swait.ge [sflag:s6], $0xA00  }
0x41: {  	s31 =	sadd.s32 $0xFFFFFFFF, s0;
	[sflag:s6] =	ssyncset.done $0x0  }
.LBB2_1:
0x42: {  	p0 =	sne.s32 s31, $0x1;
	s31 =	sadd.s32 $0xFFFFFFFF, s31;
	[sflag:s6] =	ssyncadd.s32 $0xFFFFF600  }
0x43: {  	[spmem:s7], [sflag:s5] =	dma.local [hbm:s4], $0xA00  }
0x44: {  	_ =	swait.ge [sflag:s6], $0xA00  }
0x45: {  	[sflag:s6] =	ssyncset.done $0x0  }
0x46: {  	[sflag:s6] =	ssyncadd.s32 $0xFFFFF600  }
0x47: {  	[tilespmem:s3], [sflag:$0x1] =	stream.linear.gather [hbm4b:s8+s3], $0x500, $0x38;
	[tilespmem:$0xF500] =	vst v63  }
0x48: {  	_ =	swait.ge [sflag:s6], $0x500  }
0x49: {  	[sflag:s6] =	ssyncset.done $0x0  }
0x4a: {  	[sflag:s6] =	ssyncadd.s32 $0xFFFFFB00  }
0x4b: {  	[tilespmem:s10], [sflag:$0x1] =	stream.linear.gather [hbm4b:s9+s3], $0xA000, $0x38;
	[tilespmem:$0xF500] =	vst v63  }
0x4c: {  	_ =	swait.ge [sflag:s6], $0xA000  }
0x4d: {  	[sflag:s6] =	ssyncset.done $0x0  }
0x4e: {  	[sflag:s6] =	ssyncadd.s32 $0xFFFF6000  }
0x4f: {  	[bflag:$0x0] =	sbarrier.arrive $0xFFFF  }
0x50: {  	[spmem:s2] =	stream.indirect.scatter.add.f32 [tilespmem:s10], [sflag:$0x1], $0x20, s3, s11, $0xb8;
	[tilespmem:$0xF500] =	vst v63  }
0x51: {  	_ =	swait.ge [sflag:s6], $0x1000  }
0x52: {  	[sflag:s6] =	ssyncset.done $0x0  }
0x53: {  	[sflag:s6] =	ssyncadd.s32 $0xFFFFF000  }
0x54: {  	[spmem:s2] =	stream.indirect.scatter.add.f32 [tilespmem:s12], [sflag:$0x1], $0x20, s11, s11, $0xb8;
	[tilespmem:$0xF500] =	vst v63  }
0x55: {  	_ =	swait.ge [sflag:s6], $0x1000  }
0x56: {  	[sflag:s6] =	ssyncset.done $0x0  }
0x57: {  	[sflag:s6] =	ssyncadd.s32 $0xFFFFF000  }
0x58: {  	[spmem:s2] =	stream.indirect.scatter.add.f32 [tilespmem:s14], [sflag:$0x1], $0x20, s13, s11, $0xb8;
	[tilespmem:$0xF500] =	vst v63  }
0x59: {  	_ =	swait.ge [sflag:s6], $0x1000  }
0x5a: {  	[sflag:s6] =	ssyncset.done $0x0  }
0x5b: {  	[sflag:s6] =	ssyncadd.s32 $0xFFFFF000  }
0x5c: {  	[spmem:s2] =	stream.indirect.scatter.add.f32 [tilespmem:s16], [sflag:$0x1], $0x20, s15, s11, $0xb8;
	[tilespmem:$0xF500] =	vst v63  }
0x5d: {  	_ =	swait.ge [sflag:s6], $0x1000  }
0x5e: {  	[sflag:s6] =	ssyncset.done $0x0  }
0x5f: {  	[sflag:s6] =	ssyncadd.s32 $0xFFFFF000  }
0x60: {  	[spmem:s2] =	stream.indirect.scatter.add.f32 [tilespmem:s18], [sflag:$0x1], $0x20, s17, s11, $0xb8;
	[tilespmem:$0xF500] =	vst v63  }
0x61: {  	_ =	swait.ge [sflag:s6], $0x1000  }
0x62: {  	[sflag:s6] =	ssyncset.done $0x0  }
0x63: {  	[sflag:s6] =	ssyncadd.s32 $0xFFFFF000  }
0x64: {  	[spmem:s2] =	stream.indirect.scatter.add.f32 [tilespmem:s20], [sflag:$0x1], $0x20, s19, s11, $0xb8;
	[tilespmem:$0xF500] =	vst v63  }
0x65: {  	_ =	swait.ge [sflag:s6], $0x1000  }
0x66: {  	[sflag:s6] =	ssyncset.done $0x0  }
0x67: {  	[sflag:s6] =	ssyncadd.s32 $0xFFFFF000  }
0x68: {  	[spmem:s2] =	stream.indirect.scatter.add.f32 [tilespmem:s22], [sflag:$0x1], $0x20, s21, s11, $0xb8;
	[tilespmem:$0xF500] =	vst v63  }
0x69: {  	_ =	swait.ge [sflag:s6], $0x1000  }
0x6a: {  	[sflag:s6] =	ssyncset.done $0x0  }
0x6b: {  	[sflag:s6] =	ssyncadd.s32 $0xFFFFF000  }
0x6c: {  	[spmem:s2] =	stream.indirect.scatter.add.f32 [tilespmem:s24], [sflag:$0x1], $0x20, s23, s11, $0xb8;
	[tilespmem:$0xF500] =	vst v63  }
0x6d: {  	_ =	swait.ge [sflag:s6], $0x1000  }
0x6e: {  	[sflag:s6] =	ssyncset.done $0x0  }
0x6f: {  	[sflag:s6] =	ssyncadd.s32 $0xFFFFF000  }
0x70: {  	[spmem:s2] =	stream.indirect.scatter.add.f32 [tilespmem:s26], [sflag:$0x1], $0x20, s25, s11, $0xb8;
	[tilespmem:$0xF500] =	vst v63  }
0x71: {  	_ =	swait.ge [sflag:s6], $0x1000  }
0x72: {  	[sflag:s6] =	ssyncset.done $0x0  }
0x73: {  	[sflag:s6] =	ssyncadd.s32 $0xFFFFF000  }
0x74: {  	[spmem:s2] =	stream.indirect.scatter.add.f32 [tilespmem:s29], [sflag:$0x1], $0x20, s28, s11, $0xb8;
	[tilespmem:$0xF500] =	vst v63  }
0x75: {  	_ =	swait.ge [sflag:s6], $0x1000  }
0x76: {  	[sflag:s6] =	ssyncset.done $0x0  }
.Ltmp1:
0x77: {  	[sflag:s6] =	ssyncadd.s32 $0xFFFFF000;
	(pc) =	sbr.rel @p0 .LBB2_1-.Ltmp1, $4  }
0x78: {  	[bflag:$0x0] =	sbarrier.arrive $0xFFFF  }
0x79: {  	[hbm:s30], [sflag:s5] =	dma.local [spmem:s7], $0xA00  }
0x7a: {  	_ =	swait.ge [sflag:s6], $0xA00  }
0x7b: {  	[sflag:s6] =	ssyncset.done $0x0  }
.LBB2_2:
0x7c: {  	[sflag:s6] =	ssyncadd.s32 $0xFFFFF600  }
0x7d: {  	_ =	sfence.sel $0x180000  }
0x7e: {  	[bflag:$0x0] =	sbarrier.arrive $0xFFFF  }
0x7f: {  	_ =	strace $0x9000004A  }
0x80: {  	s0 =	stileid.u32;
	[bflag:$0x2] =	sbarrier.arrive $0xFFFF  }
0x81: {  	p0 =	sne.s32 s0, $0x0;
	s0 =	rddreg [dreg:$0x2]  }
0x82: {  	s0 =	sadd.s32 @!p0 $0x100000, s0  }
0x83: {  	[sflag:s0] =	ssyncadd.tile.s32 @!p0 $0x1;
	_ =	shalt  }
.Lfunc_end2:
_tile_overlayer_lowered:
.L_overlay_start_2:
0x84: {  	(tag) =	ssettag $0x2  }
0x85: {  	s0 =	rddreg [dreg:$0x0];
	s2 =	stileid.u32  }
0x86: {  	s1 =	rddreg [dreg:$0x1];
	p0 =	sne.s32 s2, $0x0  }
0x87: {  	s3 =	rddreg [dreg:$0x2];
	[bflag:$0x3] =	sbarrier.arrive $0xFFFF;
	s2 =	simm.s32 @!p0 $0x1C01  }
0x88: {  	[timem:s3], [sflag:s2] =	dma.local @!p0 [hbm:s0], s1  }
0x89: {  	s0 =	simm.s32 @!p0 $0x1  }
0x8a: {  	_ =	swait.ge @!p0 [sflag:s0], s1  }
0x8b: {  	s1 =	ssub.s32 @!p0 $0x0, s1;
	[sflag:s0] =	ssyncset.done @!p0 $0x0  }
0x8c: {  	[sflag:s0] =	ssyncadd.s32 @!p0 s1  }
0x8d: {  	[bflag:$0x3] =	sbarrier.arrive $0xFFFF  }
0x8e: {  	_ =	shalt  }

// kernel: kernel.21.cloned.1.call-start
scs
__scs_entry_jumppad:
0x0: {  	(pc) =	sbr.rel $0x88, $3  }
0x1: {  	(tag) =	ssettag $0x0;
	lr =	simm.s32 $0x1  }
0x2: {  	[smem:$0x3F84] =	sst lr;
	_ =	strace $0xD0000000  }
0x3: {  	_ = 	snop  }
0x4: {  	_ = 	snop  }
0x5: {  	_ = 	snop  }
0x6: {  	_ = 	snop  }
0x7: {  	_ = 	snop  }
__scs_overlays_trampoline_lowered:
0x8: {  	[smem:$0x3F93] =	sst s0  }
0x9: {  	[smem:$0x3F94] =	sst s1  }
0xa: {  	[smem:$0x3F95] =	sst s2  }
0xb: {  	[smem:$0x3F96] =	sst s3  }
0xc: {  	[smem:$0x3F97] =	sst s4  }
0xd: {  	[smem:$0x3F98] =	sst s5  }
0xe: {  	[smem:$0x3F99] =	sst s6  }
0xf: {  	[smem:$0x3F9A] =	sst s7  }
0x10: {  	[smem:$0x3F9B] =	sst s8  }
0x11: {  	[smem:$0x3F9C] =	sst s9;
	s0 =	simm.s32 @!p0 $0x0  }
0x12: {  	s1 =	sld [smem:$0x3F82];
	s0 =	simm.s32 @p0 $0x1  }
0x13: {  	[smem:$0x3F9D] =	sst s0;
	s0 =	simm.s32 @!p1 $0x0  }
0x14: {  	s2 =	sld [smem:$0x3F81];
	s0 =	simm.s32 @p1 $0x1  }
0x15: {  	[smem:$0x3F9E] =	sst s0;
	s0 =	simm.s32 @!p2 $0x0  }
0x16: {  	s3 =	sld [smem:$0x3FDB];
	s0 =	simm.s32 @p2 $0x1  }
0x17: {  	s4 =	simm.s32 $0x1BF5;
	[smem:$0x3FA0] =	sst s0  }
0x18: {  	s0 =	sld [smem:$0x3F83];
	_ =	swait.ge [sflag:s4], $0x0  }
0x19: {  	s7 =	sld [smem:$0x3F84]  }
0x1a: {  	s8 =	sadd.s32 $0xFFFFE003, lr  }
0x1b: {  	s9 =	sadd.s32 $0xFFFFFEF7, lr;
	s5 =	simm.s32 $0xFFFFFFFF;
	p2 =	slt.u32 s8, $0xFFFFF086  }
0x1c: {  	p1 =	slt.u32 s9, $0xF7A;
	s5 =	simm.s32 @!p2 $0x0  }
0x1d: {  	s5 =	simm.s32 @p1 $0x1;
	p0 =	seq.s32 s7, s2  }
0x1e: {  	s7 =	smul.u32 @!p0 $0xF7A, s2;
	p2 =	seq.s32 @!p0 s5, $0x0  }
0x1f: {  	s9 =	smul.u32 $0xF7A, s1;
	s8 =	simm.s32 @!p0 $0x1BF5;
	p2 =	por !p2, p0  }
0x20: {  	[sflag:s8] =	ssyncset.s32 @!p0 $0xFFFFF086;
	s6 =	sadd.s32 @!p0 s3, s7;
	s7 =	simm.s32 @!p0 $0x108  }
0x21: {  	s3 =	sadd.s32 s3, s9;
	s6 =	sadd.s32 @!p0 $0x88, s6;
	s7 =	simm.s32 @p2 $0x1082  }
0x22: {  	[simem:s7], [sflag:s8] =	dma.local @!p0 [hbm:s6], $0xF7A  }
0x23: {  	s9 =	sor.u32 $0xD0000000, s2;
	s6 =	simm.s32 $0x108;
	_ =	swait.ge @!p0 [sflag:s8], $0x0  }
0x24: {  	s3 =	sadd.s32 $0x88, s3;
	s6 =	simm.s32 @!p1 $0x1082;
	[sflag:s4] =	ssyncset.s32 $0xFFFFF086  }
0x25: {  	[simem:s6], [sflag:s4] =	dma.local [hbm:s3], $0xF7A  }
0x26: {  	[smem:$0x3F84] =	sst s1;
	(tag) =	ssettag s2;
	_ =	strace s9  }
0x27: {  	s1 =	sld [smem:$0x3F94]  }
0x28: {  	s2 =	sld [smem:$0x3F95]  }
0x29: {  	s4 =	sld [smem:$0x3F97]  }
0x2a: {  	p0 =	seq.s32 s5, $0x0;
	s5 =	sld [smem:$0x3F98]  }
0x2b: {  	s6 =	sld [smem:$0x3F99]  }
0x2c: {  	s7 =	sld [smem:$0x3F9A]  }
0x2d: {  	s3 =	simm.s32 $0x108;
	s8 =	sld [smem:$0x3F9B]  }
0x2e: {  	s3 =	simm.s32 @!p0 $0x1082;
	s9 =	sld [smem:$0x3F9C]  }
0x2f: {  	lr =	sadd.s32 s0, s3;
	s0 =	sld [smem:$0x3F93]  }
0x30: {  	s3 =	sld [smem:$0x3F96]  }
0x31: {  	[smem:$0x3F9F] =	sst s10  }
0x32: {  	s10 =	sld [smem:$0x3F9D];
	_ =	sdelay $0x3  }
0x33: {  	p0 =	seq.s32 s10, $0x1;
	s10 =	sld [smem:$0x3F9F];
	_ =	sdelay $0x3  }
0x34: {  	[smem:$0x3F9F] =	sst s10  }
0x35: {  	s10 =	sld [smem:$0x3F9E];
	_ =	sdelay $0x3  }
0x36: {  	p1 =	seq.s32 s10, $0x1;
	s10 =	sld [smem:$0x3F9F];
	_ =	sdelay $0x3  }
0x37: {  	[smem:$0x3F9F] =	sst s10  }
0x38: {  	s10 =	sld [smem:$0x3FA0]  }
0x39: {  	_ = 	snop;
	(pc) =	sbr.ind lr, $3  }
0x3a: {  	_ = 	snop  }
0x3b: {  	_ = 	snop  }
0x3c: {  	p2 =	seq.s32 s10, $0x1;
	s10 =	sld [smem:$0x3F9F]  }
0x3d: {  	_ =	shalt  }
0x3e: {  	_ =	shalt  }
0x3f: {  	_ =	shalt  }
0x40: {  	_ =	shalt  }
0x41: {  	_ =	shalt  }
0x42: {  	_ =	shalt  }
0x43: {  	_ =	shalt  }
0x44: {  	_ =	shalt  }
0x45: {  	_ =	shalt  }
0x46: {  	_ =	shalt  }
0x47: {  	_ =	shalt  }
0x48: {  	_ =	shalt  }
0x49: {  	_ =	shalt  }
0x4a: {  	_ =	shalt  }
0x4b: {  	_ =	shalt  }
0x4c: {  	_ =	shalt  }
0x4d: {  	_ =	shalt  }
0x4e: {  	_ =	shalt  }
0x4f: {  	_ =	shalt  }
0x50: {  	_ =	shalt  }
0x51: {  	_ =	shalt  }
0x52: {  	_ =	shalt  }
0x53: {  	_ =	shalt  }
0x54: {  	_ =	shalt  }
0x55: {  	_ =	shalt  }
0x56: {  	_ =	shalt  }
0x57: {  	_ =	shalt  }
0x58: {  	_ =	shalt  }
0x59: {  	_ =	shalt  }
0x5a: {  	_ =	shalt  }
0x5b: {  	_ =	shalt  }
0x5c: {  	_ =	shalt  }
0x5d: {  	_ =	shalt  }
0x5e: {  	_ =	shalt  }
0x5f: {  	_ =	shalt  }
0x60: {  	_ =	shalt  }
0x61: {  	_ =	shalt  }
0x62: {  	_ =	shalt  }
0x63: {  	_ =	shalt  }
0x64: {  	_ =	shalt  }
0x65: {  	_ =	shalt  }
0x66: {  	_ =	shalt  }
0x67: {  	_ =	shalt  }
0x68: {  	_ =	shalt  }
0x69: {  	_ =	shalt  }
0x6a: {  	_ =	shalt  }
0x6b: {  	_ =	shalt  }
0x6c: {  	_ =	shalt  }
0x6d: {  	_ =	shalt  }
0x6e: {  	_ =	shalt  }
0x6f: {  	_ =	shalt  }
0x70: {  	_ =	shalt  }
0x71: {  	_ =	shalt  }
0x72: {  	_ =	shalt  }
0x73: {  	_ =	shalt  }
0x74: {  	_ =	shalt  }
0x75: {  	_ =	shalt  }
0x76: {  	_ =	shalt  }
0x77: {  	_ =	shalt  }
0x78: {  	_ =	shalt  }
0x79: {  	_ =	shalt  }
0x7a: {  	_ =	shalt  }
0x7b: {  	_ =	shalt  }
0x7c: {  	_ =	shalt  }
0x7d: {  	_ =	shalt  }
0x7e: {  	_ =	shalt  }
0x7f: {  	_ =	shalt  }
0x80: {  	_ =	shalt  }
0x81: {  	_ =	shalt  }
0x82: {  	_ =	shalt  }
0x83: {  	_ =	shalt  }
0x84: {  	_ =	shalt  }
0x85: {  	_ =	shalt  }
0x86: {  	_ =	shalt  }
0x87: {  	_ =	shalt  }
.Lfunc_end0:
.L_simem_size_0:
called_computation.2_lowered:
.L_overlay_start_0:
0x88: {  	s2 =	sld [smem:$0x3FD9]  }
0x89: {  	s3 =	sld [smem:$0x3FFE];
	_ =	sdelay $0x1  }
0x8a: {  	s1 =	srdreg.scid  }
0x8b: {  	s0 =	sand.u32 $0x1, s1  }
0x8c: {  	s16 =	sshll.u32 s0, $0xA;
	s2 =	sadd.s32 s3, s2  }
0x8d: {  	s2 =	sadd.s32 s2, s16  }
0x8e: {  	[smem:$0x3FAB] =	sst s2  }
0x8f: {  	_ = 	snop  }
0x90: {  	(tm) =	ssettm $0x1  }
0x91: {  	s17 =	sld [smem:$0x3FFB];
	_ =	sdelay $0x3  }
0x92: {  	_ =	strace s17  }
0x93: {  	s2 =	sld [smem:$0x3FFC];
	_ =	sdelay $0x3  }
0x94: {  	_ =	strace s2  }
0x95: {  	s2 =	sld [smem:$0x3FFD];
	_ =	sdelay $0x3  }
0x96: {  	_ =	strace s2  }
0x97: {  	_ =	strace $0x8FFFFFFF  }
0x98: {  	s18 =	sld [smem:$0x3FDB];
	_ =	sdelay $0x1  }
0x99: {  	s19 =	simm.s32 $_scs_section_size  }
0x9a: {  	s4 =	simm.s32 $_size__tile_overlayer_lowered;
	s5 =	simm.s32 $_tile_overlayer_lowered  }
0x9b: {  	s22 =	simm.s32 $0x1BFF;
	s21 =	sshll.u32 s5, $0x1;
	s2 =	sadd.s32 s19, s18  }
0x9c: {  	s6 =	simm.s32 $0x0;
	s20 =	sshll.u32 s4, $0x1;
	s4 =	sadd.s32 s21, s2  }
0x9d: {  	[timem:s6], [sflag:s22] =	dma.local [hbm:s4], s20  }
0x9e: {  	_ =	swait.ge [sflag:s22], s20  }
0x9f: {  	s3 =	ssub.s32 $0x0, s20;
	[sflag:s22] =	ssyncset.done $0x0  }
0xa0: {  	[sflag:s22] =	ssyncadd.s32 s3;
	_ =	sdelay $0x1  }
0xa1: {  	s23 =	simm.s32 $0x1B8B  }
0xa2: {  	_ =	swait.ge [sflag:s23], $0x1  }
0xa3: {  	[sflag:s23] =	ssyncset.done $0x0  }
0xa4: {  	s25 =	simm.s32 $0x1B8E;
	s24 =	sld [smem:$0x3FFE];
	[sflag:s23] =	ssyncadd.s32 $0xFFFFFFFF  }
0xa5: {  	s26 =	simm.s32 $execute0_lowered;
	[smem:$0x3FD2] =	sst s25  }
0xa6: {  	s4 =	sshll.u32 s26, $0x1;
	_ =	strace $0x8000004C;
	[dreg:$0x1] =	wrdreg $0xFFFFFFFF  }
0xa7: {  	s28 =	simm.s32 $_size_execute0_lowered;
	s2 =	sadd.s32 s2, s4;
	[dreg:$0x0] =	wrdreg $0x0  }
0xa8: {  	s4 =	sshll.u32 s28, $0x1;
	[dreg:$0x2] =	wrdreg s2  }
0xa9: {  	[dreg:$0x3] =	wrdreg s4  }
0xaa: {  	[dreg:$0x4] =	wrdreg $0xC0  }
0xab: {  	_ =	task [dreg:s6], $0x5FFFF  }
0xac: {  	[dreg:$0x1] =	wrdreg $0xFFFFFFFF  }
0xad: {  	[dreg:$0x0] =	wrdreg $0x60  }
0xae: {  	[dreg:$0x2] =	wrdreg s24  }
0xaf: {  	[dreg:$0x3] =	wrdreg $0x9  }
0xb0: {  	_ =	task.clear_ibuf [dreg:s6], $0x4FFFF;
	_ =	strace $0x9000004C  }
0xb1: {  	s29 =	simm.s32 $0x9;
	_ =	strace $0x8000004E  }
0xb2: {  	_ =	swait.ge [sflag:s29], $0x1  }
0xb3: {  	[sflag:s29] =	ssyncadd.s32 $0xFFFFFFFF  }
0xb4: {  	_ =	strace $0x9000004E  }
0xb5: {  	_ =	sfence  }
0xb6: {  	s30 =	sld [smem:$0x0];
	_ =	sdelay $0x2  }
0xb7: {  	s31 =	sshll.u32 s1, $0xD;
	s1 =	sshrl.u32 s1, $0x2  }
0xb8: {  	s3 =	sand.u32 $0x4000, s31;
	s1 =	sadd.s32 s1, s30  }
0xb9: {  	s0 =	sor.u32 s3, s0;
	s1 =	sshll.u32 s1, $0x11  }
0xba: {  	s0 =	sor.u32 s1, s0  }
0xbb: {  	s0 =	sadd.s32 $0x8F2B, s0  }
0xbc: {  	[sflag:s0] =	ssyncadd.remote.s32 $0x1  }
0xbd: {  	_ =	sfence.sel $0xFFFF  }
0xbe: {  	[dreg:$0x0] =	wrdreg $0xFFFFFFFF;
	(pc) =	sbr.abs _section_cstart, $3  }
0xbf: {  	[dreg:$0x1] =	wrdreg $0xFFFFFFFF  }
0xc0: {  	_ =	task.clear_ibuf [dreg:s6], $0x2FFFF;
	_ =	strace $0x9FFFFFFF  }
0xc1: {  	(tm) =	ssettm $0x7FFFFFFF  }
tec
execute0_lowered:
.L_overlay_start_1:
0x0: {  	(tag) =	ssettag $0x1  }
0x1: {  	s1 =	srdreg.scid;
	s0 =	stileid.u32  }
0x2: {  	s28 =	sand.u32 $0x1, s1;
	s31 =	sshll.u32 s0, $0x1  }
0x3: {  	s29 =	sor.u32 s28, s31  }
0x4: {  	s26 =	rddreg [dreg:$0x0];
	s3 =	smul.u32 $0xA0, s29  }
0x5: {  	s2 =	simm.s32 $0x0;
	s1 =	rddreg [dreg:$0x1]  }
0x6: {  	[smem:$0x7FF] =	sst s2;
	s3 =	sadd.s32 s3, s26  }
0x7: {  	_ =	strace $0x8000004D;
	s4 =	sadd.s32 $0x4A00, s3;
	s3 =	simm.s32 $0x2  }
0x8: {  	[tilespmem:s2], [sflag:$0x2] =	stream.linear.gather [hbm4b:s4+s2], $0x500, $0x38;
	[tilespmem:$0xA500] =	vst v63  }
0x9: {  	_ =	swait.ge [sflag:s3], $0x500  }
0xa: {  	s6 =	simm.s32 $0x80;
	[sflag:s3] =	ssyncset.done $0x0  }
0xb: {  	s7 =	simm.s32 $0x500;
	s5 =	sadd.s32 $0x5E00, s26;
	[sflag:s3] =	ssyncadd.s32 $0xFFFFFB00  }
0xc: {  	[tilespmem:s7], [sflag:$0x1] =	stream.indirect.gather [hbm4b:s5+s6], $0x20, s2, s6, $0xb8;
	[tilespmem:$0xA500] =	vst v63  }
0xd: {  	s8 =	simm.s32 $0x1500  }
0xe: {  	[tilespmem:s8], [sflag:$0x1] =	stream.indirect.gather [hbm4b:s5+s6], $0x20, s6, s6, $0xb8;
	[tilespmem:$0xA500] =	vst v63  }
0xf: {  	s9 =	simm.s32 $0x100;
	s10 =	simm.s32 $0x2500  }
0x10: {  	[tilespmem:s10], [sflag:$0x1] =	stream.indirect.gather [hbm4b:s5+s6], $0x20, s9, s6, $0xb8;
	[tilespmem:$0xA500] =	vst v63  }
0x11: {  	s11 =	simm.s32 $0x180;
	s12 =	simm.s32 $0x3500  }
0x12: {  	[tilespmem:s12], [sflag:$0x1] =	stream.indirect.gather [hbm4b:s5+s6], $0x20, s11, s6, $0xb8;
	[tilespmem:$0xA500] =	vst v63  }
0x13: {  	s13 =	simm.s32 $0x200;
	s14 =	simm.s32 $0x4500  }
0x14: {  	[tilespmem:s14], [sflag:$0x1] =	stream.indirect.gather [hbm4b:s5+s6], $0x20, s13, s6, $0xb8;
	[tilespmem:$0xA500] =	vst v63  }
0x15: {  	s15 =	simm.s32 $0x280;
	s16 =	simm.s32 $0x5500  }
0x16: {  	[tilespmem:s16], [sflag:$0x1] =	stream.indirect.gather [hbm4b:s5+s6], $0x20, s15, s6, $0xb8;
	[tilespmem:$0xA500] =	vst v63  }
0x17: {  	s17 =	simm.s32 $0x300;
	s18 =	simm.s32 $0x6500  }
0x18: {  	[tilespmem:s18], [sflag:$0x1] =	stream.indirect.gather [hbm4b:s5+s6], $0x20, s17, s6, $0xb8;
	[tilespmem:$0xA500] =	vst v63  }
0x19: {  	s19 =	simm.s32 $0x380;
	s20 =	simm.s32 $0x7500  }
0x1a: {  	[tilespmem:s20], [sflag:$0x1] =	stream.indirect.gather [hbm4b:s5+s6], $0x20, s19, s6, $0xb8;
	[tilespmem:$0xA500] =	vst v63  }
0x1b: {  	s21 =	simm.s32 $0x400;
	s22 =	simm.s32 $0x8500  }
0x1c: {  	[tilespmem:s22], [sflag:$0x1] =	stream.indirect.gather [hbm4b:s5+s6], $0x20, s21, s6, $0xb8;
	[tilespmem:$0xA500] =	vst v63  }
0x1d: {  	s23 =	simm.s32 $0x480;
	s24 =	simm.s32 $0x9500;
	s25 =	simm.s32 $0x1  }
0x1e: {  	[tilespmem:s24], [sflag:$0x1] =	stream.indirect.gather [hbm4b:s5+s6], $0x20, s23, s6, $0xb8;
	[tilespmem:$0xA500] =	vst v63  }
0x1f: {  	_ =	swait.ge [sflag:s25], $0x1000  }
0x20: {  	[sflag:s25] =	ssyncset.done $0x0  }
0x21: {  	[sflag:s25] =	ssyncadd.s32 $0xFFFFF000  }
0x22: {  	_ =	swait.ge [sflag:s25], $0x1000  }
0x23: {  	[sflag:s25] =	ssyncset.done $0x0  }
0x24: {  	[sflag:s25] =	ssyncadd.s32 $0xFFFFF000  }
0x25: {  	_ =	swait.ge [sflag:s25], $0x1000  }
0x26: {  	[sflag:s25] =	ssyncset.done $0x0  }
0x27: {  	[sflag:s25] =	ssyncadd.s32 $0xFFFFF000  }
0x28: {  	_ =	swait.ge [sflag:s25], $0x1000  }
0x29: {  	[sflag:s25] =	ssyncset.done $0x0  }
0x2a: {  	[sflag:s25] =	ssyncadd.s32 $0xFFFFF000  }
0x2b: {  	_ =	swait.ge [sflag:s25], $0x1000  }
0x2c: {  	[sflag:s25] =	ssyncset.done $0x0  }
0x2d: {  	[sflag:s25] =	ssyncadd.s32 $0xFFFFF000  }
0x2e: {  	_ =	swait.ge [sflag:s25], $0x1000  }
0x2f: {  	[sflag:s25] =	ssyncset.done $0x0  }
0x30: {  	[sflag:s25] =	ssyncadd.s32 $0xFFFFF000  }
0x31: {  	_ =	swait.ge [sflag:s25], $0x1000  }
0x32: {  	[sflag:s25] =	ssyncset.done $0x0  }
0x33: {  	[sflag:s25] =	ssyncadd.s32 $0xFFFFF000  }
0x34: {  	_ =	swait.ge [sflag:s25], $0x1000  }
0x35: {  	[sflag:s25] =	ssyncset.done $0x0  }
0x36: {  	s28 =	ssub.s32 $0x2, s28;
	[sflag:s25] =	ssyncadd.s32 $0xFFFFF000  }
0x37: {  	s30 =	sshrl.u32 s28, $0x1;
	_ =	swait.ge [sflag:s25], $0x1000  }
0x38: {  	s28 =	ssub.s32 s28, s30;
	[sflag:s25] =	ssyncset.done $0x0  }
0x39: {  	s29 =	smul.u32 $0x1400, s29;
	s28 =	smax.u32 s28, $0x1;
	[sflag:s25] =	ssyncadd.s32 $0xFFFFF000  }
0x3a: {  	p0 =	sne.s32 s28, $0x1;
	_ =	swait.ge [sflag:s25], $0x1000  }
.Ltmp0:
0x3b: {  	s26 =	sadd.s32 s29, s26;
	[sflag:s25] =	ssyncset.done $0x0;
	(pc) =	sbr.rel @!p0 .LBB2_2-.Ltmp0, $4  }
0x3c: {  	s26 =	sadd.s32 $0xC0200, s26;
	[sflag:s25] =	ssyncadd.s32 $0xFFFFF000  }
0x3d: {  	[hbm4b:s26+s2] =	stream.linear.scatter [tilespmem:s7], [sflag:$0x2], $0xA000, $0x38;
	[tilespmem:$0xA500] =	vst v63  }
0x3e: {  	_ =	swait.ge [sflag:s3], $0xA000  }
0x3f: {  	s28 =	sadd.s32 $0xFFFFFFFF, s28;
	[sflag:s3] =	ssyncset.done $0x0  }
.LBB2_1:
0x40: {  	p0 =	sne.s32 s28, $0x1;
	s28 =	sadd.s32 $0xFFFFFFFF, s28;
	[sflag:s3] =	ssyncadd.s32 $0xFFFF6000  }
0x41: {  	[tilespmem:s2], [sflag:$0x2] =	stream.linear.gather [hbm4b:s4+s2], $0x500, $0x38;
	[tilespmem:$0xA500] =	vst v63  }
0x42: {  	_ =	swait.ge [sflag:s3], $0x500  }
0x43: {  	[sflag:s3] =	ssyncset.done $0x0  }
0x44: {  	[sflag:s3] =	ssyncadd.s32 $0xFFFFFB00  }
0x45: {  	[tilespmem:s7], [sflag:$0x1] =	stream.indirect.gather [hbm4b:s5+s6], $0x20, s2, s6, $0xb8;
	[tilespmem:$0xA500] =	vst v63  }
0x46: {  	_ = 	snop  }
0x47: {  	[tilespmem:s8], [sflag:$0x1] =	stream.indirect.gather [hbm4b:s5+s6], $0x20, s6, s6, $0xb8;
	[tilespmem:$0xA500] =	vst v63  }
0x48: {  	_ = 	snop  }
0x49: {  	[tilespmem:s10], [sflag:$0x1] =	stream.indirect.gather [hbm4b:s5+s6], $0x20, s9, s6, $0xb8;
	[tilespmem:$0xA500] =	vst v63  }
0x4a: {  	_ = 	snop  }
0x4b: {  	[tilespmem:s12], [sflag:$0x1] =	stream.indirect.gather [hbm4b:s5+s6], $0x20, s11, s6, $0xb8;
	[tilespmem:$0xA500] =	vst v63  }
0x4c: {  	_ = 	snop  }
0x4d: {  	[tilespmem:s14], [sflag:$0x1] =	stream.indirect.gather [hbm4b:s5+s6], $0x20, s13, s6, $0xb8;
	[tilespmem:$0xA500] =	vst v63  }
0x4e: {  	_ = 	snop  }
0x4f: {  	[tilespmem:s16], [sflag:$0x1] =	stream.indirect.gather [hbm4b:s5+s6], $0x20, s15, s6, $0xb8;
	[tilespmem:$0xA500] =	vst v63  }
0x50: {  	_ = 	snop  }
0x51: {  	[tilespmem:s18], [sflag:$0x1] =	stream.indirect.gather [hbm4b:s5+s6], $0x20, s17, s6, $0xb8;
	[tilespmem:$0xA500] =	vst v63  }
0x52: {  	_ = 	snop  }
0x53: {  	[tilespmem:s20], [sflag:$0x1] =	stream.indirect.gather [hbm4b:s5+s6], $0x20, s19, s6, $0xb8;
	[tilespmem:$0xA500] =	vst v63  }
0x54: {  	_ = 	snop  }
0x55: {  	[tilespmem:s22], [sflag:$0x1] =	stream.indirect.gather [hbm4b:s5+s6], $0x20, s21, s6, $0xb8;
	[tilespmem:$0xA500] =	vst v63  }
0x56: {  	_ = 	snop  }
0x57: {  	[tilespmem:s24], [sflag:$0x1] =	stream.indirect.gather [hbm4b:s5+s6], $0x20, s23, s6, $0xb8;
	[tilespmem:$0xA500] =	vst v63  }
0x58: {  	_ =	swait.ge [sflag:s25], $0x1000  }
0x59: {  	[sflag:s25] =	ssyncset.done $0x0  }
0x5a: {  	[sflag:s25] =	ssyncadd.s32 $0xFFFFF000  }
0x5b: {  	_ =	swait.ge [sflag:s25], $0x1000  }
0x5c: {  	[sflag:s25] =	ssyncset.done $0x0  }
0x5d: {  	[sflag:s25] =	ssyncadd.s32 $0xFFFFF000  }
0x5e: {  	_ =	swait.ge [sflag:s25], $0x1000  }
0x5f: {  	[sflag:s25] =	ssyncset.done $0x0  }
0x60: {  	[sflag:s25] =	ssyncadd.s32 $0xFFFFF000  }
0x61: {  	_ =	swait.ge [sflag:s25], $0x1000  }
0x62: {  	[sflag:s25] =	ssyncset.done $0x0  }
0x63: {  	[sflag:s25] =	ssyncadd.s32 $0xFFFFF000  }
0x64: {  	_ =	swait.ge [sflag:s25], $0x1000  }
0x65: {  	[sflag:s25] =	ssyncset.done $0x0  }
0x66: {  	[sflag:s25] =	ssyncadd.s32 $0xFFFFF000  }
0x67: {  	_ =	swait.ge [sflag:s25], $0x1000  }
0x68: {  	[sflag:s25] =	ssyncset.done $0x0  }
0x69: {  	[sflag:s25] =	ssyncadd.s32 $0xFFFFF000  }
0x6a: {  	_ =	swait.ge [sflag:s25], $0x1000  }
0x6b: {  	[sflag:s25] =	ssyncset.done $0x0  }
0x6c: {  	[sflag:s25] =	ssyncadd.s32 $0xFFFFF000  }
0x6d: {  	_ =	swait.ge [sflag:s25], $0x1000  }
0x6e: {  	[sflag:s25] =	ssyncset.done $0x0  }
0x6f: {  	[sflag:s25] =	ssyncadd.s32 $0xFFFFF000  }
0x70: {  	_ =	swait.ge [sflag:s25], $0x1000  }
0x71: {  	[sflag:s25] =	ssyncset.done $0x0  }
0x72: {  	[sflag:s25] =	ssyncadd.s32 $0xFFFFF000  }
0x73: {  	_ =	swait.ge [sflag:s25], $0x1000  }
.Ltmp1:
0x74: {  	[sflag:s25] =	ssyncset.done $0x0;
	(pc) =	sbr.rel @p0 .LBB2_1-.Ltmp1, $4  }
0x75: {  	[sflag:s25] =	ssyncadd.s32 $0xFFFFF000  }
0x76: {  	[hbm4b:s26+s2] =	stream.linear.scatter [tilespmem:s7], [sflag:$0x2], $0xA000, $0x38;
	[tilespmem:$0xA500] =	vst v63  }
0x77: {  	_ =	swait.ge [sflag:s3], $0xA000  }
0x78: {  	[sflag:s3] =	ssyncset.done $0x0  }
.LBB2_2:
0x79: {  	[sflag:s3] =	ssyncadd.s32 $0xFFFF6000  }
0x7a: {  	_ =	sfence.sel $0x180000  }
0x7b: {  	[bflag:$0x0] =	sbarrier.arrive $0xFFFF  }
0x7c: {  	p0 =	sne.s32 s0, $0x0;
	_ =	strace $0x9000004D  }
0x7d: {  	s0 =	sadd.s32 @!p0 $0x100000, s1;
	[bflag:$0x2] =	sbarrier.arrive $0xFFFF  }
0x7e: {  	[sflag:s0] =	ssyncadd.tile.s32 @!p0 $0x1;
	_ =	shalt  }
.Lfunc_end2:
_tile_overlayer_lowered:
.L_overlay_start_2:
0x7f: {  	(tag) =	ssettag $0x2  }
0x80: {  	s0 =	rddreg [dreg:$0x0];
	s2 =	stileid.u32  }
0x81: {  	s1 =	rddreg [dreg:$0x1];
	p0 =	sne.s32 s2, $0x0  }
0x82: {  	s3 =	rddreg [dreg:$0x2];
	[bflag:$0x3] =	sbarrier.arrive $0xFFFF;
	s2 =	simm.s32 @!p0 $0x1C02  }
0x83: {  	[timem:s3], [sflag:s2] =	dma.local @!p0 [hbm:s0], s1  }
0x84: {  	s0 =	simm.s32 @!p0 $0x2  }
0x85: {  	_ =	swait.ge @!p0 [sflag:s0], s1  }
0x86: {  	s1 =	ssub.s32 @!p0 $0x0, s1;
	[sflag:s0] =	ssyncset.done @!p0 $0x0  }
0x87: {  	[sflag:s0] =	ssyncadd.s32 @!p0 s1  }
0x88: {  	[bflag:$0x3] =	sbarrier.arrive $0xFFFF  }
0x89: {  	_ =	shalt  }

// kernel: kernel.24.cloned.1.call-start
scs
__scs_entry_jumppad:
0x0: {  	(pc) =	sbr.rel $0x88, $3  }
0x1: {  	(tag) =	ssettag $0x0;
	lr =	simm.s32 $0x1  }
0x2: {  	[smem:$0x3F84] =	sst lr;
	_ =	strace $0xD0000000  }
0x3: {  	_ = 	snop  }
0x4: {  	_ = 	snop  }
0x5: {  	_ = 	snop  }
0x6: {  	_ = 	snop  }
0x7: {  	_ = 	snop  }
__scs_overlays_trampoline_lowered:
0x8: {  	[smem:$0x3F93] =	sst s0  }
0x9: {  	[smem:$0x3F94] =	sst s1  }
0xa: {  	[smem:$0x3F95] =	sst s2  }
0xb: {  	[smem:$0x3F96] =	sst s3  }
0xc: {  	[smem:$0x3F97] =	sst s4  }
0xd: {  	[smem:$0x3F98] =	sst s5  }
0xe: {  	[smem:$0x3F99] =	sst s6  }
0xf: {  	[smem:$0x3F9A] =	sst s7  }
0x10: {  	[smem:$0x3F9B] =	sst s8  }
0x11: {  	[smem:$0x3F9C] =	sst s9;
	s0 =	simm.s32 @!p0 $0x0  }
0x12: {  	s1 =	sld [smem:$0x3F82];
	s0 =	simm.s32 @p0 $0x1  }
0x13: {  	[smem:$0x3F9D] =	sst s0;
	s0 =	simm.s32 @!p1 $0x0  }
0x14: {  	s2 =	sld [smem:$0x3F81];
	s0 =	simm.s32 @p1 $0x1  }
0x15: {  	[smem:$0x3F9E] =	sst s0;
	s0 =	simm.s32 @!p2 $0x0  }
0x16: {  	s3 =	sld [smem:$0x3FDB];
	s0 =	simm.s32 @p2 $0x1  }
0x17: {  	s4 =	simm.s32 $0x1BF5;
	[smem:$0x3FA0] =	sst s0  }
0x18: {  	s0 =	sld [smem:$0x3F83];
	_ =	swait.ge [sflag:s4], $0x0  }
0x19: {  	s7 =	sld [smem:$0x3F84]  }
0x1a: {  	s8 =	sadd.s32 $0xFFFFE003, lr  }
0x1b: {  	s9 =	sadd.s32 $0xFFFFFEF7, lr;
	s5 =	simm.s32 $0xFFFFFFFF;
	p2 =	slt.u32 s8, $0xFFFFF086  }
0x1c: {  	p1 =	slt.u32 s9, $0xF7A;
	s5 =	simm.s32 @!p2 $0x0  }
0x1d: {  	s5 =	simm.s32 @p1 $0x1;
	p0 =	seq.s32 s7, s2  }
0x1e: {  	s7 =	smul.u32 @!p0 $0xF7A, s2;
	p2 =	seq.s32 @!p0 s5, $0x0  }
0x1f: {  	s9 =	smul.u32 $0xF7A, s1;
	s8 =	simm.s32 @!p0 $0x1BF5;
	p2 =	por !p2, p0  }
0x20: {  	[sflag:s8] =	ssyncset.s32 @!p0 $0xFFFFF086;
	s6 =	sadd.s32 @!p0 s3, s7;
	s7 =	simm.s32 @!p0 $0x108  }
0x21: {  	s3 =	sadd.s32 s3, s9;
	s6 =	sadd.s32 @!p0 $0x88, s6;
	s7 =	simm.s32 @p2 $0x1082  }
0x22: {  	[simem:s7], [sflag:s8] =	dma.local @!p0 [hbm:s6], $0xF7A  }
0x23: {  	s9 =	sor.u32 $0xD0000000, s2;
	s6 =	simm.s32 $0x108;
	_ =	swait.ge @!p0 [sflag:s8], $0x0  }
0x24: {  	s3 =	sadd.s32 $0x88, s3;
	s6 =	simm.s32 @!p1 $0x1082;
	[sflag:s4] =	ssyncset.s32 $0xFFFFF086  }
0x25: {  	[simem:s6], [sflag:s4] =	dma.local [hbm:s3], $0xF7A  }
0x26: {  	[smem:$0x3F84] =	sst s1;
	(tag) =	ssettag s2;
	_ =	strace s9  }
0x27: {  	s1 =	sld [smem:$0x3F94]  }
0x28: {  	s2 =	sld [smem:$0x3F95]  }
0x29: {  	s4 =	sld [smem:$0x3F97]  }
0x2a: {  	p0 =	seq.s32 s5, $0x0;
	s5 =	sld [smem:$0x3F98]  }
0x2b: {  	s6 =	sld [smem:$0x3F99]  }
0x2c: {  	s7 =	sld [smem:$0x3F9A]  }
0x2d: {  	s3 =	simm.s32 $0x108;
	s8 =	sld [smem:$0x3F9B]  }
0x2e: {  	s3 =	simm.s32 @!p0 $0x1082;
	s9 =	sld [smem:$0x3F9C]  }
0x2f: {  	lr =	sadd.s32 s0, s3;
	s0 =	sld [smem:$0x3F93]  }
0x30: {  	s3 =	sld [smem:$0x3F96]  }
0x31: {  	[smem:$0x3F9F] =	sst s10  }
0x32: {  	s10 =	sld [smem:$0x3F9D];
	_ =	sdelay $0x3  }
0x33: {  	p0 =	seq.s32 s10, $0x1;
	s10 =	sld [smem:$0x3F9F];
	_ =	sdelay $0x3  }
0x34: {  	[smem:$0x3F9F] =	sst s10  }
0x35: {  	s10 =	sld [smem:$0x3F9E];
	_ =	sdelay $0x3  }
0x36: {  	p1 =	seq.s32 s10, $0x1;
	s10 =	sld [smem:$0x3F9F];
	_ =	sdelay $0x3  }
0x37: {  	[smem:$0x3F9F] =	sst s10  }
0x38: {  	s10 =	sld [smem:$0x3FA0]  }
0x39: {  	_ = 	snop;
	(pc) =	sbr.ind lr, $3  }
0x3a: {  	_ = 	snop  }
0x3b: {  	_ = 	snop  }
0x3c: {  	p2 =	seq.s32 s10, $0x1;
	s10 =	sld [smem:$0x3F9F]  }
0x3d: {  	_ =	shalt  }
0x3e: {  	_ =	shalt  }
0x3f: {  	_ =	shalt  }
0x40: {  	_ =	shalt  }
0x41: {  	_ =	shalt  }
0x42: {  	_ =	shalt  }
0x43: {  	_ =	shalt  }
0x44: {  	_ =	shalt  }
0x45: {  	_ =	shalt  }
0x46: {  	_ =	shalt  }
0x47: {  	_ =	shalt  }
0x48: {  	_ =	shalt  }
0x49: {  	_ =	shalt  }
0x4a: {  	_ =	shalt  }
0x4b: {  	_ =	shalt  }
0x4c: {  	_ =	shalt  }
0x4d: {  	_ =	shalt  }
0x4e: {  	_ =	shalt  }
0x4f: {  	_ =	shalt  }
0x50: {  	_ =	shalt  }
0x51: {  	_ =	shalt  }
0x52: {  	_ =	shalt  }
0x53: {  	_ =	shalt  }
0x54: {  	_ =	shalt  }
0x55: {  	_ =	shalt  }
0x56: {  	_ =	shalt  }
0x57: {  	_ =	shalt  }
0x58: {  	_ =	shalt  }
0x59: {  	_ =	shalt  }
0x5a: {  	_ =	shalt  }
0x5b: {  	_ =	shalt  }
0x5c: {  	_ =	shalt  }
0x5d: {  	_ =	shalt  }
0x5e: {  	_ =	shalt  }
0x5f: {  	_ =	shalt  }
0x60: {  	_ =	shalt  }
0x61: {  	_ =	shalt  }
0x62: {  	_ =	shalt  }
0x63: {  	_ =	shalt  }
0x64: {  	_ =	shalt  }
0x65: {  	_ =	shalt  }
0x66: {  	_ =	shalt  }
0x67: {  	_ =	shalt  }
0x68: {  	_ =	shalt  }
0x69: {  	_ =	shalt  }
0x6a: {  	_ =	shalt  }
0x6b: {  	_ =	shalt  }
0x6c: {  	_ =	shalt  }
0x6d: {  	_ =	shalt  }
0x6e: {  	_ =	shalt  }
0x6f: {  	_ =	shalt  }
0x70: {  	_ =	shalt  }
0x71: {  	_ =	shalt  }
0x72: {  	_ =	shalt  }
0x73: {  	_ =	shalt  }
0x74: {  	_ =	shalt  }
0x75: {  	_ =	shalt  }
0x76: {  	_ =	shalt  }
0x77: {  	_ =	shalt  }
0x78: {  	_ =	shalt  }
0x79: {  	_ =	shalt  }
0x7a: {  	_ =	shalt  }
0x7b: {  	_ =	shalt  }
0x7c: {  	_ =	shalt  }
0x7d: {  	_ =	shalt  }
0x7e: {  	_ =	shalt  }
0x7f: {  	_ =	shalt  }
0x80: {  	_ =	shalt  }
0x81: {  	_ =	shalt  }
0x82: {  	_ =	shalt  }
0x83: {  	_ =	shalt  }
0x84: {  	_ =	shalt  }
0x85: {  	_ =	shalt  }
0x86: {  	_ =	shalt  }
0x87: {  	_ =	shalt  }
.Lfunc_end0:
.L_simem_size_0:
called_computation.3_lowered:
.L_overlay_start_0:
0x88: {  	s2 =	sld [smem:$0x3FD9]  }
0x89: {  	s3 =	sld [smem:$0x3FFE];
	_ =	sdelay $0x1  }
0x8a: {  	s1 =	srdreg.scid  }
0x8b: {  	s0 =	sand.u32 $0x1, s1  }
0x8c: {  	s16 =	sshll.u32 s0, $0xA;
	s2 =	sadd.s32 s3, s2  }
0x8d: {  	s2 =	sadd.s32 s2, s16  }
0x8e: {  	[smem:$0x3FAB] =	sst s2  }
0x8f: {  	_ = 	snop  }
0x90: {  	(tm) =	ssettm $0x1  }
0x91: {  	s17 =	sld [smem:$0x3FFB];
	_ =	sdelay $0x3  }
0x92: {  	_ =	strace s17  }
0x93: {  	s2 =	sld [smem:$0x3FFC];
	_ =	sdelay $0x3  }
0x94: {  	_ =	strace s2  }
0x95: {  	s2 =	sld [smem:$0x3FFD];
	_ =	sdelay $0x3  }
0x96: {  	_ =	strace s2  }
0x97: {  	_ =	strace $0x8FFFFFFF  }
0x98: {  	s18 =	sld [smem:$0x3FDB];
	_ =	sdelay $0x1  }
0x99: {  	s19 =	simm.s32 $_scs_section_size  }
0x9a: {  	s4 =	simm.s32 $_size__tile_overlayer_lowered;
	s5 =	simm.s32 $_tile_overlayer_lowered  }
0x9b: {  	s22 =	simm.s32 $0x1BFF;
	s21 =	sshll.u32 s5, $0x1;
	s2 =	sadd.s32 s19, s18  }
0x9c: {  	s6 =	simm.s32 $0x0;
	s20 =	sshll.u32 s4, $0x1;
	s4 =	sadd.s32 s21, s2  }
0x9d: {  	[timem:s6], [sflag:s22] =	dma.local [hbm:s4], s20  }
0x9e: {  	_ =	swait.ge [sflag:s22], s20  }
0x9f: {  	s3 =	ssub.s32 $0x0, s20;
	[sflag:s22] =	ssyncset.done $0x0  }
0xa0: {  	[sflag:s22] =	ssyncadd.s32 s3;
	_ =	sdelay $0x1  }
0xa1: {  	s23 =	simm.s32 $0x1B8B  }
0xa2: {  	_ =	swait.ge [sflag:s23], $0x1  }
0xa3: {  	[sflag:s23] =	ssyncset.done $0x0  }
0xa4: {  	s25 =	simm.s32 $0x1B8E;
	s24 =	sld [smem:$0x3FFE];
	[sflag:s23] =	ssyncadd.s32 $0xFFFFFFFF  }
0xa5: {  	s26 =	simm.s32 $execute0_lowered;
	[smem:$0x3FD2] =	sst s25  }
0xa6: {  	s4 =	sshll.u32 s26, $0x1;
	_ =	strace $0x8000004F;
	[dreg:$0x1] =	wrdreg $0xFFFFFFFF  }
0xa7: {  	s28 =	simm.s32 $_size_execute0_lowered;
	s2 =	sadd.s32 s2, s4;
	[dreg:$0x0] =	wrdreg $0x0  }
0xa8: {  	s4 =	sshll.u32 s28, $0x1;
	[dreg:$0x2] =	wrdreg s2  }
0xa9: {  	[dreg:$0x3] =	wrdreg s4  }
0xaa: {  	[dreg:$0x4] =	wrdreg $0xC0  }
0xab: {  	_ =	task [dreg:s6], $0x5FFFF  }
0xac: {  	[dreg:$0x1] =	wrdreg $0xFFFFFFFF  }
0xad: {  	[dreg:$0x0] =	wrdreg $0x60  }
0xae: {  	[dreg:$0x2] =	wrdreg s24  }
0xaf: {  	[dreg:$0x3] =	wrdreg $0x145000  }
0xb0: {  	[dreg:$0x4] =	wrdreg $0x9  }
0xb1: {  	_ =	task.clear_ibuf [dreg:s6], $0x5FFFF;
	_ =	strace $0x9000004F  }
0xb2: {  	s29 =	simm.s32 $0x9;
	_ =	strace $0x80000051  }
0xb3: {  	_ =	swait.ge [sflag:s29], $0x1  }
0xb4: {  	[sflag:s29] =	ssyncadd.s32 $0xFFFFFFFF  }
0xb5: {  	_ =	strace $0x90000051  }
0xb6: {  	_ =	sfence  }
0xb7: {  	s30 =	sld [smem:$0x0];
	_ =	sdelay $0x2  }
0xb8: {  	s31 =	sshll.u32 s1, $0xD;
	s1 =	sshrl.u32 s1, $0x2  }
0xb9: {  	s3 =	sand.u32 $0x4000, s31;
	s1 =	sadd.s32 s1, s30  }
0xba: {  	s0 =	sor.u32 s3, s0;
	s1 =	sshll.u32 s1, $0x11  }
0xbb: {  	s0 =	sor.u32 s1, s0  }
0xbc: {  	s0 =	sadd.s32 $0x8F2B, s0  }
0xbd: {  	[sflag:s0] =	ssyncadd.remote.s32 $0x1  }
0xbe: {  	_ =	sfence.sel $0xFFFF  }
0xbf: {  	[dreg:$0x0] =	wrdreg $0xFFFFFFFF;
	(pc) =	sbr.abs _section_cstart, $3  }
0xc0: {  	[dreg:$0x1] =	wrdreg $0xFFFFFFFF  }
0xc1: {  	_ =	task.clear_ibuf [dreg:s6], $0x2FFFF;
	_ =	strace $0x9FFFFFFF  }
0xc2: {  	(tm) =	ssettm $0x7FFFFFFF  }
0xc3: {  	_ =	shalt  }
tec
execute0_lowered:
.L_overlay_start_1:
0x0: {  	(tag) =	ssettag $0x1  }
0x1: {  	s30 =	rddreg [dreg:$0x0]  }
0x2: {  	s2 =	rddreg [dreg:$0x1]  }
0x3: {  	s1 =	stileid.u32;
	s0 =	srdreg.scid;
	s3 =	simm.s32 $0x0  }
0x4: {  	s4 =	smul.u32 $0xA000, s1;
	s0 =	sand.u32 $0x1, s0;
	s5 =	sshll.u32 s1, $0x1  }
0x5: {  	[smem:$0x7FF] =	sst s3;
	s25 =	sshll.u32 s1, $0x6;
	s8 =	sor.u32 s0, s5  }
0x6: {  	_ =	strace $0x80000050;
	s5 =	sor.u32 $0x1C01, s25;
	s31 =	sshrl.u32 s4, $0x3  }
0x7: {  	s9 =	smul.u32 $0xA0, s8;
	s6 =	sadd.s32 s4, s2;
	s24 =	sadd.s32 s31, s30  }
0x8: {  	s7 =	sshrl.u32 s6, $0x3;
	s6 =	simm.s32 $0x1;
	s4 =	sadd.s32 $0x5E00, s24  }
0x9: {  	[spmem:s7], [sflag:s5] =	dma.local [hbm:s4], $0x1400  }
0xa: {  	_ =	swait.ge [sflag:s6], $0x1400  }
0xb: {  	s9 =	sadd.s32 s9, s30;
	[sflag:s6] =	ssyncset.done $0x0  }
0xc: {  	s10 =	smul.u32 $0x2800, s8;
	s8 =	sadd.s32 $0xBEE00, s9;
	[sflag:s6] =	ssyncadd.s32 $0xFFFFEC00  }
0xd: {  	[tilespmem:s3], [sflag:$0x1] =	stream.linear.gather [hbm4b:s8+s3], $0x500, $0x38;
	[tilespmem:$0x1E500] =	vst v63  }
0xe: {  	_ =	swait.ge [sflag:s6], $0x500  }
0xf: {  	s26 =	sadd.s32 s10, s30;
	[sflag:s6] =	ssyncset.done $0x0  }
0x10: {  	s10 =	simm.s32 $0x500;
	s9 =	sadd.s32 $0xC0200, s26;
	[sflag:s6] =	ssyncadd.s32 $0xFFFFFB00  }
0x11: {  	[tilespmem:s10], [sflag:$0x1] =	stream.linear.gather [hbm4b:s9+s3], $0x14000, $0x38;
	[tilespmem:$0x1E500] =	vst v63  }
0x12: {  	_ =	swait.ge [sflag:s6], $0x14000  }
0x13: {  	[sflag:s6] =	ssyncset.done $0x0  }
0x14: {  	[sflag:s6] =	ssyncadd.s32 $0xFFFEC000  }
0x15: {  	s11 =	simm.s32 $0x80;
	[bflag:$0x0] =	sbarrier.arrive $0xFFFF  }
0x16: {  	[spmem:s2] =	stream.indirect.scatter.add.f32 [tilespmem:s10], [sflag:$0x1], $0x40, s3, s11, $0xb8;
	[tilespmem:$0x1E500] =	vst v63  }
0x17: {  	_ =	swait.ge [sflag:s6], $0x2000  }
0x18: {  	[sflag:s6] =	ssyncset.done $0x0  }
0x19: {  	s12 =	simm.s32 $0x2500;
	[sflag:s6] =	ssyncadd.s32 $0xFFFFE000  }
0x1a: {  	[spmem:s2] =	stream.indirect.scatter.add.f32 [tilespmem:s12], [sflag:$0x1], $0x40, s11, s11, $0xb8;
	[tilespmem:$0x1E500] =	vst v63  }
0x1b: {  	_ =	swait.ge [sflag:s6], $0x2000  }
0x1c: {  	[sflag:s6] =	ssyncset.done $0x0  }
0x1d: {  	s13 =	simm.s32 $0x100;
	s14 =	simm.s32 $0x4500;
	[sflag:s6] =	ssyncadd.s32 $0xFFFFE000  }
0x1e: {  	[spmem:s2] =	stream.indirect.scatter.add.f32 [tilespmem:s14], [sflag:$0x1], $0x40, s13, s11, $0xb8;
	[tilespmem:$0x1E500] =	vst v63  }
0x1f: {  	_ =	swait.ge [sflag:s6], $0x2000  }
0x20: {  	[sflag:s6] =	ssyncset.done $0x0  }
0x21: {  	s15 =	simm.s32 $0x180;
	s16 =	simm.s32 $0x6500;
	[sflag:s6] =	ssyncadd.s32 $0xFFFFE000  }
0x22: {  	[spmem:s2] =	stream.indirect.scatter.add.f32 [tilespmem:s16], [sflag:$0x1], $0x40, s15, s11, $0xb8;
	[tilespmem:$0x1E500] =	vst v63  }
0x23: {  	_ =	swait.ge [sflag:s6], $0x2000  }
0x24: {  	[sflag:s6] =	ssyncset.done $0x0  }
0x25: {  	s17 =	simm.s32 $0x200;
	s18 =	simm.s32 $0x8500;
	[sflag:s6] =	ssyncadd.s32 $0xFFFFE000  }
0x26: {  	[spmem:s2] =	stream.indirect.scatter.add.f32 [tilespmem:s18], [sflag:$0x1], $0x40, s17, s11, $0xb8;
	[tilespmem:$0x1E500] =	vst v63  }
0x27: {  	_ =	swait.ge [sflag:s6], $0x2000  }
0x28: {  	[sflag:s6] =	ssyncset.done $0x0  }
0x29: {  	s19 =	simm.s32 $0x280;
	s20 =	simm.s32 $0xA500;
	[sflag:s6] =	ssyncadd.s32 $0xFFFFE000  }
0x2a: {  	[spmem:s2] =	stream.indirect.scatter.add.f32 [tilespmem:s20], [sflag:$0x1], $0x40, s19, s11, $0xb8;
	[tilespmem:$0x1E500] =	vst v63  }
0x2b: {  	_ =	swait.ge [sflag:s6], $0x2000  }
0x2c: {  	[sflag:s6] =	ssyncset.done $0x0  }
0x2d: {  	s21 =	simm.s32 $0x300;
	s22 =	simm.s32 $0xC500;
	[sflag:s6] =	ssyncadd.s32 $0xFFFFE000  }
0x2e: {  	[spmem:s2] =	stream.indirect.scatter.add.f32 [tilespmem:s22], [sflag:$0x1], $0x40, s21, s11, $0xb8;
	[tilespmem:$0x1E500] =	vst v63  }
0x2f: {  	_ =	swait.ge [sflag:s6], $0x2000  }
0x30: {  	[sflag:s6] =	ssyncset.done $0x0  }
0x31: {  	s23 =	simm.s32 $0x380;
	s24 =	simm.s32 $0xE500;
	[sflag:s6] =	ssyncadd.s32 $0xFFFFE000  }
0x32: {  	[spmem:s2] =	stream.indirect.scatter.add.f32 [tilespmem:s24], [sflag:$0x1], $0x40, s23, s11, $0xb8;
	[tilespmem:$0x1E500] =	vst v63  }
0x33: {  	_ =	swait.ge [sflag:s6], $0x2000  }
0x34: {  	s25 =	simm.s32 $0x400;
	[sflag:s6] =	ssyncset.done $0x0  }
0x35: {  	s1 =	smul.u32 $0x14000, s0;
	s26 =	simm.s32 $0x10500;
	[sflag:s6] =	ssyncadd.s32 $0xFFFFE000  }
0x36: {  	[spmem:s2] =	stream.indirect.scatter.add.f32 [tilespmem:s26], [sflag:$0x1], $0x40, s25, s11, $0xb8;
	[tilespmem:$0x1E500] =	vst v63  }
0x37: {  	s28 =	simm.s32 $0x480;
	s0 =	ssub.s32 $0x2, s0;
	_ =	swait.ge [sflag:s6], $0x2000  }
0x38: {  	s1 =	sadd.s32 s1, s30;
	s30 =	sshrl.u32 s0, $0x1;
	[sflag:s6] =	ssyncset.done $0x0  }
0x39: {  	s29 =	simm.s32 $0x12500;
	s0 =	ssub.s32 s0, s30;
	[sflag:s6] =	ssyncadd.s32 $0xFFFFE000  }
0x3a: {  	[spmem:s2] =	stream.indirect.scatter.add.f32 [tilespmem:s29], [sflag:$0x1], $0x40, s28, s11, $0xb8;
	[tilespmem:$0x1E500] =	vst v63  }
0x3b: {  	s0 =	smax.u32 s0, $0x1;
	_ =	swait.ge [sflag:s6], $0x2000  }
0x3c: {  	p0 =	sne.s32 s0, $0x1;
	[sflag:s6] =	ssyncset.done $0x0  }
.Ltmp0:
0x3d: {  	s1 =	sadd.s32 $0x110200, s1;
	[sflag:s6] =	ssyncadd.s32 $0xFFFFE000;
	(pc) =	sbr.rel @!p0 .LBB2_2-.Ltmp0, $4  }
0x3e: {  	s30 =	sadd.s32 s31, s1;
	[bflag:$0x0] =	sbarrier.arrive $0xFFFF  }
0x3f: {  	[hbm:s30], [sflag:s5] =	dma.local [spmem:s7], $0x1400  }
0x40: {  	_ =	swait.ge [sflag:s6], $0x1400  }
0x41: {  	s31 =	sadd.s32 $0xFFFFFFFF, s0;
	[sflag:s6] =	ssyncset.done $0x0  }
.LBB2_1:
0x42: {  	p0 =	sne.s32 s31, $0x1;
	s31 =	sadd.s32 $0xFFFFFFFF, s31;
	[sflag:s6] =	ssyncadd.s32 $0xFFFFEC00  }
0x43: {  	[spmem:s7], [sflag:s5] =	dma.local [hbm:s4], $0x1400  }
0x44: {  	_ =	swait.ge [sflag:s6], $0x1400  }
0x45: {  	[sflag:s6] =	ssyncset.done $0x0  }
0x46: {  	[sflag:s6] =	ssyncadd.s32 $0xFFFFEC00  }
0x47: {  	[tilespmem:s3], [sflag:$0x1] =	stream.linear.gather [hbm4b:s8+s3], $0x500, $0x38;
	[tilespmem:$0x1E500] =	vst v63  }
0x48: {  	_ =	swait.ge [sflag:s6], $0x500  }
0x49: {  	[sflag:s6] =	ssyncset.done $0x0  }
0x4a: {  	[sflag:s6] =	ssyncadd.s32 $0xFFFFFB00  }
0x4b: {  	[tilespmem:s10], [sflag:$0x1] =	stream.linear.gather [hbm4b:s9+s3], $0x14000, $0x38;
	[tilespmem:$0x1E500] =	vst v63  }
0x4c: {  	_ =	swait.ge [sflag:s6], $0x14000  }
0x4d: {  	[sflag:s6] =	ssyncset.done $0x0  }
0x4e: {  	[sflag:s6] =	ssyncadd.s32 $0xFFFEC000  }
0x4f: {  	[bflag:$0x0] =	sbarrier.arrive $0xFFFF  }
0x50: {  	[spmem:s2] =	stream.indirect.scatter.add.f32 [tilespmem:s10], [sflag:$0x1], $0x40, s3, s11, $0xb8;
	[tilespmem:$0x1E500] =	vst v63  }
0x51: {  	_ =	swait.ge [sflag:s6], $0x2000  }
0x52: {  	[sflag:s6] =	ssyncset.done $0x0  }
0x53: {  	[sflag:s6] =	ssyncadd.s32 $0xFFFFE000  }
0x54: {  	[spmem:s2] =	stream.indirect.scatter.add.f32 [tilespmem:s12], [sflag:$0x1], $0x40, s11, s11, $0xb8;
	[tilespmem:$0x1E500] =	vst v63  }
0x55: {  	_ =	swait.ge [sflag:s6], $0x2000  }
0x56: {  	[sflag:s6] =	ssyncset.done $0x0  }
0x57: {  	[sflag:s6] =	ssyncadd.s32 $0xFFFFE000  }
0x58: {  	[spmem:s2] =	stream.indirect.scatter.add.f32 [tilespmem:s14], [sflag:$0x1], $0x40, s13, s11, $0xb8;
	[tilespmem:$0x1E500] =	vst v63  }
0x59: {  	_ =	swait.ge [sflag:s6], $0x2000  }
0x5a: {  	[sflag:s6] =	ssyncset.done $0x0  }
0x5b: {  	[sflag:s6] =	ssyncadd.s32 $0xFFFFE000  }
0x5c: {  	[spmem:s2] =	stream.indirect.scatter.add.f32 [tilespmem:s16], [sflag:$0x1], $0x40, s15, s11, $0xb8;
	[tilespmem:$0x1E500] =	vst v63  }
0x5d: {  	_ =	swait.ge [sflag:s6], $0x2000  }
0x5e: {  	[sflag:s6] =	ssyncset.done $0x0  }
0x5f: {  	[sflag:s6] =	ssyncadd.s32 $0xFFFFE000  }
0x60: {  	[spmem:s2] =	stream.indirect.scatter.add.f32 [tilespmem:s18], [sflag:$0x1], $0x40, s17, s11, $0xb8;
	[tilespmem:$0x1E500] =	vst v63  }
0x61: {  	_ =	swait.ge [sflag:s6], $0x2000  }
0x62: {  	[sflag:s6] =	ssyncset.done $0x0  }
0x63: {  	[sflag:s6] =	ssyncadd.s32 $0xFFFFE000  }
0x64: {  	[spmem:s2] =	stream.indirect.scatter.add.f32 [tilespmem:s20], [sflag:$0x1], $0x40, s19, s11, $0xb8;
	[tilespmem:$0x1E500] =	vst v63  }
0x65: {  	_ =	swait.ge [sflag:s6], $0x2000  }
0x66: {  	[sflag:s6] =	ssyncset.done $0x0  }
0x67: {  	[sflag:s6] =	ssyncadd.s32 $0xFFFFE000  }
0x68: {  	[spmem:s2] =	stream.indirect.scatter.add.f32 [tilespmem:s22], [sflag:$0x1], $0x40, s21, s11, $0xb8;
	[tilespmem:$0x1E500] =	vst v63  }
0x69: {  	_ =	swait.ge [sflag:s6], $0x2000  }
0x6a: {  	[sflag:s6] =	ssyncset.done $0x0  }
0x6b: {  	[sflag:s6] =	ssyncadd.s32 $0xFFFFE000  }
0x6c: {  	[spmem:s2] =	stream.indirect.scatter.add.f32 [tilespmem:s24], [sflag:$0x1], $0x40, s23, s11, $0xb8;
	[tilespmem:$0x1E500] =	vst v63  }
0x6d: {  	_ =	swait.ge [sflag:s6], $0x2000  }
0x6e: {  	[sflag:s6] =	ssyncset.done $0x0  }
0x6f: {  	[sflag:s6] =	ssyncadd.s32 $0xFFFFE000  }
0x70: {  	[spmem:s2] =	stream.indirect.scatter.add.f32 [tilespmem:s26], [sflag:$0x1], $0x40, s25, s11, $0xb8;
	[tilespmem:$0x1E500] =	vst v63  }
0x71: {  	_ =	swait.ge [sflag:s6], $0x2000  }
0x72: {  	[sflag:s6] =	ssyncset.done $0x0  }
0x73: {  	[sflag:s6] =	ssyncadd.s32 $0xFFFFE000  }
0x74: {  	[spmem:s2] =	stream.indirect.scatter.add.f32 [tilespmem:s29], [sflag:$0x1], $0x40, s28, s11, $0xb8;
	[tilespmem:$0x1E500] =	vst v63  }
0x75: {  	_ =	swait.ge [sflag:s6], $0x2000  }
0x76: {  	[sflag:s6] =	ssyncset.done $0x0  }
.Ltmp1:
0x77: {  	[sflag:s6] =	ssyncadd.s32 $0xFFFFE000;
	(pc) =	sbr.rel @p0 .LBB2_1-.Ltmp1, $4  }
0x78: {  	[bflag:$0x0] =	sbarrier.arrive $0xFFFF  }
0x79: {  	[hbm:s30], [sflag:s5] =	dma.local [spmem:s7], $0x1400  }
0x7a: {  	_ =	swait.ge [sflag:s6], $0x1400  }
0x7b: {  	[sflag:s6] =	ssyncset.done $0x0  }
.LBB2_2:
0x7c: {  	[sflag:s6] =	ssyncadd.s32 $0xFFFFEC00  }
0x7d: {  	_ =	sfence.sel $0x180000  }
0x7e: {  	[bflag:$0x0] =	sbarrier.arrive $0xFFFF  }
0x7f: {  	_ =	strace $0x90000050  }
0x80: {  	s0 =	stileid.u32;
	[bflag:$0x2] =	sbarrier.arrive $0xFFFF  }
0x81: {  	p0 =	sne.s32 s0, $0x0;
	s0 =	rddreg [dreg:$0x2]  }
0x82: {  	s0 =	sadd.s32 @!p0 $0x100000, s0  }
0x83: {  	[sflag:s0] =	ssyncadd.tile.s32 @!p0 $0x1;
	_ =	shalt  }
.Lfunc_end2:
_tile_overlayer_lowered:
.L_overlay_start_2:
0x84: {  	(tag) =	ssettag $0x2  }
0x85: {  	s0 =	rddreg [dreg:$0x0];
	s2 =	stileid.u32  }
0x86: {  	s1 =	rddreg [dreg:$0x1];
	p0 =	sne.s32 s2, $0x0  }
0x87: {  	s3 =	rddreg [dreg:$0x2];
	[bflag:$0x3] =	sbarrier.arrive $0xFFFF;
	s2 =	simm.s32 @!p0 $0x1C01  }
0x88: {  	[timem:s3], [sflag:s2] =	dma.local @!p0 [hbm:s0], s1  }
0x89: {  	s0 =	simm.s32 @!p0 $0x1  }
0x8a: {  	_ =	swait.ge @!p0 [sflag:s0], s1  }
0x8b: {  	s1 =	ssub.s32 @!p0 $0x0, s1;
	[sflag:s0] =	ssyncset.done @!p0 $0x0  }
0x8c: {  	[sflag:s0] =	ssyncadd.s32 @!p0 s1  }
0x8d: {  	[bflag:$0x3] =	sbarrier.arrive $0xFFFF  }
0x8e: {  	_ =	shalt  }

// kernel: kernel.27.cloned.1.call-start
scs
__scs_entry_jumppad:
0x0: {  	(pc) =	sbr.rel $0x88, $3  }
0x1: {  	(tag) =	ssettag $0x0;
	lr =	simm.s32 $0x1  }
0x2: {  	[smem:$0x3F84] =	sst lr;
	_ =	strace $0xD0000000  }
0x3: {  	_ = 	snop  }
0x4: {  	_ = 	snop  }
0x5: {  	_ = 	snop  }
0x6: {  	_ = 	snop  }
0x7: {  	_ = 	snop  }
__scs_overlays_trampoline_lowered:
0x8: {  	[smem:$0x3F93] =	sst s0  }
0x9: {  	[smem:$0x3F94] =	sst s1  }
0xa: {  	[smem:$0x3F95] =	sst s2  }
0xb: {  	[smem:$0x3F96] =	sst s3  }
0xc: {  	[smem:$0x3F97] =	sst s4  }
0xd: {  	[smem:$0x3F98] =	sst s5  }
0xe: {  	[smem:$0x3F99] =	sst s6  }
0xf: {  	[smem:$0x3F9A] =	sst s7  }
0x10: {  	[smem:$0x3F9B] =	sst s8  }
0x11: {  	[smem:$0x3F9C] =	sst s9;
	s0 =	simm.s32 @!p0 $0x0  }
0x12: {  	s1 =	sld [smem:$0x3F82];
	s0 =	simm.s32 @p0 $0x1  }
0x13: {  	[smem:$0x3F9D] =	sst s0;
	s0 =	simm.s32 @!p1 $0x0  }
0x14: {  	s2 =	sld [smem:$0x3F81];
	s0 =	simm.s32 @p1 $0x1  }
0x15: {  	[smem:$0x3F9E] =	sst s0;
	s0 =	simm.s32 @!p2 $0x0  }
0x16: {  	s3 =	sld [smem:$0x3FDB];
	s0 =	simm.s32 @p2 $0x1  }
0x17: {  	s4 =	simm.s32 $0x1BF5;
	[smem:$0x3FA0] =	sst s0  }
0x18: {  	s0 =	sld [smem:$0x3F83];
	_ =	swait.ge [sflag:s4], $0x0  }
0x19: {  	s7 =	sld [smem:$0x3F84]  }
0x1a: {  	s8 =	sadd.s32 $0xFFFFE003, lr  }
0x1b: {  	s9 =	sadd.s32 $0xFFFFFEF7, lr;
	s5 =	simm.s32 $0xFFFFFFFF;
	p2 =	slt.u32 s8, $0xFFFFF086  }
0x1c: {  	p1 =	slt.u32 s9, $0xF7A;
	s5 =	simm.s32 @!p2 $0x0  }
0x1d: {  	s5 =	simm.s32 @p1 $0x1;
	p0 =	seq.s32 s7, s2  }
0x1e: {  	s7 =	smul.u32 @!p0 $0xF7A, s2;
	p2 =	seq.s32 @!p0 s5, $0x0  }
0x1f: {  	s9 =	smul.u32 $0xF7A, s1;
	s8 =	simm.s32 @!p0 $0x1BF5;
	p2 =	por !p2, p0  }
0x20: {  	[sflag:s8] =	ssyncset.s32 @!p0 $0xFFFFF086;
	s6 =	sadd.s32 @!p0 s3, s7;
	s7 =	simm.s32 @!p0 $0x108  }
0x21: {  	s3 =	sadd.s32 s3, s9;
	s6 =	sadd.s32 @!p0 $0x88, s6;
	s7 =	simm.s32 @p2 $0x1082  }
0x22: {  	[simem:s7], [sflag:s8] =	dma.local @!p0 [hbm:s6], $0xF7A  }
0x23: {  	s9 =	sor.u32 $0xD0000000, s2;
	s6 =	simm.s32 $0x108;
	_ =	swait.ge @!p0 [sflag:s8], $0x0  }
0x24: {  	s3 =	sadd.s32 $0x88, s3;
	s6 =	simm.s32 @!p1 $0x1082;
	[sflag:s4] =	ssyncset.s32 $0xFFFFF086  }
0x25: {  	[simem:s6], [sflag:s4] =	dma.local [hbm:s3], $0xF7A  }
0x26: {  	[smem:$0x3F84] =	sst s1;
	(tag) =	ssettag s2;
	_ =	strace s9  }
0x27: {  	s1 =	sld [smem:$0x3F94]  }
0x28: {  	s2 =	sld [smem:$0x3F95]  }
0x29: {  	s4 =	sld [smem:$0x3F97]  }
0x2a: {  	p0 =	seq.s32 s5, $0x0;
	s5 =	sld [smem:$0x3F98]  }
0x2b: {  	s6 =	sld [smem:$0x3F99]  }
0x2c: {  	s7 =	sld [smem:$0x3F9A]  }
0x2d: {  	s3 =	simm.s32 $0x108;
	s8 =	sld [smem:$0x3F9B]  }
0x2e: {  	s3 =	simm.s32 @!p0 $0x1082;
	s9 =	sld [smem:$0x3F9C]  }
0x2f: {  	lr =	sadd.s32 s0, s3;
	s0 =	sld [smem:$0x3F93]  }
0x30: {  	s3 =	sld [smem:$0x3F96]  }
0x31: {  	[smem:$0x3F9F] =	sst s10  }
0x32: {  	s10 =	sld [smem:$0x3F9D];
	_ =	sdelay $0x3  }
0x33: {  	p0 =	seq.s32 s10, $0x1;
	s10 =	sld [smem:$0x3F9F];
	_ =	sdelay $0x3  }
0x34: {  	[smem:$0x3F9F] =	sst s10  }
0x35: {  	s10 =	sld [smem:$0x3F9E];
	_ =	sdelay $0x3  }
0x36: {  	p1 =	seq.s32 s10, $0x1;
	s10 =	sld [smem:$0x3F9F];
	_ =	sdelay $0x3  }
0x37: {  	[smem:$0x3F9F] =	sst s10  }
0x38: {  	s10 =	sld [smem:$0x3FA0]  }
0x39: {  	_ = 	snop;
	(pc) =	sbr.ind lr, $3  }
0x3a: {  	_ = 	snop  }
0x3b: {  	_ = 	snop  }
0x3c: {  	p2 =	seq.s32 s10, $0x1;
	s10 =	sld [smem:$0x3F9F]  }
0x3d: {  	_ =	shalt  }
0x3e: {  	_ =	shalt  }
0x3f: {  	_ =	shalt  }
0x40: {  	_ =	shalt  }
0x41: {  	_ =	shalt  }
0x42: {  	_ =	shalt  }
0x43: {  	_ =	shalt  }
0x44: {  	_ =	shalt  }
0x45: {  	_ =	shalt  }
0x46: {  	_ =	shalt  }
0x47: {  	_ =	shalt  }
0x48: {  	_ =	shalt  }
0x49: {  	_ =	shalt  }
0x4a: {  	_ =	shalt  }
0x4b: {  	_ =	shalt  }
0x4c: {  	_ =	shalt  }
0x4d: {  	_ =	shalt  }
0x4e: {  	_ =	shalt  }
0x4f: {  	_ =	shalt  }
0x50: {  	_ =	shalt  }
0x51: {  	_ =	shalt  }
0x52: {  	_ =	shalt  }
0x53: {  	_ =	shalt  }
0x54: {  	_ =	shalt  }
0x55: {  	_ =	shalt  }
0x56: {  	_ =	shalt  }
0x57: {  	_ =	shalt  }
0x58: {  	_ =	shalt  }
0x59: {  	_ =	shalt  }
0x5a: {  	_ =	shalt  }
0x5b: {  	_ =	shalt  }
0x5c: {  	_ =	shalt  }
0x5d: {  	_ =	shalt  }
0x5e: {  	_ =	shalt  }
0x5f: {  	_ =	shalt  }
0x60: {  	_ =	shalt  }
0x61: {  	_ =	shalt  }
0x62: {  	_ =	shalt  }
0x63: {  	_ =	shalt  }
0x64: {  	_ =	shalt  }
0x65: {  	_ =	shalt  }
0x66: {  	_ =	shalt  }
0x67: {  	_ =	shalt  }
0x68: {  	_ =	shalt  }
0x69: {  	_ =	shalt  }
0x6a: {  	_ =	shalt  }
0x6b: {  	_ =	shalt  }
0x6c: {  	_ =	shalt  }
0x6d: {  	_ =	shalt  }
0x6e: {  	_ =	shalt  }
0x6f: {  	_ =	shalt  }
0x70: {  	_ =	shalt  }
0x71: {  	_ =	shalt  }
0x72: {  	_ =	shalt  }
0x73: {  	_ =	shalt  }
0x74: {  	_ =	shalt  }
0x75: {  	_ =	shalt  }
0x76: {  	_ =	shalt  }
0x77: {  	_ =	shalt  }
0x78: {  	_ =	shalt  }
0x79: {  	_ =	shalt  }
0x7a: {  	_ =	shalt  }
0x7b: {  	_ =	shalt  }
0x7c: {  	_ =	shalt  }
0x7d: {  	_ =	shalt  }
0x7e: {  	_ =	shalt  }
0x7f: {  	_ =	shalt  }
0x80: {  	_ =	shalt  }
0x81: {  	_ =	shalt  }
0x82: {  	_ =	shalt  }
0x83: {  	_ =	shalt  }
0x84: {  	_ =	shalt  }
0x85: {  	_ =	shalt  }
0x86: {  	_ =	shalt  }
0x87: {  	_ =	shalt  }
.Lfunc_end0:
.L_simem_size_0:
called_computation.4_lowered:
.L_overlay_start_0:
0x88: {  	s2 =	sld [smem:$0x3FD9]  }
0x89: {  	s3 =	sld [smem:$0x3FFE];
	_ =	sdelay $0x1  }
0x8a: {  	s1 =	srdreg.scid  }
0x8b: {  	s0 =	sand.u32 $0x1, s1  }
0x8c: {  	s16 =	sshll.u32 s0, $0xA;
	s2 =	sadd.s32 s3, s2  }
0x8d: {  	s2 =	sadd.s32 s2, s16  }
0x8e: {  	[smem:$0x3FAB] =	sst s2  }
0x8f: {  	_ = 	snop  }
0x90: {  	(tm) =	ssettm $0x1  }
0x91: {  	s17 =	sld [smem:$0x3FFB];
	_ =	sdelay $0x3  }
0x92: {  	_ =	strace s17  }
0x93: {  	s2 =	sld [smem:$0x3FFC];
	_ =	sdelay $0x3  }
0x94: {  	_ =	strace s2  }
0x95: {  	s2 =	sld [smem:$0x3FFD];
	_ =	sdelay $0x3  }
0x96: {  	_ =	strace s2  }
0x97: {  	_ =	strace $0x8FFFFFFF  }
0x98: {  	s18 =	sld [smem:$0x3FDB];
	_ =	sdelay $0x1  }
0x99: {  	s19 =	simm.s32 $_scs_section_size  }
0x9a: {  	s4 =	simm.s32 $_size__tile_overlayer_lowered;
	s5 =	simm.s32 $_tile_overlayer_lowered  }
0x9b: {  	s22 =	simm.s32 $0x1BFF;
	s21 =	sshll.u32 s5, $0x1;
	s2 =	sadd.s32 s19, s18  }
0x9c: {  	s6 =	simm.s32 $0x0;
	s20 =	sshll.u32 s4, $0x1;
	s4 =	sadd.s32 s21, s2  }
0x9d: {  	[timem:s6], [sflag:s22] =	dma.local [hbm:s4], s20  }
0x9e: {  	_ =	swait.ge [sflag:s22], s20  }
0x9f: {  	s3 =	ssub.s32 $0x0, s20;
	[sflag:s22] =	ssyncset.done $0x0  }
0xa0: {  	[sflag:s22] =	ssyncadd.s32 s3;
	_ =	sdelay $0x1  }
0xa1: {  	s23 =	simm.s32 $0x1B8B  }
0xa2: {  	_ =	swait.ge [sflag:s23], $0x1  }
0xa3: {  	[sflag:s23] =	ssyncset.done $0x0  }
0xa4: {  	s25 =	simm.s32 $0x1B8E;
	s24 =	sld [smem:$0x3FFE];
	[sflag:s23] =	ssyncadd.s32 $0xFFFFFFFF  }
0xa5: {  	s26 =	simm.s32 $execute0_lowered;
	[smem:$0x3FD2] =	sst s25  }
0xa6: {  	s4 =	sshll.u32 s26, $0x1;
	_ =	strace $0x80000052;
	[dreg:$0x1] =	wrdreg $0xFFFFFFFF  }
0xa7: {  	s28 =	simm.s32 $_size_execute0_lowered;
	s2 =	sadd.s32 s2, s4;
	[dreg:$0x0] =	wrdreg $0x0  }
0xa8: {  	s4 =	sshll.u32 s28, $0x1;
	[dreg:$0x2] =	wrdreg s2  }
0xa9: {  	[dreg:$0x3] =	wrdreg s4  }
0xaa: {  	[dreg:$0x4] =	wrdreg $0xC0  }
0xab: {  	_ =	task [dreg:s6], $0x5FFFF  }
0xac: {  	[dreg:$0x1] =	wrdreg $0xFFFFFFFF  }
0xad: {  	[dreg:$0x0] =	wrdreg $0x60  }
0xae: {  	[dreg:$0x2] =	wrdreg s24  }
0xaf: {  	[dreg:$0x3] =	wrdreg $0x9  }
0xb0: {  	_ =	task.clear_ibuf [dreg:s6], $0x4FFFF;
	_ =	strace $0x90000052  }
0xb1: {  	s29 =	simm.s32 $0x9;
	_ =	strace $0x80000054  }
0xb2: {  	_ =	swait.ge [sflag:s29], $0x1  }
0xb3: {  	[sflag:s29] =	ssyncadd.s32 $0xFFFFFFFF  }
0xb4: {  	_ =	strace $0x90000054  }
0xb5: {  	_ =	sfence  }
0xb6: {  	s30 =	sld [smem:$0x0];
	_ =	sdelay $0x2  }
0xb7: {  	s31 =	sshll.u32 s1, $0xD;
	s1 =	sshrl.u32 s1, $0x2  }
0xb8: {  	s3 =	sand.u32 $0x4000, s31;
	s1 =	sadd.s32 s1, s30  }
0xb9: {  	s0 =	sor.u32 s3, s0;
	s1 =	sshll.u32 s1, $0x11  }
0xba: {  	s0 =	sor.u32 s1, s0  }
0xbb: {  	s0 =	sadd.s32 $0x8F2B, s0  }
0xbc: {  	[sflag:s0] =	ssyncadd.remote.s32 $0x1  }
0xbd: {  	_ =	sfence.sel $0xFFFF  }
0xbe: {  	[dreg:$0x0] =	wrdreg $0xFFFFFFFF;
	(pc) =	sbr.abs _section_cstart, $3  }
0xbf: {  	[dreg:$0x1] =	wrdreg $0xFFFFFFFF  }
0xc0: {  	_ =	task.clear_ibuf [dreg:s6], $0x2FFFF;
	_ =	strace $0x9FFFFFFF  }
0xc1: {  	(tm) =	ssettm $0x7FFFFFFF  }
tec
execute0_lowered:
.L_overlay_start_1:
0x0: {  	(tag) =	ssettag $0x1  }
0x1: {  	s1 =	srdreg.scid;
	s0 =	stileid.u32  }
0x2: {  	s28 =	sand.u32 $0x1, s1;
	s31 =	sshll.u32 s0, $0x1  }
0x3: {  	s29 =	sor.u32 s28, s31  }
0x4: {  	s26 =	rddreg [dreg:$0x0];
	s3 =	smul.u32 $0xA0, s29  }
0x5: {  	s2 =	simm.s32 $0x0;
	s1 =	rddreg [dreg:$0x1]  }
0x6: {  	[smem:$0x7FF] =	sst s2;
	s3 =	sadd.s32 s3, s26  }
0x7: {  	_ =	strace $0x80000053;
	s4 =	sadd.s32 $0x4A00, s3;
	s3 =	simm.s32 $0x2  }
0x8: {  	[tilespmem:s2], [sflag:$0x2] =	stream.linear.gather [hbm4b:s4+s2], $0x500, $0x38;
	[tilespmem:$0x14500] =	vst v63  }
0x9: {  	_ =	swait.ge [sflag:s3], $0x500  }
0xa: {  	s6 =	simm.s32 $0x80;
	[sflag:s3] =	ssyncset.done $0x0  }
0xb: {  	s7 =	simm.s32 $0x500;
	s5 =	sadd.s32 $0xC0200, s26;
	[sflag:s3] =	ssyncadd.s32 $0xFFFFFB00  }
0xc: {  	[tilespmem:s7], [sflag:$0x1] =	stream.indirect.gather [hbm4b:s5+s6], $0x40, s2, s6, $0xb8;
	[tilespmem:$0x14500] =	vst v63  }
0xd: {  	s8 =	simm.s32 $0x2500  }
0xe: {  	[tilespmem:s8], [sflag:$0x1] =	stream.indirect.gather [hbm4b:s5+s6], $0x40, s6, s6, $0xb8;
	[tilespmem:$0x14500] =	vst v63  }
0xf: {  	s9 =	simm.s32 $0x100;
	s10 =	simm.s32 $0x4500  }
0x10: {  	[tilespmem:s10], [sflag:$0x1] =	stream.indirect.gather [hbm4b:s5+s6], $0x40, s9, s6, $0xb8;
	[tilespmem:$0x14500] =	vst v63  }
0x11: {  	s11 =	simm.s32 $0x180;
	s12 =	simm.s32 $0x6500  }
0x12: {  	[tilespmem:s12], [sflag:$0x1] =	stream.indirect.gather [hbm4b:s5+s6], $0x40, s11, s6, $0xb8;
	[tilespmem:$0x14500] =	vst v63  }
0x13: {  	s13 =	simm.s32 $0x200;
	s14 =	simm.s32 $0x8500  }
0x14: {  	[tilespmem:s14], [sflag:$0x1] =	stream.indirect.gather [hbm4b:s5+s6], $0x40, s13, s6, $0xb8;
	[tilespmem:$0x14500] =	vst v63  }
0x15: {  	s15 =	simm.s32 $0x280;
	s16 =	simm.s32 $0xA500  }
0x16: {  	[tilespmem:s16], [sflag:$0x1] =	stream.indirect.gather [hbm4b:s5+s6], $0x40, s15, s6, $0xb8;
	[tilespmem:$0x14500] =	vst v63  }
0x17: {  	s17 =	simm.s32 $0x300;
	s18 =	simm.s32 $0xC500  }
0x18: {  	[tilespmem:s18], [sflag:$0x1] =	stream.indirect.gather [hbm4b:s5+s6], $0x40, s17, s6, $0xb8;
	[tilespmem:$0x14500] =	vst v63  }
0x19: {  	s19 =	simm.s32 $0x380;
	s20 =	simm.s32 $0xE500  }
0x1a: {  	[tilespmem:s20], [sflag:$0x1] =	stream.indirect.gather [hbm4b:s5+s6], $0x40, s19, s6, $0xb8;
	[tilespmem:$0x14500] =	vst v63  }
0x1b: {  	s21 =	simm.s32 $0x400;
	s22 =	simm.s32 $0x10500  }
0x1c: {  	[tilespmem:s22], [sflag:$0x1] =	stream.indirect.gather [hbm4b:s5+s6], $0x40, s21, s6, $0xb8;
	[tilespmem:$0x14500] =	vst v63  }
0x1d: {  	s23 =	simm.s32 $0x480;
	s24 =	simm.s32 $0x12500;
	s25 =	simm.s32 $0x1  }
0x1e: {  	[tilespmem:s24], [sflag:$0x1] =	stream.indirect.gather [hbm4b:s5+s6], $0x40, s23, s6, $0xb8;
	[tilespmem:$0x14500] =	vst v63  }
0x1f: {  	_ =	swait.ge [sflag:s25], $0x2000  }
0x20: {  	[sflag:s25] =	ssyncset.done $0x0  }
0x21: {  	[sflag:s25] =	ssyncadd.s32 $0xFFFFE000  }
0x22: {  	_ =	swait.ge [sflag:s25], $0x2000  }
0x23: {  	[sflag:s25] =	ssyncset.done $0x0  }
0x24: {  	[sflag:s25] =	ssyncadd.s32 $0xFFFFE000  }
0x25: {  	_ =	swait.ge [sflag:s25], $0x2000  }
0x26: {  	[sflag:s25] =	ssyncset.done $0x0  }
0x27: {  	[sflag:s25] =	ssyncadd.s32 $0xFFFFE000  }
0x28: {  	_ =	swait.ge [sflag:s25], $0x2000  }
0x29: {  	[sflag:s25] =	ssyncset.done $0x0  }
0x2a: {  	[sflag:s25] =	ssyncadd.s32 $0xFFFFE000  }
0x2b: {  	_ =	swait.ge [sflag:s25], $0x2000  }
0x2c: {  	[sflag:s25] =	ssyncset.done $0x0  }
0x2d: {  	[sflag:s25] =	ssyncadd.s32 $0xFFFFE000  }
0x2e: {  	_ =	swait.ge [sflag:s25], $0x2000  }
0x2f: {  	[sflag:s25] =	ssyncset.done $0x0  }
0x30: {  	[sflag:s25] =	ssyncadd.s32 $0xFFFFE000  }
0x31: {  	_ =	swait.ge [sflag:s25], $0x2000  }
0x32: {  	[sflag:s25] =	ssyncset.done $0x0  }
0x33: {  	[sflag:s25] =	ssyncadd.s32 $0xFFFFE000  }
0x34: {  	_ =	swait.ge [sflag:s25], $0x2000  }
0x35: {  	[sflag:s25] =	ssyncset.done $0x0  }
0x36: {  	s28 =	ssub.s32 $0x2, s28;
	[sflag:s25] =	ssyncadd.s32 $0xFFFFE000  }
0x37: {  	s30 =	sshrl.u32 s28, $0x1;
	_ =	swait.ge [sflag:s25], $0x2000  }
0x38: {  	s28 =	ssub.s32 s28, s30;
	[sflag:s25] =	ssyncset.done $0x0  }
0x39: {  	s29 =	smul.u32 $0x2800, s29;
	s28 =	smax.u32 s28, $0x1;
	[sflag:s25] =	ssyncadd.s32 $0xFFFFE000  }
0x3a: {  	p0 =	sne.s32 s28, $0x1;
	_ =	swait.ge [sflag:s25], $0x2000  }
.Ltmp0:
0x3b: {  	s26 =	sadd.s32 s29, s26;
	[sflag:s25] =	ssyncset.done $0x0;
	(pc) =	sbr.rel @!p0 .LBB2_2-.Ltmp0, $4  }
0x3c: {  	s26 =	sadd.s32 $0xD4200, s26;
	[sflag:s25] =	ssyncadd.s32 $0xFFFFE000  }
0x3d: {  	[hbm4b:s26+s2] =	stream.linear.scatter [tilespmem:s7], [sflag:$0x2], $0x14000, $0x38;
	[tilespmem:$0x14500] =	vst v63  }
0x3e: {  	_ =	swait.ge [sflag:s3], $0x14000  }
0x3f: {  	s28 =	sadd.s32 $0xFFFFFFFF, s28;
	[sflag:s3] =	ssyncset.done $0x0  }
.LBB2_1:
0x40: {  	p0 =	sne.s32 s28, $0x1;
	s28 =	sadd.s32 $0xFFFFFFFF, s28;
	[sflag:s3] =	ssyncadd.s32 $0xFFFEC000  }
0x41: {  	[tilespmem:s2], [sflag:$0x2] =	stream.linear.gather [hbm4b:s4+s2], $0x500, $0x38;
	[tilespmem:$0x14500] =	vst v63  }
0x42: {  	_ =	swait.ge [sflag:s3], $0x500  }
0x43: {  	[sflag:s3] =	ssyncset.done $0x0  }
0x44: {  	[sflag:s3] =	ssyncadd.s32 $0xFFFFFB00  }
0x45: {  	[tilespmem:s7], [sflag:$0x1] =	stream.indirect.gather [hbm4b:s5+s6], $0x40, s2, s6, $0xb8;
	[tilespmem:$0x14500] =	vst v63  }
0x46: {  	_ = 	snop  }
0x47: {  	[tilespmem:s8], [sflag:$0x1] =	stream.indirect.gather [hbm4b:s5+s6], $0x40, s6, s6, $0xb8;
	[tilespmem:$0x14500] =	vst v63  }
0x48: {  	_ = 	snop  }
0x49: {  	[tilespmem:s10], [sflag:$0x1] =	stream.indirect.gather [hbm4b:s5+s6], $0x40, s9, s6, $0xb8;
	[tilespmem:$0x14500] =	vst v63  }
0x4a: {  	_ = 	snop  }
0x4b: {  	[tilespmem:s12], [sflag:$0x1] =	stream.indirect.gather [hbm4b:s5+s6], $0x40, s11, s6, $0xb8;
	[tilespmem:$0x14500] =	vst v63  }
0x4c: {  	_ = 	snop  }
0x4d: {  	[tilespmem:s14], [sflag:$0x1] =	stream.indirect.gather [hbm4b:s5+s6], $0x40, s13, s6, $0xb8;
	[tilespmem:$0x14500] =	vst v63  }
0x4e: {  	_ = 	snop  }
0x4f: {  	[tilespmem:s16], [sflag:$0x1] =	stream.indirect.gather [hbm4b:s5+s6], $0x40, s15, s6, $0xb8;
	[tilespmem:$0x14500] =	vst v63  }
0x50: {  	_ = 	snop  }
0x51: {  	[tilespmem:s18], [sflag:$0x1] =	stream.indirect.gather [hbm4b:s5+s6], $0x40, s17, s6, $0xb8;
	[tilespmem:$0x14500] =	vst v63  }
0x52: {  	_ = 	snop  }
0x53: {  	[tilespmem:s20], [sflag:$0x1] =	stream.indirect.gather [hbm4b:s5+s6], $0x40, s19, s6, $0xb8;
	[tilespmem:$0x14500] =	vst v63  }
0x54: {  	_ = 	snop  }
0x55: {  	[tilespmem:s22], [sflag:$0x1] =	stream.indirect.gather [hbm4b:s5+s6], $0x40, s21, s6, $0xb8;
	[tilespmem:$0x14500] =	vst v63  }
0x56: {  	_ = 	snop  }
0x57: {  	[tilespmem:s24], [sflag:$0x1] =	stream.indirect.gather [hbm4b:s5+s6], $0x40, s23, s6, $0xb8;
	[tilespmem:$0x14500] =	vst v63  }
0x58: {  	_ =	swait.ge [sflag:s25], $0x2000  }
0x59: {  	[sflag:s25] =	ssyncset.done $0x0  }
0x5a: {  	[sflag:s25] =	ssyncadd.s32 $0xFFFFE000  }
0x5b: {  	_ =	swait.ge [sflag:s25], $0x2000  }
0x5c: {  	[sflag:s25] =	ssyncset.done $0x0  }
0x5d: {  	[sflag:s25] =	ssyncadd.s32 $0xFFFFE000  }
0x5e: {  	_ =	swait.ge [sflag:s25], $0x2000  }
0x5f: {  	[sflag:s25] =	ssyncset.done $0x0  }
0x60: {  	[sflag:s25] =	ssyncadd.s32 $0xFFFFE000  }
0x61: {  	_ =	swait.ge [sflag:s25], $0x2000  }
0x62: {  	[sflag:s25] =	ssyncset.done $0x0  }
0x63: {  	[sflag:s25] =	ssyncadd.s32 $0xFFFFE000  }
0x64: {  	_ =	swait.ge [sflag:s25], $0x2000  }
0x65: {  	[sflag:s25] =	ssyncset.done $0x0  }
0x66: {  	[sflag:s25] =	ssyncadd.s32 $0xFFFFE000  }
0x67: {  	_ =	swait.ge [sflag:s25], $0x2000  }
0x68: {  	[sflag:s25] =	ssyncset.done $0x0  }
0x69: {  	[sflag:s25] =	ssyncadd.s32 $0xFFFFE000  }
0x6a: {  	_ =	swait.ge [sflag:s25], $0x2000  }
0x6b: {  	[sflag:s25] =	ssyncset.done $0x0  }
0x6c: {  	[sflag:s25] =	ssyncadd.s32 $0xFFFFE000  }
0x6d: {  	_ =	swait.ge [sflag:s25], $0x2000  }
0x6e: {  	[sflag:s25] =	ssyncset.done $0x0  }
0x6f: {  	[sflag:s25] =	ssyncadd.s32 $0xFFFFE000  }
0x70: {  	_ =	swait.ge [sflag:s25], $0x2000  }
0x71: {  	[sflag:s25] =	ssyncset.done $0x0  }
0x72: {  	[sflag:s25] =	ssyncadd.s32 $0xFFFFE000  }
0x73: {  	_ =	swait.ge [sflag:s25], $0x2000  }
.Ltmp1:
0x74: {  	[sflag:s25] =	ssyncset.done $0x0;
	(pc) =	sbr.rel @p0 .LBB2_1-.Ltmp1, $4  }
0x75: {  	[sflag:s25] =	ssyncadd.s32 $0xFFFFE000  }
0x76: {  	[hbm4b:s26+s2] =	stream.linear.scatter [tilespmem:s7], [sflag:$0x2], $0x14000, $0x38;
	[tilespmem:$0x14500] =	vst v63  }
0x77: {  	_ =	swait.ge [sflag:s3], $0x14000  }
0x78: {  	[sflag:s3] =	ssyncset.done $0x0  }
.LBB2_2:
0x79: {  	[sflag:s3] =	ssyncadd.s32 $0xFFFEC000  }
0x7a: {  	_ =	sfence.sel $0x180000  }
0x7b: {  	[bflag:$0x0] =	sbarrier.arrive $0xFFFF  }
0x7c: {  	p0 =	sne.s32 s0, $0x0;
	_ =	strace $0x90000053  }
0x7d: {  	s0 =	sadd.s32 @!p0 $0x100000, s1;
	[bflag:$0x2] =	sbarrier.arrive $0xFFFF  }
0x7e: {  	[sflag:s0] =	ssyncadd.tile.s32 @!p0 $0x1;
	_ =	shalt  }
.Lfunc_end2:
_tile_overlayer_lowered:
.L_overlay_start_2:
0x7f: {  	(tag) =	ssettag $0x2  }
0x80: {  	s0 =	rddreg [dreg:$0x0];
	s2 =	stileid.u32  }
0x81: {  	s1 =	rddreg [dreg:$0x1];
	p0 =	sne.s32 s2, $0x0  }
0x82: {  	s3 =	rddreg [dreg:$0x2];
	[bflag:$0x3] =	sbarrier.arrive $0xFFFF;
	s2 =	simm.s32 @!p0 $0x1C02  }
0x83: {  	[timem:s3], [sflag:s2] =	dma.local @!p0 [hbm:s0], s1  }
0x84: {  	s0 =	simm.s32 @!p0 $0x2  }
0x85: {  	_ =	swait.ge @!p0 [sflag:s0], s1  }
0x86: {  	s1 =	ssub.s32 @!p0 $0x0, s1;
	[sflag:s0] =	ssyncset.done @!p0 $0x0  }
0x87: {  	[sflag:s0] =	ssyncadd.s32 @!p0 s1  }
0x88: {  	[bflag:$0x3] =	sbarrier.arrive $0xFFFF  }
0x89: {  	_ =	shalt  }

// kernel: kernel.30.cloned.1.call-start
scs
__scs_entry_jumppad:
0x0: {  	(pc) =	sbr.rel $0x88, $3  }
0x1: {  	(tag) =	ssettag $0x0;
	lr =	simm.s32 $0x1  }
0x2: {  	[smem:$0x3F84] =	sst lr;
	_ =	strace $0xD0000000  }
0x3: {  	_ = 	snop  }
0x4: {  	_ = 	snop  }
0x5: {  	_ = 	snop  }
0x6: {  	_ = 	snop  }
0x7: {  	_ = 	snop  }
__scs_overlays_trampoline_lowered:
0x8: {  	[smem:$0x3F93] =	sst s0  }
0x9: {  	[smem:$0x3F94] =	sst s1  }
0xa: {  	[smem:$0x3F95] =	sst s2  }
0xb: {  	[smem:$0x3F96] =	sst s3  }
0xc: {  	[smem:$0x3F97] =	sst s4  }
0xd: {  	[smem:$0x3F98] =	sst s5  }
0xe: {  	[smem:$0x3F99] =	sst s6  }
0xf: {  	[smem:$0x3F9A] =	sst s7  }
0x10: {  	[smem:$0x3F9B] =	sst s8  }
0x11: {  	[smem:$0x3F9C] =	sst s9;
	s0 =	simm.s32 @!p0 $0x0  }
0x12: {  	s1 =	sld [smem:$0x3F82];
	s0 =	simm.s32 @p0 $0x1  }
0x13: {  	[smem:$0x3F9D] =	sst s0;
	s0 =	simm.s32 @!p1 $0x0  }
0x14: {  	s2 =	sld [smem:$0x3F81];
	s0 =	simm.s32 @p1 $0x1  }
0x15: {  	[smem:$0x3F9E] =	sst s0;
	s0 =	simm.s32 @!p2 $0x0  }
0x16: {  	s3 =	sld [smem:$0x3FDB];
	s0 =	simm.s32 @p2 $0x1  }
0x17: {  	s4 =	simm.s32 $0x1BF5;
	[smem:$0x3FA0] =	sst s0  }
0x18: {  	s0 =	sld [smem:$0x3F83];
	_ =	swait.ge [sflag:s4], $0x0  }
0x19: {  	s7 =	sld [smem:$0x3F84]  }
0x1a: {  	s8 =	sadd.s32 $0xFFFFE003, lr  }
0x1b: {  	s9 =	sadd.s32 $0xFFFFFEF7, lr;
	s5 =	simm.s32 $0xFFFFFFFF;
	p2 =	slt.u32 s8, $0xFFFFF086  }
0x1c: {  	p1 =	slt.u32 s9, $0xF7A;
	s5 =	simm.s32 @!p2 $0x0  }
0x1d: {  	s5 =	simm.s32 @p1 $0x1;
	p0 =	seq.s32 s7, s2  }
0x1e: {  	s7 =	smul.u32 @!p0 $0xF7A, s2;
	p2 =	seq.s32 @!p0 s5, $0x0  }
0x1f: {  	s9 =	smul.u32 $0xF7A, s1;
	s8 =	simm.s32 @!p0 $0x1BF5;
	p2 =	por !p2, p0  }
0x20: {  	[sflag:s8] =	ssyncset.s32 @!p0 $0xFFFFF086;
	s6 =	sadd.s32 @!p0 s3, s7;
	s7 =	simm.s32 @!p0 $0x108  }
0x21: {  	s3 =	sadd.s32 s3, s9;
	s6 =	sadd.s32 @!p0 $0x88, s6;
	s7 =	simm.s32 @p2 $0x1082  }
0x22: {  	[simem:s7], [sflag:s8] =	dma.local @!p0 [hbm:s6], $0xF7A  }
0x23: {  	s9 =	sor.u32 $0xD0000000, s2;
	s6 =	simm.s32 $0x108;
	_ =	swait.ge @!p0 [sflag:s8], $0x0  }
0x24: {  	s3 =	sadd.s32 $0x88, s3;
	s6 =	simm.s32 @!p1 $0x1082;
	[sflag:s4] =	ssyncset.s32 $0xFFFFF086  }
0x25: {  	[simem:s6], [sflag:s4] =	dma.local [hbm:s3], $0xF7A  }
0x26: {  	[smem:$0x3F84] =	sst s1;
	(tag) =	ssettag s2;
	_ =	strace s9  }
0x27: {  	s1 =	sld [smem:$0x3F94]  }
0x28: {  	s2 =	sld [smem:$0x3F95]  }
0x29: {  	s4 =	sld [smem:$0x3F97]  }
0x2a: {  	p0 =	seq.s32 s5, $0x0;
	s5 =	sld [smem:$0x3F98]  }
0x2b: {  	s6 =	sld [smem:$0x3F99]  }
0x2c: {  	s7 =	sld [smem:$0x3F9A]  }
0x2d: {  	s3 =	simm.s32 $0x108;
	s8 =	sld [smem:$0x3F9B]  }
0x2e: {  	s3 =	simm.s32 @!p0 $0x1082;
	s9 =	sld [smem:$0x3F9C]  }
0x2f: {  	lr =	sadd.s32 s0, s3;
	s0 =	sld [smem:$0x3F93]  }
0x30: {  	s3 =	sld [smem:$0x3F96]  }
0x31: {  	[smem:$0x3F9F] =	sst s10  }
0x32: {  	s10 =	sld [smem:$0x3F9D];
	_ =	sdelay $0x3  }
0x33: {  	p0 =	seq.s32 s10, $0x1;
	s10 =	sld [smem:$0x3F9F];
	_ =	sdelay $0x3  }
0x34: {  	[smem:$0x3F9F] =	sst s10  }
0x35: {  	s10 =	sld [smem:$0x3F9E];
	_ =	sdelay $0x3  }
0x36: {  	p1 =	seq.s32 s10, $0x1;
	s10 =	sld [smem:$0x3F9F];
	_ =	sdelay $0x3  }
0x37: {  	[smem:$0x3F9F] =	sst s10  }
0x38: {  	s10 =	sld [smem:$0x3FA0]  }
0x39: {  	_ = 	snop;
	(pc) =	sbr.ind lr, $3  }
0x3a: {  	_ = 	snop  }
0x3b: {  	_ = 	snop  }
0x3c: {  	p2 =	seq.s32 s10, $0x1;
	s10 =	sld [smem:$0x3F9F]  }
0x3d: {  	_ =	shalt  }
0x3e: {  	_ =	shalt  }
0x3f: {  	_ =	shalt  }
0x40: {  	_ =	shalt  }
0x41: {  	_ =	shalt  }
0x42: {  	_ =	shalt  }
0x43: {  	_ =	shalt  }
0x44: {  	_ =	shalt  }
0x45: {  	_ =	shalt  }
0x46: {  	_ =	shalt  }
0x47: {  	_ =	shalt  }
0x48: {  	_ =	shalt  }
0x49: {  	_ =	shalt  }
0x4a: {  	_ =	shalt  }
0x4b: {  	_ =	shalt  }
0x4c: {  	_ =	shalt  }
0x4d: {  	_ =	shalt  }
0x4e: {  	_ =	shalt  }
0x4f: {  	_ =	shalt  }
0x50: {  	_ =	shalt  }
0x51: {  	_ =	shalt  }
0x52: {  	_ =	shalt  }
0x53: {  	_ =	shalt  }
0x54: {  	_ =	shalt  }
0x55: {  	_ =	shalt  }
0x56: {  	_ =	shalt  }
0x57: {  	_ =	shalt  }
0x58: {  	_ =	shalt  }
0x59: {  	_ =	shalt  }
0x5a: {  	_ =	shalt  }
0x5b: {  	_ =	shalt  }
0x5c: {  	_ =	shalt  }
0x5d: {  	_ =	shalt  }
0x5e: {  	_ =	shalt  }
0x5f: {  	_ =	shalt  }
0x60: {  	_ =	shalt  }
0x61: {  	_ =	shalt  }
0x62: {  	_ =	shalt  }
0x63: {  	_ =	shalt  }
0x64: {  	_ =	shalt  }
0x65: {  	_ =	shalt  }
0x66: {  	_ =	shalt  }
0x67: {  	_ =	shalt  }
0x68: {  	_ =	shalt  }
0x69: {  	_ =	shalt  }
0x6a: {  	_ =	shalt  }
0x6b: {  	_ =	shalt  }
0x6c: {  	_ =	shalt  }
0x6d: {  	_ =	shalt  }
0x6e: {  	_ =	shalt  }
0x6f: {  	_ =	shalt  }
0x70: {  	_ =	shalt  }
0x71: {  	_ =	shalt  }
0x72: {  	_ =	shalt  }
0x73: {  	_ =	shalt  }
0x74: {  	_ =	shalt  }
0x75: {  	_ =	shalt  }
0x76: {  	_ =	shalt  }
0x77: {  	_ =	shalt  }
0x78: {  	_ =	shalt  }
0x79: {  	_ =	shalt  }
0x7a: {  	_ =	shalt  }
0x7b: {  	_ =	shalt  }
0x7c: {  	_ =	shalt  }
0x7d: {  	_ =	shalt  }
0x7e: {  	_ =	shalt  }
0x7f: {  	_ =	shalt  }
0x80: {  	_ =	shalt  }
0x81: {  	_ =	shalt  }
0x82: {  	_ =	shalt  }
0x83: {  	_ =	shalt  }
0x84: {  	_ =	shalt  }
0x85: {  	_ =	shalt  }
0x86: {  	_ =	shalt  }
0x87: {  	_ =	shalt  }
.Lfunc_end0:
.L_simem_size_0:
called_computation.5_lowered:
.L_overlay_start_0:
0x88: {  	s2 =	sld [smem:$0x3FD9]  }
0x89: {  	s3 =	sld [smem:$0x3FFE];
	_ =	sdelay $0x1  }
0x8a: {  	s1 =	srdreg.scid  }
0x8b: {  	s0 =	sand.u32 $0x1, s1  }
0x8c: {  	s16 =	sshll.u32 s0, $0xA;
	s2 =	sadd.s32 s3, s2  }
0x8d: {  	s2 =	sadd.s32 s2, s16  }
0x8e: {  	[smem:$0x3FAB] =	sst s2  }
0x8f: {  	_ = 	snop  }
0x90: {  	(tm) =	ssettm $0x1  }
0x91: {  	s17 =	sld [smem:$0x3FFB];
	_ =	sdelay $0x3  }
0x92: {  	_ =	strace s17  }
0x93: {  	s2 =	sld [smem:$0x3FFC];
	_ =	sdelay $0x3  }
0x94: {  	_ =	strace s2  }
0x95: {  	s2 =	sld [smem:$0x3FFD];
	_ =	sdelay $0x3  }
0x96: {  	_ =	strace s2  }
0x97: {  	_ =	strace $0x8FFFFFFF  }
0x98: {  	s18 =	sld [smem:$0x3FDB];
	_ =	sdelay $0x1  }
0x99: {  	s19 =	simm.s32 $_scs_section_size  }
0x9a: {  	s4 =	simm.s32 $_size__tile_overlayer_lowered;
	s5 =	simm.s32 $_tile_overlayer_lowered  }
0x9b: {  	s22 =	simm.s32 $0x1BFF;
	s21 =	sshll.u32 s5, $0x1;
	s2 =	sadd.s32 s19, s18  }
0x9c: {  	s6 =	simm.s32 $0x0;
	s20 =	sshll.u32 s4, $0x1;
	s4 =	sadd.s32 s21, s2  }
0x9d: {  	[timem:s6], [sflag:s22] =	dma.local [hbm:s4], s20  }
0x9e: {  	_ =	swait.ge [sflag:s22], s20  }
0x9f: {  	s3 =	ssub.s32 $0x0, s20;
	[sflag:s22] =	ssyncset.done $0x0  }
0xa0: {  	[sflag:s22] =	ssyncadd.s32 s3;
	_ =	sdelay $0x1  }
0xa1: {  	s23 =	simm.s32 $0x1B8B  }
0xa2: {  	_ =	swait.ge [sflag:s23], $0x1  }
0xa3: {  	[sflag:s23] =	ssyncset.done $0x0  }
0xa4: {  	s25 =	simm.s32 $0x1B8E;
	s24 =	sld [smem:$0x3FFE];
	[sflag:s23] =	ssyncadd.s32 $0xFFFFFFFF  }
0xa5: {  	s26 =	simm.s32 $execute0_lowered;
	[smem:$0x3FD2] =	sst s25  }
0xa6: {  	s4 =	sshll.u32 s26, $0x1;
	_ =	strace $0x80000055;
	[dreg:$0x1] =	wrdreg $0xFFFFFFFF  }
0xa7: {  	s28 =	simm.s32 $_size_execute0_lowered;
	s2 =	sadd.s32 s2, s4;
	[dreg:$0x0] =	wrdreg $0x0  }
0xa8: {  	s4 =	sshll.u32 s28, $0x1;
	[dreg:$0x2] =	wrdreg s2  }
0xa9: {  	[dreg:$0x3] =	wrdreg s4  }
0xaa: {  	[dreg:$0x4] =	wrdreg $0xC0  }
0xab: {  	_ =	task [dreg:s6], $0x5FFFF  }
0xac: {  	[dreg:$0x1] =	wrdreg $0xFFFFFFFF  }
0xad: {  	[dreg:$0x0] =	wrdreg $0x60  }
0xae: {  	[dreg:$0x2] =	wrdreg s24  }
0xaf: {  	[dreg:$0x3] =	wrdreg $0x145000  }
0xb0: {  	[dreg:$0x4] =	wrdreg $0x9  }
0xb1: {  	_ =	task.clear_ibuf [dreg:s6], $0x5FFFF;
	_ =	strace $0x90000055  }
0xb2: {  	s29 =	simm.s32 $0x9;
	_ =	strace $0x80000057  }
0xb3: {  	_ =	swait.ge [sflag:s29], $0x1  }
0xb4: {  	[sflag:s29] =	ssyncadd.s32 $0xFFFFFFFF  }
0xb5: {  	_ =	strace $0x90000057  }
0xb6: {  	_ =	sfence  }
0xb7: {  	s30 =	sld [smem:$0x0];
	_ =	sdelay $0x2  }
0xb8: {  	s31 =	sshll.u32 s1, $0xD;
	s1 =	sshrl.u32 s1, $0x2  }
0xb9: {  	s3 =	sand.u32 $0x4000, s31;
	s1 =	sadd.s32 s1, s30  }
0xba: {  	s0 =	sor.u32 s3, s0;
	s1 =	sshll.u32 s1, $0x11  }
0xbb: {  	s0 =	sor.u32 s1, s0  }
0xbc: {  	s0 =	sadd.s32 $0x8F2B, s0  }
0xbd: {  	[sflag:s0] =	ssyncadd.remote.s32 $0x1  }
0xbe: {  	_ =	sfence.sel $0xFFFF  }
0xbf: {  	[dreg:$0x0] =	wrdreg $0xFFFFFFFF;
	(pc) =	sbr.abs _section_cstart, $3  }
0xc0: {  	[dreg:$0x1] =	wrdreg $0xFFFFFFFF  }
0xc1: {  	_ =	task.clear_ibuf [dreg:s6], $0x2FFFF;
	_ =	strace $0x9FFFFFFF  }
0xc2: {  	(tm) =	ssettm $0x7FFFFFFF  }
0xc3: {  	_ =	shalt  }
tec
execute0_lowered:
.L_overlay_start_1:
0x0: {  	(tag) =	ssettag $0x1  }
0x1: {  	s30 =	rddreg [dreg:$0x0]  }
0x2: {  	s2 =	rddreg [dreg:$0x1]  }
0x3: {  	s1 =	stileid.u32;
	s0 =	srdreg.scid;
	s3 =	simm.s32 $0x0  }
0x4: {  	s4 =	smul.u32 $0xA000, s1;
	s0 =	sand.u32 $0x1, s0;
	s5 =	sshll.u32 s1, $0x1  }
0x5: {  	[smem:$0x7FF] =	sst s3;
	s25 =	sshll.u32 s1, $0x6;
	s8 =	sor.u32 s0, s5  }
0x6: {  	_ =	strace $0x80000056;
	s5 =	sor.u32 $0x1C01, s25;
	s31 =	sshrl.u32 s4, $0x3  }
0x7: {  	s9 =	smul.u32 $0xA0, s8;
	s6 =	sadd.s32 s4, s2;
	s24 =	sadd.s32 s31, s30  }
0x8: {  	s7 =	sshrl.u32 s6, $0x3;
	s6 =	simm.s32 $0x1;
	s4 =	sadd.s32 $0x5E00, s24  }
0x9: {  	[spmem:s7], [sflag:s5] =	dma.local [hbm:s4], $0x1400  }
0xa: {  	_ =	swait.ge [sflag:s6], $0x1400  }
0xb: {  	s9 =	sadd.s32 s9, s30;
	[sflag:s6] =	ssyncset.done $0x0  }
0xc: {  	s10 =	smul.u32 $0x2800, s8;
	s8 =	sadd.s32 $0xBEE00, s9;
	[sflag:s6] =	ssyncadd.s32 $0xFFFFEC00  }
0xd: {  	[tilespmem:s3], [sflag:$0x1] =	stream.linear.gather [hbm4b:s8+s3], $0x500, $0x38;
	[tilespmem:$0x1E500] =	vst v63  }
0xe: {  	_ =	swait.ge [sflag:s6], $0x500  }
0xf: {  	s26 =	sadd.s32 s10, s30;
	[sflag:s6] =	ssyncset.done $0x0  }
0x10: {  	s10 =	simm.s32 $0x500;
	s9 =	sadd.s32 $0x19E00, s26;
	[sflag:s6] =	ssyncadd.s32 $0xFFFFFB00  }
0x11: {  	[tilespmem:s10], [sflag:$0x1] =	stream.linear.gather [hbm4b:s9+s3], $0x14000, $0x38;
	[tilespmem:$0x1E500] =	vst v63  }
0x12: {  	_ =	swait.ge [sflag:s6], $0x14000  }
0x13: {  	[sflag:s6] =	ssyncset.done $0x0  }
0x14: {  	[sflag:s6] =	ssyncadd.s32 $0xFFFEC000  }
0x15: {  	s11 =	simm.s32 $0x80;
	[bflag:$0x0] =	sbarrier.arrive $0xFFFF  }
0x16: {  	[spmem:s2] =	stream.indirect.scatter.add.f32 [tilespmem:s10], [sflag:$0x1], $0x40, s3, s11, $0xb8;
	[tilespmem:$0x1E500] =	vst v63  }
0x17: {  	_ =	swait.ge [sflag:s6], $0x2000  }
0x18: {  	[sflag:s6] =	ssyncset.done $0x0  }
0x19: {  	s12 =	simm.s32 $0x2500;
	[sflag:s6] =	ssyncadd.s32 $0xFFFFE000  }
0x1a: {  	[spmem:s2] =	stream.indirect.scatter.add.f32 [tilespmem:s12], [sflag:$0x1], $0x40, s11, s11, $0xb8;
	[tilespmem:$0x1E500] =	vst v63  }
0x1b: {  	_ =	swait.ge [sflag:s6], $0x2000  }
0x1c: {  	[sflag:s6] =	ssyncset.done $0x0  }
0x1d: {  	s13 =	simm.s32 $0x100;
	s14 =	simm.s32 $0x4500;
	[sflag:s6] =	ssyncadd.s32 $0xFFFFE000  }
0x1e: {  	[spmem:s2] =	stream.indirect.scatter.add.f32 [tilespmem:s14], [sflag:$0x1], $0x40, s13, s11, $0xb8;
	[tilespmem:$0x1E500] =	vst v63  }
0x1f: {  	_ =	swait.ge [sflag:s6], $0x2000  }
0x20: {  	[sflag:s6] =	ssyncset.done $0x0  }
0x21: {  	s15 =	simm.s32 $0x180;
	s16 =	simm.s32 $0x6500;
	[sflag:s6] =	ssyncadd.s32 $0xFFFFE000  }
0x22: {  	[spmem:s2] =	stream.indirect.scatter.add.f32 [tilespmem:s16], [sflag:$0x1], $0x40, s15, s11, $0xb8;
	[tilespmem:$0x1E500] =	vst v63  }
0x23: {  	_ =	swait.ge [sflag:s6], $0x2000  }
0x24: {  	[sflag:s6] =	ssyncset.done $0x0  }
0x25: {  	s17 =	simm.s32 $0x200;
	s18 =	simm.s32 $0x8500;
	[sflag:s6] =	ssyncadd.s32 $0xFFFFE000  }
0x26: {  	[spmem:s2] =	stream.indirect.scatter.add.f32 [tilespmem:s18], [sflag:$0x1], $0x40, s17, s11, $0xb8;
	[tilespmem:$0x1E500] =	vst v63  }
0x27: {  	_ =	swait.ge [sflag:s6], $0x2000  }
0x28: {  	[sflag:s6] =	ssyncset.done $0x0  }
0x29: {  	s19 =	simm.s32 $0x280;
	s20 =	simm.s32 $0xA500;
	[sflag:s6] =	ssyncadd.s32 $0xFFFFE000  }
0x2a: {  	[spmem:s2] =	stream.indirect.scatter.add.f32 [tilespmem:s20], [sflag:$0x1], $0x40, s19, s11, $0xb8;
	[tilespmem:$0x1E500] =	vst v63  }
0x2b: {  	_ =	swait.ge [sflag:s6], $0x2000  }
0x2c: {  	[sflag:s6] =	ssyncset.done $0x0  }
0x2d: {  	s21 =	simm.s32 $0x300;
	s22 =	simm.s32 $0xC500;
	[sflag:s6] =	ssyncadd.s32 $0xFFFFE000  }
0x2e: {  	[spmem:s2] =	stream.indirect.scatter.add.f32 [tilespmem:s22], [sflag:$0x1], $0x40, s21, s11, $0xb8;
	[tilespmem:$0x1E500] =	vst v63  }
0x2f: {  	_ =	swait.ge [sflag:s6], $0x2000  }
0x30: {  	[sflag:s6] =	ssyncset.done $0x0  }
0x31: {  	s23 =	simm.s32 $0x380;
	s24 =	simm.s32 $0xE500;
	[sflag:s6] =	ssyncadd.s32 $0xFFFFE000  }
0x32: {  	[spmem:s2] =	stream.indirect.scatter.add.f32 [tilespmem:s24], [sflag:$0x1], $0x40, s23, s11, $0xb8;
	[tilespmem:$0x1E500] =	vst v63  }
0x33: {  	_ =	swait.ge [sflag:s6], $0x2000  }
0x34: {  	s25 =	simm.s32 $0x400;
	[sflag:s6] =	ssyncset.done $0x0  }
0x35: {  	s1 =	smul.u32 $0x14000, s0;
	s26 =	simm.s32 $0x10500;
	[sflag:s6] =	ssyncadd.s32 $0xFFFFE000  }
0x36: {  	[spmem:s2] =	stream.indirect.scatter.add.f32 [tilespmem:s26], [sflag:$0x1], $0x40, s25, s11, $0xb8;
	[tilespmem:$0x1E500] =	vst v63  }
0x37: {  	s28 =	simm.s32 $0x480;
	s0 =	ssub.s32 $0x2, s0;
	_ =	swait.ge [sflag:s6], $0x2000  }
0x38: {  	s1 =	sadd.s32 s1, s30;
	s30 =	sshrl.u32 s0, $0x1;
	[sflag:s6] =	ssyncset.done $0x0  }
0x39: {  	s29 =	simm.s32 $0x12500;
	s0 =	ssub.s32 s0, s30;
	[sflag:s6] =	ssyncadd.s32 $0xFFFFE000  }
0x3a: {  	[spmem:s2] =	stream.indirect.scatter.add.f32 [tilespmem:s29], [sflag:$0x1], $0x40, s28, s11, $0xb8;
	[tilespmem:$0x1E500] =	vst v63  }
0x3b: {  	s0 =	smax.u32 s0, $0x1;
	_ =	swait.ge [sflag:s6], $0x2000  }
0x3c: {  	p0 =	sne.s32 s0, $0x1;
	[sflag:s6] =	ssyncset.done $0x0  }
.Ltmp0:
0x3d: {  	s1 =	sadd.s32 $0x69E00, s1;
	[sflag:s6] =	ssyncadd.s32 $0xFFFFE000;
	(pc) =	sbr.rel @!p0 .LBB2_2-.Ltmp0, $4  }
0x3e: {  	s30 =	sadd.s32 s31, s1;
	[bflag:$0x0] =	sbarrier.arrive $0xFFFF  }
0x3f: {  	[hbm:s30], [sflag:s5] =	dma.local [spmem:s7], $0x1400  }
0x40: {  	_ =	swait.ge [sflag:s6], $0x1400  }
0x41: {  	s31 =	sadd.s32 $0xFFFFFFFF, s0;
	[sflag:s6] =	ssyncset.done $0x0  }
.LBB2_1:
0x42: {  	p0 =	sne.s32 s31, $0x1;
	s31 =	sadd.s32 $0xFFFFFFFF, s31;
	[sflag:s6] =	ssyncadd.s32 $0xFFFFEC00  }
0x43: {  	[spmem:s7], [sflag:s5] =	dma.local [hbm:s4], $0x1400  }
0x44: {  	_ =	swait.ge [sflag:s6], $0x1400  }
0x45: {  	[sflag:s6] =	ssyncset.done $0x0  }
0x46: {  	[sflag:s6] =	ssyncadd.s32 $0xFFFFEC00  }
0x47: {  	[tilespmem:s3], [sflag:$0x1] =	stream.linear.gather [hbm4b:s8+s3], $0x500, $0x38;
	[tilespmem:$0x1E500] =	vst v63  }
0x48: {  	_ =	swait.ge [sflag:s6], $0x500  }
0x49: {  	[sflag:s6] =	ssyncset.done $0x0  }
0x4a: {  	[sflag:s6] =	ssyncadd.s32 $0xFFFFFB00  }
0x4b: {  	[tilespmem:s10], [sflag:$0x1] =	stream.linear.gather [hbm4b:s9+s3], $0x14000, $0x38;
	[tilespmem:$0x1E500] =	vst v63  }
0x4c: {  	_ =	swait.ge [sflag:s6], $0x14000  }
0x4d: {  	[sflag:s6] =	ssyncset.done $0x0  }
0x4e: {  	[sflag:s6] =	ssyncadd.s32 $0xFFFEC000  }
0x4f: {  	[bflag:$0x0] =	sbarrier.arrive $0xFFFF  }
0x50: {  	[spmem:s2] =	stream.indirect.scatter.add.f32 [tilespmem:s10], [sflag:$0x1], $0x40, s3, s11, $0xb8;
	[tilespmem:$0x1E500] =	vst v63  }
0x51: {  	_ =	swait.ge [sflag:s6], $0x2000  }
0x52: {  	[sflag:s6] =	ssyncset.done $0x0  }
0x53: {  	[sflag:s6] =	ssyncadd.s32 $0xFFFFE000  }
0x54: {  	[spmem:s2] =	stream.indirect.scatter.add.f32 [tilespmem:s12], [sflag:$0x1], $0x40, s11, s11, $0xb8;
	[tilespmem:$0x1E500] =	vst v63  }
0x55: {  	_ =	swait.ge [sflag:s6], $0x2000  }
0x56: {  	[sflag:s6] =	ssyncset.done $0x0  }
0x57: {  	[sflag:s6] =	ssyncadd.s32 $0xFFFFE000  }
0x58: {  	[spmem:s2] =	stream.indirect.scatter.add.f32 [tilespmem:s14], [sflag:$0x1], $0x40, s13, s11, $0xb8;
	[tilespmem:$0x1E500] =	vst v63  }
0x59: {  	_ =	swait.ge [sflag:s6], $0x2000  }
0x5a: {  	[sflag:s6] =	ssyncset.done $0x0  }
0x5b: {  	[sflag:s6] =	ssyncadd.s32 $0xFFFFE000  }
0x5c: {  	[spmem:s2] =	stream.indirect.scatter.add.f32 [tilespmem:s16], [sflag:$0x1], $0x40, s15, s11, $0xb8;
	[tilespmem:$0x1E500] =	vst v63  }
0x5d: {  	_ =	swait.ge [sflag:s6], $0x2000  }
0x5e: {  	[sflag:s6] =	ssyncset.done $0x0  }
0x5f: {  	[sflag:s6] =	ssyncadd.s32 $0xFFFFE000  }
0x60: {  	[spmem:s2] =	stream.indirect.scatter.add.f32 [tilespmem:s18], [sflag:$0x1], $0x40, s17, s11, $0xb8;
	[tilespmem:$0x1E500] =	vst v63  }
0x61: {  	_ =	swait.ge [sflag:s6], $0x2000  }
0x62: {  	[sflag:s6] =	ssyncset.done $0x0  }
0x63: {  	[sflag:s6] =	ssyncadd.s32 $0xFFFFE000  }
0x64: {  	[spmem:s2] =	stream.indirect.scatter.add.f32 [tilespmem:s20], [sflag:$0x1], $0x40, s19, s11, $0xb8;
	[tilespmem:$0x1E500] =	vst v63  }
0x65: {  	_ =	swait.ge [sflag:s6], $0x2000  }
0x66: {  	[sflag:s6] =	ssyncset.done $0x0  }
0x67: {  	[sflag:s6] =	ssyncadd.s32 $0xFFFFE000  }
0x68: {  	[spmem:s2] =	stream.indirect.scatter.add.f32 [tilespmem:s22], [sflag:$0x1], $0x40, s21, s11, $0xb8;
	[tilespmem:$0x1E500] =	vst v63  }
0x69: {  	_ =	swait.ge [sflag:s6], $0x2000  }
0x6a: {  	[sflag:s6] =	ssyncset.done $0x0  }
0x6b: {  	[sflag:s6] =	ssyncadd.s32 $0xFFFFE000  }
0x6c: {  	[spmem:s2] =	stream.indirect.scatter.add.f32 [tilespmem:s24], [sflag:$0x1], $0x40, s23, s11, $0xb8;
	[tilespmem:$0x1E500] =	vst v63  }
0x6d: {  	_ =	swait.ge [sflag:s6], $0x2000  }
0x6e: {  	[sflag:s6] =	ssyncset.done $0x0  }
0x6f: {  	[sflag:s6] =	ssyncadd.s32 $0xFFFFE000  }
0x70: {  	[spmem:s2] =	stream.indirect.scatter.add.f32 [tilespmem:s26], [sflag:$0x1], $0x40, s25, s11, $0xb8;
	[tilespmem:$0x1E500] =	vst v63  }
0x71: {  	_ =	swait.ge [sflag:s6], $0x2000  }
0x72: {  	[sflag:s6] =	ssyncset.done $0x0  }
0x73: {  	[sflag:s6] =	ssyncadd.s32 $0xFFFFE000  }
0x74: {  	[spmem:s2] =	stream.indirect.scatter.add.f32 [tilespmem:s29], [sflag:$0x1], $0x40, s28, s11, $0xb8;
	[tilespmem:$0x1E500] =	vst v63  }
0x75: {  	_ =	swait.ge [sflag:s6], $0x2000  }
0x76: {  	[sflag:s6] =	ssyncset.done $0x0  }
.Ltmp1:
0x77: {  	[sflag:s6] =	ssyncadd.s32 $0xFFFFE000;
	(pc) =	sbr.rel @p0 .LBB2_1-.Ltmp1, $4  }
0x78: {  	[bflag:$0x0] =	sbarrier.arrive $0xFFFF  }
0x79: {  	[hbm:s30], [sflag:s5] =	dma.local [spmem:s7], $0x1400  }
0x7a: {  	_ =	swait.ge [sflag:s6], $0x1400  }
0x7b: {  	[sflag:s6] =	ssyncset.done $0x0  }
.LBB2_2:
0x7c: {  	[sflag:s6] =	ssyncadd.s32 $0xFFFFEC00  }
0x7d: {  	_ =	sfence.sel $0x180000  }
0x7e: {  	[bflag:$0x0] =	sbarrier.arrive $0xFFFF  }
0x7f: {  	_ =	strace $0x90000056  }
0x80: {  	s0 =	stileid.u32;
	[bflag:$0x2] =	sbarrier.arrive $0xFFFF  }
0x81: {  	p0 =	sne.s32 s0, $0x0;
	s0 =	rddreg [dreg:$0x2]  }
0x82: {  	s0 =	sadd.s32 @!p0 $0x100000, s0  }
0x83: {  	[sflag:s0] =	ssyncadd.tile.s32 @!p0 $0x1;
	_ =	shalt  }
.Lfunc_end2:
_tile_overlayer_lowered:
.L_overlay_start_2:
0x84: {  	(tag) =	ssettag $0x2  }
0x85: {  	s0 =	rddreg [dreg:$0x0];
	s2 =	stileid.u32  }
0x86: {  	s1 =	rddreg [dreg:$0x1];
	p0 =	sne.s32 s2, $0x0  }
0x87: {  	s3 =	rddreg [dreg:$0x2];
	[bflag:$0x3] =	sbarrier.arrive $0xFFFF;
	s2 =	simm.s32 @!p0 $0x1C01  }
0x88: {  	[timem:s3], [sflag:s2] =	dma.local @!p0 [hbm:s0], s1  }
0x89: {  	s0 =	simm.s32 @!p0 $0x1  }
0x8a: {  	_ =	swait.ge @!p0 [sflag:s0], s1  }
0x8b: {  	s1 =	ssub.s32 @!p0 $0x0, s1;
	[sflag:s0] =	ssyncset.done @!p0 $0x0  }
0x8c: {  	[sflag:s0] =	ssyncadd.s32 @!p0 s1  }
0x8d: {  	[bflag:$0x3] =	sbarrier.arrive $0xFFFF  }
0x8e: {  	_ =	shalt  }

</sc_bundles>
